<compile_context>
chip_gen: v7x
topology: tpu7x:2x2x1
jax: 0.10.2.dev20260603
libtpu: 0.0.44.dev20260713+nightly
codegen_flags: <defaults>
</compile_context>

<pallas_src>
import functools

import jax
import jax.numpy as jnp
from jax import lax
from jax.experimental import pallas as pl
from jax.experimental.pallas import tpu as pltpu
from jax.experimental.pallas import tpu_sc as plsc

TB = 2048
ROWS_B = 1024
CHUNK = 32
NBUF = 3
DEPTH = 2
CHUNKS_T = (4096, 4096, 4096, 4096)
LG = 128


def _argmax_body(x_ref, w1t_ref, b1_ref, w2ta_ref, idx_ref):
    h = jnp.maximum(
        jnp.dot(x_ref[...], w1t_ref[...], preferred_element_type=jnp.float32)
        + b1_ref[...], 0.0)
    ha = jnp.concatenate(
        [h.astype(jnp.bfloat16),
         jnp.ones((h.shape[0], 8), jnp.bfloat16)], axis=1)
    s = jnp.dot(ha, w2ta_ref[...], preferred_element_type=jnp.float32)
    n_grp = s.shape[1] // LG
    val = s[:, 0:LG]
    gidx = jnp.zeros(val.shape, jnp.int32)
    for j in range(1, n_grp):
        v = s[:, j * LG:(j + 1) * LG]
        p = v > val
        val = jnp.where(p, v, val)
        gidx = jnp.where(p, jnp.int32(j), gidx)
    m = jnp.max(val, axis=-1, keepdims=True)
    lane = lax.broadcasted_iota(jnp.int32, val.shape, 1)
    lin = gidx * LG + lane
    idx = jnp.min(jnp.where(val == m, lin, jnp.int32(2**30)), axis=-1)
    idx_ref[0, 0, :] = idx


def _logsoftmax_body(w_ref, b_ref, out_ref):
    z = w_ref[...].T + b_ref[...]
    m = jnp.max(z, axis=-1, keepdims=True)
    e = jnp.exp(z - m)
    lse = m + jnp.log(jnp.sum(e, axis=-1, keepdims=True))
    out_ref[...] = z - lse


def _make_gather(n_tok_chunk, n_tok_total, d, chunk_off, alloc_out):
    info = plsc.get_sparse_core_info()
    nc, ns = info.num_cores, info.num_subcores
    nw = nc * ns
    b_per_w = n_tok_chunk // nw
    n_steps = b_per_w // CHUNK
    mesh = plsc.VectorSubcoreMesh(core_axis_name="c", subcore_axis_name="s")

    @functools.partial(
        pl.kernel,
        mesh=mesh,
        out_type=(jax.ShapeDtypeStruct((n_tok_total, d), jnp.float32)
                  if alloc_out else ()),
        scratch_types=[
            pltpu.VMEM((n_steps, CHUNK), jnp.int32),
            pltpu.VMEM((NBUF, CHUNK, d), jnp.float32),
            pltpu.SemaphoreType.DMA,
            pltpu.SemaphoreType.DMA,
        ],
    )
    def gather_k(table_hbm, idx_hbm, out_hbm, idx_v, rows_v, sem_g, sem_o):
        wid = lax.axis_index("s") * nc + lax.axis_index("c")
        base = chunk_off + wid * b_per_w
        pltpu.sync_copy(idx_hbm.at[wid], idx_v)
        g = [None] * n_steps
        o = [None] * n_steps
        for i in range(min(DEPTH, n_steps)):
            g[i] = pltpu.async_copy(table_hbm.at[idx_v.at[i]],
                                    rows_v.at[i % NBUF], sem_g)
        for i in range(n_steps):
            j = i + DEPTH
            if j < n_steps:
                if j >= NBUF:
                    o[j - NBUF].wait()
                g[j] = pltpu.async_copy(table_hbm.at[idx_v.at[j]],
                                        rows_v.at[j % NBUF], sem_g)
            g[i].wait()
            o[i] = pltpu.async_copy(
                rows_v.at[i % NBUF],
                out_hbm.at[pl.ds(base + i * CHUNK, CHUNK)], sem_o)
        for i in range(max(0, n_steps - NBUF), n_steps):
            o[i].wait()

    return gather_k


def kernel(input, hidden1, W_i2m, b_i2m, W_m2h, b_m2h, W_h2o, b_h2o):
    B, S, I = input.shape
    N = B * S
    H = W_i2m.shape[0]
    C = W_m2h.shape[0]
    O = W_h2o.shape[0]

    x = input.reshape(N, I)
    w1t = W_i2m.T
    b1 = b_i2m.reshape(1, H)
    w2ta = jnp.zeros((H + 8, C), jnp.float32)
    w2ta = w2ta.at[:H].set(W_m2h.T).at[H].set(b_m2h)
    w2ta = w2ta.astype(jnp.bfloat16)

    bo = b_h2o.reshape(1, O)
    table = pl.pallas_call(
        _logsoftmax_body,
        grid=(C // ROWS_B,),
        in_specs=[
            pl.BlockSpec((O, ROWS_B), lambda i: (0, i)),
            pl.BlockSpec((1, O), lambda i: (0, 0)),
        ],
        out_specs=pl.BlockSpec((ROWS_B, O), lambda i: (i, 0)),
        out_shape=jax.ShapeDtypeStruct((C, O), jnp.float32),
    )(W_h2o, bo)

    info = plsc.get_sparse_core_info()
    nw = info.num_cores * info.num_subcores

    out_ref = None
    tok_off = 0
    for c, tpc in enumerate(CHUNKS_T):
        tb = min(TB, tpc)
        nb = tpc // tb
        blk_off = tok_off // tb
        idx3 = pl.pallas_call(
            _argmax_body,
            grid=(nb,),
            in_specs=[
                pl.BlockSpec((tb, I), lambda i, o=blk_off: (i + o, 0)),
                pl.BlockSpec((I, H), lambda i: (0, 0)),
                pl.BlockSpec((1, H), lambda i: (0, 0)),
                pl.BlockSpec((H + 8, C), lambda i: (0, 0)),
            ],
            out_specs=pl.BlockSpec((1, 1, tb), lambda i: (i, 0, 0)),
            out_shape=jax.ShapeDtypeStruct((nb, 1, tb), jnp.int32),
        )(x, w1t, b1, w2ta)
        idx_3d = idx3.reshape(nw, (tpc // nw) // CHUNK, CHUNK)
        if c == 0:
            out0 = _make_gather(tpc, N, O, 0, True)(table, idx_3d)
            out_ref = jax.new_ref(out0)
        else:
            _make_gather(tpc, N, O, tok_off, False)(table, idx_3d, out_ref)
        tok_off += tpc

    return out_ref[...].reshape(B, S, O)

# --- scband reference (transcript-rebuilt; emitter-appended) ---
"""Pipeline reference for scband-ff-nlp-wta-15324443312628 (READ-ONLY COPY).

The authoritative reference and input builder live on the scoring server;
editing this copy changes nothing except your own understanding.
"""

import jax, jax.numpy as jnp
import numpy as np

INPUT_SIZE = 128
HIDDEN_SIZE = 128
CONCEPT_SIZE = 4096
OUTPUT_SIZE = 1024
SCHEDULE = 1.0
UPPER_T = 0.3


def setup_inputs(seed: int = 0) -> dict:
    key = jax.random.key(seed)
    ks = jax.random.split(key, 8)
    B, S = 8, 2048
    inp = jax.random.normal(ks[0], (B, S, INPUT_SIZE), dtype=jnp.float32)
    hidden1 = jnp.zeros((B, S, INPUT_SIZE), dtype=jnp.float32)
    def lin(k, fan_out, fan_in):
        bound = 1.0 / np.sqrt(fan_in)
        kw, kb = jax.random.split(k)
        W = jax.random.uniform(kw, (fan_out, fan_in), minval=-bound, maxval=bound, dtype=jnp.float32)
        b = jax.random.uniform(kb, (fan_out,), minval=-bound, maxval=bound, dtype=jnp.float32)
        return W, b
    W_i2m, b_i2m = lin(ks[1], HIDDEN_SIZE, INPUT_SIZE)
    W_m2h, b_m2h = lin(ks[2], CONCEPT_SIZE, HIDDEN_SIZE)
    W_h2o, b_h2o = lin(ks[3], OUTPUT_SIZE, CONCEPT_SIZE)
    return {"input": inp, "hidden1": hidden1, "W_i2m": W_i2m, "b_i2m": b_i2m,
            "W_m2h": W_m2h, "b_m2h": b_m2h, "W_h2o": W_h2o, "b_h2o": b_h2o}


def reference(input, hidden1, W_i2m, b_i2m, W_m2h, b_m2h, W_h2o, b_h2o):
    # Nind = int((1 - schedule) * (concept_size - 2) * upper_t) + 1
    Nind = int((1.0 - SCHEDULE) * (CONCEPT_SIZE - 2) * UPPER_T) + 1
    h = jax.nn.relu(input @ W_i2m.T + b_i2m)
    hout2con = jax.nn.relu(h @ W_m2h.T + b_m2h)
    # winner-take-all: top-Nind indices along concept dim (argsort descending -> top_k)
    _, idx = jax.lax.top_k(hout2con, Nind)  # [B, S, Nind] int32
    B, S, K = hout2con.shape
    bi = jnp.arange(B)[:, None, None]
    si = jnp.arange(S)[None, :, None]
    mask = jnp.zeros_like(hout2con).at[bi, si, idx].set(1.0)
    # wta_noise = 0.0 (default), so no noise added
    hout2con_masked = hout2con * mask
    norm = jnp.sqrt(jnp.sum(hout2con_masked ** 2, axis=-1, keepdims=True))
    hout2con_masked = hout2con_masked / norm
    output = hout2con_masked @ W_h2o.T + b_h2o
    output = jax.nn.log_softmax(output, axis=-1)
    return output

if __name__ == "__main__":
    import jax
    _d = setup_inputs()
    print(jax.jit(kernel)(*tuple(_d.values())))

</pallas_src>

<mosaic_0001>
#map = affine_map<(d0, d1) -> (0, 0)>
#map1 = affine_map<(d0, d1) -> (0, 0, 0)>
module attributes {stable_mosaic.version = 14 : i64} {
  func.func @new_body(%arg0: i32, %arg1: i32, %arg2: memref<4096x1024xf32, #tpu.memory_space<hbm>>, %arg3: memref<32x4x32xi32, #tpu.memory_space<hbm>>, %arg4: memref<16384x1024xf32, #tpu.memory_space<hbm>>, %arg5: memref<16384x1024xf32, #tpu.memory_space<hbm>>, %arg6: memref<4x32xi32, #tpu.memory_space<vmem>>, %arg7: memref<3x32x1024xf32, #tpu.memory_space<vmem>>, %arg8: memref<!tpu.dma_semaphore, #tpu.memory_space<semaphore_mem>>, %arg9: memref<!tpu.dma_semaphore, #tpu.memory_space<semaphore_mem>>) attributes {dimension_semantics = [#tpu.dimension_semantics<core_parallel>, #tpu.dimension_semantics<subcore_parallel>], iteration_bounds = array<i64: 2, 16>, scalar_prefetch = 0 : i64, scratch_operands = 4 : i64, tpu.core_type = #tpu.core_type<sc_vector_subcore>, window_params = [{transform_indices = #map}, {transform_indices = #map1}, {transform_indices = #map}, {transform_indices = #map}]} {
    %mul3A = arith.constant 2 : i32
    %mul3A_0 = arith.muli %arg1, %mul3A : i32
    %add3A = arith.addi %mul3A_0, %arg0 : i32
    %mul3A_1 = arith.constant 128 : i32
    %mul3A_2 = arith.muli %add3A, %mul3A_1 : i32
    %add3A_3 = arith.constant 4096 : i32
    %add3A_4 = arith.addi %add3A_3, %mul3A_2 : i32
    "tpu.region"() ({
      %run_scoped3A = tpu.sem_alloc : memref<!tpu.dma_semaphore, #tpu.memory_space<semaphore_mem>>
      %dma_start3A_211 = arith.constant 0 : i32
      %dma_start3A_212 = arith.constant 0 : i32
      %dma_start3A_213 = tpu.memref_slice %arg3[%add3A, %dma_start3A_211, %dma_start3A_212] : memref<32x4x32xi32, #tpu.memory_space<hbm>> -> memref<1x4x32xi32, #tpu.memory_space<hbm>>
      %dma_start3A_214 = tpu.memref_squeeze %dma_start3A_213 : memref<1x4x32xi32, #tpu.memory_space<hbm>> -> memref<4x32xi32, #tpu.memory_space<hbm>>
      %dma_start3A_215 = arith.constant 0 : i32
      %dma_start3A_216 = arith.constant 0 : i32
      %dma_start3A_217 = tpu.memref_slice %arg3[%add3A, %dma_start3A_215, %dma_start3A_216] : memref<32x4x32xi32, #tpu.memory_space<hbm>> -> memref<1x4x32xi32, #tpu.memory_space<hbm>>
      %dma_start3A_218 = tpu.memref_squeeze %dma_start3A_217 : memref<1x4x32xi32, #tpu.memory_space<hbm>> -> memref<4x32xi32, #tpu.memory_space<hbm>>
      tpu.enqueue_dma source(%dma_start3A_218 : memref<4x32xi32, #tpu.memory_space<hbm>>) target(%arg6 : memref<4x32xi32, #tpu.memory_space<vmem>>) target_semaphore(%run_scoped3A : memref<!tpu.dma_semaphore, #tpu.memory_space<semaphore_mem>>)
      %dma_wait3A_219 = arith.constant 0 : i32
      %dma_wait3A_220 = arith.constant 0 : i32
      %dma_wait3A_221 = tpu.memref_slice %arg3[%add3A, %dma_wait3A_219, %dma_wait3A_220] : memref<32x4x32xi32, #tpu.memory_space<hbm>> -> memref<1x4x32xi32, #tpu.memory_space<hbm>>
      %dma_wait3A_222 = tpu.memref_squeeze %dma_wait3A_221 : memref<1x4x32xi32, #tpu.memory_space<hbm>> -> memref<4x32xi32, #tpu.memory_space<hbm>>
      %dma_wait3A_223 = arith.constant 0 : i32
      %dma_wait3A_224 = arith.constant 0 : i32
      %dma_wait3A_225 = tpu.memref_slice %arg3[%add3A, %dma_wait3A_223, %dma_wait3A_224] : memref<32x4x32xi32, #tpu.memory_space<hbm>> -> memref<1x4x32xi32, #tpu.memory_space<hbm>>
      %dma_wait3A_226 = tpu.memref_squeeze %dma_wait3A_225 : memref<1x4x32xi32, #tpu.memory_space<hbm>> -> memref<4x32xi32, #tpu.memory_space<hbm>>
      tpu.wait_dma2 semaphore(%run_scoped3A : memref<!tpu.dma_semaphore, #tpu.memory_space<semaphore_mem>>) src(%dma_wait3A_226 : memref<4x32xi32, #tpu.memory_space<hbm>>) dst(%arg6 : memref<4x32xi32, #tpu.memory_space<vmem>>)
      tpu.yield
    }) : () -> ()
    %dma_start3A = arith.constant 0 : i32
    %dma_start3A_5 = arith.constant 0 : i32
    %dma_start3A_6 = arith.constant 0 : i32
    %dma_start3A_7 = arith.constant 0 : i32
    %dma_start3A_8 = tpu.memref_slice %arg7[%dma_start3A_5, %dma_start3A_6, %dma_start3A_7] : memref<3x32x1024xf32, #tpu.memory_space<vmem>> -> memref<1x32x1024xf32, #tpu.memory_space<vmem>>
    %dma_start3A_9 = tpu.memref_squeeze %dma_start3A_8 : memref<1x32x1024xf32, #tpu.memory_space<vmem>> -> memref<32x1024xf32, #tpu.memory_space<vmem>>
    %dma_start3A_10 = arith.constant 0 : i32
    %dma_start3A_11 = tpu.memref_slice %arg6[%dma_start3A, %dma_start3A_10] : memref<4x32xi32, #tpu.memory_space<vmem>> -> memref<1x32xi32, #tpu.memory_space<vmem>>
    %dma_start3A_12 = tpu.memref_squeeze %dma_start3A_11 : memref<1x32xi32, #tpu.memory_space<vmem>> -> memref<32xi32, #tpu.memory_space<vmem>>
    %dma_start3A_13 = arith.constant 0 : i32
    %dma_start3A_14 = arith.constant 0 : i32
    %dma_start3A_15 = tpu.memref_slice %arg2[%dma_start3A_13, %dma_start3A_14] : memref<4096x1024xf32, #tpu.memory_space<hbm>> -> memref<4096x1024xf32, #tpu.memory_space<hbm>>
    tpu.enqueue_indirect_dma source(%dma_start3A_15 : memref<4096x1024xf32, #tpu.memory_space<hbm>>) target(%dma_start3A_9 : memref<32x1024xf32, #tpu.memory_space<vmem>>) offsets(%dma_start3A_12 : memref<32xi32, #tpu.memory_space<vmem>>) semaphore(%arg8 : memref<!tpu.dma_semaphore, #tpu.memory_space<semaphore_mem>>)
    %dma_start3A_16 = arith.constant 1 : i32
    %dma_start3A_17 = arith.constant 1 : i32
    %dma_start3A_18 = arith.constant 0 : i32
    %dma_start3A_19 = arith.constant 0 : i32
    %dma_start3A_20 = tpu.memref_slice %arg7[%dma_start3A_17, %dma_start3A_18, %dma_start3A_19] : memref<3x32x1024xf32, #tpu.memory_space<vmem>> -> memref<1x32x1024xf32, #tpu.memory_space<vmem>>
    %dma_start3A_21 = tpu.memref_squeeze %dma_start3A_20 : memref<1x32x1024xf32, #tpu.memory_space<vmem>> -> memref<32x1024xf32, #tpu.memory_space<vmem>>
    %dma_start3A_22 = arith.constant 0 : i32
    %dma_start3A_23 = tpu.memref_slice %arg6[%dma_start3A_16, %dma_start3A_22] : memref<4x32xi32, #tpu.memory_space<vmem>> -> memref<1x32xi32, #tpu.memory_space<vmem>>
    %dma_start3A_24 = tpu.memref_squeeze %dma_start3A_23 : memref<1x32xi32, #tpu.memory_space<vmem>> -> memref<32xi32, #tpu.memory_space<vmem>>
    %dma_start3A_25 = arith.constant 0 : i32
    %dma_start3A_26 = arith.constant 0 : i32
    %dma_start3A_27 = tpu.memref_slice %arg2[%dma_start3A_25, %dma_start3A_26] : memref<4096x1024xf32, #tpu.memory_space<hbm>> -> memref<4096x1024xf32, #tpu.memory_space<hbm>>
    tpu.enqueue_indirect_dma source(%dma_start3A_27 : memref<4096x1024xf32, #tpu.memory_space<hbm>>) target(%dma_start3A_21 : memref<32x1024xf32, #tpu.memory_space<vmem>>) offsets(%dma_start3A_24 : memref<32xi32, #tpu.memory_space<vmem>>) semaphore(%arg8 : memref<!tpu.dma_semaphore, #tpu.memory_space<semaphore_mem>>)
    %dma_start3A_28 = arith.constant 2 : i32
    %dma_start3A_29 = arith.constant 2 : i32
    %dma_start3A_30 = arith.constant 0 : i32
    %dma_start3A_31 = arith.constant 0 : i32
    %dma_start3A_32 = tpu.memref_slice %arg7[%dma_start3A_29, %dma_start3A_30, %dma_start3A_31] : memref<3x32x1024xf32, #tpu.memory_space<vmem>> -> memref<1x32x1024xf32, #tpu.memory_space<vmem>>
    %dma_start3A_33 = tpu.memref_squeeze %dma_start3A_32 : memref<1x32x1024xf32, #tpu.memory_space<vmem>> -> memref<32x1024xf32, #tpu.memory_space<vmem>>
    %dma_start3A_34 = arith.constant 0 : i32
    %dma_start3A_35 = tpu.memref_slice %arg6[%dma_start3A_28, %dma_start3A_34] : memref<4x32xi32, #tpu.memory_space<vmem>> -> memref<1x32xi32, #tpu.memory_space<vmem>>
    %dma_start3A_36 = tpu.memref_squeeze %dma_start3A_35 : memref<1x32xi32, #tpu.memory_space<vmem>> -> memref<32xi32, #tpu.memory_space<vmem>>
    %dma_start3A_37 = arith.constant 0 : i32
    %dma_start3A_38 = arith.constant 0 : i32
    %dma_start3A_39 = tpu.memref_slice %arg2[%dma_start3A_37, %dma_start3A_38] : memref<4096x1024xf32, #tpu.memory_space<hbm>> -> memref<4096x1024xf32, #tpu.memory_space<hbm>>
    tpu.enqueue_indirect_dma source(%dma_start3A_39 : memref<4096x1024xf32, #tpu.memory_space<hbm>>) target(%dma_start3A_33 : memref<32x1024xf32, #tpu.memory_space<vmem>>) offsets(%dma_start3A_36 : memref<32xi32, #tpu.memory_space<vmem>>) semaphore(%arg8 : memref<!tpu.dma_semaphore, #tpu.memory_space<semaphore_mem>>)
    %dma_wait3A = arith.constant 0 : i32
    %dma_wait3A_40 = arith.constant 0 : i32
    %dma_wait3A_41 = arith.constant 0 : i32
    %dma_wait3A_42 = arith.constant 0 : i32
    %dma_wait3A_43 = tpu.memref_slice %arg7[%dma_wait3A_40, %dma_wait3A_41, %dma_wait3A_42] : memref<3x32x1024xf32, #tpu.memory_space<vmem>> -> memref<1x32x1024xf32, #tpu.memory_space<vmem>>
    %dma_wait3A_44 = tpu.memref_squeeze %dma_wait3A_43 : memref<1x32x1024xf32, #tpu.memory_space<vmem>> -> memref<32x1024xf32, #tpu.memory_space<vmem>>
    %dma_wait3A_45 = arith.constant 0 : i32
    %dma_wait3A_46 = tpu.memref_slice %arg6[%dma_wait3A, %dma_wait3A_45] : memref<4x32xi32, #tpu.memory_space<vmem>> -> memref<1x32xi32, #tpu.memory_space<vmem>>
    %dma_wait3A_47 = tpu.memref_squeeze %dma_wait3A_46 : memref<1x32xi32, #tpu.memory_space<vmem>> -> memref<32xi32, #tpu.memory_space<vmem>>
    %dma_wait3A_48 = arith.constant 0 : i32
    %dma_wait3A_49 = arith.constant 0 : i32
    %dma_wait3A_50 = tpu.memref_slice %arg2[%dma_wait3A_48, %dma_wait3A_49] : memref<4096x1024xf32, #tpu.memory_space<hbm>> -> memref<4096x1024xf32, #tpu.memory_space<hbm>>
    tpu.wait_indirect_dma semaphore(%arg8 : memref<!tpu.dma_semaphore, #tpu.memory_space<semaphore_mem>>) src(%dma_wait3A_50 : memref<4096x1024xf32, #tpu.memory_space<hbm>>) dst(%dma_wait3A_44 : memref<32x1024xf32, #tpu.memory_space<vmem>>)
    %add3A_51 = arith.constant 0 : i32
    %add3A_52 = arith.addi %add3A_4, %add3A_51 : i32
    %dma_start3A_53 = arith.constant 0 : i32
    %dma_start3A_54 = arith.constant 0 : i32
    %dma_start3A_55 = arith.constant 0 : i32
    %dma_start3A_56 = tpu.memref_slice %arg7[%dma_start3A_53, %dma_start3A_54, %dma_start3A_55] : memref<3x32x1024xf32, #tpu.memory_space<vmem>> -> memref<1x32x1024xf32, #tpu.memory_space<vmem>>
    %dma_start3A_57 = tpu.memref_squeeze %dma_start3A_56 : memref<1x32x1024xf32, #tpu.memory_space<vmem>> -> memref<32x1024xf32, #tpu.memory_space<vmem>>
    %dma_start3A_58 = arith.constant 0 : i32
    %dma_start3A_59 = tpu.memref_slice %arg4[%add3A_52, %dma_start3A_58] : memref<16384x1024xf32, #tpu.memory_space<hbm>> -> memref<32x1024xf32, #tpu.memory_space<hbm>>
    %dma_start3A_60 = arith.constant 0 : i32
    %dma_start3A_61 = tpu.memref_slice %arg4[%add3A_52, %dma_start3A_60] : memref<16384x1024xf32, #tpu.memory_space<hbm>> -> memref<32x1024xf32, #tpu.memory_space<hbm>>
    %dma_start3A_62 = arith.constant 0 : i32
    %dma_start3A_63 = arith.constant 0 : i32
    %dma_start3A_64 = tpu.memref_slice %arg7[%dma_start3A_53, %dma_start3A_62, %dma_start3A_63] : memref<3x32x1024xf32, #tpu.memory_space<vmem>> -> memref<1x32x1024xf32, #tpu.memory_space<vmem>>
    %dma_start3A_65 = tpu.memref_squeeze %dma_start3A_64 : memref<1x32x1024xf32, #tpu.memory_space<vmem>> -> memref<32x1024xf32, #tpu.memory_space<vmem>>
    tpu.enqueue_dma source(%dma_start3A_65 : memref<32x1024xf32, #tpu.memory_space<vmem>>) target(%dma_start3A_61 : memref<32x1024xf32, #tpu.memory_space<hbm>>) target_semaphore(%arg9 : memref<!tpu.dma_semaphore, #tpu.memory_space<semaphore_mem>>)
    %dma_wait3A_66 = arith.constant 0 : i32
    %dma_wait3A_67 = arith.constant 0 : i32
    %dma_wait3A_68 = arith.constant 0 : i32
    %dma_wait3A_69 = tpu.memref_slice %arg7[%dma_wait3A_66, %dma_wait3A_67, %dma_wait3A_68] : memref<3x32x1024xf32, #tpu.memory_space<vmem>> -> memref<1x32x1024xf32, #tpu.memory_space<vmem>>
    %dma_wait3A_70 = tpu.memref_squeeze %dma_wait3A_69 : memref<1x32x1024xf32, #tpu.memory_space<vmem>> -> memref<32x1024xf32, #tpu.memory_space<vmem>>
    %dma_wait3A_71 = arith.constant 0 : i32
    %dma_wait3A_72 = tpu.memref_slice %arg4[%add3A_52, %dma_wait3A_71] : memref<16384x1024xf32, #tpu.memory_space<hbm>> -> memref<32x1024xf32, #tpu.memory_space<hbm>>
    %dma_wait3A_73 = arith.constant 0 : i32
    %dma_wait3A_74 = tpu.memref_slice %arg4[%add3A_52, %dma_wait3A_73] : memref<16384x1024xf32, #tpu.memory_space<hbm>> -> memref<32x1024xf32, #tpu.memory_space<hbm>>
    %dma_wait3A_75 = arith.constant 0 : i32
    %dma_wait3A_76 = arith.constant 0 : i32
    %dma_wait3A_77 = tpu.memref_slice %arg7[%dma_wait3A_66, %dma_wait3A_75, %dma_wait3A_76] : memref<3x32x1024xf32, #tpu.memory_space<vmem>> -> memref<1x32x1024xf32, #tpu.memory_space<vmem>>
    %dma_wait3A_78 = tpu.memref_squeeze %dma_wait3A_77 : memref<1x32x1024xf32, #tpu.memory_space<vmem>> -> memref<32x1024xf32, #tpu.memory_space<vmem>>
    tpu.wait_dma2 semaphore(%arg9 : memref<!tpu.dma_semaphore, #tpu.memory_space<semaphore_mem>>) src(%dma_wait3A_78 : memref<32x1024xf32, #tpu.memory_space<vmem>>) dst(%dma_wait3A_74 : memref<32x1024xf32, #tpu.memory_space<hbm>>)
    %dma_start3A_79 = arith.constant 3 : i32
    %dma_start3A_80 = arith.constant 0 : i32
    %dma_start3A_81 = arith.constant 0 : i32
    %dma_start3A_82 = arith.constant 0 : i32
    %dma_start3A_83 = tpu.memref_slice %arg7[%dma_start3A_80, %dma_start3A_81, %dma_start3A_82] : memref<3x32x1024xf32, #tpu.memory_space<vmem>> -> memref<1x32x1024xf32, #tpu.memory_space<vmem>>
    %dma_start3A_84 = tpu.memref_squeeze %dma_start3A_83 : memref<1x32x1024xf32, #tpu.memory_space<vmem>> -> memref<32x1024xf32, #tpu.memory_space<vmem>>
    %dma_start3A_85 = arith.constant 0 : i32
    %dma_start3A_86 = tpu.memref_slice %arg6[%dma_start3A_79, %dma_start3A_85] : memref<4x32xi32, #tpu.memory_space<vmem>> -> memref<1x32xi32, #tpu.memory_space<vmem>>
    %dma_start3A_87 = tpu.memref_squeeze %dma_start3A_86 : memref<1x32xi32, #tpu.memory_space<vmem>> -> memref<32xi32, #tpu.memory_space<vmem>>
    %dma_start3A_88 = arith.constant 0 : i32
    %dma_start3A_89 = arith.constant 0 : i32
    %dma_start3A_90 = tpu.memref_slice %arg2[%dma_start3A_88, %dma_start3A_89] : memref<4096x1024xf32, #tpu.memory_space<hbm>> -> memref<4096x1024xf32, #tpu.memory_space<hbm>>
    tpu.enqueue_indirect_dma source(%dma_start3A_90 : memref<4096x1024xf32, #tpu.memory_space<hbm>>) target(%dma_start3A_84 : memref<32x1024xf32, #tpu.memory_space<vmem>>) offsets(%dma_start3A_87 : memref<32xi32, #tpu.memory_space<vmem>>) semaphore(%arg8 : memref<!tpu.dma_semaphore, #tpu.memory_space<semaphore_mem>>)
    %dma_wait3A_91 = arith.constant 1 : i32
    %dma_wait3A_92 = arith.constant 1 : i32
    %dma_wait3A_93 = arith.constant 0 : i32
    %dma_wait3A_94 = arith.constant 0 : i32
    %dma_wait3A_95 = tpu.memref_slice %arg7[%dma_wait3A_92, %dma_wait3A_93, %dma_wait3A_94] : memref<3x32x1024xf32, #tpu.memory_space<vmem>> -> memref<1x32x1024xf32, #tpu.memory_space<vmem>>
    %dma_wait3A_96 = tpu.memref_squeeze %dma_wait3A_95 : memref<1x32x1024xf32, #tpu.memory_space<vmem>> -> memref<32x1024xf32, #tpu.memory_space<vmem>>
    %dma_wait3A_97 = arith.constant 0 : i32
    %dma_wait3A_98 = tpu.memref_slice %arg6[%dma_wait3A_91, %dma_wait3A_97] : memref<4x32xi32, #tpu.memory_space<vmem>> -> memref<1x32xi32, #tpu.memory_space<vmem>>
    %dma_wait3A_99 = tpu.memref_squeeze %dma_wait3A_98 : memref<1x32xi32, #tpu.memory_space<vmem>> -> memref<32xi32, #tpu.memory_space<vmem>>
    %dma_wait3A_100 = arith.constant 0 : i32
    %dma_wait3A_101 = arith.constant 0 : i32
    %dma_wait3A_102 = tpu.memref_slice %arg2[%dma_wait3A_100, %dma_wait3A_101] : memref<4096x1024xf32, #tpu.memory_space<hbm>> -> memref<4096x1024xf32, #tpu.memory_space<hbm>>
    tpu.wait_indirect_dma semaphore(%arg8 : memref<!tpu.dma_semaphore, #tpu.memory_space<semaphore_mem>>) src(%dma_wait3A_102 : memref<4096x1024xf32, #tpu.memory_space<hbm>>) dst(%dma_wait3A_96 : memref<32x1024xf32, #tpu.memory_space<vmem>>)
    %add3A_103 = arith.constant 32 : i32
    %add3A_104 = arith.addi %add3A_4, %add3A_103 : i32
    %dma_start3A_105 = arith.constant 1 : i32
    %dma_start3A_106 = arith.constant 0 : i32
    %dma_start3A_107 = arith.constant 0 : i32
    %dma_start3A_108 = tpu.memref_slice %arg7[%dma_start3A_105, %dma_start3A_106, %dma_start3A_107] : memref<3x32x1024xf32, #tpu.memory_space<vmem>> -> memref<1x32x1024xf32, #tpu.memory_space<vmem>>
    %dma_start3A_109 = tpu.memref_squeeze %dma_start3A_108 : memref<1x32x1024xf32, #tpu.memory_space<vmem>> -> memref<32x1024xf32, #tpu.memory_space<vmem>>
    %dma_start3A_110 = arith.constant 0 : i32
    %dma_start3A_111 = tpu.memref_slice %arg4[%add3A_104, %dma_start3A_110] : memref<16384x1024xf32, #tpu.memory_space<hbm>> -> memref<32x1024xf32, #tpu.memory_space<hbm>>
    %dma_start3A_112 = arith.constant 0 : i32
    %dma_start3A_113 = tpu.memref_slice %arg4[%add3A_104, %dma_start3A_112] : memref<16384x1024xf32, #tpu.memory_space<hbm>> -> memref<32x1024xf32, #tpu.memory_space<hbm>>
    %dma_start3A_114 = arith.constant 0 : i32
    %dma_start3A_115 = arith.constant 0 : i32
    %dma_start3A_116 = tpu.memref_slice %arg7[%dma_start3A_105, %dma_start3A_114, %dma_start3A_115] : memref<3x32x1024xf32, #tpu.memory_space<vmem>> -> memref<1x32x1024xf32, #tpu.memory_space<vmem>>
    %dma_start3A_117 = tpu.memref_squeeze %dma_start3A_116 : memref<1x32x1024xf32, #tpu.memory_space<vmem>> -> memref<32x1024xf32, #tpu.memory_space<vmem>>
    tpu.enqueue_dma source(%dma_start3A_117 : memref<32x1024xf32, #tpu.memory_space<vmem>>) target(%dma_start3A_113 : memref<32x1024xf32, #tpu.memory_space<hbm>>) target_semaphore(%arg9 : memref<!tpu.dma_semaphore, #tpu.memory_space<semaphore_mem>>)
    %dma_wait3A_118 = arith.constant 2 : i32
    %dma_wait3A_119 = arith.constant 2 : i32
    %dma_wait3A_120 = arith.constant 0 : i32
    %dma_wait3A_121 = arith.constant 0 : i32
    %dma_wait3A_122 = tpu.memref_slice %arg7[%dma_wait3A_119, %dma_wait3A_120, %dma_wait3A_121] : memref<3x32x1024xf32, #tpu.memory_space<vmem>> -> memref<1x32x1024xf32, #tpu.memory_space<vmem>>
    %dma_wait3A_123 = tpu.memref_squeeze %dma_wait3A_122 : memref<1x32x1024xf32, #tpu.memory_space<vmem>> -> memref<32x1024xf32, #tpu.memory_space<vmem>>
    %dma_wait3A_124 = arith.constant 0 : i32
    %dma_wait3A_125 = tpu.memref_slice %arg6[%dma_wait3A_118, %dma_wait3A_124] : memref<4x32xi32, #tpu.memory_space<vmem>> -> memref<1x32xi32, #tpu.memory_space<vmem>>
    %dma_wait3A_126 = tpu.memref_squeeze %dma_wait3A_125 : memref<1x32xi32, #tpu.memory_space<vmem>> -> memref<32xi32, #tpu.memory_space<vmem>>
    %dma_wait3A_127 = arith.constant 0 : i32
    %dma_wait3A_128 = arith.constant 0 : i32
    %dma_wait3A_129 = tpu.memref_slice %arg2[%dma_wait3A_127, %dma_wait3A_128] : memref<4096x1024xf32, #tpu.memory_space<hbm>> -> memref<4096x1024xf32, #tpu.memory_space<hbm>>
    tpu.wait_indirect_dma semaphore(%arg8 : memref<!tpu.dma_semaphore, #tpu.memory_space<semaphore_mem>>) src(%dma_wait3A_129 : memref<4096x1024xf32, #tpu.memory_space<hbm>>) dst(%dma_wait3A_123 : memref<32x1024xf32, #tpu.memory_space<vmem>>)
    %add3A_130 = arith.constant 64 : i32
    %add3A_131 = arith.addi %add3A_4, %add3A_130 : i32
    %dma_start3A_132 = arith.constant 2 : i32
    %dma_start3A_133 = arith.constant 0 : i32
    %dma_start3A_134 = arith.constant 0 : i32
    %dma_start3A_135 = tpu.memref_slice %arg7[%dma_start3A_132, %dma_start3A_133, %dma_start3A_134] : memref<3x32x1024xf32, #tpu.memory_space<vmem>> -> memref<1x32x1024xf32, #tpu.memory_space<vmem>>
    %dma_start3A_136 = tpu.memref_squeeze %dma_start3A_135 : memref<1x32x1024xf32, #tpu.memory_space<vmem>> -> memref<32x1024xf32, #tpu.memory_space<vmem>>
    %dma_start3A_137 = arith.constant 0 : i32
    %dma_start3A_138 = tpu.memref_slice %arg4[%add3A_131, %dma_start3A_137] : memref<16384x1024xf32, #tpu.memory_space<hbm>> -> memref<32x1024xf32, #tpu.memory_space<hbm>>
    %dma_start3A_139 = arith.constant 0 : i32
    %dma_start3A_140 = tpu.memref_slice %arg4[%add3A_131, %dma_start3A_139] : memref<16384x1024xf32, #tpu.memory_space<hbm>> -> memref<32x1024xf32, #tpu.memory_space<hbm>>
    %dma_start3A_141 = arith.constant 0 : i32
    %dma_start3A_142 = arith.constant 0 : i32
    %dma_start3A_143 = tpu.memref_slice %arg7[%dma_start3A_132, %dma_start3A_141, %dma_start3A_142] : memref<3x32x1024xf32, #tpu.memory_space<vmem>> -> memref<1x32x1024xf32, #tpu.memory_space<vmem>>
    %dma_start3A_144 = tpu.memref_squeeze %dma_start3A_143 : memref<1x32x1024xf32, #tpu.memory_space<vmem>> -> memref<32x1024xf32, #tpu.memory_space<vmem>>
    tpu.enqueue_dma source(%dma_start3A_144 : memref<32x1024xf32, #tpu.memory_space<vmem>>) target(%dma_start3A_140 : memref<32x1024xf32, #tpu.memory_space<hbm>>) target_semaphore(%arg9 : memref<!tpu.dma_semaphore, #tpu.memory_space<semaphore_mem>>)
    %dma_wait3A_145 = arith.constant 3 : i32
    %dma_wait3A_146 = arith.constant 0 : i32
    %dma_wait3A_147 = arith.constant 0 : i32
    %dma_wait3A_148 = arith.constant 0 : i32
    %dma_wait3A_149 = tpu.memref_slice %arg7[%dma_wait3A_146, %dma_wait3A_147, %dma_wait3A_148] : memref<3x32x1024xf32, #tpu.memory_space<vmem>> -> memref<1x32x1024xf32, #tpu.memory_space<vmem>>
    %dma_wait3A_150 = tpu.memref_squeeze %dma_wait3A_149 : memref<1x32x1024xf32, #tpu.memory_space<vmem>> -> memref<32x1024xf32, #tpu.memory_space<vmem>>
    %dma_wait3A_151 = arith.constant 0 : i32
    %dma_wait3A_152 = tpu.memref_slice %arg6[%dma_wait3A_145, %dma_wait3A_151] : memref<4x32xi32, #tpu.memory_space<vmem>> -> memref<1x32xi32, #tpu.memory_space<vmem>>
    %dma_wait3A_153 = tpu.memref_squeeze %dma_wait3A_152 : memref<1x32xi32, #tpu.memory_space<vmem>> -> memref<32xi32, #tpu.memory_space<vmem>>
    %dma_wait3A_154 = arith.constant 0 : i32
    %dma_wait3A_155 = arith.constant 0 : i32
    %dma_wait3A_156 = tpu.memref_slice %arg2[%dma_wait3A_154, %dma_wait3A_155] : memref<4096x1024xf32, #tpu.memory_space<hbm>> -> memref<4096x1024xf32, #tpu.memory_space<hbm>>
    tpu.wait_indirect_dma semaphore(%arg8 : memref<!tpu.dma_semaphore, #tpu.memory_space<semaphore_mem>>) src(%dma_wait3A_156 : memref<4096x1024xf32, #tpu.memory_space<hbm>>) dst(%dma_wait3A_150 : memref<32x1024xf32, #tpu.memory_space<vmem>>)
    %add3A_157 = arith.constant 96 : i32
    %add3A_158 = arith.addi %add3A_4, %add3A_157 : i32
    %dma_start3A_159 = arith.constant 0 : i32
    %dma_start3A_160 = arith.constant 0 : i32
    %dma_start3A_161 = arith.constant 0 : i32
    %dma_start3A_162 = tpu.memref_slice %arg7[%dma_start3A_159, %dma_start3A_160, %dma_start3A_161] : memref<3x32x1024xf32, #tpu.memory_space<vmem>> -> memref<1x32x1024xf32, #tpu.memory_space<vmem>>
    %dma_start3A_163 = tpu.memref_squeeze %dma_start3A_162 : memref<1x32x1024xf32, #tpu.memory_space<vmem>> -> memref<32x1024xf32, #tpu.memory_space<vmem>>
    %dma_start3A_164 = arith.constant 0 : i32
    %dma_start3A_165 = tpu.memref_slice %arg4[%add3A_158, %dma_start3A_164] : memref<16384x1024xf32, #tpu.memory_space<hbm>> -> memref<32x1024xf32, #tpu.memory_space<hbm>>
    %dma_start3A_166 = arith.constant 0 : i32
    %dma_start3A_167 = tpu.memref_slice %arg4[%add3A_158, %dma_start3A_166] : memref<16384x1024xf32, #tpu.memory_space<hbm>> -> memref<32x1024xf32, #tpu.memory_space<hbm>>
    %dma_start3A_168 = arith.constant 0 : i32
    %dma_start3A_169 = arith.constant 0 : i32
    %dma_start3A_170 = tpu.memref_slice %arg7[%dma_start3A_159, %dma_start3A_168, %dma_start3A_169] : memref<3x32x1024xf32, #tpu.memory_space<vmem>> -> memref<1x32x1024xf32, #tpu.memory_space<vmem>>
    %dma_start3A_171 = tpu.memref_squeeze %dma_start3A_170 : memref<1x32x1024xf32, #tpu.memory_space<vmem>> -> memref<32x1024xf32, #tpu.memory_space<vmem>>
    tpu.enqueue_dma source(%dma_start3A_171 : memref<32x1024xf32, #tpu.memory_space<vmem>>) target(%dma_start3A_167 : memref<32x1024xf32, #tpu.memory_space<hbm>>) target_semaphore(%arg9 : memref<!tpu.dma_semaphore, #tpu.memory_space<semaphore_mem>>)
    %dma_wait3A_172 = arith.constant 1 : i32
    %dma_wait3A_173 = arith.constant 0 : i32
    %dma_wait3A_174 = arith.constant 0 : i32
    %dma_wait3A_175 = tpu.memref_slice %arg7[%dma_wait3A_172, %dma_wait3A_173, %dma_wait3A_174] : memref<3x32x1024xf32, #tpu.memory_space<vmem>> -> memref<1x32x1024xf32, #tpu.memory_space<vmem>>
    %dma_wait3A_176 = tpu.memref_squeeze %dma_wait3A_175 : memref<1x32x1024xf32, #tpu.memory_space<vmem>> -> memref<32x1024xf32, #tpu.memory_space<vmem>>
    %dma_wait3A_177 = arith.constant 0 : i32
    %dma_wait3A_178 = tpu.memref_slice %arg4[%add3A_104, %dma_wait3A_177] : memref<16384x1024xf32, #tpu.memory_space<hbm>> -> memref<32x1024xf32, #tpu.memory_space<hbm>>
    %dma_wait3A_179 = arith.constant 0 : i32
    %dma_wait3A_180 = tpu.memref_slice %arg4[%add3A_104, %dma_wait3A_179] : memref<16384x1024xf32, #tpu.memory_space<hbm>> -> memref<32x1024xf32, #tpu.memory_space<hbm>>
    %dma_wait3A_181 = arith.constant 0 : i32
    %dma_wait3A_182 = arith.constant 0 : i32
    %dma_wait3A_183 = tpu.memref_slice %arg7[%dma_wait3A_172, %dma_wait3A_181, %dma_wait3A_182] : memref<3x32x1024xf32, #tpu.memory_space<vmem>> -> memref<1x32x1024xf32, #tpu.memory_space<vmem>>
    %dma_wait3A_184 = tpu.memref_squeeze %dma_wait3A_183 : memref<1x32x1024xf32, #tpu.memory_space<vmem>> -> memref<32x1024xf32, #tpu.memory_space<vmem>>
    tpu.wait_dma2 semaphore(%arg9 : memref<!tpu.dma_semaphore, #tpu.memory_space<semaphore_mem>>) src(%dma_wait3A_184 : memref<32x1024xf32, #tpu.memory_space<vmem>>) dst(%dma_wait3A_180 : memref<32x1024xf32, #tpu.memory_space<hbm>>)
    %dma_wait3A_185 = arith.constant 2 : i32
    %dma_wait3A_186 = arith.constant 0 : i32
    %dma_wait3A_187 = arith.constant 0 : i32
    %dma_wait3A_188 = tpu.memref_slice %arg7[%dma_wait3A_185, %dma_wait3A_186, %dma_wait3A_187] : memref<3x32x1024xf32, #tpu.memory_space<vmem>> -> memref<1x32x1024xf32, #tpu.memory_space<vmem>>
    %dma_wait3A_189 = tpu.memref_squeeze %dma_wait3A_188 : memref<1x32x1024xf32, #tpu.memory_space<vmem>> -> memref<32x1024xf32, #tpu.memory_space<vmem>>
    %dma_wait3A_190 = arith.constant 0 : i32
    %dma_wait3A_191 = tpu.memref_slice %arg4[%add3A_131, %dma_wait3A_190] : memref<16384x1024xf32, #tpu.memory_space<hbm>> -> memref<32x1024xf32, #tpu.memory_space<hbm>>
    %dma_wait3A_192 = arith.constant 0 : i32
    %dma_wait3A_193 = tpu.memref_slice %arg4[%add3A_131, %dma_wait3A_192] : memref<16384x1024xf32, #tpu.memory_space<hbm>> -> memref<32x1024xf32, #tpu.memory_space<hbm>>
    %dma_wait3A_194 = arith.constant 0 : i32
    %dma_wait3A_195 = arith.constant 0 : i32
    %dma_wait3A_196 = tpu.memref_slice %arg7[%dma_wait3A_185, %dma_wait3A_194, %dma_wait3A_195] : memref<3x32x1024xf32, #tpu.memory_space<vmem>> -> memref<1x32x1024xf32, #tpu.memory_space<vmem>>
    %dma_wait3A_197 = tpu.memref_squeeze %dma_wait3A_196 : memref<1x32x1024xf32, #tpu.memory_space<vmem>> -> memref<32x1024xf32, #tpu.memory_space<vmem>>
    tpu.wait_dma2 semaphore(%arg9 : memref<!tpu.dma_semaphore, #tpu.memory_space<semaphore_mem>>) src(%dma_wait3A_197 : memref<32x1024xf32, #tpu.memory_space<vmem>>) dst(%dma_wait3A_193 : memref<32x1024xf32, #tpu.memory_space<hbm>>)
    %dma_wait3A_198 = arith.constant 0 : i32
    %dma_wait3A_199 = arith.constant 0 : i32
    %dma_wait3A_200 = arith.constant 0 : i32
    %dma_wait3A_201 = tpu.memref_slice %arg7[%dma_wait3A_198, %dma_wait3A_199, %dma_wait3A_200] : memref<3x32x1024xf32, #tpu.memory_space<vmem>> -> memref<1x32x1024xf32, #tpu.memory_space<vmem>>
    %dma_wait3A_202 = tpu.memref_squeeze %dma_wait3A_201 : memref<1x32x1024xf32, #tpu.memory_space<vmem>> -> memref<32x1024xf32, #tpu.memory_space<vmem>>
    %dma_wait3A_203 = arith.constant 0 : i32
    %dma_wait3A_204 = tpu.memref_slice %arg4[%add3A_158, %dma_wait3A_203] : memref<16384x1024xf32, #tpu.memory_space<hbm>> -> memref<32x1024xf32, #tpu.memory_space<hbm>>
    %dma_wait3A_205 = arith.constant 0 : i32
    %dma_wait3A_206 = tpu.memref_slice %arg4[%add3A_158, %dma_wait3A_205] : memref<16384x1024xf32, #tpu.memory_space<hbm>> -> memref<32x1024xf32, #tpu.memory_space<hbm>>
    %dma_wait3A_207 = arith.constant 0 : i32
    %dma_wait3A_208 = arith.constant 0 : i32
    %dma_wait3A_209 = tpu.memref_slice %arg7[%dma_wait3A_198, %dma_wait3A_207, %dma_wait3A_208] : memref<3x32x1024xf32, #tpu.memory_space<vmem>> -> memref<1x32x1024xf32, #tpu.memory_space<vmem>>
    %dma_wait3A_210 = tpu.memref_squeeze %dma_wait3A_209 : memref<1x32x1024xf32, #tpu.memory_space<vmem>> -> memref<32x1024xf32, #tpu.memory_space<vmem>>
    tpu.wait_dma2 semaphore(%arg9 : memref<!tpu.dma_semaphore, #tpu.memory_space<semaphore_mem>>) src(%dma_wait3A_210 : memref<32x1024xf32, #tpu.memory_space<vmem>>) dst(%dma_wait3A_206 : memref<32x1024xf32, #tpu.memory_space<hbm>>)
    return
  }
}

#map = affine_map<(d0, d1) -> (0, 0)>
#map1 = affine_map<(d0, d1) -> (0, 0, 0)>
module attributes {stable_mosaic.version = 14 : i64} {
  func.func @gather_k(%arg0: i32, %arg1: i32, %arg2: memref<4096x1024xf32, #tpu.memory_space<hbm>>, %arg3: memref<32x4x32xi32, #tpu.memory_space<hbm>>, %arg4: memref<16384x1024xf32, #tpu.memory_space<hbm>>, %arg5: memref<4x32xi32, #tpu.memory_space<vmem>>, %arg6: memref<3x32x1024xf32, #tpu.memory_space<vmem>>, %arg7: memref<!tpu.dma_semaphore, #tpu.memory_space<semaphore_mem>>, %arg8: memref<!tpu.dma_semaphore, #tpu.memory_space<semaphore_mem>>) attributes {dimension_semantics = [#tpu.dimension_semantics<core_parallel>, #tpu.dimension_semantics<subcore_parallel>], iteration_bounds = array<i64: 2, 16>, scalar_prefetch = 0 : i64, scratch_operands = 4 : i64, tpu.core_type = #tpu.core_type<sc_vector_subcore>, window_params = [{transform_indices = #map}, {transform_indices = #map1}, {transform_indices = #map}]} {
    %mul3A = arith.constant 2 : i32
    %mul3A_0 = arith.muli %arg1, %mul3A : i32
    %add3A = arith.addi %mul3A_0, %arg0 : i32
    %mul3A_1 = arith.constant 128 : i32
    %mul3A_2 = arith.muli %add3A, %mul3A_1 : i32
    %add3A_3 = arith.constant 0 : i32
    %add3A_4 = arith.addi %add3A_3, %mul3A_2 : i32
    "tpu.region"() ({
      %run_scoped3A = tpu.sem_alloc : memref<!tpu.dma_semaphore, #tpu.memory_space<semaphore_mem>>
      %dma_start3A_211 = arith.constant 0 : i32
      %dma_start3A_212 = arith.constant 0 : i32
      %dma_start3A_213 = tpu.memref_slice %arg3[%add3A, %dma_start3A_211, %dma_start3A_212] : memref<32x4x32xi32, #tpu.memory_space<hbm>> -> memref<1x4x32xi32, #tpu.memory_space<hbm>>
      %dma_start3A_214 = tpu.memref_squeeze %dma_start3A_213 : memref<1x4x32xi32, #tpu.memory_space<hbm>> -> memref<4x32xi32, #tpu.memory_space<hbm>>
      %dma_start3A_215 = arith.constant 0 : i32
      %dma_start3A_216 = arith.constant 0 : i32
      %dma_start3A_217 = tpu.memref_slice %arg3[%add3A, %dma_start3A_215, %dma_start3A_216] : memref<32x4x32xi32, #tpu.memory_space<hbm>> -> memref<1x4x32xi32, #tpu.memory_space<hbm>>
      %dma_start3A_218 = tpu.memref_squeeze %dma_start3A_217 : memref<1x4x32xi32, #tpu.memory_space<hbm>> -> memref<4x32xi32, #tpu.memory_space<hbm>>
      tpu.enqueue_dma source(%dma_start3A_218 : memref<4x32xi32, #tpu.memory_space<hbm>>) target(%arg5 : memref<4x32xi32, #tpu.memory_space<vmem>>) target_semaphore(%run_scoped3A : memref<!tpu.dma_semaphore, #tpu.memory_space<semaphore_mem>>)
      %dma_wait3A_219 = arith.constant 0 : i32
      %dma_wait3A_220 = arith.constant 0 : i32
      %dma_wait3A_221 = tpu.memref_slice %arg3[%add3A, %dma_wait3A_219, %dma_wait3A_220] : memref<32x4x32xi32, #tpu.memory_space<hbm>> -> memref<1x4x32xi32, #tpu.memory_space<hbm>>
      %dma_wait3A_222 = tpu.memref_squeeze %dma_wait3A_221 : memref<1x4x32xi32, #tpu.memory_space<hbm>> -> memref<4x32xi32, #tpu.memory_space<hbm>>
      %dma_wait3A_223 = arith.constant 0 : i32
      %dma_wait3A_224 = arith.constant 0 : i32
      %dma_wait3A_225 = tpu.memref_slice %arg3[%add3A, %dma_wait3A_223, %dma_wait3A_224] : memref<32x4x32xi32, #tpu.memory_space<hbm>> -> memref<1x4x32xi32, #tpu.memory_space<hbm>>
      %dma_wait3A_226 = tpu.memref_squeeze %dma_wait3A_225 : memref<1x4x32xi32, #tpu.memory_space<hbm>> -> memref<4x32xi32, #tpu.memory_space<hbm>>
      tpu.wait_dma2 semaphore(%run_scoped3A : memref<!tpu.dma_semaphore, #tpu.memory_space<semaphore_mem>>) src(%dma_wait3A_226 : memref<4x32xi32, #tpu.memory_space<hbm>>) dst(%arg5 : memref<4x32xi32, #tpu.memory_space<vmem>>)
      tpu.yield
    }) : () -> ()
    %dma_start3A = arith.constant 0 : i32
    %dma_start3A_5 = arith.constant 0 : i32
    %dma_start3A_6 = arith.constant 0 : i32
    %dma_start3A_7 = arith.constant 0 : i32
    %dma_start3A_8 = tpu.memref_slice %arg6[%dma_start3A_5, %dma_start3A_6, %dma_start3A_7] : memref<3x32x1024xf32, #tpu.memory_space<vmem>> -> memref<1x32x1024xf32, #tpu.memory_space<vmem>>
    %dma_start3A_9 = tpu.memref_squeeze %dma_start3A_8 : memref<1x32x1024xf32, #tpu.memory_space<vmem>> -> memref<32x1024xf32, #tpu.memory_space<vmem>>
    %dma_start3A_10 = arith.constant 0 : i32
    %dma_start3A_11 = tpu.memref_slice %arg5[%dma_start3A, %dma_start3A_10] : memref<4x32xi32, #tpu.memory_space<vmem>> -> memref<1x32xi32, #tpu.memory_space<vmem>>
    %dma_start3A_12 = tpu.memref_squeeze %dma_start3A_11 : memref<1x32xi32, #tpu.memory_space<vmem>> -> memref<32xi32, #tpu.memory_space<vmem>>
    %dma_start3A_13 = arith.constant 0 : i32
    %dma_start3A_14 = arith.constant 0 : i32
    %dma_start3A_15 = tpu.memref_slice %arg2[%dma_start3A_13, %dma_start3A_14] : memref<4096x1024xf32, #tpu.memory_space<hbm>> -> memref<4096x1024xf32, #tpu.memory_space<hbm>>
    tpu.enqueue_indirect_dma source(%dma_start3A_15 : memref<4096x1024xf32, #tpu.memory_space<hbm>>) target(%dma_start3A_9 : memref<32x1024xf32, #tpu.memory_space<vmem>>) offsets(%dma_start3A_12 : memref<32xi32, #tpu.memory_space<vmem>>) semaphore(%arg7 : memref<!tpu.dma_semaphore, #tpu.memory_space<semaphore_mem>>)
    %dma_start3A_16 = arith.constant 1 : i32
    %dma_start3A_17 = arith.constant 1 : i32
    %dma_start3A_18 = arith.constant 0 : i32
    %dma_start3A_19 = arith.constant 0 : i32
    %dma_start3A_20 = tpu.memref_slice %arg6[%dma_start3A_17, %dma_start3A_18, %dma_start3A_19] : memref<3x32x1024xf32, #tpu.memory_space<vmem>> -> memref<1x32x1024xf32, #tpu.memory_space<vmem>>
    %dma_start3A_21 = tpu.memref_squeeze %dma_start3A_20 : memref<1x32x1024xf32, #tpu.memory_space<vmem>> -> memref<32x1024xf32, #tpu.memory_space<vmem>>
    %dma_start3A_22 = arith.constant 0 : i32
    %dma_start3A_23 = tpu.memref_slice %arg5[%dma_start3A_16, %dma_start3A_22] : memref<4x32xi32, #tpu.memory_space<vmem>> -> memref<1x32xi32, #tpu.memory_space<vmem>>
    %dma_start3A_24 = tpu.memref_squeeze %dma_start3A_23 : memref<1x32xi32, #tpu.memory_space<vmem>> -> memref<32xi32, #tpu.memory_space<vmem>>
    %dma_start3A_25 = arith.constant 0 : i32
    %dma_start3A_26 = arith.constant 0 : i32
    %dma_start3A_27 = tpu.memref_slice %arg2[%dma_start3A_25, %dma_start3A_26] : memref<4096x1024xf32, #tpu.memory_space<hbm>> -> memref<4096x1024xf32, #tpu.memory_space<hbm>>
    tpu.enqueue_indirect_dma source(%dma_start3A_27 : memref<4096x1024xf32, #tpu.memory_space<hbm>>) target(%dma_start3A_21 : memref<32x1024xf32, #tpu.memory_space<vmem>>) offsets(%dma_start3A_24 : memref<32xi32, #tpu.memory_space<vmem>>) semaphore(%arg7 : memref<!tpu.dma_semaphore, #tpu.memory_space<semaphore_mem>>)
    %dma_start3A_28 = arith.constant 2 : i32
    %dma_start3A_29 = arith.constant 2 : i32
    %dma_start3A_30 = arith.constant 0 : i32
    %dma_start3A_31 = arith.constant 0 : i32
    %dma_start3A_32 = tpu.memref_slice %arg6[%dma_start3A_29, %dma_start3A_30, %dma_start3A_31] : memref<3x32x1024xf32, #tpu.memory_space<vmem>> -> memref<1x32x1024xf32, #tpu.memory_space<vmem>>
    %dma_start3A_33 = tpu.memref_squeeze %dma_start3A_32 : memref<1x32x1024xf32, #tpu.memory_space<vmem>> -> memref<32x1024xf32, #tpu.memory_space<vmem>>
    %dma_start3A_34 = arith.constant 0 : i32
    %dma_start3A_35 = tpu.memref_slice %arg5[%dma_start3A_28, %dma_start3A_34] : memref<4x32xi32, #tpu.memory_space<vmem>> -> memref<1x32xi32, #tpu.memory_space<vmem>>
    %dma_start3A_36 = tpu.memref_squeeze %dma_start3A_35 : memref<1x32xi32, #tpu.memory_space<vmem>> -> memref<32xi32, #tpu.memory_space<vmem>>
    %dma_start3A_37 = arith.constant 0 : i32
    %dma_start3A_38 = arith.constant 0 : i32
    %dma_start3A_39 = tpu.memref_slice %arg2[%dma_start3A_37, %dma_start3A_38] : memref<4096x1024xf32, #tpu.memory_space<hbm>> -> memref<4096x1024xf32, #tpu.memory_space<hbm>>
    tpu.enqueue_indirect_dma source(%dma_start3A_39 : memref<4096x1024xf32, #tpu.memory_space<hbm>>) target(%dma_start3A_33 : memref<32x1024xf32, #tpu.memory_space<vmem>>) offsets(%dma_start3A_36 : memref<32xi32, #tpu.memory_space<vmem>>) semaphore(%arg7 : memref<!tpu.dma_semaphore, #tpu.memory_space<semaphore_mem>>)
    %dma_wait3A = arith.constant 0 : i32
    %dma_wait3A_40 = arith.constant 0 : i32
    %dma_wait3A_41 = arith.constant 0 : i32
    %dma_wait3A_42 = arith.constant 0 : i32
    %dma_wait3A_43 = tpu.memref_slice %arg6[%dma_wait3A_40, %dma_wait3A_41, %dma_wait3A_42] : memref<3x32x1024xf32, #tpu.memory_space<vmem>> -> memref<1x32x1024xf32, #tpu.memory_space<vmem>>
    %dma_wait3A_44 = tpu.memref_squeeze %dma_wait3A_43 : memref<1x32x1024xf32, #tpu.memory_space<vmem>> -> memref<32x1024xf32, #tpu.memory_space<vmem>>
    %dma_wait3A_45 = arith.constant 0 : i32
    %dma_wait3A_46 = tpu.memref_slice %arg5[%dma_wait3A, %dma_wait3A_45] : memref<4x32xi32, #tpu.memory_space<vmem>> -> memref<1x32xi32, #tpu.memory_space<vmem>>
    %dma_wait3A_47 = tpu.memref_squeeze %dma_wait3A_46 : memref<1x32xi32, #tpu.memory_space<vmem>> -> memref<32xi32, #tpu.memory_space<vmem>>
    %dma_wait3A_48 = arith.constant 0 : i32
    %dma_wait3A_49 = arith.constant 0 : i32
    %dma_wait3A_50 = tpu.memref_slice %arg2[%dma_wait3A_48, %dma_wait3A_49] : memref<4096x1024xf32, #tpu.memory_space<hbm>> -> memref<4096x1024xf32, #tpu.memory_space<hbm>>
    tpu.wait_indirect_dma semaphore(%arg7 : memref<!tpu.dma_semaphore, #tpu.memory_space<semaphore_mem>>) src(%dma_wait3A_50 : memref<4096x1024xf32, #tpu.memory_space<hbm>>) dst(%dma_wait3A_44 : memref<32x1024xf32, #tpu.memory_space<vmem>>)
    %add3A_51 = arith.constant 0 : i32
    %add3A_52 = arith.addi %add3A_4, %add3A_51 : i32
    %dma_start3A_53 = arith.constant 0 : i32
    %dma_start3A_54 = arith.constant 0 : i32
    %dma_start3A_55 = arith.constant 0 : i32
    %dma_start3A_56 = tpu.memref_slice %arg6[%dma_start3A_53, %dma_start3A_54, %dma_start3A_55] : memref<3x32x1024xf32, #tpu.memory_space<vmem>> -> memref<1x32x1024xf32, #tpu.memory_space<vmem>>
    %dma_start3A_57 = tpu.memref_squeeze %dma_start3A_56 : memref<1x32x1024xf32, #tpu.memory_space<vmem>> -> memref<32x1024xf32, #tpu.memory_space<vmem>>
    %dma_start3A_58 = arith.constant 0 : i32
    %dma_start3A_59 = tpu.memref_slice %arg4[%add3A_52, %dma_start3A_58] : memref<16384x1024xf32, #tpu.memory_space<hbm>> -> memref<32x1024xf32, #tpu.memory_space<hbm>>
    %dma_start3A_60 = arith.constant 0 : i32
    %dma_start3A_61 = tpu.memref_slice %arg4[%add3A_52, %dma_start3A_60] : memref<16384x1024xf32, #tpu.memory_space<hbm>> -> memref<32x1024xf32, #tpu.memory_space<hbm>>
    %dma_start3A_62 = arith.constant 0 : i32
    %dma_start3A_63 = arith.constant 0 : i32
    %dma_start3A_64 = tpu.memref_slice %arg6[%dma_start3A_53, %dma_start3A_62, %dma_start3A_63] : memref<3x32x1024xf32, #tpu.memory_space<vmem>> -> memref<1x32x1024xf32, #tpu.memory_space<vmem>>
    %dma_start3A_65 = tpu.memref_squeeze %dma_start3A_64 : memref<1x32x1024xf32, #tpu.memory_space<vmem>> -> memref<32x1024xf32, #tpu.memory_space<vmem>>
    tpu.enqueue_dma source(%dma_start3A_65 : memref<32x1024xf32, #tpu.memory_space<vmem>>) target(%dma_start3A_61 : memref<32x1024xf32, #tpu.memory_space<hbm>>) target_semaphore(%arg8 : memref<!tpu.dma_semaphore, #tpu.memory_space<semaphore_mem>>)
    %dma_wait3A_66 = arith.constant 0 : i32
    %dma_wait3A_67 = arith.constant 0 : i32
    %dma_wait3A_68 = arith.constant 0 : i32
    %dma_wait3A_69 = tpu.memref_slice %arg6[%dma_wait3A_66, %dma_wait3A_67, %dma_wait3A_68] : memref<3x32x1024xf32, #tpu.memory_space<vmem>> -> memref<1x32x1024xf32, #tpu.memory_space<vmem>>
    %dma_wait3A_70 = tpu.memref_squeeze %dma_wait3A_69 : memref<1x32x1024xf32, #tpu.memory_space<vmem>> -> memref<32x1024xf32, #tpu.memory_space<vmem>>
    %dma_wait3A_71 = arith.constant 0 : i32
    %dma_wait3A_72 = tpu.memref_slice %arg4[%add3A_52, %dma_wait3A_71] : memref<16384x1024xf32, #tpu.memory_space<hbm>> -> memref<32x1024xf32, #tpu.memory_space<hbm>>
    %dma_wait3A_73 = arith.constant 0 : i32
    %dma_wait3A_74 = tpu.memref_slice %arg4[%add3A_52, %dma_wait3A_73] : memref<16384x1024xf32, #tpu.memory_space<hbm>> -> memref<32x1024xf32, #tpu.memory_space<hbm>>
    %dma_wait3A_75 = arith.constant 0 : i32
    %dma_wait3A_76 = arith.constant 0 : i32
    %dma_wait3A_77 = tpu.memref_slice %arg6[%dma_wait3A_66, %dma_wait3A_75, %dma_wait3A_76] : memref<3x32x1024xf32, #tpu.memory_space<vmem>> -> memref<1x32x1024xf32, #tpu.memory_space<vmem>>
    %dma_wait3A_78 = tpu.memref_squeeze %dma_wait3A_77 : memref<1x32x1024xf32, #tpu.memory_space<vmem>> -> memref<32x1024xf32, #tpu.memory_space<vmem>>
    tpu.wait_dma2 semaphore(%arg8 : memref<!tpu.dma_semaphore, #tpu.memory_space<semaphore_mem>>) src(%dma_wait3A_78 : memref<32x1024xf32, #tpu.memory_space<vmem>>) dst(%dma_wait3A_74 : memref<32x1024xf32, #tpu.memory_space<hbm>>)
    %dma_start3A_79 = arith.constant 3 : i32
    %dma_start3A_80 = arith.constant 0 : i32
    %dma_start3A_81 = arith.constant 0 : i32
    %dma_start3A_82 = arith.constant 0 : i32
    %dma_start3A_83 = tpu.memref_slice %arg6[%dma_start3A_80, %dma_start3A_81, %dma_start3A_82] : memref<3x32x1024xf32, #tpu.memory_space<vmem>> -> memref<1x32x1024xf32, #tpu.memory_space<vmem>>
    %dma_start3A_84 = tpu.memref_squeeze %dma_start3A_83 : memref<1x32x1024xf32, #tpu.memory_space<vmem>> -> memref<32x1024xf32, #tpu.memory_space<vmem>>
    %dma_start3A_85 = arith.constant 0 : i32
    %dma_start3A_86 = tpu.memref_slice %arg5[%dma_start3A_79, %dma_start3A_85] : memref<4x32xi32, #tpu.memory_space<vmem>> -> memref<1x32xi32, #tpu.memory_space<vmem>>
    %dma_start3A_87 = tpu.memref_squeeze %dma_start3A_86 : memref<1x32xi32, #tpu.memory_space<vmem>> -> memref<32xi32, #tpu.memory_space<vmem>>
    %dma_start3A_88 = arith.constant 0 : i32
    %dma_start3A_89 = arith.constant 0 : i32
    %dma_start3A_90 = tpu.memref_slice %arg2[%dma_start3A_88, %dma_start3A_89] : memref<4096x1024xf32, #tpu.memory_space<hbm>> -> memref<4096x1024xf32, #tpu.memory_space<hbm>>
    tpu.enqueue_indirect_dma source(%dma_start3A_90 : memref<4096x1024xf32, #tpu.memory_space<hbm>>) target(%dma_start3A_84 : memref<32x1024xf32, #tpu.memory_space<vmem>>) offsets(%dma_start3A_87 : memref<32xi32, #tpu.memory_space<vmem>>) semaphore(%arg7 : memref<!tpu.dma_semaphore, #tpu.memory_space<semaphore_mem>>)
    %dma_wait3A_91 = arith.constant 1 : i32
    %dma_wait3A_92 = arith.constant 1 : i32
    %dma_wait3A_93 = arith.constant 0 : i32
    %dma_wait3A_94 = arith.constant 0 : i32
    %dma_wait3A_95 = tpu.memref_slice %arg6[%dma_wait3A_92, %dma_wait3A_93, %dma_wait3A_94] : memref<3x32x1024xf32, #tpu.memory_space<vmem>> -> memref<1x32x1024xf32, #tpu.memory_space<vmem>>
    %dma_wait3A_96 = tpu.memref_squeeze %dma_wait3A_95 : memref<1x32x1024xf32, #tpu.memory_space<vmem>> -> memref<32x1024xf32, #tpu.memory_space<vmem>>
    %dma_wait3A_97 = arith.constant 0 : i32
    %dma_wait3A_98 = tpu.memref_slice %arg5[%dma_wait3A_91, %dma_wait3A_97] : memref<4x32xi32, #tpu.memory_space<vmem>> -> memref<1x32xi32, #tpu.memory_space<vmem>>
    %dma_wait3A_99 = tpu.memref_squeeze %dma_wait3A_98 : memref<1x32xi32, #tpu.memory_space<vmem>> -> memref<32xi32, #tpu.memory_space<vmem>>
    %dma_wait3A_100 = arith.constant 0 : i32
    %dma_wait3A_101 = arith.constant 0 : i32
    %dma_wait3A_102 = tpu.memref_slice %arg2[%dma_wait3A_100, %dma_wait3A_101] : memref<4096x1024xf32, #tpu.memory_space<hbm>> -> memref<4096x1024xf32, #tpu.memory_space<hbm>>
    tpu.wait_indirect_dma semaphore(%arg7 : memref<!tpu.dma_semaphore, #tpu.memory_space<semaphore_mem>>) src(%dma_wait3A_102 : memref<4096x1024xf32, #tpu.memory_space<hbm>>) dst(%dma_wait3A_96 : memref<32x1024xf32, #tpu.memory_space<vmem>>)
    %add3A_103 = arith.constant 32 : i32
    %add3A_104 = arith.addi %add3A_4, %add3A_103 : i32
    %dma_start3A_105 = arith.constant 1 : i32
    %dma_start3A_106 = arith.constant 0 : i32
    %dma_start3A_107 = arith.constant 0 : i32
    %dma_start3A_108 = tpu.memref_slice %arg6[%dma_start3A_105, %dma_start3A_106, %dma_start3A_107] : memref<3x32x1024xf32, #tpu.memory_space<vmem>> -> memref<1x32x1024xf32, #tpu.memory_space<vmem>>
    %dma_start3A_109 = tpu.memref_squeeze %dma_start3A_108 : memref<1x32x1024xf32, #tpu.memory_space<vmem>> -> memref<32x1024xf32, #tpu.memory_space<vmem>>
    %dma_start3A_110 = arith.constant 0 : i32
    %dma_start3A_111 = tpu.memref_slice %arg4[%add3A_104, %dma_start3A_110] : memref<16384x1024xf32, #tpu.memory_space<hbm>> -> memref<32x1024xf32, #tpu.memory_space<hbm>>
    %dma_start3A_112 = arith.constant 0 : i32
    %dma_start3A_113 = tpu.memref_slice %arg4[%add3A_104, %dma_start3A_112] : memref<16384x1024xf32, #tpu.memory_space<hbm>> -> memref<32x1024xf32, #tpu.memory_space<hbm>>
    %dma_start3A_114 = arith.constant 0 : i32
    %dma_start3A_115 = arith.constant 0 : i32
    %dma_start3A_116 = tpu.memref_slice %arg6[%dma_start3A_105, %dma_start3A_114, %dma_start3A_115] : memref<3x32x1024xf32, #tpu.memory_space<vmem>> -> memref<1x32x1024xf32, #tpu.memory_space<vmem>>
    %dma_start3A_117 = tpu.memref_squeeze %dma_start3A_116 : memref<1x32x1024xf32, #tpu.memory_space<vmem>> -> memref<32x1024xf32, #tpu.memory_space<vmem>>
    tpu.enqueue_dma source(%dma_start3A_117 : memref<32x1024xf32, #tpu.memory_space<vmem>>) target(%dma_start3A_113 : memref<32x1024xf32, #tpu.memory_space<hbm>>) target_semaphore(%arg8 : memref<!tpu.dma_semaphore, #tpu.memory_space<semaphore_mem>>)
    %dma_wait3A_118 = arith.constant 2 : i32
    %dma_wait3A_119 = arith.constant 2 : i32
    %dma_wait3A_120 = arith.constant 0 : i32
    %dma_wait3A_121 = arith.constant 0 : i32
    %dma_wait3A_122 = tpu.memref_slice %arg6[%dma_wait3A_119, %dma_wait3A_120, %dma_wait3A_121] : memref<3x32x1024xf32, #tpu.memory_space<vmem>> -> memref<1x32x1024xf32, #tpu.memory_space<vmem>>
    %dma_wait3A_123 = tpu.memref_squeeze %dma_wait3A_122 : memref<1x32x1024xf32, #tpu.memory_space<vmem>> -> memref<32x1024xf32, #tpu.memory_space<vmem>>
    %dma_wait3A_124 = arith.constant 0 : i32
    %dma_wait3A_125 = tpu.memref_slice %arg5[%dma_wait3A_118, %dma_wait3A_124] : memref<4x32xi32, #tpu.memory_space<vmem>> -> memref<1x32xi32, #tpu.memory_space<vmem>>
    %dma_wait3A_126 = tpu.memref_squeeze %dma_wait3A_125 : memref<1x32xi32, #tpu.memory_space<vmem>> -> memref<32xi32, #tpu.memory_space<vmem>>
    %dma_wait3A_127 = arith.constant 0 : i32
    %dma_wait3A_128 = arith.constant 0 : i32
    %dma_wait3A_129 = tpu.memref_slice %arg2[%dma_wait3A_127, %dma_wait3A_128] : memref<4096x1024xf32, #tpu.memory_space<hbm>> -> memref<4096x1024xf32, #tpu.memory_space<hbm>>
    tpu.wait_indirect_dma semaphore(%arg7 : memref<!tpu.dma_semaphore, #tpu.memory_space<semaphore_mem>>) src(%dma_wait3A_129 : memref<4096x1024xf32, #tpu.memory_space<hbm>>) dst(%dma_wait3A_123 : memref<32x1024xf32, #tpu.memory_space<vmem>>)
    %add3A_130 = arith.constant 64 : i32
    %add3A_131 = arith.addi %add3A_4, %add3A_130 : i32
    %dma_start3A_132 = arith.constant 2 : i32
    %dma_start3A_133 = arith.constant 0 : i32
    %dma_start3A_134 = arith.constant 0 : i32
    %dma_start3A_135 = tpu.memref_slice %arg6[%dma_start3A_132, %dma_start3A_133, %dma_start3A_134] : memref<3x32x1024xf32, #tpu.memory_space<vmem>> -> memref<1x32x1024xf32, #tpu.memory_space<vmem>>
    %dma_start3A_136 = tpu.memref_squeeze %dma_start3A_135 : memref<1x32x1024xf32, #tpu.memory_space<vmem>> -> memref<32x1024xf32, #tpu.memory_space<vmem>>
    %dma_start3A_137 = arith.constant 0 : i32
    %dma_start3A_138 = tpu.memref_slice %arg4[%add3A_131, %dma_start3A_137] : memref<16384x1024xf32, #tpu.memory_space<hbm>> -> memref<32x1024xf32, #tpu.memory_space<hbm>>
    %dma_start3A_139 = arith.constant 0 : i32
    %dma_start3A_140 = tpu.memref_slice %arg4[%add3A_131, %dma_start3A_139] : memref<16384x1024xf32, #tpu.memory_space<hbm>> -> memref<32x1024xf32, #tpu.memory_space<hbm>>
    %dma_start3A_141 = arith.constant 0 : i32
    %dma_start3A_142 = arith.constant 0 : i32
    %dma_start3A_143 = tpu.memref_slice %arg6[%dma_start3A_132, %dma_start3A_141, %dma_start3A_142] : memref<3x32x1024xf32, #tpu.memory_space<vmem>> -> memref<1x32x1024xf32, #tpu.memory_space<vmem>>
    %dma_start3A_144 = tpu.memref_squeeze %dma_start3A_143 : memref<1x32x1024xf32, #tpu.memory_space<vmem>> -> memref<32x1024xf32, #tpu.memory_space<vmem>>
    tpu.enqueue_dma source(%dma_start3A_144 : memref<32x1024xf32, #tpu.memory_space<vmem>>) target(%dma_start3A_140 : memref<32x1024xf32, #tpu.memory_space<hbm>>) target_semaphore(%arg8 : memref<!tpu.dma_semaphore, #tpu.memory_space<semaphore_mem>>)
    %dma_wait3A_145 = arith.constant 3 : i32
    %dma_wait3A_146 = arith.constant 0 : i32
    %dma_wait3A_147 = arith.constant 0 : i32
    %dma_wait3A_148 = arith.constant 0 : i32
    %dma_wait3A_149 = tpu.memref_slice %arg6[%dma_wait3A_146, %dma_wait3A_147, %dma_wait3A_148] : memref<3x32x1024xf32, #tpu.memory_space<vmem>> -> memref<1x32x1024xf32, #tpu.memory_space<vmem>>
    %dma_wait3A_150 = tpu.memref_squeeze %dma_wait3A_149 : memref<1x32x1024xf32, #tpu.memory_space<vmem>> -> memref<32x1024xf32, #tpu.memory_space<vmem>>
    %dma_wait3A_151 = arith.constant 0 : i32
    %dma_wait3A_152 = tpu.memref_slice %arg5[%dma_wait3A_145, %dma_wait3A_151] : memref<4x32xi32, #tpu.memory_space<vmem>> -> memref<1x32xi32, #tpu.memory_space<vmem>>
    %dma_wait3A_153 = tpu.memref_squeeze %dma_wait3A_152 : memref<1x32xi32, #tpu.memory_space<vmem>> -> memref<32xi32, #tpu.memory_space<vmem>>
    %dma_wait3A_154 = arith.constant 0 : i32
    %dma_wait3A_155 = arith.constant 0 : i32
    %dma_wait3A_156 = tpu.memref_slice %arg2[%dma_wait3A_154, %dma_wait3A_155] : memref<4096x1024xf32, #tpu.memory_space<hbm>> -> memref<4096x1024xf32, #tpu.memory_space<hbm>>
    tpu.wait_indirect_dma semaphore(%arg7 : memref<!tpu.dma_semaphore, #tpu.memory_space<semaphore_mem>>) src(%dma_wait3A_156 : memref<4096x1024xf32, #tpu.memory_space<hbm>>) dst(%dma_wait3A_150 : memref<32x1024xf32, #tpu.memory_space<vmem>>)
    %add3A_157 = arith.constant 96 : i32
    %add3A_158 = arith.addi %add3A_4, %add3A_157 : i32
    %dma_start3A_159 = arith.constant 0 : i32
    %dma_start3A_160 = arith.constant 0 : i32
    %dma_start3A_161 = arith.constant 0 : i32
    %dma_start3A_162 = tpu.memref_slice %arg6[%dma_start3A_159, %dma_start3A_160, %dma_start3A_161] : memref<3x32x1024xf32, #tpu.memory_space<vmem>> -> memref<1x32x1024xf32, #tpu.memory_space<vmem>>
    %dma_start3A_163 = tpu.memref_squeeze %dma_start3A_162 : memref<1x32x1024xf32, #tpu.memory_space<vmem>> -> memref<32x1024xf32, #tpu.memory_space<vmem>>
    %dma_start3A_164 = arith.constant 0 : i32
    %dma_start3A_165 = tpu.memref_slice %arg4[%add3A_158, %dma_start3A_164] : memref<16384x1024xf32, #tpu.memory_space<hbm>> -> memref<32x1024xf32, #tpu.memory_space<hbm>>
    %dma_start3A_166 = arith.constant 0 : i32
    %dma_start3A_167 = tpu.memref_slice %arg4[%add3A_158, %dma_start3A_166] : memref<16384x1024xf32, #tpu.memory_space<hbm>> -> memref<32x1024xf32, #tpu.memory_space<hbm>>
    %dma_start3A_168 = arith.constant 0 : i32
    %dma_start3A_169 = arith.constant 0 : i32
    %dma_start3A_170 = tpu.memref_slice %arg6[%dma_start3A_159, %dma_start3A_168, %dma_start3A_169] : memref<3x32x1024xf32, #tpu.memory_space<vmem>> -> memref<1x32x1024xf32, #tpu.memory_space<vmem>>
    %dma_start3A_171 = tpu.memref_squeeze %dma_start3A_170 : memref<1x32x1024xf32, #tpu.memory_space<vmem>> -> memref<32x1024xf32, #tpu.memory_space<vmem>>
    tpu.enqueue_dma source(%dma_start3A_171 : memref<32x1024xf32, #tpu.memory_space<vmem>>) target(%dma_start3A_167 : memref<32x1024xf32, #tpu.memory_space<hbm>>) target_semaphore(%arg8 : memref<!tpu.dma_semaphore, #tpu.memory_space<semaphore_mem>>)
    %dma_wait3A_172 = arith.constant 1 : i32
    %dma_wait3A_173 = arith.constant 0 : i32
    %dma_wait3A_174 = arith.constant 0 : i32
    %dma_wait3A_175 = tpu.memref_slice %arg6[%dma_wait3A_172, %dma_wait3A_173, %dma_wait3A_174] : memref<3x32x1024xf32, #tpu.memory_space<vmem>> -> memref<1x32x1024xf32, #tpu.memory_space<vmem>>
    %dma_wait3A_176 = tpu.memref_squeeze %dma_wait3A_175 : memref<1x32x1024xf32, #tpu.memory_space<vmem>> -> memref<32x1024xf32, #tpu.memory_space<vmem>>
    %dma_wait3A_177 = arith.constant 0 : i32
    %dma_wait3A_178 = tpu.memref_slice %arg4[%add3A_104, %dma_wait3A_177] : memref<16384x1024xf32, #tpu.memory_space<hbm>> -> memref<32x1024xf32, #tpu.memory_space<hbm>>
    %dma_wait3A_179 = arith.constant 0 : i32
    %dma_wait3A_180 = tpu.memref_slice %arg4[%add3A_104, %dma_wait3A_179] : memref<16384x1024xf32, #tpu.memory_space<hbm>> -> memref<32x1024xf32, #tpu.memory_space<hbm>>
    %dma_wait3A_181 = arith.constant 0 : i32
    %dma_wait3A_182 = arith.constant 0 : i32
    %dma_wait3A_183 = tpu.memref_slice %arg6[%dma_wait3A_172, %dma_wait3A_181, %dma_wait3A_182] : memref<3x32x1024xf32, #tpu.memory_space<vmem>> -> memref<1x32x1024xf32, #tpu.memory_space<vmem>>
    %dma_wait3A_184 = tpu.memref_squeeze %dma_wait3A_183 : memref<1x32x1024xf32, #tpu.memory_space<vmem>> -> memref<32x1024xf32, #tpu.memory_space<vmem>>
    tpu.wait_dma2 semaphore(%arg8 : memref<!tpu.dma_semaphore, #tpu.memory_space<semaphore_mem>>) src(%dma_wait3A_184 : memref<32x1024xf32, #tpu.memory_space<vmem>>) dst(%dma_wait3A_180 : memref<32x1024xf32, #tpu.memory_space<hbm>>)
    %dma_wait3A_185 = arith.constant 2 : i32
    %dma_wait3A_186 = arith.constant 0 : i32
    %dma_wait3A_187 = arith.constant 0 : i32
    %dma_wait3A_188 = tpu.memref_slice %arg6[%dma_wait3A_185, %dma_wait3A_186, %dma_wait3A_187] : memref<3x32x1024xf32, #tpu.memory_space<vmem>> -> memref<1x32x1024xf32, #tpu.memory_space<vmem>>
    %dma_wait3A_189 = tpu.memref_squeeze %dma_wait3A_188 : memref<1x32x1024xf32, #tpu.memory_space<vmem>> -> memref<32x1024xf32, #tpu.memory_space<vmem>>
    %dma_wait3A_190 = arith.constant 0 : i32
    %dma_wait3A_191 = tpu.memref_slice %arg4[%add3A_131, %dma_wait3A_190] : memref<16384x1024xf32, #tpu.memory_space<hbm>> -> memref<32x1024xf32, #tpu.memory_space<hbm>>
    %dma_wait3A_192 = arith.constant 0 : i32
    %dma_wait3A_193 = tpu.memref_slice %arg4[%add3A_131, %dma_wait3A_192] : memref<16384x1024xf32, #tpu.memory_space<hbm>> -> memref<32x1024xf32, #tpu.memory_space<hbm>>
    %dma_wait3A_194 = arith.constant 0 : i32
    %dma_wait3A_195 = arith.constant 0 : i32
    %dma_wait3A_196 = tpu.memref_slice %arg6[%dma_wait3A_185, %dma_wait3A_194, %dma_wait3A_195] : memref<3x32x1024xf32, #tpu.memory_space<vmem>> -> memref<1x32x1024xf32, #tpu.memory_space<vmem>>
    %dma_wait3A_197 = tpu.memref_squeeze %dma_wait3A_196 : memref<1x32x1024xf32, #tpu.memory_space<vmem>> -> memref<32x1024xf32, #tpu.memory_space<vmem>>
    tpu.wait_dma2 semaphore(%arg8 : memref<!tpu.dma_semaphore, #tpu.memory_space<semaphore_mem>>) src(%dma_wait3A_197 : memref<32x1024xf32, #tpu.memory_space<vmem>>) dst(%dma_wait3A_193 : memref<32x1024xf32, #tpu.memory_space<hbm>>)
    %dma_wait3A_198 = arith.constant 0 : i32
    %dma_wait3A_199 = arith.constant 0 : i32
    %dma_wait3A_200 = arith.constant 0 : i32
    %dma_wait3A_201 = tpu.memref_slice %arg6[%dma_wait3A_198, %dma_wait3A_199, %dma_wait3A_200] : memref<3x32x1024xf32, #tpu.memory_space<vmem>> -> memref<1x32x1024xf32, #tpu.memory_space<vmem>>
    %dma_wait3A_202 = tpu.memref_squeeze %dma_wait3A_201 : memref<1x32x1024xf32, #tpu.memory_space<vmem>> -> memref<32x1024xf32, #tpu.memory_space<vmem>>
    %dma_wait3A_203 = arith.constant 0 : i32
    %dma_wait3A_204 = tpu.memref_slice %arg4[%add3A_158, %dma_wait3A_203] : memref<16384x1024xf32, #tpu.memory_space<hbm>> -> memref<32x1024xf32, #tpu.memory_space<hbm>>
    %dma_wait3A_205 = arith.constant 0 : i32
    %dma_wait3A_206 = tpu.memref_slice %arg4[%add3A_158, %dma_wait3A_205] : memref<16384x1024xf32, #tpu.memory_space<hbm>> -> memref<32x1024xf32, #tpu.memory_space<hbm>>
    %dma_wait3A_207 = arith.constant 0 : i32
    %dma_wait3A_208 = arith.constant 0 : i32
    %dma_wait3A_209 = tpu.memref_slice %arg6[%dma_wait3A_198, %dma_wait3A_207, %dma_wait3A_208] : memref<3x32x1024xf32, #tpu.memory_space<vmem>> -> memref<1x32x1024xf32, #tpu.memory_space<vmem>>
    %dma_wait3A_210 = tpu.memref_squeeze %dma_wait3A_209 : memref<1x32x1024xf32, #tpu.memory_space<vmem>> -> memref<32x1024xf32, #tpu.memory_space<vmem>>
    tpu.wait_dma2 semaphore(%arg8 : memref<!tpu.dma_semaphore, #tpu.memory_space<semaphore_mem>>) src(%dma_wait3A_210 : memref<32x1024xf32, #tpu.memory_space<vmem>>) dst(%dma_wait3A_206 : memref<32x1024xf32, #tpu.memory_space<hbm>>)
    return
  }
}

#map = affine_map<(d0, d1) -> (0, 0)>
#map1 = affine_map<(d0, d1) -> (0, 0, 0)>
module attributes {stable_mosaic.version = 14 : i64} {
  func.func @new_body(%arg0: i32, %arg1: i32, %arg2: memref<4096x1024xf32, #tpu.memory_space<hbm>>, %arg3: memref<32x4x32xi32, #tpu.memory_space<hbm>>, %arg4: memref<16384x1024xf32, #tpu.memory_space<hbm>>, %arg5: memref<16384x1024xf32, #tpu.memory_space<hbm>>, %arg6: memref<4x32xi32, #tpu.memory_space<vmem>>, %arg7: memref<3x32x1024xf32, #tpu.memory_space<vmem>>, %arg8: memref<!tpu.dma_semaphore, #tpu.memory_space<semaphore_mem>>, %arg9: memref<!tpu.dma_semaphore, #tpu.memory_space<semaphore_mem>>) attributes {dimension_semantics = [#tpu.dimension_semantics<core_parallel>, #tpu.dimension_semantics<subcore_parallel>], iteration_bounds = array<i64: 2, 16>, scalar_prefetch = 0 : i64, scratch_operands = 4 : i64, tpu.core_type = #tpu.core_type<sc_vector_subcore>, window_params = [{transform_indices = #map}, {transform_indices = #map1}, {transform_indices = #map}, {transform_indices = #map}]} {
    %mul3A = arith.constant 2 : i32
    %mul3A_0 = arith.muli %arg1, %mul3A : i32
    %add3A = arith.addi %mul3A_0, %arg0 : i32
    %mul3A_1 = arith.constant 128 : i32
    %mul3A_2 = arith.muli %add3A, %mul3A_1 : i32
    %add3A_3 = arith.constant 12288 : i32
    %add3A_4 = arith.addi %add3A_3, %mul3A_2 : i32
    "tpu.region"() ({
      %run_scoped3A = tpu.sem_alloc : memref<!tpu.dma_semaphore, #tpu.memory_space<semaphore_mem>>
      %dma_start3A_211 = arith.constant 0 : i32
      %dma_start3A_212 = arith.constant 0 : i32
      %dma_start3A_213 = tpu.memref_slice %arg3[%add3A, %dma_start3A_211, %dma_start3A_212] : memref<32x4x32xi32, #tpu.memory_space<hbm>> -> memref<1x4x32xi32, #tpu.memory_space<hbm>>
      %dma_start3A_214 = tpu.memref_squeeze %dma_start3A_213 : memref<1x4x32xi32, #tpu.memory_space<hbm>> -> memref<4x32xi32, #tpu.memory_space<hbm>>
      %dma_start3A_215 = arith.constant 0 : i32
      %dma_start3A_216 = arith.constant 0 : i32
      %dma_start3A_217 = tpu.memref_slice %arg3[%add3A, %dma_start3A_215, %dma_start3A_216] : memref<32x4x32xi32, #tpu.memory_space<hbm>> -> memref<1x4x32xi32, #tpu.memory_space<hbm>>
      %dma_start3A_218 = tpu.memref_squeeze %dma_start3A_217 : memref<1x4x32xi32, #tpu.memory_space<hbm>> -> memref<4x32xi32, #tpu.memory_space<hbm>>
      tpu.enqueue_dma source(%dma_start3A_218 : memref<4x32xi32, #tpu.memory_space<hbm>>) target(%arg6 : memref<4x32xi32, #tpu.memory_space<vmem>>) target_semaphore(%run_scoped3A : memref<!tpu.dma_semaphore, #tpu.memory_space<semaphore_mem>>)
      %dma_wait3A_219 = arith.constant 0 : i32
      %dma_wait3A_220 = arith.constant 0 : i32
      %dma_wait3A_221 = tpu.memref_slice %arg3[%add3A, %dma_wait3A_219, %dma_wait3A_220] : memref<32x4x32xi32, #tpu.memory_space<hbm>> -> memref<1x4x32xi32, #tpu.memory_space<hbm>>
      %dma_wait3A_222 = tpu.memref_squeeze %dma_wait3A_221 : memref<1x4x32xi32, #tpu.memory_space<hbm>> -> memref<4x32xi32, #tpu.memory_space<hbm>>
      %dma_wait3A_223 = arith.constant 0 : i32
      %dma_wait3A_224 = arith.constant 0 : i32
      %dma_wait3A_225 = tpu.memref_slice %arg3[%add3A, %dma_wait3A_223, %dma_wait3A_224] : memref<32x4x32xi32, #tpu.memory_space<hbm>> -> memref<1x4x32xi32, #tpu.memory_space<hbm>>
      %dma_wait3A_226 = tpu.memref_squeeze %dma_wait3A_225 : memref<1x4x32xi32, #tpu.memory_space<hbm>> -> memref<4x32xi32, #tpu.memory_space<hbm>>
      tpu.wait_dma2 semaphore(%run_scoped3A : memref<!tpu.dma_semaphore, #tpu.memory_space<semaphore_mem>>) src(%dma_wait3A_226 : memref<4x32xi32, #tpu.memory_space<hbm>>) dst(%arg6 : memref<4x32xi32, #tpu.memory_space<vmem>>)
      tpu.yield
    }) : () -> ()
    %dma_start3A = arith.constant 0 : i32
    %dma_start3A_5 = arith.constant 0 : i32
    %dma_start3A_6 = arith.constant 0 : i32
    %dma_start3A_7 = arith.constant 0 : i32
    %dma_start3A_8 = tpu.memref_slice %arg7[%dma_start3A_5, %dma_start3A_6, %dma_start3A_7] : memref<3x32x1024xf32, #tpu.memory_space<vmem>> -> memref<1x32x1024xf32, #tpu.memory_space<vmem>>
    %dma_start3A_9 = tpu.memref_squeeze %dma_start3A_8 : memref<1x32x1024xf32, #tpu.memory_space<vmem>> -> memref<32x1024xf32, #tpu.memory_space<vmem>>
    %dma_start3A_10 = arith.constant 0 : i32
    %dma_start3A_11 = tpu.memref_slice %arg6[%dma_start3A, %dma_start3A_10] : memref<4x32xi32, #tpu.memory_space<vmem>> -> memref<1x32xi32, #tpu.memory_space<vmem>>
    %dma_start3A_12 = tpu.memref_squeeze %dma_start3A_11 : memref<1x32xi32, #tpu.memory_space<vmem>> -> memref<32xi32, #tpu.memory_space<vmem>>
    %dma_start3A_13 = arith.constant 0 : i32
    %dma_start3A_14 = arith.constant 0 : i32
    %dma_start3A_15 = tpu.memref_slice %arg2[%dma_start3A_13, %dma_start3A_14] : memref<4096x1024xf32, #tpu.memory_space<hbm>> -> memref<4096x1024xf32, #tpu.memory_space<hbm>>
    tpu.enqueue_indirect_dma source(%dma_start3A_15 : memref<4096x1024xf32, #tpu.memory_space<hbm>>) target(%dma_start3A_9 : memref<32x1024xf32, #tpu.memory_space<vmem>>) offsets(%dma_start3A_12 : memref<32xi32, #tpu.memory_space<vmem>>) semaphore(%arg8 : memref<!tpu.dma_semaphore, #tpu.memory_space<semaphore_mem>>)
    %dma_start3A_16 = arith.constant 1 : i32
    %dma_start3A_17 = arith.constant 1 : i32
    %dma_start3A_18 = arith.constant 0 : i32
    %dma_start3A_19 = arith.constant 0 : i32
    %dma_start3A_20 = tpu.memref_slice %arg7[%dma_start3A_17, %dma_start3A_18, %dma_start3A_19] : memref<3x32x1024xf32, #tpu.memory_space<vmem>> -> memref<1x32x1024xf32, #tpu.memory_space<vmem>>
    %dma_start3A_21 = tpu.memref_squeeze %dma_start3A_20 : memref<1x32x1024xf32, #tpu.memory_space<vmem>> -> memref<32x1024xf32, #tpu.memory_space<vmem>>
    %dma_start3A_22 = arith.constant 0 : i32
    %dma_start3A_23 = tpu.memref_slice %arg6[%dma_start3A_16, %dma_start3A_22] : memref<4x32xi32, #tpu.memory_space<vmem>> -> memref<1x32xi32, #tpu.memory_space<vmem>>
    %dma_start3A_24 = tpu.memref_squeeze %dma_start3A_23 : memref<1x32xi32, #tpu.memory_space<vmem>> -> memref<32xi32, #tpu.memory_space<vmem>>
    %dma_start3A_25 = arith.constant 0 : i32
    %dma_start3A_26 = arith.constant 0 : i32
    %dma_start3A_27 = tpu.memref_slice %arg2[%dma_start3A_25, %dma_start3A_26] : memref<4096x1024xf32, #tpu.memory_space<hbm>> -> memref<4096x1024xf32, #tpu.memory_space<hbm>>
    tpu.enqueue_indirect_dma source(%dma_start3A_27 : memref<4096x1024xf32, #tpu.memory_space<hbm>>) target(%dma_start3A_21 : memref<32x1024xf32, #tpu.memory_space<vmem>>) offsets(%dma_start3A_24 : memref<32xi32, #tpu.memory_space<vmem>>) semaphore(%arg8 : memref<!tpu.dma_semaphore, #tpu.memory_space<semaphore_mem>>)
    %dma_start3A_28 = arith.constant 2 : i32
    %dma_start3A_29 = arith.constant 2 : i32
    %dma_start3A_30 = arith.constant 0 : i32
    %dma_start3A_31 = arith.constant 0 : i32
    %dma_start3A_32 = tpu.memref_slice %arg7[%dma_start3A_29, %dma_start3A_30, %dma_start3A_31] : memref<3x32x1024xf32, #tpu.memory_space<vmem>> -> memref<1x32x1024xf32, #tpu.memory_space<vmem>>
    %dma_start3A_33 = tpu.memref_squeeze %dma_start3A_32 : memref<1x32x1024xf32, #tpu.memory_space<vmem>> -> memref<32x1024xf32, #tpu.memory_space<vmem>>
    %dma_start3A_34 = arith.constant 0 : i32
    %dma_start3A_35 = tpu.memref_slice %arg6[%dma_start3A_28, %dma_start3A_34] : memref<4x32xi32, #tpu.memory_space<vmem>> -> memref<1x32xi32, #tpu.memory_space<vmem>>
    %dma_start3A_36 = tpu.memref_squeeze %dma_start3A_35 : memref<1x32xi32, #tpu.memory_space<vmem>> -> memref<32xi32, #tpu.memory_space<vmem>>
    %dma_start3A_37 = arith.constant 0 : i32
    %dma_start3A_38 = arith.constant 0 : i32
    %dma_start3A_39 = tpu.memref_slice %arg2[%dma_start3A_37, %dma_start3A_38] : memref<4096x1024xf32, #tpu.memory_space<hbm>> -> memref<4096x1024xf32, #tpu.memory_space<hbm>>
    tpu.enqueue_indirect_dma source(%dma_start3A_39 : memref<4096x1024xf32, #tpu.memory_space<hbm>>) target(%dma_start3A_33 : memref<32x1024xf32, #tpu.memory_space<vmem>>) offsets(%dma_start3A_36 : memref<32xi32, #tpu.memory_space<vmem>>) semaphore(%arg8 : memref<!tpu.dma_semaphore, #tpu.memory_space<semaphore_mem>>)
    %dma_wait3A = arith.constant 0 : i32
    %dma_wait3A_40 = arith.constant 0 : i32
    %dma_wait3A_41 = arith.constant 0 : i32
    %dma_wait3A_42 = arith.constant 0 : i32
    %dma_wait3A_43 = tpu.memref_slice %arg7[%dma_wait3A_40, %dma_wait3A_41, %dma_wait3A_42] : memref<3x32x1024xf32, #tpu.memory_space<vmem>> -> memref<1x32x1024xf32, #tpu.memory_space<vmem>>
    %dma_wait3A_44 = tpu.memref_squeeze %dma_wait3A_43 : memref<1x32x1024xf32, #tpu.memory_space<vmem>> -> memref<32x1024xf32, #tpu.memory_space<vmem>>
    %dma_wait3A_45 = arith.constant 0 : i32
    %dma_wait3A_46 = tpu.memref_slice %arg6[%dma_wait3A, %dma_wait3A_45] : memref<4x32xi32, #tpu.memory_space<vmem>> -> memref<1x32xi32, #tpu.memory_space<vmem>>
    %dma_wait3A_47 = tpu.memref_squeeze %dma_wait3A_46 : memref<1x32xi32, #tpu.memory_space<vmem>> -> memref<32xi32, #tpu.memory_space<vmem>>
    %dma_wait3A_48 = arith.constant 0 : i32
    %dma_wait3A_49 = arith.constant 0 : i32
    %dma_wait3A_50 = tpu.memref_slice %arg2[%dma_wait3A_48, %dma_wait3A_49] : memref<4096x1024xf32, #tpu.memory_space<hbm>> -> memref<4096x1024xf32, #tpu.memory_space<hbm>>
    tpu.wait_indirect_dma semaphore(%arg8 : memref<!tpu.dma_semaphore, #tpu.memory_space<semaphore_mem>>) src(%dma_wait3A_50 : memref<4096x1024xf32, #tpu.memory_space<hbm>>) dst(%dma_wait3A_44 : memref<32x1024xf32, #tpu.memory_space<vmem>>)
    %add3A_51 = arith.constant 0 : i32
    %add3A_52 = arith.addi %add3A_4, %add3A_51 : i32
    %dma_start3A_53 = arith.constant 0 : i32
    %dma_start3A_54 = arith.constant 0 : i32
    %dma_start3A_55 = arith.constant 0 : i32
    %dma_start3A_56 = tpu.memref_slice %arg7[%dma_start3A_53, %dma_start3A_54, %dma_start3A_55] : memref<3x32x1024xf32, #tpu.memory_space<vmem>> -> memref<1x32x1024xf32, #tpu.memory_space<vmem>>
    %dma_start3A_57 = tpu.memref_squeeze %dma_start3A_56 : memref<1x32x1024xf32, #tpu.memory_space<vmem>> -> memref<32x1024xf32, #tpu.memory_space<vmem>>
    %dma_start3A_58 = arith.constant 0 : i32
    %dma_start3A_59 = tpu.memref_slice %arg4[%add3A_52, %dma_start3A_58] : memref<16384x1024xf32, #tpu.memory_space<hbm>> -> memref<32x1024xf32, #tpu.memory_space<hbm>>
    %dma_start3A_60 = arith.constant 0 : i32
    %dma_start3A_61 = tpu.memref_slice %arg4[%add3A_52, %dma_start3A_60] : memref<16384x1024xf32, #tpu.memory_space<hbm>> -> memref<32x1024xf32, #tpu.memory_space<hbm>>
    %dma_start3A_62 = arith.constant 0 : i32
    %dma_start3A_63 = arith.constant 0 : i32
    %dma_start3A_64 = tpu.memref_slice %arg7[%dma_start3A_53, %dma_start3A_62, %dma_start3A_63] : memref<3x32x1024xf32, #tpu.memory_space<vmem>> -> memref<1x32x1024xf32, #tpu.memory_space<vmem>>
    %dma_start3A_65 = tpu.memref_squeeze %dma_start3A_64 : memref<1x32x1024xf32, #tpu.memory_space<vmem>> -> memref<32x1024xf32, #tpu.memory_space<vmem>>
    tpu.enqueue_dma source(%dma_start3A_65 : memref<32x1024xf32, #tpu.memory_space<vmem>>) target(%dma_start3A_61 : memref<32x1024xf32, #tpu.memory_space<hbm>>) target_semaphore(%arg9 : memref<!tpu.dma_semaphore, #tpu.memory_space<semaphore_mem>>)
    %dma_wait3A_66 = arith.constant 0 : i32
    %dma_wait3A_67 = arith.constant 0 : i32
    %dma_wait3A_68 = arith.constant 0 : i32
    %dma_wait3A_69 = tpu.memref_slice %arg7[%dma_wait3A_66, %dma_wait3A_67, %dma_wait3A_68] : memref<3x32x1024xf32, #tpu.memory_space<vmem>> -> memref<1x32x1024xf32, #tpu.memory_space<vmem>>
    %dma_wait3A_70 = tpu.memref_squeeze %dma_wait3A_69 : memref<1x32x1024xf32, #tpu.memory_space<vmem>> -> memref<32x1024xf32, #tpu.memory_space<vmem>>
    %dma_wait3A_71 = arith.constant 0 : i32
    %dma_wait3A_72 = tpu.memref_slice %arg4[%add3A_52, %dma_wait3A_71] : memref<16384x1024xf32, #tpu.memory_space<hbm>> -> memref<32x1024xf32, #tpu.memory_space<hbm>>
    %dma_wait3A_73 = arith.constant 0 : i32
    %dma_wait3A_74 = tpu.memref_slice %arg4[%add3A_52, %dma_wait3A_73] : memref<16384x1024xf32, #tpu.memory_space<hbm>> -> memref<32x1024xf32, #tpu.memory_space<hbm>>
    %dma_wait3A_75 = arith.constant 0 : i32
    %dma_wait3A_76 = arith.constant 0 : i32
    %dma_wait3A_77 = tpu.memref_slice %arg7[%dma_wait3A_66, %dma_wait3A_75, %dma_wait3A_76] : memref<3x32x1024xf32, #tpu.memory_space<vmem>> -> memref<1x32x1024xf32, #tpu.memory_space<vmem>>
    %dma_wait3A_78 = tpu.memref_squeeze %dma_wait3A_77 : memref<1x32x1024xf32, #tpu.memory_space<vmem>> -> memref<32x1024xf32, #tpu.memory_space<vmem>>
    tpu.wait_dma2 semaphore(%arg9 : memref<!tpu.dma_semaphore, #tpu.memory_space<semaphore_mem>>) src(%dma_wait3A_78 : memref<32x1024xf32, #tpu.memory_space<vmem>>) dst(%dma_wait3A_74 : memref<32x1024xf32, #tpu.memory_space<hbm>>)
    %dma_start3A_79 = arith.constant 3 : i32
    %dma_start3A_80 = arith.constant 0 : i32
    %dma_start3A_81 = arith.constant 0 : i32
    %dma_start3A_82 = arith.constant 0 : i32
    %dma_start3A_83 = tpu.memref_slice %arg7[%dma_start3A_80, %dma_start3A_81, %dma_start3A_82] : memref<3x32x1024xf32, #tpu.memory_space<vmem>> -> memref<1x32x1024xf32, #tpu.memory_space<vmem>>
    %dma_start3A_84 = tpu.memref_squeeze %dma_start3A_83 : memref<1x32x1024xf32, #tpu.memory_space<vmem>> -> memref<32x1024xf32, #tpu.memory_space<vmem>>
    %dma_start3A_85 = arith.constant 0 : i32
    %dma_start3A_86 = tpu.memref_slice %arg6[%dma_start3A_79, %dma_start3A_85] : memref<4x32xi32, #tpu.memory_space<vmem>> -> memref<1x32xi32, #tpu.memory_space<vmem>>
    %dma_start3A_87 = tpu.memref_squeeze %dma_start3A_86 : memref<1x32xi32, #tpu.memory_space<vmem>> -> memref<32xi32, #tpu.memory_space<vmem>>
    %dma_start3A_88 = arith.constant 0 : i32
    %dma_start3A_89 = arith.constant 0 : i32
    %dma_start3A_90 = tpu.memref_slice %arg2[%dma_start3A_88, %dma_start3A_89] : memref<4096x1024xf32, #tpu.memory_space<hbm>> -> memref<4096x1024xf32, #tpu.memory_space<hbm>>
    tpu.enqueue_indirect_dma source(%dma_start3A_90 : memref<4096x1024xf32, #tpu.memory_space<hbm>>) target(%dma_start3A_84 : memref<32x1024xf32, #tpu.memory_space<vmem>>) offsets(%dma_start3A_87 : memref<32xi32, #tpu.memory_space<vmem>>) semaphore(%arg8 : memref<!tpu.dma_semaphore, #tpu.memory_space<semaphore_mem>>)
    %dma_wait3A_91 = arith.constant 1 : i32
    %dma_wait3A_92 = arith.constant 1 : i32
    %dma_wait3A_93 = arith.constant 0 : i32
    %dma_wait3A_94 = arith.constant 0 : i32
    %dma_wait3A_95 = tpu.memref_slice %arg7[%dma_wait3A_92, %dma_wait3A_93, %dma_wait3A_94] : memref<3x32x1024xf32, #tpu.memory_space<vmem>> -> memref<1x32x1024xf32, #tpu.memory_space<vmem>>
    %dma_wait3A_96 = tpu.memref_squeeze %dma_wait3A_95 : memref<1x32x1024xf32, #tpu.memory_space<vmem>> -> memref<32x1024xf32, #tpu.memory_space<vmem>>
    %dma_wait3A_97 = arith.constant 0 : i32
    %dma_wait3A_98 = tpu.memref_slice %arg6[%dma_wait3A_91, %dma_wait3A_97] : memref<4x32xi32, #tpu.memory_space<vmem>> -> memref<1x32xi32, #tpu.memory_space<vmem>>
    %dma_wait3A_99 = tpu.memref_squeeze %dma_wait3A_98 : memref<1x32xi32, #tpu.memory_space<vmem>> -> memref<32xi32, #tpu.memory_space<vmem>>
    %dma_wait3A_100 = arith.constant 0 : i32
    %dma_wait3A_101 = arith.constant 0 : i32
    %dma_wait3A_102 = tpu.memref_slice %arg2[%dma_wait3A_100, %dma_wait3A_101] : memref<4096x1024xf32, #tpu.memory_space<hbm>> -> memref<4096x1024xf32, #tpu.memory_space<hbm>>
    tpu.wait_indirect_dma semaphore(%arg8 : memref<!tpu.dma_semaphore, #tpu.memory_space<semaphore_mem>>) src(%dma_wait3A_102 : memref<4096x1024xf32, #tpu.memory_space<hbm>>) dst(%dma_wait3A_96 : memref<32x1024xf32, #tpu.memory_space<vmem>>)
    %add3A_103 = arith.constant 32 : i32
    %add3A_104 = arith.addi %add3A_4, %add3A_103 : i32
    %dma_start3A_105 = arith.constant 1 : i32
    %dma_start3A_106 = arith.constant 0 : i32
    %dma_start3A_107 = arith.constant 0 : i32
    %dma_start3A_108 = tpu.memref_slice %arg7[%dma_start3A_105, %dma_start3A_106, %dma_start3A_107] : memref<3x32x1024xf32, #tpu.memory_space<vmem>> -> memref<1x32x1024xf32, #tpu.memory_space<vmem>>
    %dma_start3A_109 = tpu.memref_squeeze %dma_start3A_108 : memref<1x32x1024xf32, #tpu.memory_space<vmem>> -> memref<32x1024xf32, #tpu.memory_space<vmem>>
    %dma_start3A_110 = arith.constant 0 : i32
    %dma_start3A_111 = tpu.memref_slice %arg4[%add3A_104, %dma_start3A_110] : memref<16384x1024xf32, #tpu.memory_space<hbm>> -> memref<32x1024xf32, #tpu.memory_space<hbm>>
    %dma_start3A_112 = arith.constant 0 : i32
    %dma_start3A_113 = tpu.memref_slice %arg4[%add3A_104, %dma_start3A_112] : memref<16384x1024xf32, #tpu.memory_space<hbm>> -> memref<32x1024xf32, #tpu.memory_space<hbm>>
    %dma_start3A_114 = arith.constant 0 : i32
    %dma_start3A_115 = arith.constant 0 : i32
    %dma_start3A_116 = tpu.memref_slice %arg7[%dma_start3A_105, %dma_start3A_114, %dma_start3A_115] : memref<3x32x1024xf32, #tpu.memory_space<vmem>> -> memref<1x32x1024xf32, #tpu.memory_space<vmem>>
    %dma_start3A_117 = tpu.memref_squeeze %dma_start3A_116 : memref<1x32x1024xf32, #tpu.memory_space<vmem>> -> memref<32x1024xf32, #tpu.memory_space<vmem>>
    tpu.enqueue_dma source(%dma_start3A_117 : memref<32x1024xf32, #tpu.memory_space<vmem>>) target(%dma_start3A_113 : memref<32x1024xf32, #tpu.memory_space<hbm>>) target_semaphore(%arg9 : memref<!tpu.dma_semaphore, #tpu.memory_space<semaphore_mem>>)
    %dma_wait3A_118 = arith.constant 2 : i32
    %dma_wait3A_119 = arith.constant 2 : i32
    %dma_wait3A_120 = arith.constant 0 : i32
    %dma_wait3A_121 = arith.constant 0 : i32
    %dma_wait3A_122 = tpu.memref_slice %arg7[%dma_wait3A_119, %dma_wait3A_120, %dma_wait3A_121] : memref<3x32x1024xf32, #tpu.memory_space<vmem>> -> memref<1x32x1024xf32, #tpu.memory_space<vmem>>
    %dma_wait3A_123 = tpu.memref_squeeze %dma_wait3A_122 : memref<1x32x1024xf32, #tpu.memory_space<vmem>> -> memref<32x1024xf32, #tpu.memory_space<vmem>>
    %dma_wait3A_124 = arith.constant 0 : i32
    %dma_wait3A_125 = tpu.memref_slice %arg6[%dma_wait3A_118, %dma_wait3A_124] : memref<4x32xi32, #tpu.memory_space<vmem>> -> memref<1x32xi32, #tpu.memory_space<vmem>>
    %dma_wait3A_126 = tpu.memref_squeeze %dma_wait3A_125 : memref<1x32xi32, #tpu.memory_space<vmem>> -> memref<32xi32, #tpu.memory_space<vmem>>
    %dma_wait3A_127 = arith.constant 0 : i32
    %dma_wait3A_128 = arith.constant 0 : i32
    %dma_wait3A_129 = tpu.memref_slice %arg2[%dma_wait3A_127, %dma_wait3A_128] : memref<4096x1024xf32, #tpu.memory_space<hbm>> -> memref<4096x1024xf32, #tpu.memory_space<hbm>>
    tpu.wait_indirect_dma semaphore(%arg8 : memref<!tpu.dma_semaphore, #tpu.memory_space<semaphore_mem>>) src(%dma_wait3A_129 : memref<4096x1024xf32, #tpu.memory_space<hbm>>) dst(%dma_wait3A_123 : memref<32x1024xf32, #tpu.memory_space<vmem>>)
    %add3A_130 = arith.constant 64 : i32
    %add3A_131 = arith.addi %add3A_4, %add3A_130 : i32
    %dma_start3A_132 = arith.constant 2 : i32
    %dma_start3A_133 = arith.constant 0 : i32
    %dma_start3A_134 = arith.constant 0 : i32
    %dma_start3A_135 = tpu.memref_slice %arg7[%dma_start3A_132, %dma_start3A_133, %dma_start3A_134] : memref<3x32x1024xf32, #tpu.memory_space<vmem>> -> memref<1x32x1024xf32, #tpu.memory_space<vmem>>
    %dma_start3A_136 = tpu.memref_squeeze %dma_start3A_135 : memref<1x32x1024xf32, #tpu.memory_space<vmem>> -> memref<32x1024xf32, #tpu.memory_space<vmem>>
    %dma_start3A_137 = arith.constant 0 : i32
    %dma_start3A_138 = tpu.memref_slice %arg4[%add3A_131, %dma_start3A_137] : memref<16384x1024xf32, #tpu.memory_space<hbm>> -> memref<32x1024xf32, #tpu.memory_space<hbm>>
    %dma_start3A_139 = arith.constant 0 : i32
    %dma_start3A_140 = tpu.memref_slice %arg4[%add3A_131, %dma_start3A_139] : memref<16384x1024xf32, #tpu.memory_space<hbm>> -> memref<32x1024xf32, #tpu.memory_space<hbm>>
    %dma_start3A_141 = arith.constant 0 : i32
    %dma_start3A_142 = arith.constant 0 : i32
    %dma_start3A_143 = tpu.memref_slice %arg7[%dma_start3A_132, %dma_start3A_141, %dma_start3A_142] : memref<3x32x1024xf32, #tpu.memory_space<vmem>> -> memref<1x32x1024xf32, #tpu.memory_space<vmem>>
    %dma_start3A_144 = tpu.memref_squeeze %dma_start3A_143 : memref<1x32x1024xf32, #tpu.memory_space<vmem>> -> memref<32x1024xf32, #tpu.memory_space<vmem>>
    tpu.enqueue_dma source(%dma_start3A_144 : memref<32x1024xf32, #tpu.memory_space<vmem>>) target(%dma_start3A_140 : memref<32x1024xf32, #tpu.memory_space<hbm>>) target_semaphore(%arg9 : memref<!tpu.dma_semaphore, #tpu.memory_space<semaphore_mem>>)
    %dma_wait3A_145 = arith.constant 3 : i32
    %dma_wait3A_146 = arith.constant 0 : i32
    %dma_wait3A_147 = arith.constant 0 : i32
    %dma_wait3A_148 = arith.constant 0 : i32
    %dma_wait3A_149 = tpu.memref_slice %arg7[%dma_wait3A_146, %dma_wait3A_147, %dma_wait3A_148] : memref<3x32x1024xf32, #tpu.memory_space<vmem>> -> memref<1x32x1024xf32, #tpu.memory_space<vmem>>
    %dma_wait3A_150 = tpu.memref_squeeze %dma_wait3A_149 : memref<1x32x1024xf32, #tpu.memory_space<vmem>> -> memref<32x1024xf32, #tpu.memory_space<vmem>>
    %dma_wait3A_151 = arith.constant 0 : i32
    %dma_wait3A_152 = tpu.memref_slice %arg6[%dma_wait3A_145, %dma_wait3A_151] : memref<4x32xi32, #tpu.memory_space<vmem>> -> memref<1x32xi32, #tpu.memory_space<vmem>>
    %dma_wait3A_153 = tpu.memref_squeeze %dma_wait3A_152 : memref<1x32xi32, #tpu.memory_space<vmem>> -> memref<32xi32, #tpu.memory_space<vmem>>
    %dma_wait3A_154 = arith.constant 0 : i32
    %dma_wait3A_155 = arith.constant 0 : i32
    %dma_wait3A_156 = tpu.memref_slice %arg2[%dma_wait3A_154, %dma_wait3A_155] : memref<4096x1024xf32, #tpu.memory_space<hbm>> -> memref<4096x1024xf32, #tpu.memory_space<hbm>>
    tpu.wait_indirect_dma semaphore(%arg8 : memref<!tpu.dma_semaphore, #tpu.memory_space<semaphore_mem>>) src(%dma_wait3A_156 : memref<4096x1024xf32, #tpu.memory_space<hbm>>) dst(%dma_wait3A_150 : memref<32x1024xf32, #tpu.memory_space<vmem>>)
    %add3A_157 = arith.constant 96 : i32
    %add3A_158 = arith.addi %add3A_4, %add3A_157 : i32
    %dma_start3A_159 = arith.constant 0 : i32
    %dma_start3A_160 = arith.constant 0 : i32
    %dma_start3A_161 = arith.constant 0 : i32
    %dma_start3A_162 = tpu.memref_slice %arg7[%dma_start3A_159, %dma_start3A_160, %dma_start3A_161] : memref<3x32x1024xf32, #tpu.memory_space<vmem>> -> memref<1x32x1024xf32, #tpu.memory_space<vmem>>
    %dma_start3A_163 = tpu.memref_squeeze %dma_start3A_162 : memref<1x32x1024xf32, #tpu.memory_space<vmem>> -> memref<32x1024xf32, #tpu.memory_space<vmem>>
    %dma_start3A_164 = arith.constant 0 : i32
    %dma_start3A_165 = tpu.memref_slice %arg4[%add3A_158, %dma_start3A_164] : memref<16384x1024xf32, #tpu.memory_space<hbm>> -> memref<32x1024xf32, #tpu.memory_space<hbm>>
    %dma_start3A_166 = arith.constant 0 : i32
    %dma_start3A_167 = tpu.memref_slice %arg4[%add3A_158, %dma_start3A_166] : memref<16384x1024xf32, #tpu.memory_space<hbm>> -> memref<32x1024xf32, #tpu.memory_space<hbm>>
    %dma_start3A_168 = arith.constant 0 : i32
    %dma_start3A_169 = arith.constant 0 : i32
    %dma_start3A_170 = tpu.memref_slice %arg7[%dma_start3A_159, %dma_start3A_168, %dma_start3A_169] : memref<3x32x1024xf32, #tpu.memory_space<vmem>> -> memref<1x32x1024xf32, #tpu.memory_space<vmem>>
    %dma_start3A_171 = tpu.memref_squeeze %dma_start3A_170 : memref<1x32x1024xf32, #tpu.memory_space<vmem>> -> memref<32x1024xf32, #tpu.memory_space<vmem>>
    tpu.enqueue_dma source(%dma_start3A_171 : memref<32x1024xf32, #tpu.memory_space<vmem>>) target(%dma_start3A_167 : memref<32x1024xf32, #tpu.memory_space<hbm>>) target_semaphore(%arg9 : memref<!tpu.dma_semaphore, #tpu.memory_space<semaphore_mem>>)
    %dma_wait3A_172 = arith.constant 1 : i32
    %dma_wait3A_173 = arith.constant 0 : i32
    %dma_wait3A_174 = arith.constant 0 : i32
    %dma_wait3A_175 = tpu.memref_slice %arg7[%dma_wait3A_172, %dma_wait3A_173, %dma_wait3A_174] : memref<3x32x1024xf32, #tpu.memory_space<vmem>> -> memref<1x32x1024xf32, #tpu.memory_space<vmem>>
    %dma_wait3A_176 = tpu.memref_squeeze %dma_wait3A_175 : memref<1x32x1024xf32, #tpu.memory_space<vmem>> -> memref<32x1024xf32, #tpu.memory_space<vmem>>
    %dma_wait3A_177 = arith.constant 0 : i32
    %dma_wait3A_178 = tpu.memref_slice %arg4[%add3A_104, %dma_wait3A_177] : memref<16384x1024xf32, #tpu.memory_space<hbm>> -> memref<32x1024xf32, #tpu.memory_space<hbm>>
    %dma_wait3A_179 = arith.constant 0 : i32
    %dma_wait3A_180 = tpu.memref_slice %arg4[%add3A_104, %dma_wait3A_179] : memref<16384x1024xf32, #tpu.memory_space<hbm>> -> memref<32x1024xf32, #tpu.memory_space<hbm>>
    %dma_wait3A_181 = arith.constant 0 : i32
    %dma_wait3A_182 = arith.constant 0 : i32
    %dma_wait3A_183 = tpu.memref_slice %arg7[%dma_wait3A_172, %dma_wait3A_181, %dma_wait3A_182] : memref<3x32x1024xf32, #tpu.memory_space<vmem>> -> memref<1x32x1024xf32, #tpu.memory_space<vmem>>
    %dma_wait3A_184 = tpu.memref_squeeze %dma_wait3A_183 : memref<1x32x1024xf32, #tpu.memory_space<vmem>> -> memref<32x1024xf32, #tpu.memory_space<vmem>>
    tpu.wait_dma2 semaphore(%arg9 : memref<!tpu.dma_semaphore, #tpu.memory_space<semaphore_mem>>) src(%dma_wait3A_184 : memref<32x1024xf32, #tpu.memory_space<vmem>>) dst(%dma_wait3A_180 : memref<32x1024xf32, #tpu.memory_space<hbm>>)
    %dma_wait3A_185 = arith.constant 2 : i32
    %dma_wait3A_186 = arith.constant 0 : i32
    %dma_wait3A_187 = arith.constant 0 : i32
    %dma_wait3A_188 = tpu.memref_slice %arg7[%dma_wait3A_185, %dma_wait3A_186, %dma_wait3A_187] : memref<3x32x1024xf32, #tpu.memory_space<vmem>> -> memref<1x32x1024xf32, #tpu.memory_space<vmem>>
    %dma_wait3A_189 = tpu.memref_squeeze %dma_wait3A_188 : memref<1x32x1024xf32, #tpu.memory_space<vmem>> -> memref<32x1024xf32, #tpu.memory_space<vmem>>
    %dma_wait3A_190 = arith.constant 0 : i32
    %dma_wait3A_191 = tpu.memref_slice %arg4[%add3A_131, %dma_wait3A_190] : memref<16384x1024xf32, #tpu.memory_space<hbm>> -> memref<32x1024xf32, #tpu.memory_space<hbm>>
    %dma_wait3A_192 = arith.constant 0 : i32
    %dma_wait3A_193 = tpu.memref_slice %arg4[%add3A_131, %dma_wait3A_192] : memref<16384x1024xf32, #tpu.memory_space<hbm>> -> memref<32x1024xf32, #tpu.memory_space<hbm>>
    %dma_wait3A_194 = arith.constant 0 : i32
    %dma_wait3A_195 = arith.constant 0 : i32
    %dma_wait3A_196 = tpu.memref_slice %arg7[%dma_wait3A_185, %dma_wait3A_194, %dma_wait3A_195] : memref<3x32x1024xf32, #tpu.memory_space<vmem>> -> memref<1x32x1024xf32, #tpu.memory_space<vmem>>
    %dma_wait3A_197 = tpu.memref_squeeze %dma_wait3A_196 : memref<1x32x1024xf32, #tpu.memory_space<vmem>> -> memref<32x1024xf32, #tpu.memory_space<vmem>>
    tpu.wait_dma2 semaphore(%arg9 : memref<!tpu.dma_semaphore, #tpu.memory_space<semaphore_mem>>) src(%dma_wait3A_197 : memref<32x1024xf32, #tpu.memory_space<vmem>>) dst(%dma_wait3A_193 : memref<32x1024xf32, #tpu.memory_space<hbm>>)
    %dma_wait3A_198 = arith.constant 0 : i32
    %dma_wait3A_199 = arith.constant 0 : i32
    %dma_wait3A_200 = arith.constant 0 : i32
    %dma_wait3A_201 = tpu.memref_slice %arg7[%dma_wait3A_198, %dma_wait3A_199, %dma_wait3A_200] : memref<3x32x1024xf32, #tpu.memory_space<vmem>> -> memref<1x32x1024xf32, #tpu.memory_space<vmem>>
    %dma_wait3A_202 = tpu.memref_squeeze %dma_wait3A_201 : memref<1x32x1024xf32, #tpu.memory_space<vmem>> -> memref<32x1024xf32, #tpu.memory_space<vmem>>
    %dma_wait3A_203 = arith.constant 0 : i32
    %dma_wait3A_204 = tpu.memref_slice %arg4[%add3A_158, %dma_wait3A_203] : memref<16384x1024xf32, #tpu.memory_space<hbm>> -> memref<32x1024xf32, #tpu.memory_space<hbm>>
    %dma_wait3A_205 = arith.constant 0 : i32
    %dma_wait3A_206 = tpu.memref_slice %arg4[%add3A_158, %dma_wait3A_205] : memref<16384x1024xf32, #tpu.memory_space<hbm>> -> memref<32x1024xf32, #tpu.memory_space<hbm>>
    %dma_wait3A_207 = arith.constant 0 : i32
    %dma_wait3A_208 = arith.constant 0 : i32
    %dma_wait3A_209 = tpu.memref_slice %arg7[%dma_wait3A_198, %dma_wait3A_207, %dma_wait3A_208] : memref<3x32x1024xf32, #tpu.memory_space<vmem>> -> memref<1x32x1024xf32, #tpu.memory_space<vmem>>
    %dma_wait3A_210 = tpu.memref_squeeze %dma_wait3A_209 : memref<1x32x1024xf32, #tpu.memory_space<vmem>> -> memref<32x1024xf32, #tpu.memory_space<vmem>>
    tpu.wait_dma2 semaphore(%arg9 : memref<!tpu.dma_semaphore, #tpu.memory_space<semaphore_mem>>) src(%dma_wait3A_210 : memref<32x1024xf32, #tpu.memory_space<vmem>>) dst(%dma_wait3A_206 : memref<32x1024xf32, #tpu.memory_space<hbm>>)
    return
  }
}

#map = affine_map<(d0, d1) -> (0, 0)>
#map1 = affine_map<(d0, d1) -> (0, 0, 0)>
module attributes {stable_mosaic.version = 14 : i64} {
  func.func @new_body(%arg0: i32, %arg1: i32, %arg2: memref<4096x1024xf32, #tpu.memory_space<hbm>>, %arg3: memref<32x4x32xi32, #tpu.memory_space<hbm>>, %arg4: memref<16384x1024xf32, #tpu.memory_space<hbm>>, %arg5: memref<16384x1024xf32, #tpu.memory_space<hbm>>, %arg6: memref<4x32xi32, #tpu.memory_space<vmem>>, %arg7: memref<3x32x1024xf32, #tpu.memory_space<vmem>>, %arg8: memref<!tpu.dma_semaphore, #tpu.memory_space<semaphore_mem>>, %arg9: memref<!tpu.dma_semaphore, #tpu.memory_space<semaphore_mem>>) attributes {dimension_semantics = [#tpu.dimension_semantics<core_parallel>, #tpu.dimension_semantics<subcore_parallel>], iteration_bounds = array<i64: 2, 16>, scalar_prefetch = 0 : i64, scratch_operands = 4 : i64, tpu.core_type = #tpu.core_type<sc_vector_subcore>, window_params = [{transform_indices = #map}, {transform_indices = #map1}, {transform_indices = #map}, {transform_indices = #map}]} {
    %mul3A = arith.constant 2 : i32
    %mul3A_0 = arith.muli %arg1, %mul3A : i32
    %add3A = arith.addi %mul3A_0, %arg0 : i32
    %mul3A_1 = arith.constant 128 : i32
    %mul3A_2 = arith.muli %add3A, %mul3A_1 : i32
    %add3A_3 = arith.constant 8192 : i32
    %add3A_4 = arith.addi %add3A_3, %mul3A_2 : i32
    "tpu.region"() ({
      %run_scoped3A = tpu.sem_alloc : memref<!tpu.dma_semaphore, #tpu.memory_space<semaphore_mem>>
      %dma_start3A_211 = arith.constant 0 : i32
      %dma_start3A_212 = arith.constant 0 : i32
      %dma_start3A_213 = tpu.memref_slice %arg3[%add3A, %dma_start3A_211, %dma_start3A_212] : memref<32x4x32xi32, #tpu.memory_space<hbm>> -> memref<1x4x32xi32, #tpu.memory_space<hbm>>
      %dma_start3A_214 = tpu.memref_squeeze %dma_start3A_213 : memref<1x4x32xi32, #tpu.memory_space<hbm>> -> memref<4x32xi32, #tpu.memory_space<hbm>>
      %dma_start3A_215 = arith.constant 0 : i32
      %dma_start3A_216 = arith.constant 0 : i32
      %dma_start3A_217 = tpu.memref_slice %arg3[%add3A, %dma_start3A_215, %dma_start3A_216] : memref<32x4x32xi32, #tpu.memory_space<hbm>> -> memref<1x4x32xi32, #tpu.memory_space<hbm>>
      %dma_start3A_218 = tpu.memref_squeeze %dma_start3A_217 : memref<1x4x32xi32, #tpu.memory_space<hbm>> -> memref<4x32xi32, #tpu.memory_space<hbm>>
      tpu.enqueue_dma source(%dma_start3A_218 : memref<4x32xi32, #tpu.memory_space<hbm>>) target(%arg6 : memref<4x32xi32, #tpu.memory_space<vmem>>) target_semaphore(%run_scoped3A : memref<!tpu.dma_semaphore, #tpu.memory_space<semaphore_mem>>)
      %dma_wait3A_219 = arith.constant 0 : i32
      %dma_wait3A_220 = arith.constant 0 : i32
      %dma_wait3A_221 = tpu.memref_slice %arg3[%add3A, %dma_wait3A_219, %dma_wait3A_220] : memref<32x4x32xi32, #tpu.memory_space<hbm>> -> memref<1x4x32xi32, #tpu.memory_space<hbm>>
      %dma_wait3A_222 = tpu.memref_squeeze %dma_wait3A_221 : memref<1x4x32xi32, #tpu.memory_space<hbm>> -> memref<4x32xi32, #tpu.memory_space<hbm>>
      %dma_wait3A_223 = arith.constant 0 : i32
      %dma_wait3A_224 = arith.constant 0 : i32
      %dma_wait3A_225 = tpu.memref_slice %arg3[%add3A, %dma_wait3A_223, %dma_wait3A_224] : memref<32x4x32xi32, #tpu.memory_space<hbm>> -> memref<1x4x32xi32, #tpu.memory_space<hbm>>
      %dma_wait3A_226 = tpu.memref_squeeze %dma_wait3A_225 : memref<1x4x32xi32, #tpu.memory_space<hbm>> -> memref<4x32xi32, #tpu.memory_space<hbm>>
      tpu.wait_dma2 semaphore(%run_scoped3A : memref<!tpu.dma_semaphore, #tpu.memory_space<semaphore_mem>>) src(%dma_wait3A_226 : memref<4x32xi32, #tpu.memory_space<hbm>>) dst(%arg6 : memref<4x32xi32, #tpu.memory_space<vmem>>)
      tpu.yield
    }) : () -> ()
    %dma_start3A = arith.constant 0 : i32
    %dma_start3A_5 = arith.constant 0 : i32
    %dma_start3A_6 = arith.constant 0 : i32
    %dma_start3A_7 = arith.constant 0 : i32
    %dma_start3A_8 = tpu.memref_slice %arg7[%dma_start3A_5, %dma_start3A_6, %dma_start3A_7] : memref<3x32x1024xf32, #tpu.memory_space<vmem>> -> memref<1x32x1024xf32, #tpu.memory_space<vmem>>
    %dma_start3A_9 = tpu.memref_squeeze %dma_start3A_8 : memref<1x32x1024xf32, #tpu.memory_space<vmem>> -> memref<32x1024xf32, #tpu.memory_space<vmem>>
    %dma_start3A_10 = arith.constant 0 : i32
    %dma_start3A_11 = tpu.memref_slice %arg6[%dma_start3A, %dma_start3A_10] : memref<4x32xi32, #tpu.memory_space<vmem>> -> memref<1x32xi32, #tpu.memory_space<vmem>>
    %dma_start3A_12 = tpu.memref_squeeze %dma_start3A_11 : memref<1x32xi32, #tpu.memory_space<vmem>> -> memref<32xi32, #tpu.memory_space<vmem>>
    %dma_start3A_13 = arith.constant 0 : i32
    %dma_start3A_14 = arith.constant 0 : i32
    %dma_start3A_15 = tpu.memref_slice %arg2[%dma_start3A_13, %dma_start3A_14] : memref<4096x1024xf32, #tpu.memory_space<hbm>> -> memref<4096x1024xf32, #tpu.memory_space<hbm>>
    tpu.enqueue_indirect_dma source(%dma_start3A_15 : memref<4096x1024xf32, #tpu.memory_space<hbm>>) target(%dma_start3A_9 : memref<32x1024xf32, #tpu.memory_space<vmem>>) offsets(%dma_start3A_12 : memref<32xi32, #tpu.memory_space<vmem>>) semaphore(%arg8 : memref<!tpu.dma_semaphore, #tpu.memory_space<semaphore_mem>>)
    %dma_start3A_16 = arith.constant 1 : i32
    %dma_start3A_17 = arith.constant 1 : i32
    %dma_start3A_18 = arith.constant 0 : i32
    %dma_start3A_19 = arith.constant 0 : i32
    %dma_start3A_20 = tpu.memref_slice %arg7[%dma_start3A_17, %dma_start3A_18, %dma_start3A_19] : memref<3x32x1024xf32, #tpu.memory_space<vmem>> -> memref<1x32x1024xf32, #tpu.memory_space<vmem>>
    %dma_start3A_21 = tpu.memref_squeeze %dma_start3A_20 : memref<1x32x1024xf32, #tpu.memory_space<vmem>> -> memref<32x1024xf32, #tpu.memory_space<vmem>>
    %dma_start3A_22 = arith.constant 0 : i32
    %dma_start3A_23 = tpu.memref_slice %arg6[%dma_start3A_16, %dma_start3A_22] : memref<4x32xi32, #tpu.memory_space<vmem>> -> memref<1x32xi32, #tpu.memory_space<vmem>>
    %dma_start3A_24 = tpu.memref_squeeze %dma_start3A_23 : memref<1x32xi32, #tpu.memory_space<vmem>> -> memref<32xi32, #tpu.memory_space<vmem>>
    %dma_start3A_25 = arith.constant 0 : i32
    %dma_start3A_26 = arith.constant 0 : i32
    %dma_start3A_27 = tpu.memref_slice %arg2[%dma_start3A_25, %dma_start3A_26] : memref<4096x1024xf32, #tpu.memory_space<hbm>> -> memref<4096x1024xf32, #tpu.memory_space<hbm>>
    tpu.enqueue_indirect_dma source(%dma_start3A_27 : memref<4096x1024xf32, #tpu.memory_space<hbm>>) target(%dma_start3A_21 : memref<32x1024xf32, #tpu.memory_space<vmem>>) offsets(%dma_start3A_24 : memref<32xi32, #tpu.memory_space<vmem>>) semaphore(%arg8 : memref<!tpu.dma_semaphore, #tpu.memory_space<semaphore_mem>>)
    %dma_start3A_28 = arith.constant 2 : i32
    %dma_start3A_29 = arith.constant 2 : i32
    %dma_start3A_30 = arith.constant 0 : i32
    %dma_start3A_31 = arith.constant 0 : i32
    %dma_start3A_32 = tpu.memref_slice %arg7[%dma_start3A_29, %dma_start3A_30, %dma_start3A_31] : memref<3x32x1024xf32, #tpu.memory_space<vmem>> -> memref<1x32x1024xf32, #tpu.memory_space<vmem>>
    %dma_start3A_33 = tpu.memref_squeeze %dma_start3A_32 : memref<1x32x1024xf32, #tpu.memory_space<vmem>> -> memref<32x1024xf32, #tpu.memory_space<vmem>>
    %dma_start3A_34 = arith.constant 0 : i32
    %dma_start3A_35 = tpu.memref_slice %arg6[%dma_start3A_28, %dma_start3A_34] : memref<4x32xi32, #tpu.memory_space<vmem>> -> memref<1x32xi32, #tpu.memory_space<vmem>>
    %dma_start3A_36 = tpu.memref_squeeze %dma_start3A_35 : memref<1x32xi32, #tpu.memory_space<vmem>> -> memref<32xi32, #tpu.memory_space<vmem>>
    %dma_start3A_37 = arith.constant 0 : i32
    %dma_start3A_38 = arith.constant 0 : i32
    %dma_start3A_39 = tpu.memref_slice %arg2[%dma_start3A_37, %dma_start3A_38] : memref<4096x1024xf32, #tpu.memory_space<hbm>> -> memref<4096x1024xf32, #tpu.memory_space<hbm>>
    tpu.enqueue_indirect_dma source(%dma_start3A_39 : memref<4096x1024xf32, #tpu.memory_space<hbm>>) target(%dma_start3A_33 : memref<32x1024xf32, #tpu.memory_space<vmem>>) offsets(%dma_start3A_36 : memref<32xi32, #tpu.memory_space<vmem>>) semaphore(%arg8 : memref<!tpu.dma_semaphore, #tpu.memory_space<semaphore_mem>>)
    %dma_wait3A = arith.constant 0 : i32
    %dma_wait3A_40 = arith.constant 0 : i32
    %dma_wait3A_41 = arith.constant 0 : i32
    %dma_wait3A_42 = arith.constant 0 : i32
    %dma_wait3A_43 = tpu.memref_slice %arg7[%dma_wait3A_40, %dma_wait3A_41, %dma_wait3A_42] : memref<3x32x1024xf32, #tpu.memory_space<vmem>> -> memref<1x32x1024xf32, #tpu.memory_space<vmem>>
    %dma_wait3A_44 = tpu.memref_squeeze %dma_wait3A_43 : memref<1x32x1024xf32, #tpu.memory_space<vmem>> -> memref<32x1024xf32, #tpu.memory_space<vmem>>
    %dma_wait3A_45 = arith.constant 0 : i32
    %dma_wait3A_46 = tpu.memref_slice %arg6[%dma_wait3A, %dma_wait3A_45] : memref<4x32xi32, #tpu.memory_space<vmem>> -> memref<1x32xi32, #tpu.memory_space<vmem>>
    %dma_wait3A_47 = tpu.memref_squeeze %dma_wait3A_46 : memref<1x32xi32, #tpu.memory_space<vmem>> -> memref<32xi32, #tpu.memory_space<vmem>>
    %dma_wait3A_48 = arith.constant 0 : i32
    %dma_wait3A_49 = arith.constant 0 : i32
    %dma_wait3A_50 = tpu.memref_slice %arg2[%dma_wait3A_48, %dma_wait3A_49] : memref<4096x1024xf32, #tpu.memory_space<hbm>> -> memref<4096x1024xf32, #tpu.memory_space<hbm>>
    tpu.wait_indirect_dma semaphore(%arg8 : memref<!tpu.dma_semaphore, #tpu.memory_space<semaphore_mem>>) src(%dma_wait3A_50 : memref<4096x1024xf32, #tpu.memory_space<hbm>>) dst(%dma_wait3A_44 : memref<32x1024xf32, #tpu.memory_space<vmem>>)
    %add3A_51 = arith.constant 0 : i32
    %add3A_52 = arith.addi %add3A_4, %add3A_51 : i32
    %dma_start3A_53 = arith.constant 0 : i32
    %dma_start3A_54 = arith.constant 0 : i32
    %dma_start3A_55 = arith.constant 0 : i32
    %dma_start3A_56 = tpu.memref_slice %arg7[%dma_start3A_53, %dma_start3A_54, %dma_start3A_55] : memref<3x32x1024xf32, #tpu.memory_space<vmem>> -> memref<1x32x1024xf32, #tpu.memory_space<vmem>>
    %dma_start3A_57 = tpu.memref_squeeze %dma_start3A_56 : memref<1x32x1024xf32, #tpu.memory_space<vmem>> -> memref<32x1024xf32, #tpu.memory_space<vmem>>
    %dma_start3A_58 = arith.constant 0 : i32
    %dma_start3A_59 = tpu.memref_slice %arg4[%add3A_52, %dma_start3A_58] : memref<16384x1024xf32, #tpu.memory_space<hbm>> -> memref<32x1024xf32, #tpu.memory_space<hbm>>
    %dma_start3A_60 = arith.constant 0 : i32
    %dma_start3A_61 = tpu.memref_slice %arg4[%add3A_52, %dma_start3A_60] : memref<16384x1024xf32, #tpu.memory_space<hbm>> -> memref<32x1024xf32, #tpu.memory_space<hbm>>
    %dma_start3A_62 = arith.constant 0 : i32
    %dma_start3A_63 = arith.constant 0 : i32
    %dma_start3A_64 = tpu.memref_slice %arg7[%dma_start3A_53, %dma_start3A_62, %dma_start3A_63] : memref<3x32x1024xf32, #tpu.memory_space<vmem>> -> memref<1x32x1024xf32, #tpu.memory_space<vmem>>
    %dma_start3A_65 = tpu.memref_squeeze %dma_start3A_64 : memref<1x32x1024xf32, #tpu.memory_space<vmem>> -> memref<32x1024xf32, #tpu.memory_space<vmem>>
    tpu.enqueue_dma source(%dma_start3A_65 : memref<32x1024xf32, #tpu.memory_space<vmem>>) target(%dma_start3A_61 : memref<32x1024xf32, #tpu.memory_space<hbm>>) target_semaphore(%arg9 : memref<!tpu.dma_semaphore, #tpu.memory_space<semaphore_mem>>)
    %dma_wait3A_66 = arith.constant 0 : i32
    %dma_wait3A_67 = arith.constant 0 : i32
    %dma_wait3A_68 = arith.constant 0 : i32
    %dma_wait3A_69 = tpu.memref_slice %arg7[%dma_wait3A_66, %dma_wait3A_67, %dma_wait3A_68] : memref<3x32x1024xf32, #tpu.memory_space<vmem>> -> memref<1x32x1024xf32, #tpu.memory_space<vmem>>
    %dma_wait3A_70 = tpu.memref_squeeze %dma_wait3A_69 : memref<1x32x1024xf32, #tpu.memory_space<vmem>> -> memref<32x1024xf32, #tpu.memory_space<vmem>>
    %dma_wait3A_71 = arith.constant 0 : i32
    %dma_wait3A_72 = tpu.memref_slice %arg4[%add3A_52, %dma_wait3A_71] : memref<16384x1024xf32, #tpu.memory_space<hbm>> -> memref<32x1024xf32, #tpu.memory_space<hbm>>
    %dma_wait3A_73 = arith.constant 0 : i32
    %dma_wait3A_74 = tpu.memref_slice %arg4[%add3A_52, %dma_wait3A_73] : memref<16384x1024xf32, #tpu.memory_space<hbm>> -> memref<32x1024xf32, #tpu.memory_space<hbm>>
    %dma_wait3A_75 = arith.constant 0 : i32
    %dma_wait3A_76 = arith.constant 0 : i32
    %dma_wait3A_77 = tpu.memref_slice %arg7[%dma_wait3A_66, %dma_wait3A_75, %dma_wait3A_76] : memref<3x32x1024xf32, #tpu.memory_space<vmem>> -> memref<1x32x1024xf32, #tpu.memory_space<vmem>>
    %dma_wait3A_78 = tpu.memref_squeeze %dma_wait3A_77 : memref<1x32x1024xf32, #tpu.memory_space<vmem>> -> memref<32x1024xf32, #tpu.memory_space<vmem>>
    tpu.wait_dma2 semaphore(%arg9 : memref<!tpu.dma_semaphore, #tpu.memory_space<semaphore_mem>>) src(%dma_wait3A_78 : memref<32x1024xf32, #tpu.memory_space<vmem>>) dst(%dma_wait3A_74 : memref<32x1024xf32, #tpu.memory_space<hbm>>)
    %dma_start3A_79 = arith.constant 3 : i32
    %dma_start3A_80 = arith.constant 0 : i32
    %dma_start3A_81 = arith.constant 0 : i32
    %dma_start3A_82 = arith.constant 0 : i32
    %dma_start3A_83 = tpu.memref_slice %arg7[%dma_start3A_80, %dma_start3A_81, %dma_start3A_82] : memref<3x32x1024xf32, #tpu.memory_space<vmem>> -> memref<1x32x1024xf32, #tpu.memory_space<vmem>>
    %dma_start3A_84 = tpu.memref_squeeze %dma_start3A_83 : memref<1x32x1024xf32, #tpu.memory_space<vmem>> -> memref<32x1024xf32, #tpu.memory_space<vmem>>
    %dma_start3A_85 = arith.constant 0 : i32
    %dma_start3A_86 = tpu.memref_slice %arg6[%dma_start3A_79, %dma_start3A_85] : memref<4x32xi32, #tpu.memory_space<vmem>> -> memref<1x32xi32, #tpu.memory_space<vmem>>
    %dma_start3A_87 = tpu.memref_squeeze %dma_start3A_86 : memref<1x32xi32, #tpu.memory_space<vmem>> -> memref<32xi32, #tpu.memory_space<vmem>>
    %dma_start3A_88 = arith.constant 0 : i32
    %dma_start3A_89 = arith.constant 0 : i32
    %dma_start3A_90 = tpu.memref_slice %arg2[%dma_start3A_88, %dma_start3A_89] : memref<4096x1024xf32, #tpu.memory_space<hbm>> -> memref<4096x1024xf32, #tpu.memory_space<hbm>>
    tpu.enqueue_indirect_dma source(%dma_start3A_90 : memref<4096x1024xf32, #tpu.memory_space<hbm>>) target(%dma_start3A_84 : memref<32x1024xf32, #tpu.memory_space<vmem>>) offsets(%dma_start3A_87 : memref<32xi32, #tpu.memory_space<vmem>>) semaphore(%arg8 : memref<!tpu.dma_semaphore, #tpu.memory_space<semaphore_mem>>)
    %dma_wait3A_91 = arith.constant 1 : i32
    %dma_wait3A_92 = arith.constant 1 : i32
    %dma_wait3A_93 = arith.constant 0 : i32
    %dma_wait3A_94 = arith.constant 0 : i32
    %dma_wait3A_95 = tpu.memref_slice %arg7[%dma_wait3A_92, %dma_wait3A_93, %dma_wait3A_94] : memref<3x32x1024xf32, #tpu.memory_space<vmem>> -> memref<1x32x1024xf32, #tpu.memory_space<vmem>>
    %dma_wait3A_96 = tpu.memref_squeeze %dma_wait3A_95 : memref<1x32x1024xf32, #tpu.memory_space<vmem>> -> memref<32x1024xf32, #tpu.memory_space<vmem>>
    %dma_wait3A_97 = arith.constant 0 : i32
    %dma_wait3A_98 = tpu.memref_slice %arg6[%dma_wait3A_91, %dma_wait3A_97] : memref<4x32xi32, #tpu.memory_space<vmem>> -> memref<1x32xi32, #tpu.memory_space<vmem>>
    %dma_wait3A_99 = tpu.memref_squeeze %dma_wait3A_98 : memref<1x32xi32, #tpu.memory_space<vmem>> -> memref<32xi32, #tpu.memory_space<vmem>>
    %dma_wait3A_100 = arith.constant 0 : i32
    %dma_wait3A_101 = arith.constant 0 : i32
    %dma_wait3A_102 = tpu.memref_slice %arg2[%dma_wait3A_100, %dma_wait3A_101] : memref<4096x1024xf32, #tpu.memory_space<hbm>> -> memref<4096x1024xf32, #tpu.memory_space<hbm>>
    tpu.wait_indirect_dma semaphore(%arg8 : memref<!tpu.dma_semaphore, #tpu.memory_space<semaphore_mem>>) src(%dma_wait3A_102 : memref<4096x1024xf32, #tpu.memory_space<hbm>>) dst(%dma_wait3A_96 : memref<32x1024xf32, #tpu.memory_space<vmem>>)
    %add3A_103 = arith.constant 32 : i32
    %add3A_104 = arith.addi %add3A_4, %add3A_103 : i32
    %dma_start3A_105 = arith.constant 1 : i32
    %dma_start3A_106 = arith.constant 0 : i32
    %dma_start3A_107 = arith.constant 0 : i32
    %dma_start3A_108 = tpu.memref_slice %arg7[%dma_start3A_105, %dma_start3A_106, %dma_start3A_107] : memref<3x32x1024xf32, #tpu.memory_space<vmem>> -> memref<1x32x1024xf32, #tpu.memory_space<vmem>>
    %dma_start3A_109 = tpu.memref_squeeze %dma_start3A_108 : memref<1x32x1024xf32, #tpu.memory_space<vmem>> -> memref<32x1024xf32, #tpu.memory_space<vmem>>
    %dma_start3A_110 = arith.constant 0 : i32
    %dma_start3A_111 = tpu.memref_slice %arg4[%add3A_104, %dma_start3A_110] : memref<16384x1024xf32, #tpu.memory_space<hbm>> -> memref<32x1024xf32, #tpu.memory_space<hbm>>
    %dma_start3A_112 = arith.constant 0 : i32
    %dma_start3A_113 = tpu.memref_slice %arg4[%add3A_104, %dma_start3A_112] : memref<16384x1024xf32, #tpu.memory_space<hbm>> -> memref<32x1024xf32, #tpu.memory_space<hbm>>
    %dma_start3A_114 = arith.constant 0 : i32
    %dma_start3A_115 = arith.constant 0 : i32
    %dma_start3A_116 = tpu.memref_slice %arg7[%dma_start3A_105, %dma_start3A_114, %dma_start3A_115] : memref<3x32x1024xf32, #tpu.memory_space<vmem>> -> memref<1x32x1024xf32, #tpu.memory_space<vmem>>
    %dma_start3A_117 = tpu.memref_squeeze %dma_start3A_116 : memref<1x32x1024xf32, #tpu.memory_space<vmem>> -> memref<32x1024xf32, #tpu.memory_space<vmem>>
    tpu.enqueue_dma source(%dma_start3A_117 : memref<32x1024xf32, #tpu.memory_space<vmem>>) target(%dma_start3A_113 : memref<32x1024xf32, #tpu.memory_space<hbm>>) target_semaphore(%arg9 : memref<!tpu.dma_semaphore, #tpu.memory_space<semaphore_mem>>)
    %dma_wait3A_118 = arith.constant 2 : i32
    %dma_wait3A_119 = arith.constant 2 : i32
    %dma_wait3A_120 = arith.constant 0 : i32
    %dma_wait3A_121 = arith.constant 0 : i32
    %dma_wait3A_122 = tpu.memref_slice %arg7[%dma_wait3A_119, %dma_wait3A_120, %dma_wait3A_121] : memref<3x32x1024xf32, #tpu.memory_space<vmem>> -> memref<1x32x1024xf32, #tpu.memory_space<vmem>>
    %dma_wait3A_123 = tpu.memref_squeeze %dma_wait3A_122 : memref<1x32x1024xf32, #tpu.memory_space<vmem>> -> memref<32x1024xf32, #tpu.memory_space<vmem>>
    %dma_wait3A_124 = arith.constant 0 : i32
    %dma_wait3A_125 = tpu.memref_slice %arg6[%dma_wait3A_118, %dma_wait3A_124] : memref<4x32xi32, #tpu.memory_space<vmem>> -> memref<1x32xi32, #tpu.memory_space<vmem>>
    %dma_wait3A_126 = tpu.memref_squeeze %dma_wait3A_125 : memref<1x32xi32, #tpu.memory_space<vmem>> -> memref<32xi32, #tpu.memory_space<vmem>>
    %dma_wait3A_127 = arith.constant 0 : i32
    %dma_wait3A_128 = arith.constant 0 : i32
    %dma_wait3A_129 = tpu.memref_slice %arg2[%dma_wait3A_127, %dma_wait3A_128] : memref<4096x1024xf32, #tpu.memory_space<hbm>> -> memref<4096x1024xf32, #tpu.memory_space<hbm>>
    tpu.wait_indirect_dma semaphore(%arg8 : memref<!tpu.dma_semaphore, #tpu.memory_space<semaphore_mem>>) src(%dma_wait3A_129 : memref<4096x1024xf32, #tpu.memory_space<hbm>>) dst(%dma_wait3A_123 : memref<32x1024xf32, #tpu.memory_space<vmem>>)
    %add3A_130 = arith.constant 64 : i32
    %add3A_131 = arith.addi %add3A_4, %add3A_130 : i32
    %dma_start3A_132 = arith.constant 2 : i32
    %dma_start3A_133 = arith.constant 0 : i32
    %dma_start3A_134 = arith.constant 0 : i32
    %dma_start3A_135 = tpu.memref_slice %arg7[%dma_start3A_132, %dma_start3A_133, %dma_start3A_134] : memref<3x32x1024xf32, #tpu.memory_space<vmem>> -> memref<1x32x1024xf32, #tpu.memory_space<vmem>>
    %dma_start3A_136 = tpu.memref_squeeze %dma_start3A_135 : memref<1x32x1024xf32, #tpu.memory_space<vmem>> -> memref<32x1024xf32, #tpu.memory_space<vmem>>
    %dma_start3A_137 = arith.constant 0 : i32
    %dma_start3A_138 = tpu.memref_slice %arg4[%add3A_131, %dma_start3A_137] : memref<16384x1024xf32, #tpu.memory_space<hbm>> -> memref<32x1024xf32, #tpu.memory_space<hbm>>
    %dma_start3A_139 = arith.constant 0 : i32
    %dma_start3A_140 = tpu.memref_slice %arg4[%add3A_131, %dma_start3A_139] : memref<16384x1024xf32, #tpu.memory_space<hbm>> -> memref<32x1024xf32, #tpu.memory_space<hbm>>
    %dma_start3A_141 = arith.constant 0 : i32
    %dma_start3A_142 = arith.constant 0 : i32
    %dma_start3A_143 = tpu.memref_slice %arg7[%dma_start3A_132, %dma_start3A_141, %dma_start3A_142] : memref<3x32x1024xf32, #tpu.memory_space<vmem>> -> memref<1x32x1024xf32, #tpu.memory_space<vmem>>
    %dma_start3A_144 = tpu.memref_squeeze %dma_start3A_143 : memref<1x32x1024xf32, #tpu.memory_space<vmem>> -> memref<32x1024xf32, #tpu.memory_space<vmem>>
    tpu.enqueue_dma source(%dma_start3A_144 : memref<32x1024xf32, #tpu.memory_space<vmem>>) target(%dma_start3A_140 : memref<32x1024xf32, #tpu.memory_space<hbm>>) target_semaphore(%arg9 : memref<!tpu.dma_semaphore, #tpu.memory_space<semaphore_mem>>)
    %dma_wait3A_145 = arith.constant 3 : i32
    %dma_wait3A_146 = arith.constant 0 : i32
    %dma_wait3A_147 = arith.constant 0 : i32
    %dma_wait3A_148 = arith.constant 0 : i32
    %dma_wait3A_149 = tpu.memref_slice %arg7[%dma_wait3A_146, %dma_wait3A_147, %dma_wait3A_148] : memref<3x32x1024xf32, #tpu.memory_space<vmem>> -> memref<1x32x1024xf32, #tpu.memory_space<vmem>>
    %dma_wait3A_150 = tpu.memref_squeeze %dma_wait3A_149 : memref<1x32x1024xf32, #tpu.memory_space<vmem>> -> memref<32x1024xf32, #tpu.memory_space<vmem>>
    %dma_wait3A_151 = arith.constant 0 : i32
    %dma_wait3A_152 = tpu.memref_slice %arg6[%dma_wait3A_145, %dma_wait3A_151] : memref<4x32xi32, #tpu.memory_space<vmem>> -> memref<1x32xi32, #tpu.memory_space<vmem>>
    %dma_wait3A_153 = tpu.memref_squeeze %dma_wait3A_152 : memref<1x32xi32, #tpu.memory_space<vmem>> -> memref<32xi32, #tpu.memory_space<vmem>>
    %dma_wait3A_154 = arith.constant 0 : i32
    %dma_wait3A_155 = arith.constant 0 : i32
    %dma_wait3A_156 = tpu.memref_slice %arg2[%dma_wait3A_154, %dma_wait3A_155] : memref<4096x1024xf32, #tpu.memory_space<hbm>> -> memref<4096x1024xf32, #tpu.memory_space<hbm>>
    tpu.wait_indirect_dma semaphore(%arg8 : memref<!tpu.dma_semaphore, #tpu.memory_space<semaphore_mem>>) src(%dma_wait3A_156 : memref<4096x1024xf32, #tpu.memory_space<hbm>>) dst(%dma_wait3A_150 : memref<32x1024xf32, #tpu.memory_space<vmem>>)
    %add3A_157 = arith.constant 96 : i32
    %add3A_158 = arith.addi %add3A_4, %add3A_157 : i32
    %dma_start3A_159 = arith.constant 0 : i32
    %dma_start3A_160 = arith.constant 0 : i32
    %dma_start3A_161 = arith.constant 0 : i32
    %dma_start3A_162 = tpu.memref_slice %arg7[%dma_start3A_159, %dma_start3A_160, %dma_start3A_161] : memref<3x32x1024xf32, #tpu.memory_space<vmem>> -> memref<1x32x1024xf32, #tpu.memory_space<vmem>>
    %dma_start3A_163 = tpu.memref_squeeze %dma_start3A_162 : memref<1x32x1024xf32, #tpu.memory_space<vmem>> -> memref<32x1024xf32, #tpu.memory_space<vmem>>
    %dma_start3A_164 = arith.constant 0 : i32
    %dma_start3A_165 = tpu.memref_slice %arg4[%add3A_158, %dma_start3A_164] : memref<16384x1024xf32, #tpu.memory_space<hbm>> -> memref<32x1024xf32, #tpu.memory_space<hbm>>
    %dma_start3A_166 = arith.constant 0 : i32
    %dma_start3A_167 = tpu.memref_slice %arg4[%add3A_158, %dma_start3A_166] : memref<16384x1024xf32, #tpu.memory_space<hbm>> -> memref<32x1024xf32, #tpu.memory_space<hbm>>
    %dma_start3A_168 = arith.constant 0 : i32
    %dma_start3A_169 = arith.constant 0 : i32
    %dma_start3A_170 = tpu.memref_slice %arg7[%dma_start3A_159, %dma_start3A_168, %dma_start3A_169] : memref<3x32x1024xf32, #tpu.memory_space<vmem>> -> memref<1x32x1024xf32, #tpu.memory_space<vmem>>
    %dma_start3A_171 = tpu.memref_squeeze %dma_start3A_170 : memref<1x32x1024xf32, #tpu.memory_space<vmem>> -> memref<32x1024xf32, #tpu.memory_space<vmem>>
    tpu.enqueue_dma source(%dma_start3A_171 : memref<32x1024xf32, #tpu.memory_space<vmem>>) target(%dma_start3A_167 : memref<32x1024xf32, #tpu.memory_space<hbm>>) target_semaphore(%arg9 : memref<!tpu.dma_semaphore, #tpu.memory_space<semaphore_mem>>)
    %dma_wait3A_172 = arith.constant 1 : i32
    %dma_wait3A_173 = arith.constant 0 : i32
    %dma_wait3A_174 = arith.constant 0 : i32
    %dma_wait3A_175 = tpu.memref_slice %arg7[%dma_wait3A_172, %dma_wait3A_173, %dma_wait3A_174] : memref<3x32x1024xf32, #tpu.memory_space<vmem>> -> memref<1x32x1024xf32, #tpu.memory_space<vmem>>
    %dma_wait3A_176 = tpu.memref_squeeze %dma_wait3A_175 : memref<1x32x1024xf32, #tpu.memory_space<vmem>> -> memref<32x1024xf32, #tpu.memory_space<vmem>>
    %dma_wait3A_177 = arith.constant 0 : i32
    %dma_wait3A_178 = tpu.memref_slice %arg4[%add3A_104, %dma_wait3A_177] : memref<16384x1024xf32, #tpu.memory_space<hbm>> -> memref<32x1024xf32, #tpu.memory_space<hbm>>
    %dma_wait3A_179 = arith.constant 0 : i32
    %dma_wait3A_180 = tpu.memref_slice %arg4[%add3A_104, %dma_wait3A_179] : memref<16384x1024xf32, #tpu.memory_space<hbm>> -> memref<32x1024xf32, #tpu.memory_space<hbm>>
    %dma_wait3A_181 = arith.constant 0 : i32
    %dma_wait3A_182 = arith.constant 0 : i32
    %dma_wait3A_183 = tpu.memref_slice %arg7[%dma_wait3A_172, %dma_wait3A_181, %dma_wait3A_182] : memref<3x32x1024xf32, #tpu.memory_space<vmem>> -> memref<1x32x1024xf32, #tpu.memory_space<vmem>>
    %dma_wait3A_184 = tpu.memref_squeeze %dma_wait3A_183 : memref<1x32x1024xf32, #tpu.memory_space<vmem>> -> memref<32x1024xf32, #tpu.memory_space<vmem>>
    tpu.wait_dma2 semaphore(%arg9 : memref<!tpu.dma_semaphore, #tpu.memory_space<semaphore_mem>>) src(%dma_wait3A_184 : memref<32x1024xf32, #tpu.memory_space<vmem>>) dst(%dma_wait3A_180 : memref<32x1024xf32, #tpu.memory_space<hbm>>)
    %dma_wait3A_185 = arith.constant 2 : i32
    %dma_wait3A_186 = arith.constant 0 : i32
    %dma_wait3A_187 = arith.constant 0 : i32
    %dma_wait3A_188 = tpu.memref_slice %arg7[%dma_wait3A_185, %dma_wait3A_186, %dma_wait3A_187] : memref<3x32x1024xf32, #tpu.memory_space<vmem>> -> memref<1x32x1024xf32, #tpu.memory_space<vmem>>
    %dma_wait3A_189 = tpu.memref_squeeze %dma_wait3A_188 : memref<1x32x1024xf32, #tpu.memory_space<vmem>> -> memref<32x1024xf32, #tpu.memory_space<vmem>>
    %dma_wait3A_190 = arith.constant 0 : i32
    %dma_wait3A_191 = tpu.memref_slice %arg4[%add3A_131, %dma_wait3A_190] : memref<16384x1024xf32, #tpu.memory_space<hbm>> -> memref<32x1024xf32, #tpu.memory_space<hbm>>
    %dma_wait3A_192 = arith.constant 0 : i32
    %dma_wait3A_193 = tpu.memref_slice %arg4[%add3A_131, %dma_wait3A_192] : memref<16384x1024xf32, #tpu.memory_space<hbm>> -> memref<32x1024xf32, #tpu.memory_space<hbm>>
    %dma_wait3A_194 = arith.constant 0 : i32
    %dma_wait3A_195 = arith.constant 0 : i32
    %dma_wait3A_196 = tpu.memref_slice %arg7[%dma_wait3A_185, %dma_wait3A_194, %dma_wait3A_195] : memref<3x32x1024xf32, #tpu.memory_space<vmem>> -> memref<1x32x1024xf32, #tpu.memory_space<vmem>>
    %dma_wait3A_197 = tpu.memref_squeeze %dma_wait3A_196 : memref<1x32x1024xf32, #tpu.memory_space<vmem>> -> memref<32x1024xf32, #tpu.memory_space<vmem>>
    tpu.wait_dma2 semaphore(%arg9 : memref<!tpu.dma_semaphore, #tpu.memory_space<semaphore_mem>>) src(%dma_wait3A_197 : memref<32x1024xf32, #tpu.memory_space<vmem>>) dst(%dma_wait3A_193 : memref<32x1024xf32, #tpu.memory_space<hbm>>)
    %dma_wait3A_198 = arith.constant 0 : i32
    %dma_wait3A_199 = arith.constant 0 : i32
    %dma_wait3A_200 = arith.constant 0 : i32
    %dma_wait3A_201 = tpu.memref_slice %arg7[%dma_wait3A_198, %dma_wait3A_199, %dma_wait3A_200] : memref<3x32x1024xf32, #tpu.memory_space<vmem>> -> memref<1x32x1024xf32, #tpu.memory_space<vmem>>
    %dma_wait3A_202 = tpu.memref_squeeze %dma_wait3A_201 : memref<1x32x1024xf32, #tpu.memory_space<vmem>> -> memref<32x1024xf32, #tpu.memory_space<vmem>>
    %dma_wait3A_203 = arith.constant 0 : i32
    %dma_wait3A_204 = tpu.memref_slice %arg4[%add3A_158, %dma_wait3A_203] : memref<16384x1024xf32, #tpu.memory_space<hbm>> -> memref<32x1024xf32, #tpu.memory_space<hbm>>
    %dma_wait3A_205 = arith.constant 0 : i32
    %dma_wait3A_206 = tpu.memref_slice %arg4[%add3A_158, %dma_wait3A_205] : memref<16384x1024xf32, #tpu.memory_space<hbm>> -> memref<32x1024xf32, #tpu.memory_space<hbm>>
    %dma_wait3A_207 = arith.constant 0 : i32
    %dma_wait3A_208 = arith.constant 0 : i32
    %dma_wait3A_209 = tpu.memref_slice %arg7[%dma_wait3A_198, %dma_wait3A_207, %dma_wait3A_208] : memref<3x32x1024xf32, #tpu.memory_space<vmem>> -> memref<1x32x1024xf32, #tpu.memory_space<vmem>>
    %dma_wait3A_210 = tpu.memref_squeeze %dma_wait3A_209 : memref<1x32x1024xf32, #tpu.memory_space<vmem>> -> memref<32x1024xf32, #tpu.memory_space<vmem>>
    tpu.wait_dma2 semaphore(%arg9 : memref<!tpu.dma_semaphore, #tpu.memory_space<semaphore_mem>>) src(%dma_wait3A_210 : memref<32x1024xf32, #tpu.memory_space<vmem>>) dst(%dma_wait3A_206 : memref<32x1024xf32, #tpu.memory_space<hbm>>)
    return
  }
}

module attributes {stable_mosaic.version = 14 : i64} {
  func.func @_argmax_body(%arg0: i32, %arg1: memref<2048x128xf32, #tpu.memory_space<vmem>>, %arg2: memref<128x128xf32, #tpu.memory_space<vmem>>, %arg3: memref<1x128xf32, #tpu.memory_space<vmem>>, %arg4: memref<136x4096xbf16, #tpu.memory_space<vmem>>, %arg5: memref<1x1x2048xi32, #tpu.memory_space<vmem>>) attributes {dimension_semantics = [#tpu.dimension_semantics<arbitrary>], iteration_bounds = array<i64: 2>, scalar_prefetch = 0 : i64, scratch_operands = 0 : i64, tpu.core_type = #tpu.core_type<tc>, window_params = [{transform_indices = @transform_0, window_bounds = array<i64: 2048, 128>}, {pipeline_mode = #tpu.pipeline_mode<synchronous>, transform_indices = @transform_1, window_bounds = array<i64: 128, 128>}, {pipeline_mode = #tpu.pipeline_mode<synchronous>, transform_indices = @transform_2, window_bounds = array<i64: 1, 128>}, {pipeline_mode = #tpu.pipeline_mode<synchronous>, transform_indices = @transform_3, window_bounds = array<i64: 136, 4096>}, {transform_indices = @transform_4, window_bounds = array<i64: 1, 1, 2048>}]} {
    %get3A = arith.constant 0 : index
    %get3A_0 = arith.constant 0 : index
    %get3A_1 = vector.load %arg1[%get3A, %get3A_0] : memref<2048x128xf32, #tpu.memory_space<vmem>>, vector<2048x128xf32>
    %get3A_2 = arith.constant 0 : index
    %get3A_3 = arith.constant 0 : index
    %get3A_4 = vector.load %arg2[%get3A_2, %get3A_3] : memref<128x128xf32, #tpu.memory_space<vmem>>, vector<128x128xf32>
    %dot_general3A = arith.constant dense<0.000000e+00> : vector<2048x128xf32>
    %dot_general3A_5 = tpu.matmul %get3A_1, %get3A_4, %dot_general3A {dimension_numbers = #tpu.dot_dimension_numbers<[1], [0], [0], [1], [0, 0, 1, 1], [], []>, transpose_lhs_hint = false} : vector<2048x128xf32>, vector<128x128xf32>, vector<2048x128xf32> -> vector<2048x128xf32>
    %get3A_6 = arith.constant 0 : index
    %get3A_7 = arith.constant 0 : index
    %get3A_8 = vector.load %arg3[%get3A_6, %get3A_7] : memref<1x128xf32, #tpu.memory_space<vmem>>, vector<1x128xf32>
    %add3A = vector.broadcast %get3A_8 : vector<1x128xf32> to vector<2048x128xf32>
    %add3A_9 = arith.addf %dot_general3A_5, %add3A : vector<2048x128xf32>
    %max3A = arith.constant 0.000000e+00 : f32
    %max3A_10 = vector.broadcast %max3A : f32 to vector<2048x128xf32>
    %max3A_11 = arith.maximumf %add3A_9, %max3A_10 : vector<2048x128xf32>
    %convert_element_type3A = arith.truncf %max3A_11 : vector<2048x128xf32> to vector<2048x128xbf16>
    %broadcast_in_dim3A = arith.constant 1.000000e+00 : bf16
    %broadcast_in_dim3A_12 = vector.broadcast %broadcast_in_dim3A : bf16 to vector<2048x8xbf16>
    %concatenate3A = tpu.concatenate %convert_element_type3A, %broadcast_in_dim3A_12 in 1 : vector<2048x128xbf16>, vector<2048x8xbf16> -> vector<2048x136xbf16>
    %get3A_13 = arith.constant 0 : index
    %get3A_14 = arith.constant 0 : index
    %get3A_15 = vector.load %arg4[%get3A_13, %get3A_14] : memref<136x4096xbf16, #tpu.memory_space<vmem>>, vector<136x4096xbf16>
    %dot_general3A_16 = arith.constant dense<0.000000e+00> : vector<2048x4096xf32>
    %dot_general3A_17 = tpu.matmul %concatenate3A, %get3A_15, %dot_general3A_16 {dimension_numbers = #tpu.dot_dimension_numbers<[1], [0], [0], [1], [0, 0, 1, 1], [], []>, transpose_lhs_hint = false} : vector<2048x136xbf16>, vector<136x4096xbf16>, vector<2048x4096xf32> -> vector<2048x4096xf32>
    %slice3A = vector.extract_strided_slice %dot_general3A_17 {offsets = [0, 0], sizes = [2048, 128], strides = [1, 1]} : vector<2048x4096xf32> to vector<2048x128xf32>
    %broadcast_in_dim3A_18 = arith.constant 0 : i32
    %broadcast_in_dim3A_19 = vector.broadcast %broadcast_in_dim3A_18 : i32 to vector<2048x128xi32>
    %slice3A_20 = vector.extract_strided_slice %dot_general3A_17 {offsets = [0, 128], sizes = [2048, 128], strides = [1, 1]} : vector<2048x4096xf32> to vector<2048x128xf32>
    %gt3A = arith.cmpf ogt, %slice3A_20, %slice3A : vector<2048x128xf32>
    %select_n3A = arith.select %gt3A, %slice3A_20, %slice3A : vector<2048x128xi1>, vector<2048x128xf32>
    %jit3A = arith.constant 1 : i32
    %broadcast_in_dim3A_21 = vector.broadcast %jit3A : i32 to vector<2048x128xi32>
    %select_n3A_22 = arith.select %gt3A, %broadcast_in_dim3A_21, %broadcast_in_dim3A_19 : vector<2048x128xi1>, vector<2048x128xi32>
    %slice3A_23 = vector.extract_strided_slice %dot_general3A_17 {offsets = [0, 256], sizes = [2048, 128], strides = [1, 1]} : vector<2048x4096xf32> to vector<2048x128xf32>
    %gt3A_24 = arith.cmpf ogt, %slice3A_23, %select_n3A : vector<2048x128xf32>
    %select_n3A_25 = arith.select %gt3A_24, %slice3A_23, %select_n3A : vector<2048x128xi1>, vector<2048x128xf32>
    %jit3A_26 = arith.constant 2 : i32
    %broadcast_in_dim3A_27 = vector.broadcast %jit3A_26 : i32 to vector<2048x128xi32>
    %select_n3A_28 = arith.select %gt3A_24, %broadcast_in_dim3A_27, %select_n3A_22 : vector<2048x128xi1>, vector<2048x128xi32>
    %slice3A_29 = vector.extract_strided_slice %dot_general3A_17 {offsets = [0, 384], sizes = [2048, 128], strides = [1, 1]} : vector<2048x4096xf32> to vector<2048x128xf32>
    %gt3A_30 = arith.cmpf ogt, %slice3A_29, %select_n3A_25 : vector<2048x128xf32>
    %select_n3A_31 = arith.select %gt3A_30, %slice3A_29, %select_n3A_25 : vector<2048x128xi1>, vector<2048x128xf32>
    %jit3A_32 = arith.constant 3 : i32
    %broadcast_in_dim3A_33 = vector.broadcast %jit3A_32 : i32 to vector<2048x128xi32>
    %select_n3A_34 = arith.select %gt3A_30, %broadcast_in_dim3A_33, %select_n3A_28 : vector<2048x128xi1>, vector<2048x128xi32>
    %slice3A_35 = vector.extract_strided_slice %dot_general3A_17 {offsets = [0, 512], sizes = [2048, 128], strides = [1, 1]} : vector<2048x4096xf32> to vector<2048x128xf32>
    %gt3A_36 = arith.cmpf ogt, %slice3A_35, %select_n3A_31 : vector<2048x128xf32>
    %select_n3A_37 = arith.select %gt3A_36, %slice3A_35, %select_n3A_31 : vector<2048x128xi1>, vector<2048x128xf32>
    %jit3A_38 = arith.constant 4 : i32
    %broadcast_in_dim3A_39 = vector.broadcast %jit3A_38 : i32 to vector<2048x128xi32>
    %select_n3A_40 = arith.select %gt3A_36, %broadcast_in_dim3A_39, %select_n3A_34 : vector<2048x128xi1>, vector<2048x128xi32>
    %slice3A_41 = vector.extract_strided_slice %dot_general3A_17 {offsets = [0, 640], sizes = [2048, 128], strides = [1, 1]} : vector<2048x4096xf32> to vector<2048x128xf32>
    %gt3A_42 = arith.cmpf ogt, %slice3A_41, %select_n3A_37 : vector<2048x128xf32>
    %select_n3A_43 = arith.select %gt3A_42, %slice3A_41, %select_n3A_37 : vector<2048x128xi1>, vector<2048x128xf32>
    %jit3A_44 = arith.constant 5 : i32
    %broadcast_in_dim3A_45 = vector.broadcast %jit3A_44 : i32 to vector<2048x128xi32>
    %select_n3A_46 = arith.select %gt3A_42, %broadcast_in_dim3A_45, %select_n3A_40 : vector<2048x128xi1>, vector<2048x128xi32>
    %slice3A_47 = vector.extract_strided_slice %dot_general3A_17 {offsets = [0, 768], sizes = [2048, 128], strides = [1, 1]} : vector<2048x4096xf32> to vector<2048x128xf32>
    %gt3A_48 = arith.cmpf ogt, %slice3A_47, %select_n3A_43 : vector<2048x128xf32>
    %select_n3A_49 = arith.select %gt3A_48, %slice3A_47, %select_n3A_43 : vector<2048x128xi1>, vector<2048x128xf32>
    %jit3A_50 = arith.constant 6 : i32
    %broadcast_in_dim3A_51 = vector.broadcast %jit3A_50 : i32 to vector<2048x128xi32>
    %select_n3A_52 = arith.select %gt3A_48, %broadcast_in_dim3A_51, %select_n3A_46 : vector<2048x128xi1>, vector<2048x128xi32>
    %slice3A_53 = vector.extract_strided_slice %dot_general3A_17 {offsets = [0, 896], sizes = [2048, 128], strides = [1, 1]} : vector<2048x4096xf32> to vector<2048x128xf32>
    %gt3A_54 = arith.cmpf ogt, %slice3A_53, %select_n3A_49 : vector<2048x128xf32>
    %select_n3A_55 = arith.select %gt3A_54, %slice3A_53, %select_n3A_49 : vector<2048x128xi1>, vector<2048x128xf32>
    %jit3A_56 = arith.constant 7 : i32
    %broadcast_in_dim3A_57 = vector.broadcast %jit3A_56 : i32 to vector<2048x128xi32>
    %select_n3A_58 = arith.select %gt3A_54, %broadcast_in_dim3A_57, %select_n3A_52 : vector<2048x128xi1>, vector<2048x128xi32>
    %slice3A_59 = vector.extract_strided_slice %dot_general3A_17 {offsets = [0, 1024], sizes = [2048, 128], strides = [1, 1]} : vector<2048x4096xf32> to vector<2048x128xf32>
    %gt3A_60 = arith.cmpf ogt, %slice3A_59, %select_n3A_55 : vector<2048x128xf32>
    %select_n3A_61 = arith.select %gt3A_60, %slice3A_59, %select_n3A_55 : vector<2048x128xi1>, vector<2048x128xf32>
    %jit3A_62 = arith.constant 8 : i32
    %broadcast_in_dim3A_63 = vector.broadcast %jit3A_62 : i32 to vector<2048x128xi32>
    %select_n3A_64 = arith.select %gt3A_60, %broadcast_in_dim3A_63, %select_n3A_58 : vector<2048x128xi1>, vector<2048x128xi32>
    %slice3A_65 = vector.extract_strided_slice %dot_general3A_17 {offsets = [0, 1152], sizes = [2048, 128], strides = [1, 1]} : vector<2048x4096xf32> to vector<2048x128xf32>
    %gt3A_66 = arith.cmpf ogt, %slice3A_65, %select_n3A_61 : vector<2048x128xf32>
    %select_n3A_67 = arith.select %gt3A_66, %slice3A_65, %select_n3A_61 : vector<2048x128xi1>, vector<2048x128xf32>
    %jit3A_68 = arith.constant 9 : i32
    %broadcast_in_dim3A_69 = vector.broadcast %jit3A_68 : i32 to vector<2048x128xi32>
    %select_n3A_70 = arith.select %gt3A_66, %broadcast_in_dim3A_69, %select_n3A_64 : vector<2048x128xi1>, vector<2048x128xi32>
    %slice3A_71 = vector.extract_strided_slice %dot_general3A_17 {offsets = [0, 1280], sizes = [2048, 128], strides = [1, 1]} : vector<2048x4096xf32> to vector<2048x128xf32>
    %gt3A_72 = arith.cmpf ogt, %slice3A_71, %select_n3A_67 : vector<2048x128xf32>
    %select_n3A_73 = arith.select %gt3A_72, %slice3A_71, %select_n3A_67 : vector<2048x128xi1>, vector<2048x128xf32>
    %jit3A_74 = arith.constant 10 : i32
    %broadcast_in_dim3A_75 = vector.broadcast %jit3A_74 : i32 to vector<2048x128xi32>
    %select_n3A_76 = arith.select %gt3A_72, %broadcast_in_dim3A_75, %select_n3A_70 : vector<2048x128xi1>, vector<2048x128xi32>
    %slice3A_77 = vector.extract_strided_slice %dot_general3A_17 {offsets = [0, 1408], sizes = [2048, 128], strides = [1, 1]} : vector<2048x4096xf32> to vector<2048x128xf32>
    %gt3A_78 = arith.cmpf ogt, %slice3A_77, %select_n3A_73 : vector<2048x128xf32>
    %select_n3A_79 = arith.select %gt3A_78, %slice3A_77, %select_n3A_73 : vector<2048x128xi1>, vector<2048x128xf32>
    %jit3A_80 = arith.constant 11 : i32
    %broadcast_in_dim3A_81 = vector.broadcast %jit3A_80 : i32 to vector<2048x128xi32>
    %select_n3A_82 = arith.select %gt3A_78, %broadcast_in_dim3A_81, %select_n3A_76 : vector<2048x128xi1>, vector<2048x128xi32>
    %slice3A_83 = vector.extract_strided_slice %dot_general3A_17 {offsets = [0, 1536], sizes = [2048, 128], strides = [1, 1]} : vector<2048x4096xf32> to vector<2048x128xf32>
    %gt3A_84 = arith.cmpf ogt, %slice3A_83, %select_n3A_79 : vector<2048x128xf32>
    %select_n3A_85 = arith.select %gt3A_84, %slice3A_83, %select_n3A_79 : vector<2048x128xi1>, vector<2048x128xf32>
    %jit3A_86 = arith.constant 12 : i32
    %broadcast_in_dim3A_87 = vector.broadcast %jit3A_86 : i32 to vector<2048x128xi32>
    %select_n3A_88 = arith.select %gt3A_84, %broadcast_in_dim3A_87, %select_n3A_82 : vector<2048x128xi1>, vector<2048x128xi32>
    %slice3A_89 = vector.extract_strided_slice %dot_general3A_17 {offsets = [0, 1664], sizes = [2048, 128], strides = [1, 1]} : vector<2048x4096xf32> to vector<2048x128xf32>
    %gt3A_90 = arith.cmpf ogt, %slice3A_89, %select_n3A_85 : vector<2048x128xf32>
    %select_n3A_91 = arith.select %gt3A_90, %slice3A_89, %select_n3A_85 : vector<2048x128xi1>, vector<2048x128xf32>
    %jit3A_92 = arith.constant 13 : i32
    %broadcast_in_dim3A_93 = vector.broadcast %jit3A_92 : i32 to vector<2048x128xi32>
    %select_n3A_94 = arith.select %gt3A_90, %broadcast_in_dim3A_93, %select_n3A_88 : vector<2048x128xi1>, vector<2048x128xi32>
    %slice3A_95 = vector.extract_strided_slice %dot_general3A_17 {offsets = [0, 1792], sizes = [2048, 128], strides = [1, 1]} : vector<2048x4096xf32> to vector<2048x128xf32>
    %gt3A_96 = arith.cmpf ogt, %slice3A_95, %select_n3A_91 : vector<2048x128xf32>
    %select_n3A_97 = arith.select %gt3A_96, %slice3A_95, %select_n3A_91 : vector<2048x128xi1>, vector<2048x128xf32>
    %jit3A_98 = arith.constant 14 : i32
    %broadcast_in_dim3A_99 = vector.broadcast %jit3A_98 : i32 to vector<2048x128xi32>
    %select_n3A_100 = arith.select %gt3A_96, %broadcast_in_dim3A_99, %select_n3A_94 : vector<2048x128xi1>, vector<2048x128xi32>
    %slice3A_101 = vector.extract_strided_slice %dot_general3A_17 {offsets = [0, 1920], sizes = [2048, 128], strides = [1, 1]} : vector<2048x4096xf32> to vector<2048x128xf32>
    %gt3A_102 = arith.cmpf ogt, %slice3A_101, %select_n3A_97 : vector<2048x128xf32>
    %select_n3A_103 = arith.select %gt3A_102, %slice3A_101, %select_n3A_97 : vector<2048x128xi1>, vector<2048x128xf32>
    %jit3A_104 = arith.constant 15 : i32
    %broadcast_in_dim3A_105 = vector.broadcast %jit3A_104 : i32 to vector<2048x128xi32>
    %select_n3A_106 = arith.select %gt3A_102, %broadcast_in_dim3A_105, %select_n3A_100 : vector<2048x128xi1>, vector<2048x128xi32>
    %slice3A_107 = vector.extract_strided_slice %dot_general3A_17 {offsets = [0, 2048], sizes = [2048, 128], strides = [1, 1]} : vector<2048x4096xf32> to vector<2048x128xf32>
    %gt3A_108 = arith.cmpf ogt, %slice3A_107, %select_n3A_103 : vector<2048x128xf32>
    %select_n3A_109 = arith.select %gt3A_108, %slice3A_107, %select_n3A_103 : vector<2048x128xi1>, vector<2048x128xf32>
    %jit3A_110 = arith.constant 16 : i32
    %broadcast_in_dim3A_111 = vector.broadcast %jit3A_110 : i32 to vector<2048x128xi32>
    %select_n3A_112 = arith.select %gt3A_108, %broadcast_in_dim3A_111, %select_n3A_106 : vector<2048x128xi1>, vector<2048x128xi32>
    %slice3A_113 = vector.extract_strided_slice %dot_general3A_17 {offsets = [0, 2176], sizes = [2048, 128], strides = [1, 1]} : vector<2048x4096xf32> to vector<2048x128xf32>
    %gt3A_114 = arith.cmpf ogt, %slice3A_113, %select_n3A_109 : vector<2048x128xf32>
    %select_n3A_115 = arith.select %gt3A_114, %slice3A_113, %select_n3A_109 : vector<2048x128xi1>, vector<2048x128xf32>
    %jit3A_116 = arith.constant 17 : i32
    %broadcast_in_dim3A_117 = vector.broadcast %jit3A_116 : i32 to vector<2048x128xi32>
    %select_n3A_118 = arith.select %gt3A_114, %broadcast_in_dim3A_117, %select_n3A_112 : vector<2048x128xi1>, vector<2048x128xi32>
    %slice3A_119 = vector.extract_strided_slice %dot_general3A_17 {offsets = [0, 2304], sizes = [2048, 128], strides = [1, 1]} : vector<2048x4096xf32> to vector<2048x128xf32>
    %gt3A_120 = arith.cmpf ogt, %slice3A_119, %select_n3A_115 : vector<2048x128xf32>
    %select_n3A_121 = arith.select %gt3A_120, %slice3A_119, %select_n3A_115 : vector<2048x128xi1>, vector<2048x128xf32>
    %jit3A_122 = arith.constant 18 : i32
    %broadcast_in_dim3A_123 = vector.broadcast %jit3A_122 : i32 to vector<2048x128xi32>
    %select_n3A_124 = arith.select %gt3A_120, %broadcast_in_dim3A_123, %select_n3A_118 : vector<2048x128xi1>, vector<2048x128xi32>
    %slice3A_125 = vector.extract_strided_slice %dot_general3A_17 {offsets = [0, 2432], sizes = [2048, 128], strides = [1, 1]} : vector<2048x4096xf32> to vector<2048x128xf32>
    %gt3A_126 = arith.cmpf ogt, %slice3A_125, %select_n3A_121 : vector<2048x128xf32>
    %select_n3A_127 = arith.select %gt3A_126, %slice3A_125, %select_n3A_121 : vector<2048x128xi1>, vector<2048x128xf32>
    %jit3A_128 = arith.constant 19 : i32
    %broadcast_in_dim3A_129 = vector.broadcast %jit3A_128 : i32 to vector<2048x128xi32>
    %select_n3A_130 = arith.select %gt3A_126, %broadcast_in_dim3A_129, %select_n3A_124 : vector<2048x128xi1>, vector<2048x128xi32>
    %slice3A_131 = vector.extract_strided_slice %dot_general3A_17 {offsets = [0, 2560], sizes = [2048, 128], strides = [1, 1]} : vector<2048x4096xf32> to vector<2048x128xf32>
    %gt3A_132 = arith.cmpf ogt, %slice3A_131, %select_n3A_127 : vector<2048x128xf32>
    %select_n3A_133 = arith.select %gt3A_132, %slice3A_131, %select_n3A_127 : vector<2048x128xi1>, vector<2048x128xf32>
    %jit3A_134 = arith.constant 20 : i32
    %broadcast_in_dim3A_135 = vector.broadcast %jit3A_134 : i32 to vector<2048x128xi32>
    %select_n3A_136 = arith.select %gt3A_132, %broadcast_in_dim3A_135, %select_n3A_130 : vector<2048x128xi1>, vector<2048x128xi32>
    %slice3A_137 = vector.extract_strided_slice %dot_general3A_17 {offsets = [0, 2688], sizes = [2048, 128], strides = [1, 1]} : vector<2048x4096xf32> to vector<2048x128xf32>
    %gt3A_138 = arith.cmpf ogt, %slice3A_137, %select_n3A_133 : vector<2048x128xf32>
    %select_n3A_139 = arith.select %gt3A_138, %slice3A_137, %select_n3A_133 : vector<2048x128xi1>, vector<2048x128xf32>
    %jit3A_140 = arith.constant 21 : i32
    %broadcast_in_dim3A_141 = vector.broadcast %jit3A_140 : i32 to vector<2048x128xi32>
    %select_n3A_142 = arith.select %gt3A_138, %broadcast_in_dim3A_141, %select_n3A_136 : vector<2048x128xi1>, vector<2048x128xi32>
    %slice3A_143 = vector.extract_strided_slice %dot_general3A_17 {offsets = [0, 2816], sizes = [2048, 128], strides = [1, 1]} : vector<2048x4096xf32> to vector<2048x128xf32>
    %gt3A_144 = arith.cmpf ogt, %slice3A_143, %select_n3A_139 : vector<2048x128xf32>
    %select_n3A_145 = arith.select %gt3A_144, %slice3A_143, %select_n3A_139 : vector<2048x128xi1>, vector<2048x128xf32>
    %jit3A_146 = arith.constant 22 : i32
    %broadcast_in_dim3A_147 = vector.broadcast %jit3A_146 : i32 to vector<2048x128xi32>
    %select_n3A_148 = arith.select %gt3A_144, %broadcast_in_dim3A_147, %select_n3A_142 : vector<2048x128xi1>, vector<2048x128xi32>
    %slice3A_149 = vector.extract_strided_slice %dot_general3A_17 {offsets = [0, 2944], sizes = [2048, 128], strides = [1, 1]} : vector<2048x4096xf32> to vector<2048x128xf32>
    %gt3A_150 = arith.cmpf ogt, %slice3A_149, %select_n3A_145 : vector<2048x128xf32>
    %select_n3A_151 = arith.select %gt3A_150, %slice3A_149, %select_n3A_145 : vector<2048x128xi1>, vector<2048x128xf32>
    %jit3A_152 = arith.constant 23 : i32
    %broadcast_in_dim3A_153 = vector.broadcast %jit3A_152 : i32 to vector<2048x128xi32>
    %select_n3A_154 = arith.select %gt3A_150, %broadcast_in_dim3A_153, %select_n3A_148 : vector<2048x128xi1>, vector<2048x128xi32>
    %slice3A_155 = vector.extract_strided_slice %dot_general3A_17 {offsets = [0, 3072], sizes = [2048, 128], strides = [1, 1]} : vector<2048x4096xf32> to vector<2048x128xf32>
    %gt3A_156 = arith.cmpf ogt, %slice3A_155, %select_n3A_151 : vector<2048x128xf32>
    %select_n3A_157 = arith.select %gt3A_156, %slice3A_155, %select_n3A_151 : vector<2048x128xi1>, vector<2048x128xf32>
    %jit3A_158 = arith.constant 24 : i32
    %broadcast_in_dim3A_159 = vector.broadcast %jit3A_158 : i32 to vector<2048x128xi32>
    %select_n3A_160 = arith.select %gt3A_156, %broadcast_in_dim3A_159, %select_n3A_154 : vector<2048x128xi1>, vector<2048x128xi32>
    %slice3A_161 = vector.extract_strided_slice %dot_general3A_17 {offsets = [0, 3200], sizes = [2048, 128], strides = [1, 1]} : vector<2048x4096xf32> to vector<2048x128xf32>
    %gt3A_162 = arith.cmpf ogt, %slice3A_161, %select_n3A_157 : vector<2048x128xf32>
    %select_n3A_163 = arith.select %gt3A_162, %slice3A_161, %select_n3A_157 : vector<2048x128xi1>, vector<2048x128xf32>
    %jit3A_164 = arith.constant 25 : i32
    %broadcast_in_dim3A_165 = vector.broadcast %jit3A_164 : i32 to vector<2048x128xi32>
    %select_n3A_166 = arith.select %gt3A_162, %broadcast_in_dim3A_165, %select_n3A_160 : vector<2048x128xi1>, vector<2048x128xi32>
    %slice3A_167 = vector.extract_strided_slice %dot_general3A_17 {offsets = [0, 3328], sizes = [2048, 128], strides = [1, 1]} : vector<2048x4096xf32> to vector<2048x128xf32>
    %gt3A_168 = arith.cmpf ogt, %slice3A_167, %select_n3A_163 : vector<2048x128xf32>
    %select_n3A_169 = arith.select %gt3A_168, %slice3A_167, %select_n3A_163 : vector<2048x128xi1>, vector<2048x128xf32>
    %jit3A_170 = arith.constant 26 : i32
    %broadcast_in_dim3A_171 = vector.broadcast %jit3A_170 : i32 to vector<2048x128xi32>
    %select_n3A_172 = arith.select %gt3A_168, %broadcast_in_dim3A_171, %select_n3A_166 : vector<2048x128xi1>, vector<2048x128xi32>
    %slice3A_173 = vector.extract_strided_slice %dot_general3A_17 {offsets = [0, 3456], sizes = [2048, 128], strides = [1, 1]} : vector<2048x4096xf32> to vector<2048x128xf32>
    %gt3A_174 = arith.cmpf ogt, %slice3A_173, %select_n3A_169 : vector<2048x128xf32>
    %select_n3A_175 = arith.select %gt3A_174, %slice3A_173, %select_n3A_169 : vector<2048x128xi1>, vector<2048x128xf32>
    %jit3A_176 = arith.constant 27 : i32
    %broadcast_in_dim3A_177 = vector.broadcast %jit3A_176 : i32 to vector<2048x128xi32>
    %select_n3A_178 = arith.select %gt3A_174, %broadcast_in_dim3A_177, %select_n3A_172 : vector<2048x128xi1>, vector<2048x128xi32>
    %slice3A_179 = vector.extract_strided_slice %dot_general3A_17 {offsets = [0, 3584], sizes = [2048, 128], strides = [1, 1]} : vector<2048x4096xf32> to vector<2048x128xf32>
    %gt3A_180 = arith.cmpf ogt, %slice3A_179, %select_n3A_175 : vector<2048x128xf32>
    %select_n3A_181 = arith.select %gt3A_180, %slice3A_179, %select_n3A_175 : vector<2048x128xi1>, vector<2048x128xf32>
    %jit3A_182 = arith.constant 28 : i32
    %broadcast_in_dim3A_183 = vector.broadcast %jit3A_182 : i32 to vector<2048x128xi32>
    %select_n3A_184 = arith.select %gt3A_180, %broadcast_in_dim3A_183, %select_n3A_178 : vector<2048x128xi1>, vector<2048x128xi32>
    %slice3A_185 = vector.extract_strided_slice %dot_general3A_17 {offsets = [0, 3712], sizes = [2048, 128], strides = [1, 1]} : vector<2048x4096xf32> to vector<2048x128xf32>
    %gt3A_186 = arith.cmpf ogt, %slice3A_185, %select_n3A_181 : vector<2048x128xf32>
    %select_n3A_187 = arith.select %gt3A_186, %slice3A_185, %select_n3A_181 : vector<2048x128xi1>, vector<2048x128xf32>
    %jit3A_188 = arith.constant 29 : i32
    %broadcast_in_dim3A_189 = vector.broadcast %jit3A_188 : i32 to vector<2048x128xi32>
    %select_n3A_190 = arith.select %gt3A_186, %broadcast_in_dim3A_189, %select_n3A_184 : vector<2048x128xi1>, vector<2048x128xi32>
    %slice3A_191 = vector.extract_strided_slice %dot_general3A_17 {offsets = [0, 3840], sizes = [2048, 128], strides = [1, 1]} : vector<2048x4096xf32> to vector<2048x128xf32>
    %gt3A_192 = arith.cmpf ogt, %slice3A_191, %select_n3A_187 : vector<2048x128xf32>
    %select_n3A_193 = arith.select %gt3A_192, %slice3A_191, %select_n3A_187 : vector<2048x128xi1>, vector<2048x128xf32>
    %jit3A_194 = arith.constant 30 : i32
    %broadcast_in_dim3A_195 = vector.broadcast %jit3A_194 : i32 to vector<2048x128xi32>
    %select_n3A_196 = arith.select %gt3A_192, %broadcast_in_dim3A_195, %select_n3A_190 : vector<2048x128xi1>, vector<2048x128xi32>
    %slice3A_197 = vector.extract_strided_slice %dot_general3A_17 {offsets = [0, 3968], sizes = [2048, 128], strides = [1, 1]} : vector<2048x4096xf32> to vector<2048x128xf32>
    %gt3A_198 = arith.cmpf ogt, %slice3A_197, %select_n3A_193 : vector<2048x128xf32>
    %select_n3A_199 = arith.select %gt3A_198, %slice3A_197, %select_n3A_193 : vector<2048x128xi1>, vector<2048x128xf32>
    %jit3A_200 = arith.constant 31 : i32
    %broadcast_in_dim3A_201 = vector.broadcast %jit3A_200 : i32 to vector<2048x128xi32>
    %select_n3A_202 = arith.select %gt3A_198, %broadcast_in_dim3A_201, %select_n3A_196 : vector<2048x128xi1>, vector<2048x128xi32>
    %reduce_max3A = arith.constant dense<0xFF800000> : vector<2048xf32>
    %reduce_max3A_203 = vector.multi_reduction <maximumf>, %select_n3A_199, %reduce_max3A [1] : vector<2048x128xf32> to vector<2048xf32>
    %broadcast_in_dim3A_204 = vector.shape_cast %reduce_max3A_203 : vector<2048xf32> to vector<2048x1xf32>
    %iota3A = tpu.iota {dimensions = array<i32: 1>} : vector<2048x128xi32>
    %mul3A = arith.constant 128 : i32
    %mul3A_205 = vector.broadcast %mul3A : i32 to vector<2048x128xi32>
    %mul3A_206 = arith.muli %select_n3A_202, %mul3A_205 : vector<2048x128xi32>
    %add3A_207 = arith.addi %mul3A_206, %iota3A : vector<2048x128xi32>
    %eq3A = vector.broadcast %broadcast_in_dim3A_204 : vector<2048x1xf32> to vector<2048x128xf32>
    %eq3A_208 = arith.cmpf oeq, %select_n3A_199, %eq3A : vector<2048x128xf32>
    %jit3A_209 = arith.constant 1073741824 : i32
    %broadcast_in_dim3A_210 = vector.broadcast %jit3A_209 : i32 to vector<2048x128xi32>
    %select_n3A_211 = arith.select %eq3A_208, %add3A_207, %broadcast_in_dim3A_210 : vector<2048x128xi1>, vector<2048x128xi32>
    %reduce_min3A = arith.constant dense<2147483647> : vector<2048xi32>
    %reduce_min3A_212 = vector.multi_reduction <minsi>, %select_n3A_211, %reduce_min3A [1] : vector<2048x128xi32> to vector<2048xi32>
    %swap3A = arith.constant 0 : index
    %swap3A_213 = arith.constant 0 : index
    %swap3A_214 = arith.constant 0 : index
    %swap3A_215 = vector.load %arg5[%swap3A, %swap3A_213, %swap3A_214] : memref<1x1x2048xi32, #tpu.memory_space<vmem>>, vector<1x1x2048xi32>
    %swap3A_216 = vector.shape_cast %swap3A_215 : vector<1x1x2048xi32> to vector<2048xi32>
    %swap3A_217 = vector.shape_cast %reduce_min3A_212 : vector<2048xi32> to vector<1x1x2048xi32>
    tpu.vector_store %arg5[%swap3A, %swap3A_213, %swap3A_214], %swap3A_217 {strides = array<i32>} : memref<1x1x2048xi32, #tpu.memory_space<vmem>>, vector<1x1x2048xi32>,
    return
  }
  func.func @transform_0(%arg0: i32) -> (i32, i32) {
    %add3A = arith.constant 0 : i32
    %add3A_0 = arith.addi %arg0, %add3A : i32
    %c0_i32 = arith.constant 0 : i32
    %c0_i32_1 = arith.constant 0 : i32
    return %add3A_0, %c0_i32 : i32, i32
  }
  func.func @transform_1(%arg0: i32) -> (i32, i32) {
    %c0_i32 = arith.constant 0 : i32
    %c0_i32_0 = arith.constant 0 : i32
    %c0_i32_1 = arith.constant 0 : i32
    return %c0_i32, %c0_i32_0 : i32, i32
  }
  func.func @transform_2(%arg0: i32) -> (i32, i32) {
    %c0_i32 = arith.constant 0 : i32
    %c0_i32_0 = arith.constant 0 : i32
    %c0_i32_1 = arith.constant 0 : i32
    return %c0_i32, %c0_i32_0 : i32, i32
  }
  func.func @transform_3(%arg0: i32) -> (i32, i32) {
    %c0_i32 = arith.constant 0 : i32
    %c0_i32_0 = arith.constant 0 : i32
    %c0_i32_1 = arith.constant 0 : i32
    return %c0_i32, %c0_i32_0 : i32, i32
  }
  func.func @transform_4(%arg0: i32) -> (i32, i32, i32) {
    %c0_i32 = arith.constant 0 : i32
    %c0_i32_0 = arith.constant 0 : i32
    %c0_i32_1 = arith.constant 0 : i32
    return %arg0, %c0_i32, %c0_i32_0 : i32, i32, i32
  }
}

module attributes {stable_mosaic.version = 14 : i64} {
  func.func @_logsoftmax_body(%arg0: i32, %arg1: memref<1024x1024xf32, #tpu.memory_space<vmem>>, %arg2: memref<1x1024xf32, #tpu.memory_space<vmem>>, %arg3: memref<1024x1024xf32, #tpu.memory_space<vmem>>) attributes {dimension_semantics = [#tpu.dimension_semantics<arbitrary>], iteration_bounds = array<i64: 4>, scalar_prefetch = 0 : i64, scratch_operands = 0 : i64, tpu.core_type = #tpu.core_type<tc>, window_params = [{transform_indices = @transform_0, window_bounds = array<i64: 1024, 1024>}, {pipeline_mode = #tpu.pipeline_mode<synchronous>, transform_indices = @transform_1, window_bounds = array<i64: 1, 1024>}, {transform_indices = @transform_2, window_bounds = array<i64: 1024, 1024>}]} {
    %get3A = arith.constant 0 : index
    %get3A_0 = arith.constant 0 : index
    %get3A_1 = vector.load %arg1[%get3A, %get3A_0] : memref<1024x1024xf32, #tpu.memory_space<vmem>>, vector<1024x1024xf32>
    %transpose3A = tpu.transpose %get3A_1, [1, 0] : vector<1024x1024xf32> -> vector<1024x1024xf32>
    %get3A_2 = arith.constant 0 : index
    %get3A_3 = arith.constant 0 : index
    %get3A_4 = vector.load %arg2[%get3A_2, %get3A_3] : memref<1x1024xf32, #tpu.memory_space<vmem>>, vector<1x1024xf32>
    %add3A = vector.broadcast %get3A_4 : vector<1x1024xf32> to vector<1024x1024xf32>
    %add3A_5 = arith.addf %transpose3A, %add3A : vector<1024x1024xf32>
    %reduce_max3A = arith.constant dense<0xFF800000> : vector<1024xf32>
    %reduce_max3A_6 = vector.multi_reduction <maximumf>, %add3A_5, %reduce_max3A [1] : vector<1024x1024xf32> to vector<1024xf32>
    %broadcast_in_dim3A = vector.shape_cast %reduce_max3A_6 : vector<1024xf32> to vector<1024x1xf32>
    %sub3A = vector.broadcast %broadcast_in_dim3A : vector<1024x1xf32> to vector<1024x1024xf32>
    %sub3A_7 = arith.subf %add3A_5, %sub3A : vector<1024x1024xf32>
    %exp3A = math.exp %sub3A_7 : vector<1024x1024xf32>
    %reduce_sum3A = arith.constant dense<0.000000e+00> : vector<1024xf32>
    %reduce_sum3A_8 = vector.multi_reduction <add>, %exp3A, %reduce_sum3A [1] : vector<1024x1024xf32> to vector<1024xf32>
    %broadcast_in_dim3A_9 = vector.shape_cast %reduce_sum3A_8 : vector<1024xf32> to vector<1024x1xf32>
    %log3A = math.log %broadcast_in_dim3A_9 : vector<1024x1xf32>
    %add3A_10 = arith.addf %broadcast_in_dim3A, %log3A : vector<1024x1xf32>
    %sub3A_11 = vector.broadcast %add3A_10 : vector<1024x1xf32> to vector<1024x1024xf32>
    %sub3A_12 = arith.subf %add3A_5, %sub3A_11 : vector<1024x1024xf32>
    %swap3A = arith.constant 0 : index
    %swap3A_13 = arith.constant 0 : index
    %swap3A_14 = vector.load %arg3[%swap3A, %swap3A_13] : memref<1024x1024xf32, #tpu.memory_space<vmem>>, vector<1024x1024xf32>
    tpu.vector_store %arg3[%swap3A, %swap3A_13], %sub3A_12 {strides = array<i32>} : memref<1024x1024xf32, #tpu.memory_space<vmem>>, vector<1024x1024xf32>,
    return
  }
  func.func @transform_0(%arg0: i32) -> (i32, i32) {
    %c0_i32 = arith.constant 0 : i32
    %c0_i32_0 = arith.constant 0 : i32
    return %c0_i32, %arg0 : i32, i32
  }
  func.func @transform_1(%arg0: i32) -> (i32, i32) {
    %c0_i32 = arith.constant 0 : i32
    %c0_i32_0 = arith.constant 0 : i32
    %c0_i32_1 = arith.constant 0 : i32
    return %c0_i32, %c0_i32_0 : i32, i32
  }
  func.func @transform_2(%arg0: i32) -> (i32, i32) {
    %c0_i32 = arith.constant 0 : i32
    %c0_i32_0 = arith.constant 0 : i32
    return %arg0, %c0_i32 : i32, i32
  }
}

module attributes {stable_mosaic.version = 14 : i64} {
  func.func @_argmax_body(%arg0: i32, %arg1: memref<2048x128xf32, #tpu.memory_space<vmem>>, %arg2: memref<128x128xf32, #tpu.memory_space<vmem>>, %arg3: memref<1x128xf32, #tpu.memory_space<vmem>>, %arg4: memref<136x4096xbf16, #tpu.memory_space<vmem>>, %arg5: memref<1x1x2048xi32, #tpu.memory_space<vmem>>) attributes {dimension_semantics = [#tpu.dimension_semantics<arbitrary>], iteration_bounds = array<i64: 2>, scalar_prefetch = 0 : i64, scratch_operands = 0 : i64, tpu.core_type = #tpu.core_type<tc>, window_params = [{transform_indices = @transform_0, window_bounds = array<i64: 2048, 128>}, {pipeline_mode = #tpu.pipeline_mode<synchronous>, transform_indices = @transform_1, window_bounds = array<i64: 128, 128>}, {pipeline_mode = #tpu.pipeline_mode<synchronous>, transform_indices = @transform_2, window_bounds = array<i64: 1, 128>}, {pipeline_mode = #tpu.pipeline_mode<synchronous>, transform_indices = @transform_3, window_bounds = array<i64: 136, 4096>}, {transform_indices = @transform_4, window_bounds = array<i64: 1, 1, 2048>}]} {
    %get3A = arith.constant 0 : index
    %get3A_0 = arith.constant 0 : index
    %get3A_1 = vector.load %arg1[%get3A, %get3A_0] : memref<2048x128xf32, #tpu.memory_space<vmem>>, vector<2048x128xf32>
    %get3A_2 = arith.constant 0 : index
    %get3A_3 = arith.constant 0 : index
    %get3A_4 = vector.load %arg2[%get3A_2, %get3A_3] : memref<128x128xf32, #tpu.memory_space<vmem>>, vector<128x128xf32>
    %dot_general3A = arith.constant dense<0.000000e+00> : vector<2048x128xf32>
    %dot_general3A_5 = tpu.matmul %get3A_1, %get3A_4, %dot_general3A {dimension_numbers = #tpu.dot_dimension_numbers<[1], [0], [0], [1], [0, 0, 1, 1], [], []>, transpose_lhs_hint = false} : vector<2048x128xf32>, vector<128x128xf32>, vector<2048x128xf32> -> vector<2048x128xf32>
    %get3A_6 = arith.constant 0 : index
    %get3A_7 = arith.constant 0 : index
    %get3A_8 = vector.load %arg3[%get3A_6, %get3A_7] : memref<1x128xf32, #tpu.memory_space<vmem>>, vector<1x128xf32>
    %add3A = vector.broadcast %get3A_8 : vector<1x128xf32> to vector<2048x128xf32>
    %add3A_9 = arith.addf %dot_general3A_5, %add3A : vector<2048x128xf32>
    %max3A = arith.constant 0.000000e+00 : f32
    %max3A_10 = vector.broadcast %max3A : f32 to vector<2048x128xf32>
    %max3A_11 = arith.maximumf %add3A_9, %max3A_10 : vector<2048x128xf32>
    %convert_element_type3A = arith.truncf %max3A_11 : vector<2048x128xf32> to vector<2048x128xbf16>
    %broadcast_in_dim3A = arith.constant 1.000000e+00 : bf16
    %broadcast_in_dim3A_12 = vector.broadcast %broadcast_in_dim3A : bf16 to vector<2048x8xbf16>
    %concatenate3A = tpu.concatenate %convert_element_type3A, %broadcast_in_dim3A_12 in 1 : vector<2048x128xbf16>, vector<2048x8xbf16> -> vector<2048x136xbf16>
    %get3A_13 = arith.constant 0 : index
    %get3A_14 = arith.constant 0 : index
    %get3A_15 = vector.load %arg4[%get3A_13, %get3A_14] : memref<136x4096xbf16, #tpu.memory_space<vmem>>, vector<136x4096xbf16>
    %dot_general3A_16 = arith.constant dense<0.000000e+00> : vector<2048x4096xf32>
    %dot_general3A_17 = tpu.matmul %concatenate3A, %get3A_15, %dot_general3A_16 {dimension_numbers = #tpu.dot_dimension_numbers<[1], [0], [0], [1], [0, 0, 1, 1], [], []>, transpose_lhs_hint = false} : vector<2048x136xbf16>, vector<136x4096xbf16>, vector<2048x4096xf32> -> vector<2048x4096xf32>
    %slice3A = vector.extract_strided_slice %dot_general3A_17 {offsets = [0, 0], sizes = [2048, 128], strides = [1, 1]} : vector<2048x4096xf32> to vector<2048x128xf32>
    %broadcast_in_dim3A_18 = arith.constant 0 : i32
    %broadcast_in_dim3A_19 = vector.broadcast %broadcast_in_dim3A_18 : i32 to vector<2048x128xi32>
    %slice3A_20 = vector.extract_strided_slice %dot_general3A_17 {offsets = [0, 128], sizes = [2048, 128], strides = [1, 1]} : vector<2048x4096xf32> to vector<2048x128xf32>
    %gt3A = arith.cmpf ogt, %slice3A_20, %slice3A : vector<2048x128xf32>
    %select_n3A = arith.select %gt3A, %slice3A_20, %slice3A : vector<2048x128xi1>, vector<2048x128xf32>
    %jit3A = arith.constant 1 : i32
    %broadcast_in_dim3A_21 = vector.broadcast %jit3A : i32 to vector<2048x128xi32>
    %select_n3A_22 = arith.select %gt3A, %broadcast_in_dim3A_21, %broadcast_in_dim3A_19 : vector<2048x128xi1>, vector<2048x128xi32>
    %slice3A_23 = vector.extract_strided_slice %dot_general3A_17 {offsets = [0, 256], sizes = [2048, 128], strides = [1, 1]} : vector<2048x4096xf32> to vector<2048x128xf32>
    %gt3A_24 = arith.cmpf ogt, %slice3A_23, %select_n3A : vector<2048x128xf32>
    %select_n3A_25 = arith.select %gt3A_24, %slice3A_23, %select_n3A : vector<2048x128xi1>, vector<2048x128xf32>
    %jit3A_26 = arith.constant 2 : i32
    %broadcast_in_dim3A_27 = vector.broadcast %jit3A_26 : i32 to vector<2048x128xi32>
    %select_n3A_28 = arith.select %gt3A_24, %broadcast_in_dim3A_27, %select_n3A_22 : vector<2048x128xi1>, vector<2048x128xi32>
    %slice3A_29 = vector.extract_strided_slice %dot_general3A_17 {offsets = [0, 384], sizes = [2048, 128], strides = [1, 1]} : vector<2048x4096xf32> to vector<2048x128xf32>
    %gt3A_30 = arith.cmpf ogt, %slice3A_29, %select_n3A_25 : vector<2048x128xf32>
    %select_n3A_31 = arith.select %gt3A_30, %slice3A_29, %select_n3A_25 : vector<2048x128xi1>, vector<2048x128xf32>
    %jit3A_32 = arith.constant 3 : i32
    %broadcast_in_dim3A_33 = vector.broadcast %jit3A_32 : i32 to vector<2048x128xi32>
    %select_n3A_34 = arith.select %gt3A_30, %broadcast_in_dim3A_33, %select_n3A_28 : vector<2048x128xi1>, vector<2048x128xi32>
    %slice3A_35 = vector.extract_strided_slice %dot_general3A_17 {offsets = [0, 512], sizes = [2048, 128], strides = [1, 1]} : vector<2048x4096xf32> to vector<2048x128xf32>
    %gt3A_36 = arith.cmpf ogt, %slice3A_35, %select_n3A_31 : vector<2048x128xf32>
    %select_n3A_37 = arith.select %gt3A_36, %slice3A_35, %select_n3A_31 : vector<2048x128xi1>, vector<2048x128xf32>
    %jit3A_38 = arith.constant 4 : i32
    %broadcast_in_dim3A_39 = vector.broadcast %jit3A_38 : i32 to vector<2048x128xi32>
    %select_n3A_40 = arith.select %gt3A_36, %broadcast_in_dim3A_39, %select_n3A_34 : vector<2048x128xi1>, vector<2048x128xi32>
    %slice3A_41 = vector.extract_strided_slice %dot_general3A_17 {offsets = [0, 640], sizes = [2048, 128], strides = [1, 1]} : vector<2048x4096xf32> to vector<2048x128xf32>
    %gt3A_42 = arith.cmpf ogt, %slice3A_41, %select_n3A_37 : vector<2048x128xf32>
    %select_n3A_43 = arith.select %gt3A_42, %slice3A_41, %select_n3A_37 : vector<2048x128xi1>, vector<2048x128xf32>
    %jit3A_44 = arith.constant 5 : i32
    %broadcast_in_dim3A_45 = vector.broadcast %jit3A_44 : i32 to vector<2048x128xi32>
    %select_n3A_46 = arith.select %gt3A_42, %broadcast_in_dim3A_45, %select_n3A_40 : vector<2048x128xi1>, vector<2048x128xi32>
    %slice3A_47 = vector.extract_strided_slice %dot_general3A_17 {offsets = [0, 768], sizes = [2048, 128], strides = [1, 1]} : vector<2048x4096xf32> to vector<2048x128xf32>
    %gt3A_48 = arith.cmpf ogt, %slice3A_47, %select_n3A_43 : vector<2048x128xf32>
    %select_n3A_49 = arith.select %gt3A_48, %slice3A_47, %select_n3A_43 : vector<2048x128xi1>, vector<2048x128xf32>
    %jit3A_50 = arith.constant 6 : i32
    %broadcast_in_dim3A_51 = vector.broadcast %jit3A_50 : i32 to vector<2048x128xi32>
    %select_n3A_52 = arith.select %gt3A_48, %broadcast_in_dim3A_51, %select_n3A_46 : vector<2048x128xi1>, vector<2048x128xi32>
    %slice3A_53 = vector.extract_strided_slice %dot_general3A_17 {offsets = [0, 896], sizes = [2048, 128], strides = [1, 1]} : vector<2048x4096xf32> to vector<2048x128xf32>
    %gt3A_54 = arith.cmpf ogt, %slice3A_53, %select_n3A_49 : vector<2048x128xf32>
    %select_n3A_55 = arith.select %gt3A_54, %slice3A_53, %select_n3A_49 : vector<2048x128xi1>, vector<2048x128xf32>
    %jit3A_56 = arith.constant 7 : i32
    %broadcast_in_dim3A_57 = vector.broadcast %jit3A_56 : i32 to vector<2048x128xi32>
    %select_n3A_58 = arith.select %gt3A_54, %broadcast_in_dim3A_57, %select_n3A_52 : vector<2048x128xi1>, vector<2048x128xi32>
    %slice3A_59 = vector.extract_strided_slice %dot_general3A_17 {offsets = [0, 1024], sizes = [2048, 128], strides = [1, 1]} : vector<2048x4096xf32> to vector<2048x128xf32>
    %gt3A_60 = arith.cmpf ogt, %slice3A_59, %select_n3A_55 : vector<2048x128xf32>
    %select_n3A_61 = arith.select %gt3A_60, %slice3A_59, %select_n3A_55 : vector<2048x128xi1>, vector<2048x128xf32>
    %jit3A_62 = arith.constant 8 : i32
    %broadcast_in_dim3A_63 = vector.broadcast %jit3A_62 : i32 to vector<2048x128xi32>
    %select_n3A_64 = arith.select %gt3A_60, %broadcast_in_dim3A_63, %select_n3A_58 : vector<2048x128xi1>, vector<2048x128xi32>
    %slice3A_65 = vector.extract_strided_slice %dot_general3A_17 {offsets = [0, 1152], sizes = [2048, 128], strides = [1, 1]} : vector<2048x4096xf32> to vector<2048x128xf32>
    %gt3A_66 = arith.cmpf ogt, %slice3A_65, %select_n3A_61 : vector<2048x128xf32>
    %select_n3A_67 = arith.select %gt3A_66, %slice3A_65, %select_n3A_61 : vector<2048x128xi1>, vector<2048x128xf32>
    %jit3A_68 = arith.constant 9 : i32
    %broadcast_in_dim3A_69 = vector.broadcast %jit3A_68 : i32 to vector<2048x128xi32>
    %select_n3A_70 = arith.select %gt3A_66, %broadcast_in_dim3A_69, %select_n3A_64 : vector<2048x128xi1>, vector<2048x128xi32>
    %slice3A_71 = vector.extract_strided_slice %dot_general3A_17 {offsets = [0, 1280], sizes = [2048, 128], strides = [1, 1]} : vector<2048x4096xf32> to vector<2048x128xf32>
    %gt3A_72 = arith.cmpf ogt, %slice3A_71, %select_n3A_67 : vector<2048x128xf32>
    %select_n3A_73 = arith.select %gt3A_72, %slice3A_71, %select_n3A_67 : vector<2048x128xi1>, vector<2048x128xf32>
    %jit3A_74 = arith.constant 10 : i32
    %broadcast_in_dim3A_75 = vector.broadcast %jit3A_74 : i32 to vector<2048x128xi32>
    %select_n3A_76 = arith.select %gt3A_72, %broadcast_in_dim3A_75, %select_n3A_70 : vector<2048x128xi1>, vector<2048x128xi32>
    %slice3A_77 = vector.extract_strided_slice %dot_general3A_17 {offsets = [0, 1408], sizes = [2048, 128], strides = [1, 1]} : vector<2048x4096xf32> to vector<2048x128xf32>
    %gt3A_78 = arith.cmpf ogt, %slice3A_77, %select_n3A_73 : vector<2048x128xf32>
    %select_n3A_79 = arith.select %gt3A_78, %slice3A_77, %select_n3A_73 : vector<2048x128xi1>, vector<2048x128xf32>
    %jit3A_80 = arith.constant 11 : i32
    %broadcast_in_dim3A_81 = vector.broadcast %jit3A_80 : i32 to vector<2048x128xi32>
    %select_n3A_82 = arith.select %gt3A_78, %broadcast_in_dim3A_81, %select_n3A_76 : vector<2048x128xi1>, vector<2048x128xi32>
    %slice3A_83 = vector.extract_strided_slice %dot_general3A_17 {offsets = [0, 1536], sizes = [2048, 128], strides = [1, 1]} : vector<2048x4096xf32> to vector<2048x128xf32>
    %gt3A_84 = arith.cmpf ogt, %slice3A_83, %select_n3A_79 : vector<2048x128xf32>
    %select_n3A_85 = arith.select %gt3A_84, %slice3A_83, %select_n3A_79 : vector<2048x128xi1>, vector<2048x128xf32>
    %jit3A_86 = arith.constant 12 : i32
    %broadcast_in_dim3A_87 = vector.broadcast %jit3A_86 : i32 to vector<2048x128xi32>
    %select_n3A_88 = arith.select %gt3A_84, %broadcast_in_dim3A_87, %select_n3A_82 : vector<2048x128xi1>, vector<2048x128xi32>
    %slice3A_89 = vector.extract_strided_slice %dot_general3A_17 {offsets = [0, 1664], sizes = [2048, 128], strides = [1, 1]} : vector<2048x4096xf32> to vector<2048x128xf32>
    %gt3A_90 = arith.cmpf ogt, %slice3A_89, %select_n3A_85 : vector<2048x128xf32>
    %select_n3A_91 = arith.select %gt3A_90, %slice3A_89, %select_n3A_85 : vector<2048x128xi1>, vector<2048x128xf32>
    %jit3A_92 = arith.constant 13 : i32
    %broadcast_in_dim3A_93 = vector.broadcast %jit3A_92 : i32 to vector<2048x128xi32>
    %select_n3A_94 = arith.select %gt3A_90, %broadcast_in_dim3A_93, %select_n3A_88 : vector<2048x128xi1>, vector<2048x128xi32>
    %slice3A_95 = vector.extract_strided_slice %dot_general3A_17 {offsets = [0, 1792], sizes = [2048, 128], strides = [1, 1]} : vector<2048x4096xf32> to vector<2048x128xf32>
    %gt3A_96 = arith.cmpf ogt, %slice3A_95, %select_n3A_91 : vector<2048x128xf32>
    %select_n3A_97 = arith.select %gt3A_96, %slice3A_95, %select_n3A_91 : vector<2048x128xi1>, vector<2048x128xf32>
    %jit3A_98 = arith.constant 14 : i32
    %broadcast_in_dim3A_99 = vector.broadcast %jit3A_98 : i32 to vector<2048x128xi32>
    %select_n3A_100 = arith.select %gt3A_96, %broadcast_in_dim3A_99, %select_n3A_94 : vector<2048x128xi1>, vector<2048x128xi32>
    %slice3A_101 = vector.extract_strided_slice %dot_general3A_17 {offsets = [0, 1920], sizes = [2048, 128], strides = [1, 1]} : vector<2048x4096xf32> to vector<2048x128xf32>
    %gt3A_102 = arith.cmpf ogt, %slice3A_101, %select_n3A_97 : vector<2048x128xf32>
    %select_n3A_103 = arith.select %gt3A_102, %slice3A_101, %select_n3A_97 : vector<2048x128xi1>, vector<2048x128xf32>
    %jit3A_104 = arith.constant 15 : i32
    %broadcast_in_dim3A_105 = vector.broadcast %jit3A_104 : i32 to vector<2048x128xi32>
    %select_n3A_106 = arith.select %gt3A_102, %broadcast_in_dim3A_105, %select_n3A_100 : vector<2048x128xi1>, vector<2048x128xi32>
    %slice3A_107 = vector.extract_strided_slice %dot_general3A_17 {offsets = [0, 2048], sizes = [2048, 128], strides = [1, 1]} : vector<2048x4096xf32> to vector<2048x128xf32>
    %gt3A_108 = arith.cmpf ogt, %slice3A_107, %select_n3A_103 : vector<2048x128xf32>
    %select_n3A_109 = arith.select %gt3A_108, %slice3A_107, %select_n3A_103 : vector<2048x128xi1>, vector<2048x128xf32>
    %jit3A_110 = arith.constant 16 : i32
    %broadcast_in_dim3A_111 = vector.broadcast %jit3A_110 : i32 to vector<2048x128xi32>
    %select_n3A_112 = arith.select %gt3A_108, %broadcast_in_dim3A_111, %select_n3A_106 : vector<2048x128xi1>, vector<2048x128xi32>
    %slice3A_113 = vector.extract_strided_slice %dot_general3A_17 {offsets = [0, 2176], sizes = [2048, 128], strides = [1, 1]} : vector<2048x4096xf32> to vector<2048x128xf32>
    %gt3A_114 = arith.cmpf ogt, %slice3A_113, %select_n3A_109 : vector<2048x128xf32>
    %select_n3A_115 = arith.select %gt3A_114, %slice3A_113, %select_n3A_109 : vector<2048x128xi1>, vector<2048x128xf32>
    %jit3A_116 = arith.constant 17 : i32
    %broadcast_in_dim3A_117 = vector.broadcast %jit3A_116 : i32 to vector<2048x128xi32>
    %select_n3A_118 = arith.select %gt3A_114, %broadcast_in_dim3A_117, %select_n3A_112 : vector<2048x128xi1>, vector<2048x128xi32>
    %slice3A_119 = vector.extract_strided_slice %dot_general3A_17 {offsets = [0, 2304], sizes = [2048, 128], strides = [1, 1]} : vector<2048x4096xf32> to vector<2048x128xf32>
    %gt3A_120 = arith.cmpf ogt, %slice3A_119, %select_n3A_115 : vector<2048x128xf32>
    %select_n3A_121 = arith.select %gt3A_120, %slice3A_119, %select_n3A_115 : vector<2048x128xi1>, vector<2048x128xf32>
    %jit3A_122 = arith.constant 18 : i32
    %broadcast_in_dim3A_123 = vector.broadcast %jit3A_122 : i32 to vector<2048x128xi32>
    %select_n3A_124 = arith.select %gt3A_120, %broadcast_in_dim3A_123, %select_n3A_118 : vector<2048x128xi1>, vector<2048x128xi32>
    %slice3A_125 = vector.extract_strided_slice %dot_general3A_17 {offsets = [0, 2432], sizes = [2048, 128], strides = [1, 1]} : vector<2048x4096xf32> to vector<2048x128xf32>
    %gt3A_126 = arith.cmpf ogt, %slice3A_125, %select_n3A_121 : vector<2048x128xf32>
    %select_n3A_127 = arith.select %gt3A_126, %slice3A_125, %select_n3A_121 : vector<2048x128xi1>, vector<2048x128xf32>
    %jit3A_128 = arith.constant 19 : i32
    %broadcast_in_dim3A_129 = vector.broadcast %jit3A_128 : i32 to vector<2048x128xi32>
    %select_n3A_130 = arith.select %gt3A_126, %broadcast_in_dim3A_129, %select_n3A_124 : vector<2048x128xi1>, vector<2048x128xi32>
    %slice3A_131 = vector.extract_strided_slice %dot_general3A_17 {offsets = [0, 2560], sizes = [2048, 128], strides = [1, 1]} : vector<2048x4096xf32> to vector<2048x128xf32>
    %gt3A_132 = arith.cmpf ogt, %slice3A_131, %select_n3A_127 : vector<2048x128xf32>
    %select_n3A_133 = arith.select %gt3A_132, %slice3A_131, %select_n3A_127 : vector<2048x128xi1>, vector<2048x128xf32>
    %jit3A_134 = arith.constant 20 : i32
    %broadcast_in_dim3A_135 = vector.broadcast %jit3A_134 : i32 to vector<2048x128xi32>
    %select_n3A_136 = arith.select %gt3A_132, %broadcast_in_dim3A_135, %select_n3A_130 : vector<2048x128xi1>, vector<2048x128xi32>
    %slice3A_137 = vector.extract_strided_slice %dot_general3A_17 {offsets = [0, 2688], sizes = [2048, 128], strides = [1, 1]} : vector<2048x4096xf32> to vector<2048x128xf32>
    %gt3A_138 = arith.cmpf ogt, %slice3A_137, %select_n3A_133 : vector<2048x128xf32>
    %select_n3A_139 = arith.select %gt3A_138, %slice3A_137, %select_n3A_133 : vector<2048x128xi1>, vector<2048x128xf32>
    %jit3A_140 = arith.constant 21 : i32
    %broadcast_in_dim3A_141 = vector.broadcast %jit3A_140 : i32 to vector<2048x128xi32>
    %select_n3A_142 = arith.select %gt3A_138, %broadcast_in_dim3A_141, %select_n3A_136 : vector<2048x128xi1>, vector<2048x128xi32>
    %slice3A_143 = vector.extract_strided_slice %dot_general3A_17 {offsets = [0, 2816], sizes = [2048, 128], strides = [1, 1]} : vector<2048x4096xf32> to vector<2048x128xf32>
    %gt3A_144 = arith.cmpf ogt, %slice3A_143, %select_n3A_139 : vector<2048x128xf32>
    %select_n3A_145 = arith.select %gt3A_144, %slice3A_143, %select_n3A_139 : vector<2048x128xi1>, vector<2048x128xf32>
    %jit3A_146 = arith.constant 22 : i32
    %broadcast_in_dim3A_147 = vector.broadcast %jit3A_146 : i32 to vector<2048x128xi32>
    %select_n3A_148 = arith.select %gt3A_144, %broadcast_in_dim3A_147, %select_n3A_142 : vector<2048x128xi1>, vector<2048x128xi32>
    %slice3A_149 = vector.extract_strided_slice %dot_general3A_17 {offsets = [0, 2944], sizes = [2048, 128], strides = [1, 1]} : vector<2048x4096xf32> to vector<2048x128xf32>
    %gt3A_150 = arith.cmpf ogt, %slice3A_149, %select_n3A_145 : vector<2048x128xf32>
    %select_n3A_151 = arith.select %gt3A_150, %slice3A_149, %select_n3A_145 : vector<2048x128xi1>, vector<2048x128xf32>
    %jit3A_152 = arith.constant 23 : i32
    %broadcast_in_dim3A_153 = vector.broadcast %jit3A_152 : i32 to vector<2048x128xi32>
    %select_n3A_154 = arith.select %gt3A_150, %broadcast_in_dim3A_153, %select_n3A_148 : vector<2048x128xi1>, vector<2048x128xi32>
    %slice3A_155 = vector.extract_strided_slice %dot_general3A_17 {offsets = [0, 3072], sizes = [2048, 128], strides = [1, 1]} : vector<2048x4096xf32> to vector<2048x128xf32>
    %gt3A_156 = arith.cmpf ogt, %slice3A_155, %select_n3A_151 : vector<2048x128xf32>
    %select_n3A_157 = arith.select %gt3A_156, %slice3A_155, %select_n3A_151 : vector<2048x128xi1>, vector<2048x128xf32>
    %jit3A_158 = arith.constant 24 : i32
    %broadcast_in_dim3A_159 = vector.broadcast %jit3A_158 : i32 to vector<2048x128xi32>
    %select_n3A_160 = arith.select %gt3A_156, %broadcast_in_dim3A_159, %select_n3A_154 : vector<2048x128xi1>, vector<2048x128xi32>
    %slice3A_161 = vector.extract_strided_slice %dot_general3A_17 {offsets = [0, 3200], sizes = [2048, 128], strides = [1, 1]} : vector<2048x4096xf32> to vector<2048x128xf32>
    %gt3A_162 = arith.cmpf ogt, %slice3A_161, %select_n3A_157 : vector<2048x128xf32>
    %select_n3A_163 = arith.select %gt3A_162, %slice3A_161, %select_n3A_157 : vector<2048x128xi1>, vector<2048x128xf32>
    %jit3A_164 = arith.constant 25 : i32
    %broadcast_in_dim3A_165 = vector.broadcast %jit3A_164 : i32 to vector<2048x128xi32>
    %select_n3A_166 = arith.select %gt3A_162, %broadcast_in_dim3A_165, %select_n3A_160 : vector<2048x128xi1>, vector<2048x128xi32>
    %slice3A_167 = vector.extract_strided_slice %dot_general3A_17 {offsets = [0, 3328], sizes = [2048, 128], strides = [1, 1]} : vector<2048x4096xf32> to vector<2048x128xf32>
    %gt3A_168 = arith.cmpf ogt, %slice3A_167, %select_n3A_163 : vector<2048x128xf32>
    %select_n3A_169 = arith.select %gt3A_168, %slice3A_167, %select_n3A_163 : vector<2048x128xi1>, vector<2048x128xf32>
    %jit3A_170 = arith.constant 26 : i32
    %broadcast_in_dim3A_171 = vector.broadcast %jit3A_170 : i32 to vector<2048x128xi32>
    %select_n3A_172 = arith.select %gt3A_168, %broadcast_in_dim3A_171, %select_n3A_166 : vector<2048x128xi1>, vector<2048x128xi32>
    %slice3A_173 = vector.extract_strided_slice %dot_general3A_17 {offsets = [0, 3456], sizes = [2048, 128], strides = [1, 1]} : vector<2048x4096xf32> to vector<2048x128xf32>
    %gt3A_174 = arith.cmpf ogt, %slice3A_173, %select_n3A_169 : vector<2048x128xf32>
    %select_n3A_175 = arith.select %gt3A_174, %slice3A_173, %select_n3A_169 : vector<2048x128xi1>, vector<2048x128xf32>
    %jit3A_176 = arith.constant 27 : i32
    %broadcast_in_dim3A_177 = vector.broadcast %jit3A_176 : i32 to vector<2048x128xi32>
    %select_n3A_178 = arith.select %gt3A_174, %broadcast_in_dim3A_177, %select_n3A_172 : vector<2048x128xi1>, vector<2048x128xi32>
    %slice3A_179 = vector.extract_strided_slice %dot_general3A_17 {offsets = [0, 3584], sizes = [2048, 128], strides = [1, 1]} : vector<2048x4096xf32> to vector<2048x128xf32>
    %gt3A_180 = arith.cmpf ogt, %slice3A_179, %select_n3A_175 : vector<2048x128xf32>
    %select_n3A_181 = arith.select %gt3A_180, %slice3A_179, %select_n3A_175 : vector<2048x128xi1>, vector<2048x128xf32>
    %jit3A_182 = arith.constant 28 : i32
    %broadcast_in_dim3A_183 = vector.broadcast %jit3A_182 : i32 to vector<2048x128xi32>
    %select_n3A_184 = arith.select %gt3A_180, %broadcast_in_dim3A_183, %select_n3A_178 : vector<2048x128xi1>, vector<2048x128xi32>
    %slice3A_185 = vector.extract_strided_slice %dot_general3A_17 {offsets = [0, 3712], sizes = [2048, 128], strides = [1, 1]} : vector<2048x4096xf32> to vector<2048x128xf32>
    %gt3A_186 = arith.cmpf ogt, %slice3A_185, %select_n3A_181 : vector<2048x128xf32>
    %select_n3A_187 = arith.select %gt3A_186, %slice3A_185, %select_n3A_181 : vector<2048x128xi1>, vector<2048x128xf32>
    %jit3A_188 = arith.constant 29 : i32
    %broadcast_in_dim3A_189 = vector.broadcast %jit3A_188 : i32 to vector<2048x128xi32>
    %select_n3A_190 = arith.select %gt3A_186, %broadcast_in_dim3A_189, %select_n3A_184 : vector<2048x128xi1>, vector<2048x128xi32>
    %slice3A_191 = vector.extract_strided_slice %dot_general3A_17 {offsets = [0, 3840], sizes = [2048, 128], strides = [1, 1]} : vector<2048x4096xf32> to vector<2048x128xf32>
    %gt3A_192 = arith.cmpf ogt, %slice3A_191, %select_n3A_187 : vector<2048x128xf32>
    %select_n3A_193 = arith.select %gt3A_192, %slice3A_191, %select_n3A_187 : vector<2048x128xi1>, vector<2048x128xf32>
    %jit3A_194 = arith.constant 30 : i32
    %broadcast_in_dim3A_195 = vector.broadcast %jit3A_194 : i32 to vector<2048x128xi32>
    %select_n3A_196 = arith.select %gt3A_192, %broadcast_in_dim3A_195, %select_n3A_190 : vector<2048x128xi1>, vector<2048x128xi32>
    %slice3A_197 = vector.extract_strided_slice %dot_general3A_17 {offsets = [0, 3968], sizes = [2048, 128], strides = [1, 1]} : vector<2048x4096xf32> to vector<2048x128xf32>
    %gt3A_198 = arith.cmpf ogt, %slice3A_197, %select_n3A_193 : vector<2048x128xf32>
    %select_n3A_199 = arith.select %gt3A_198, %slice3A_197, %select_n3A_193 : vector<2048x128xi1>, vector<2048x128xf32>
    %jit3A_200 = arith.constant 31 : i32
    %broadcast_in_dim3A_201 = vector.broadcast %jit3A_200 : i32 to vector<2048x128xi32>
    %select_n3A_202 = arith.select %gt3A_198, %broadcast_in_dim3A_201, %select_n3A_196 : vector<2048x128xi1>, vector<2048x128xi32>
    %reduce_max3A = arith.constant dense<0xFF800000> : vector<2048xf32>
    %reduce_max3A_203 = vector.multi_reduction <maximumf>, %select_n3A_199, %reduce_max3A [1] : vector<2048x128xf32> to vector<2048xf32>
    %broadcast_in_dim3A_204 = vector.shape_cast %reduce_max3A_203 : vector<2048xf32> to vector<2048x1xf32>
    %iota3A = tpu.iota {dimensions = array<i32: 1>} : vector<2048x128xi32>
    %mul3A = arith.constant 128 : i32
    %mul3A_205 = vector.broadcast %mul3A : i32 to vector<2048x128xi32>
    %mul3A_206 = arith.muli %select_n3A_202, %mul3A_205 : vector<2048x128xi32>
    %add3A_207 = arith.addi %mul3A_206, %iota3A : vector<2048x128xi32>
    %eq3A = vector.broadcast %broadcast_in_dim3A_204 : vector<2048x1xf32> to vector<2048x128xf32>
    %eq3A_208 = arith.cmpf oeq, %select_n3A_199, %eq3A : vector<2048x128xf32>
    %jit3A_209 = arith.constant 1073741824 : i32
    %broadcast_in_dim3A_210 = vector.broadcast %jit3A_209 : i32 to vector<2048x128xi32>
    %select_n3A_211 = arith.select %eq3A_208, %add3A_207, %broadcast_in_dim3A_210 : vector<2048x128xi1>, vector<2048x128xi32>
    %reduce_min3A = arith.constant dense<2147483647> : vector<2048xi32>
    %reduce_min3A_212 = vector.multi_reduction <minsi>, %select_n3A_211, %reduce_min3A [1] : vector<2048x128xi32> to vector<2048xi32>
    %swap3A = arith.constant 0 : index
    %swap3A_213 = arith.constant 0 : index
    %swap3A_214 = arith.constant 0 : index
    %swap3A_215 = vector.load %arg5[%swap3A, %swap3A_213, %swap3A_214] : memref<1x1x2048xi32, #tpu.memory_space<vmem>>, vector<1x1x2048xi32>
    %swap3A_216 = vector.shape_cast %swap3A_215 : vector<1x1x2048xi32> to vector<2048xi32>
    %swap3A_217 = vector.shape_cast %reduce_min3A_212 : vector<2048xi32> to vector<1x1x2048xi32>
    tpu.vector_store %arg5[%swap3A, %swap3A_213, %swap3A_214], %swap3A_217 {strides = array<i32>} : memref<1x1x2048xi32, #tpu.memory_space<vmem>>, vector<1x1x2048xi32>,
    return
  }
  func.func @transform_0(%arg0: i32) -> (i32, i32) {
    %add3A = arith.constant 2 : i32
    %add3A_0 = arith.addi %arg0, %add3A : i32
    %c0_i32 = arith.constant 0 : i32
    %c0_i32_1 = arith.constant 0 : i32
    return %add3A_0, %c0_i32 : i32, i32
  }
  func.func @transform_1(%arg0: i32) -> (i32, i32) {
    %c0_i32 = arith.constant 0 : i32
    %c0_i32_0 = arith.constant 0 : i32
    %c0_i32_1 = arith.constant 0 : i32
    return %c0_i32, %c0_i32_0 : i32, i32
  }
  func.func @transform_2(%arg0: i32) -> (i32, i32) {
    %c0_i32 = arith.constant 0 : i32
    %c0_i32_0 = arith.constant 0 : i32
    %c0_i32_1 = arith.constant 0 : i32
    return %c0_i32, %c0_i32_0 : i32, i32
  }
  func.func @transform_3(%arg0: i32) -> (i32, i32) {
    %c0_i32 = arith.constant 0 : i32
    %c0_i32_0 = arith.constant 0 : i32
    %c0_i32_1 = arith.constant 0 : i32
    return %c0_i32, %c0_i32_0 : i32, i32
  }
  func.func @transform_4(%arg0: i32) -> (i32, i32, i32) {
    %c0_i32 = arith.constant 0 : i32
    %c0_i32_0 = arith.constant 0 : i32
    %c0_i32_1 = arith.constant 0 : i32
    return %arg0, %c0_i32, %c0_i32_0 : i32, i32, i32
  }
}

module attributes {stable_mosaic.version = 14 : i64} {
  func.func @_argmax_body(%arg0: i32, %arg1: memref<2048x128xf32, #tpu.memory_space<vmem>>, %arg2: memref<128x128xf32, #tpu.memory_space<vmem>>, %arg3: memref<1x128xf32, #tpu.memory_space<vmem>>, %arg4: memref<136x4096xbf16, #tpu.memory_space<vmem>>, %arg5: memref<1x1x2048xi32, #tpu.memory_space<vmem>>) attributes {dimension_semantics = [#tpu.dimension_semantics<arbitrary>], iteration_bounds = array<i64: 2>, scalar_prefetch = 0 : i64, scratch_operands = 0 : i64, tpu.core_type = #tpu.core_type<tc>, window_params = [{transform_indices = @transform_0, window_bounds = array<i64: 2048, 128>}, {pipeline_mode = #tpu.pipeline_mode<synchronous>, transform_indices = @transform_1, window_bounds = array<i64: 128, 128>}, {pipeline_mode = #tpu.pipeline_mode<synchronous>, transform_indices = @transform_2, window_bounds = array<i64: 1, 128>}, {pipeline_mode = #tpu.pipeline_mode<synchronous>, transform_indices = @transform_3, window_bounds = array<i64: 136, 4096>}, {transform_indices = @transform_4, window_bounds = array<i64: 1, 1, 2048>}]} {
    %get3A = arith.constant 0 : index
    %get3A_0 = arith.constant 0 : index
    %get3A_1 = vector.load %arg1[%get3A, %get3A_0] : memref<2048x128xf32, #tpu.memory_space<vmem>>, vector<2048x128xf32>
    %get3A_2 = arith.constant 0 : index
    %get3A_3 = arith.constant 0 : index
    %get3A_4 = vector.load %arg2[%get3A_2, %get3A_3] : memref<128x128xf32, #tpu.memory_space<vmem>>, vector<128x128xf32>
    %dot_general3A = arith.constant dense<0.000000e+00> : vector<2048x128xf32>
    %dot_general3A_5 = tpu.matmul %get3A_1, %get3A_4, %dot_general3A {dimension_numbers = #tpu.dot_dimension_numbers<[1], [0], [0], [1], [0, 0, 1, 1], [], []>, transpose_lhs_hint = false} : vector<2048x128xf32>, vector<128x128xf32>, vector<2048x128xf32> -> vector<2048x128xf32>
    %get3A_6 = arith.constant 0 : index
    %get3A_7 = arith.constant 0 : index
    %get3A_8 = vector.load %arg3[%get3A_6, %get3A_7] : memref<1x128xf32, #tpu.memory_space<vmem>>, vector<1x128xf32>
    %add3A = vector.broadcast %get3A_8 : vector<1x128xf32> to vector<2048x128xf32>
    %add3A_9 = arith.addf %dot_general3A_5, %add3A : vector<2048x128xf32>
    %max3A = arith.constant 0.000000e+00 : f32
    %max3A_10 = vector.broadcast %max3A : f32 to vector<2048x128xf32>
    %max3A_11 = arith.maximumf %add3A_9, %max3A_10 : vector<2048x128xf32>
    %convert_element_type3A = arith.truncf %max3A_11 : vector<2048x128xf32> to vector<2048x128xbf16>
    %broadcast_in_dim3A = arith.constant 1.000000e+00 : bf16
    %broadcast_in_dim3A_12 = vector.broadcast %broadcast_in_dim3A : bf16 to vector<2048x8xbf16>
    %concatenate3A = tpu.concatenate %convert_element_type3A, %broadcast_in_dim3A_12 in 1 : vector<2048x128xbf16>, vector<2048x8xbf16> -> vector<2048x136xbf16>
    %get3A_13 = arith.constant 0 : index
    %get3A_14 = arith.constant 0 : index
    %get3A_15 = vector.load %arg4[%get3A_13, %get3A_14] : memref<136x4096xbf16, #tpu.memory_space<vmem>>, vector<136x4096xbf16>
    %dot_general3A_16 = arith.constant dense<0.000000e+00> : vector<2048x4096xf32>
    %dot_general3A_17 = tpu.matmul %concatenate3A, %get3A_15, %dot_general3A_16 {dimension_numbers = #tpu.dot_dimension_numbers<[1], [0], [0], [1], [0, 0, 1, 1], [], []>, transpose_lhs_hint = false} : vector<2048x136xbf16>, vector<136x4096xbf16>, vector<2048x4096xf32> -> vector<2048x4096xf32>
    %slice3A = vector.extract_strided_slice %dot_general3A_17 {offsets = [0, 0], sizes = [2048, 128], strides = [1, 1]} : vector<2048x4096xf32> to vector<2048x128xf32>
    %broadcast_in_dim3A_18 = arith.constant 0 : i32
    %broadcast_in_dim3A_19 = vector.broadcast %broadcast_in_dim3A_18 : i32 to vector<2048x128xi32>
    %slice3A_20 = vector.extract_strided_slice %dot_general3A_17 {offsets = [0, 128], sizes = [2048, 128], strides = [1, 1]} : vector<2048x4096xf32> to vector<2048x128xf32>
    %gt3A = arith.cmpf ogt, %slice3A_20, %slice3A : vector<2048x128xf32>
    %select_n3A = arith.select %gt3A, %slice3A_20, %slice3A : vector<2048x128xi1>, vector<2048x128xf32>
    %jit3A = arith.constant 1 : i32
    %broadcast_in_dim3A_21 = vector.broadcast %jit3A : i32 to vector<2048x128xi32>
    %select_n3A_22 = arith.select %gt3A, %broadcast_in_dim3A_21, %broadcast_in_dim3A_19 : vector<2048x128xi1>, vector<2048x128xi32>
    %slice3A_23 = vector.extract_strided_slice %dot_general3A_17 {offsets = [0, 256], sizes = [2048, 128], strides = [1, 1]} : vector<2048x4096xf32> to vector<2048x128xf32>
    %gt3A_24 = arith.cmpf ogt, %slice3A_23, %select_n3A : vector<2048x128xf32>
    %select_n3A_25 = arith.select %gt3A_24, %slice3A_23, %select_n3A : vector<2048x128xi1>, vector<2048x128xf32>
    %jit3A_26 = arith.constant 2 : i32
    %broadcast_in_dim3A_27 = vector.broadcast %jit3A_26 : i32 to vector<2048x128xi32>
    %select_n3A_28 = arith.select %gt3A_24, %broadcast_in_dim3A_27, %select_n3A_22 : vector<2048x128xi1>, vector<2048x128xi32>
    %slice3A_29 = vector.extract_strided_slice %dot_general3A_17 {offsets = [0, 384], sizes = [2048, 128], strides = [1, 1]} : vector<2048x4096xf32> to vector<2048x128xf32>
    %gt3A_30 = arith.cmpf ogt, %slice3A_29, %select_n3A_25 : vector<2048x128xf32>
    %select_n3A_31 = arith.select %gt3A_30, %slice3A_29, %select_n3A_25 : vector<2048x128xi1>, vector<2048x128xf32>
    %jit3A_32 = arith.constant 3 : i32
    %broadcast_in_dim3A_33 = vector.broadcast %jit3A_32 : i32 to vector<2048x128xi32>
    %select_n3A_34 = arith.select %gt3A_30, %broadcast_in_dim3A_33, %select_n3A_28 : vector<2048x128xi1>, vector<2048x128xi32>
    %slice3A_35 = vector.extract_strided_slice %dot_general3A_17 {offsets = [0, 512], sizes = [2048, 128], strides = [1, 1]} : vector<2048x4096xf32> to vector<2048x128xf32>
    %gt3A_36 = arith.cmpf ogt, %slice3A_35, %select_n3A_31 : vector<2048x128xf32>
    %select_n3A_37 = arith.select %gt3A_36, %slice3A_35, %select_n3A_31 : vector<2048x128xi1>, vector<2048x128xf32>
    %jit3A_38 = arith.constant 4 : i32
    %broadcast_in_dim3A_39 = vector.broadcast %jit3A_38 : i32 to vector<2048x128xi32>
    %select_n3A_40 = arith.select %gt3A_36, %broadcast_in_dim3A_39, %select_n3A_34 : vector<2048x128xi1>, vector<2048x128xi32>
    %slice3A_41 = vector.extract_strided_slice %dot_general3A_17 {offsets = [0, 640], sizes = [2048, 128], strides = [1, 1]} : vector<2048x4096xf32> to vector<2048x128xf32>
    %gt3A_42 = arith.cmpf ogt, %slice3A_41, %select_n3A_37 : vector<2048x128xf32>
    %select_n3A_43 = arith.select %gt3A_42, %slice3A_41, %select_n3A_37 : vector<2048x128xi1>, vector<2048x128xf32>
    %jit3A_44 = arith.constant 5 : i32
    %broadcast_in_dim3A_45 = vector.broadcast %jit3A_44 : i32 to vector<2048x128xi32>
    %select_n3A_46 = arith.select %gt3A_42, %broadcast_in_dim3A_45, %select_n3A_40 : vector<2048x128xi1>, vector<2048x128xi32>
    %slice3A_47 = vector.extract_strided_slice %dot_general3A_17 {offsets = [0, 768], sizes = [2048, 128], strides = [1, 1]} : vector<2048x4096xf32> to vector<2048x128xf32>
    %gt3A_48 = arith.cmpf ogt, %slice3A_47, %select_n3A_43 : vector<2048x128xf32>
    %select_n3A_49 = arith.select %gt3A_48, %slice3A_47, %select_n3A_43 : vector<2048x128xi1>, vector<2048x128xf32>
    %jit3A_50 = arith.constant 6 : i32
    %broadcast_in_dim3A_51 = vector.broadcast %jit3A_50 : i32 to vector<2048x128xi32>
    %select_n3A_52 = arith.select %gt3A_48, %broadcast_in_dim3A_51, %select_n3A_46 : vector<2048x128xi1>, vector<2048x128xi32>
    %slice3A_53 = vector.extract_strided_slice %dot_general3A_17 {offsets = [0, 896], sizes = [2048, 128], strides = [1, 1]} : vector<2048x4096xf32> to vector<2048x128xf32>
    %gt3A_54 = arith.cmpf ogt, %slice3A_53, %select_n3A_49 : vector<2048x128xf32>
    %select_n3A_55 = arith.select %gt3A_54, %slice3A_53, %select_n3A_49 : vector<2048x128xi1>, vector<2048x128xf32>
    %jit3A_56 = arith.constant 7 : i32
    %broadcast_in_dim3A_57 = vector.broadcast %jit3A_56 : i32 to vector<2048x128xi32>
    %select_n3A_58 = arith.select %gt3A_54, %broadcast_in_dim3A_57, %select_n3A_52 : vector<2048x128xi1>, vector<2048x128xi32>
    %slice3A_59 = vector.extract_strided_slice %dot_general3A_17 {offsets = [0, 1024], sizes = [2048, 128], strides = [1, 1]} : vector<2048x4096xf32> to vector<2048x128xf32>
    %gt3A_60 = arith.cmpf ogt, %slice3A_59, %select_n3A_55 : vector<2048x128xf32>
    %select_n3A_61 = arith.select %gt3A_60, %slice3A_59, %select_n3A_55 : vector<2048x128xi1>, vector<2048x128xf32>
    %jit3A_62 = arith.constant 8 : i32
    %broadcast_in_dim3A_63 = vector.broadcast %jit3A_62 : i32 to vector<2048x128xi32>
    %select_n3A_64 = arith.select %gt3A_60, %broadcast_in_dim3A_63, %select_n3A_58 : vector<2048x128xi1>, vector<2048x128xi32>
    %slice3A_65 = vector.extract_strided_slice %dot_general3A_17 {offsets = [0, 1152], sizes = [2048, 128], strides = [1, 1]} : vector<2048x4096xf32> to vector<2048x128xf32>
    %gt3A_66 = arith.cmpf ogt, %slice3A_65, %select_n3A_61 : vector<2048x128xf32>
    %select_n3A_67 = arith.select %gt3A_66, %slice3A_65, %select_n3A_61 : vector<2048x128xi1>, vector<2048x128xf32>
    %jit3A_68 = arith.constant 9 : i32
    %broadcast_in_dim3A_69 = vector.broadcast %jit3A_68 : i32 to vector<2048x128xi32>
    %select_n3A_70 = arith.select %gt3A_66, %broadcast_in_dim3A_69, %select_n3A_64 : vector<2048x128xi1>, vector<2048x128xi32>
    %slice3A_71 = vector.extract_strided_slice %dot_general3A_17 {offsets = [0, 1280], sizes = [2048, 128], strides = [1, 1]} : vector<2048x4096xf32> to vector<2048x128xf32>
    %gt3A_72 = arith.cmpf ogt, %slice3A_71, %select_n3A_67 : vector<2048x128xf32>
    %select_n3A_73 = arith.select %gt3A_72, %slice3A_71, %select_n3A_67 : vector<2048x128xi1>, vector<2048x128xf32>
    %jit3A_74 = arith.constant 10 : i32
    %broadcast_in_dim3A_75 = vector.broadcast %jit3A_74 : i32 to vector<2048x128xi32>
    %select_n3A_76 = arith.select %gt3A_72, %broadcast_in_dim3A_75, %select_n3A_70 : vector<2048x128xi1>, vector<2048x128xi32>
    %slice3A_77 = vector.extract_strided_slice %dot_general3A_17 {offsets = [0, 1408], sizes = [2048, 128], strides = [1, 1]} : vector<2048x4096xf32> to vector<2048x128xf32>
    %gt3A_78 = arith.cmpf ogt, %slice3A_77, %select_n3A_73 : vector<2048x128xf32>
    %select_n3A_79 = arith.select %gt3A_78, %slice3A_77, %select_n3A_73 : vector<2048x128xi1>, vector<2048x128xf32>
    %jit3A_80 = arith.constant 11 : i32
    %broadcast_in_dim3A_81 = vector.broadcast %jit3A_80 : i32 to vector<2048x128xi32>
    %select_n3A_82 = arith.select %gt3A_78, %broadcast_in_dim3A_81, %select_n3A_76 : vector<2048x128xi1>, vector<2048x128xi32>
    %slice3A_83 = vector.extract_strided_slice %dot_general3A_17 {offsets = [0, 1536], sizes = [2048, 128], strides = [1, 1]} : vector<2048x4096xf32> to vector<2048x128xf32>
    %gt3A_84 = arith.cmpf ogt, %slice3A_83, %select_n3A_79 : vector<2048x128xf32>
    %select_n3A_85 = arith.select %gt3A_84, %slice3A_83, %select_n3A_79 : vector<2048x128xi1>, vector<2048x128xf32>
    %jit3A_86 = arith.constant 12 : i32
    %broadcast_in_dim3A_87 = vector.broadcast %jit3A_86 : i32 to vector<2048x128xi32>
    %select_n3A_88 = arith.select %gt3A_84, %broadcast_in_dim3A_87, %select_n3A_82 : vector<2048x128xi1>, vector<2048x128xi32>
    %slice3A_89 = vector.extract_strided_slice %dot_general3A_17 {offsets = [0, 1664], sizes = [2048, 128], strides = [1, 1]} : vector<2048x4096xf32> to vector<2048x128xf32>
    %gt3A_90 = arith.cmpf ogt, %slice3A_89, %select_n3A_85 : vector<2048x128xf32>
    %select_n3A_91 = arith.select %gt3A_90, %slice3A_89, %select_n3A_85 : vector<2048x128xi1>, vector<2048x128xf32>
    %jit3A_92 = arith.constant 13 : i32
    %broadcast_in_dim3A_93 = vector.broadcast %jit3A_92 : i32 to vector<2048x128xi32>
    %select_n3A_94 = arith.select %gt3A_90, %broadcast_in_dim3A_93, %select_n3A_88 : vector<2048x128xi1>, vector<2048x128xi32>
    %slice3A_95 = vector.extract_strided_slice %dot_general3A_17 {offsets = [0, 1792], sizes = [2048, 128], strides = [1, 1]} : vector<2048x4096xf32> to vector<2048x128xf32>
    %gt3A_96 = arith.cmpf ogt, %slice3A_95, %select_n3A_91 : vector<2048x128xf32>
    %select_n3A_97 = arith.select %gt3A_96, %slice3A_95, %select_n3A_91 : vector<2048x128xi1>, vector<2048x128xf32>
    %jit3A_98 = arith.constant 14 : i32
    %broadcast_in_dim3A_99 = vector.broadcast %jit3A_98 : i32 to vector<2048x128xi32>
    %select_n3A_100 = arith.select %gt3A_96, %broadcast_in_dim3A_99, %select_n3A_94 : vector<2048x128xi1>, vector<2048x128xi32>
    %slice3A_101 = vector.extract_strided_slice %dot_general3A_17 {offsets = [0, 1920], sizes = [2048, 128], strides = [1, 1]} : vector<2048x4096xf32> to vector<2048x128xf32>
    %gt3A_102 = arith.cmpf ogt, %slice3A_101, %select_n3A_97 : vector<2048x128xf32>
    %select_n3A_103 = arith.select %gt3A_102, %slice3A_101, %select_n3A_97 : vector<2048x128xi1>, vector<2048x128xf32>
    %jit3A_104 = arith.constant 15 : i32
    %broadcast_in_dim3A_105 = vector.broadcast %jit3A_104 : i32 to vector<2048x128xi32>
    %select_n3A_106 = arith.select %gt3A_102, %broadcast_in_dim3A_105, %select_n3A_100 : vector<2048x128xi1>, vector<2048x128xi32>
    %slice3A_107 = vector.extract_strided_slice %dot_general3A_17 {offsets = [0, 2048], sizes = [2048, 128], strides = [1, 1]} : vector<2048x4096xf32> to vector<2048x128xf32>
    %gt3A_108 = arith.cmpf ogt, %slice3A_107, %select_n3A_103 : vector<2048x128xf32>
    %select_n3A_109 = arith.select %gt3A_108, %slice3A_107, %select_n3A_103 : vector<2048x128xi1>, vector<2048x128xf32>
    %jit3A_110 = arith.constant 16 : i32
    %broadcast_in_dim3A_111 = vector.broadcast %jit3A_110 : i32 to vector<2048x128xi32>
    %select_n3A_112 = arith.select %gt3A_108, %broadcast_in_dim3A_111, %select_n3A_106 : vector<2048x128xi1>, vector<2048x128xi32>
    %slice3A_113 = vector.extract_strided_slice %dot_general3A_17 {offsets = [0, 2176], sizes = [2048, 128], strides = [1, 1]} : vector<2048x4096xf32> to vector<2048x128xf32>
    %gt3A_114 = arith.cmpf ogt, %slice3A_113, %select_n3A_109 : vector<2048x128xf32>
    %select_n3A_115 = arith.select %gt3A_114, %slice3A_113, %select_n3A_109 : vector<2048x128xi1>, vector<2048x128xf32>
    %jit3A_116 = arith.constant 17 : i32
    %broadcast_in_dim3A_117 = vector.broadcast %jit3A_116 : i32 to vector<2048x128xi32>
    %select_n3A_118 = arith.select %gt3A_114, %broadcast_in_dim3A_117, %select_n3A_112 : vector<2048x128xi1>, vector<2048x128xi32>
    %slice3A_119 = vector.extract_strided_slice %dot_general3A_17 {offsets = [0, 2304], sizes = [2048, 128], strides = [1, 1]} : vector<2048x4096xf32> to vector<2048x128xf32>
    %gt3A_120 = arith.cmpf ogt, %slice3A_119, %select_n3A_115 : vector<2048x128xf32>
    %select_n3A_121 = arith.select %gt3A_120, %slice3A_119, %select_n3A_115 : vector<2048x128xi1>, vector<2048x128xf32>
    %jit3A_122 = arith.constant 18 : i32
    %broadcast_in_dim3A_123 = vector.broadcast %jit3A_122 : i32 to vector<2048x128xi32>
    %select_n3A_124 = arith.select %gt3A_120, %broadcast_in_dim3A_123, %select_n3A_118 : vector<2048x128xi1>, vector<2048x128xi32>
    %slice3A_125 = vector.extract_strided_slice %dot_general3A_17 {offsets = [0, 2432], sizes = [2048, 128], strides = [1, 1]} : vector<2048x4096xf32> to vector<2048x128xf32>
    %gt3A_126 = arith.cmpf ogt, %slice3A_125, %select_n3A_121 : vector<2048x128xf32>
    %select_n3A_127 = arith.select %gt3A_126, %slice3A_125, %select_n3A_121 : vector<2048x128xi1>, vector<2048x128xf32>
    %jit3A_128 = arith.constant 19 : i32
    %broadcast_in_dim3A_129 = vector.broadcast %jit3A_128 : i32 to vector<2048x128xi32>
    %select_n3A_130 = arith.select %gt3A_126, %broadcast_in_dim3A_129, %select_n3A_124 : vector<2048x128xi1>, vector<2048x128xi32>
    %slice3A_131 = vector.extract_strided_slice %dot_general3A_17 {offsets = [0, 2560], sizes = [2048, 128], strides = [1, 1]} : vector<2048x4096xf32> to vector<2048x128xf32>
    %gt3A_132 = arith.cmpf ogt, %slice3A_131, %select_n3A_127 : vector<2048x128xf32>
    %select_n3A_133 = arith.select %gt3A_132, %slice3A_131, %select_n3A_127 : vector<2048x128xi1>, vector<2048x128xf32>
    %jit3A_134 = arith.constant 20 : i32
    %broadcast_in_dim3A_135 = vector.broadcast %jit3A_134 : i32 to vector<2048x128xi32>
    %select_n3A_136 = arith.select %gt3A_132, %broadcast_in_dim3A_135, %select_n3A_130 : vector<2048x128xi1>, vector<2048x128xi32>
    %slice3A_137 = vector.extract_strided_slice %dot_general3A_17 {offsets = [0, 2688], sizes = [2048, 128], strides = [1, 1]} : vector<2048x4096xf32> to vector<2048x128xf32>
    %gt3A_138 = arith.cmpf ogt, %slice3A_137, %select_n3A_133 : vector<2048x128xf32>
    %select_n3A_139 = arith.select %gt3A_138, %slice3A_137, %select_n3A_133 : vector<2048x128xi1>, vector<2048x128xf32>
    %jit3A_140 = arith.constant 21 : i32
    %broadcast_in_dim3A_141 = vector.broadcast %jit3A_140 : i32 to vector<2048x128xi32>
    %select_n3A_142 = arith.select %gt3A_138, %broadcast_in_dim3A_141, %select_n3A_136 : vector<2048x128xi1>, vector<2048x128xi32>
    %slice3A_143 = vector.extract_strided_slice %dot_general3A_17 {offsets = [0, 2816], sizes = [2048, 128], strides = [1, 1]} : vector<2048x4096xf32> to vector<2048x128xf32>
    %gt3A_144 = arith.cmpf ogt, %slice3A_143, %select_n3A_139 : vector<2048x128xf32>
    %select_n3A_145 = arith.select %gt3A_144, %slice3A_143, %select_n3A_139 : vector<2048x128xi1>, vector<2048x128xf32>
    %jit3A_146 = arith.constant 22 : i32
    %broadcast_in_dim3A_147 = vector.broadcast %jit3A_146 : i32 to vector<2048x128xi32>
    %select_n3A_148 = arith.select %gt3A_144, %broadcast_in_dim3A_147, %select_n3A_142 : vector<2048x128xi1>, vector<2048x128xi32>
    %slice3A_149 = vector.extract_strided_slice %dot_general3A_17 {offsets = [0, 2944], sizes = [2048, 128], strides = [1, 1]} : vector<2048x4096xf32> to vector<2048x128xf32>
    %gt3A_150 = arith.cmpf ogt, %slice3A_149, %select_n3A_145 : vector<2048x128xf32>
    %select_n3A_151 = arith.select %gt3A_150, %slice3A_149, %select_n3A_145 : vector<2048x128xi1>, vector<2048x128xf32>
    %jit3A_152 = arith.constant 23 : i32
    %broadcast_in_dim3A_153 = vector.broadcast %jit3A_152 : i32 to vector<2048x128xi32>
    %select_n3A_154 = arith.select %gt3A_150, %broadcast_in_dim3A_153, %select_n3A_148 : vector<2048x128xi1>, vector<2048x128xi32>
    %slice3A_155 = vector.extract_strided_slice %dot_general3A_17 {offsets = [0, 3072], sizes = [2048, 128], strides = [1, 1]} : vector<2048x4096xf32> to vector<2048x128xf32>
    %gt3A_156 = arith.cmpf ogt, %slice3A_155, %select_n3A_151 : vector<2048x128xf32>
    %select_n3A_157 = arith.select %gt3A_156, %slice3A_155, %select_n3A_151 : vector<2048x128xi1>, vector<2048x128xf32>
    %jit3A_158 = arith.constant 24 : i32
    %broadcast_in_dim3A_159 = vector.broadcast %jit3A_158 : i32 to vector<2048x128xi32>
    %select_n3A_160 = arith.select %gt3A_156, %broadcast_in_dim3A_159, %select_n3A_154 : vector<2048x128xi1>, vector<2048x128xi32>
    %slice3A_161 = vector.extract_strided_slice %dot_general3A_17 {offsets = [0, 3200], sizes = [2048, 128], strides = [1, 1]} : vector<2048x4096xf32> to vector<2048x128xf32>
    %gt3A_162 = arith.cmpf ogt, %slice3A_161, %select_n3A_157 : vector<2048x128xf32>
    %select_n3A_163 = arith.select %gt3A_162, %slice3A_161, %select_n3A_157 : vector<2048x128xi1>, vector<2048x128xf32>
    %jit3A_164 = arith.constant 25 : i32
    %broadcast_in_dim3A_165 = vector.broadcast %jit3A_164 : i32 to vector<2048x128xi32>
    %select_n3A_166 = arith.select %gt3A_162, %broadcast_in_dim3A_165, %select_n3A_160 : vector<2048x128xi1>, vector<2048x128xi32>
    %slice3A_167 = vector.extract_strided_slice %dot_general3A_17 {offsets = [0, 3328], sizes = [2048, 128], strides = [1, 1]} : vector<2048x4096xf32> to vector<2048x128xf32>
    %gt3A_168 = arith.cmpf ogt, %slice3A_167, %select_n3A_163 : vector<2048x128xf32>
    %select_n3A_169 = arith.select %gt3A_168, %slice3A_167, %select_n3A_163 : vector<2048x128xi1>, vector<2048x128xf32>
    %jit3A_170 = arith.constant 26 : i32
    %broadcast_in_dim3A_171 = vector.broadcast %jit3A_170 : i32 to vector<2048x128xi32>
    %select_n3A_172 = arith.select %gt3A_168, %broadcast_in_dim3A_171, %select_n3A_166 : vector<2048x128xi1>, vector<2048x128xi32>
    %slice3A_173 = vector.extract_strided_slice %dot_general3A_17 {offsets = [0, 3456], sizes = [2048, 128], strides = [1, 1]} : vector<2048x4096xf32> to vector<2048x128xf32>
    %gt3A_174 = arith.cmpf ogt, %slice3A_173, %select_n3A_169 : vector<2048x128xf32>
    %select_n3A_175 = arith.select %gt3A_174, %slice3A_173, %select_n3A_169 : vector<2048x128xi1>, vector<2048x128xf32>
    %jit3A_176 = arith.constant 27 : i32
    %broadcast_in_dim3A_177 = vector.broadcast %jit3A_176 : i32 to vector<2048x128xi32>
    %select_n3A_178 = arith.select %gt3A_174, %broadcast_in_dim3A_177, %select_n3A_172 : vector<2048x128xi1>, vector<2048x128xi32>
    %slice3A_179 = vector.extract_strided_slice %dot_general3A_17 {offsets = [0, 3584], sizes = [2048, 128], strides = [1, 1]} : vector<2048x4096xf32> to vector<2048x128xf32>
    %gt3A_180 = arith.cmpf ogt, %slice3A_179, %select_n3A_175 : vector<2048x128xf32>
    %select_n3A_181 = arith.select %gt3A_180, %slice3A_179, %select_n3A_175 : vector<2048x128xi1>, vector<2048x128xf32>
    %jit3A_182 = arith.constant 28 : i32
    %broadcast_in_dim3A_183 = vector.broadcast %jit3A_182 : i32 to vector<2048x128xi32>
    %select_n3A_184 = arith.select %gt3A_180, %broadcast_in_dim3A_183, %select_n3A_178 : vector<2048x128xi1>, vector<2048x128xi32>
    %slice3A_185 = vector.extract_strided_slice %dot_general3A_17 {offsets = [0, 3712], sizes = [2048, 128], strides = [1, 1]} : vector<2048x4096xf32> to vector<2048x128xf32>
    %gt3A_186 = arith.cmpf ogt, %slice3A_185, %select_n3A_181 : vector<2048x128xf32>
    %select_n3A_187 = arith.select %gt3A_186, %slice3A_185, %select_n3A_181 : vector<2048x128xi1>, vector<2048x128xf32>
    %jit3A_188 = arith.constant 29 : i32
    %broadcast_in_dim3A_189 = vector.broadcast %jit3A_188 : i32 to vector<2048x128xi32>
    %select_n3A_190 = arith.select %gt3A_186, %broadcast_in_dim3A_189, %select_n3A_184 : vector<2048x128xi1>, vector<2048x128xi32>
    %slice3A_191 = vector.extract_strided_slice %dot_general3A_17 {offsets = [0, 3840], sizes = [2048, 128], strides = [1, 1]} : vector<2048x4096xf32> to vector<2048x128xf32>
    %gt3A_192 = arith.cmpf ogt, %slice3A_191, %select_n3A_187 : vector<2048x128xf32>
    %select_n3A_193 = arith.select %gt3A_192, %slice3A_191, %select_n3A_187 : vector<2048x128xi1>, vector<2048x128xf32>
    %jit3A_194 = arith.constant 30 : i32
    %broadcast_in_dim3A_195 = vector.broadcast %jit3A_194 : i32 to vector<2048x128xi32>
    %select_n3A_196 = arith.select %gt3A_192, %broadcast_in_dim3A_195, %select_n3A_190 : vector<2048x128xi1>, vector<2048x128xi32>
    %slice3A_197 = vector.extract_strided_slice %dot_general3A_17 {offsets = [0, 3968], sizes = [2048, 128], strides = [1, 1]} : vector<2048x4096xf32> to vector<2048x128xf32>
    %gt3A_198 = arith.cmpf ogt, %slice3A_197, %select_n3A_193 : vector<2048x128xf32>
    %select_n3A_199 = arith.select %gt3A_198, %slice3A_197, %select_n3A_193 : vector<2048x128xi1>, vector<2048x128xf32>
    %jit3A_200 = arith.constant 31 : i32
    %broadcast_in_dim3A_201 = vector.broadcast %jit3A_200 : i32 to vector<2048x128xi32>
    %select_n3A_202 = arith.select %gt3A_198, %broadcast_in_dim3A_201, %select_n3A_196 : vector<2048x128xi1>, vector<2048x128xi32>
    %reduce_max3A = arith.constant dense<0xFF800000> : vector<2048xf32>
    %reduce_max3A_203 = vector.multi_reduction <maximumf>, %select_n3A_199, %reduce_max3A [1] : vector<2048x128xf32> to vector<2048xf32>
    %broadcast_in_dim3A_204 = vector.shape_cast %reduce_max3A_203 : vector<2048xf32> to vector<2048x1xf32>
    %iota3A = tpu.iota {dimensions = array<i32: 1>} : vector<2048x128xi32>
    %mul3A = arith.constant 128 : i32
    %mul3A_205 = vector.broadcast %mul3A : i32 to vector<2048x128xi32>
    %mul3A_206 = arith.muli %select_n3A_202, %mul3A_205 : vector<2048x128xi32>
    %add3A_207 = arith.addi %mul3A_206, %iota3A : vector<2048x128xi32>
    %eq3A = vector.broadcast %broadcast_in_dim3A_204 : vector<2048x1xf32> to vector<2048x128xf32>
    %eq3A_208 = arith.cmpf oeq, %select_n3A_199, %eq3A : vector<2048x128xf32>
    %jit3A_209 = arith.constant 1073741824 : i32
    %broadcast_in_dim3A_210 = vector.broadcast %jit3A_209 : i32 to vector<2048x128xi32>
    %select_n3A_211 = arith.select %eq3A_208, %add3A_207, %broadcast_in_dim3A_210 : vector<2048x128xi1>, vector<2048x128xi32>
    %reduce_min3A = arith.constant dense<2147483647> : vector<2048xi32>
    %reduce_min3A_212 = vector.multi_reduction <minsi>, %select_n3A_211, %reduce_min3A [1] : vector<2048x128xi32> to vector<2048xi32>
    %swap3A = arith.constant 0 : index
    %swap3A_213 = arith.constant 0 : index
    %swap3A_214 = arith.constant 0 : index
    %swap3A_215 = vector.load %arg5[%swap3A, %swap3A_213, %swap3A_214] : memref<1x1x2048xi32, #tpu.memory_space<vmem>>, vector<1x1x2048xi32>
    %swap3A_216 = vector.shape_cast %swap3A_215 : vector<1x1x2048xi32> to vector<2048xi32>
    %swap3A_217 = vector.shape_cast %reduce_min3A_212 : vector<2048xi32> to vector<1x1x2048xi32>
    tpu.vector_store %arg5[%swap3A, %swap3A_213, %swap3A_214], %swap3A_217 {strides = array<i32>} : memref<1x1x2048xi32, #tpu.memory_space<vmem>>, vector<1x1x2048xi32>,
    return
  }
  func.func @transform_0(%arg0: i32) -> (i32, i32) {
    %add3A = arith.constant 4 : i32
    %add3A_0 = arith.addi %arg0, %add3A : i32
    %c0_i32 = arith.constant 0 : i32
    %c0_i32_1 = arith.constant 0 : i32
    return %add3A_0, %c0_i32 : i32, i32
  }
  func.func @transform_1(%arg0: i32) -> (i32, i32) {
    %c0_i32 = arith.constant 0 : i32
    %c0_i32_0 = arith.constant 0 : i32
    %c0_i32_1 = arith.constant 0 : i32
    return %c0_i32, %c0_i32_0 : i32, i32
  }
  func.func @transform_2(%arg0: i32) -> (i32, i32) {
    %c0_i32 = arith.constant 0 : i32
    %c0_i32_0 = arith.constant 0 : i32
    %c0_i32_1 = arith.constant 0 : i32
    return %c0_i32, %c0_i32_0 : i32, i32
  }
  func.func @transform_3(%arg0: i32) -> (i32, i32) {
    %c0_i32 = arith.constant 0 : i32
    %c0_i32_0 = arith.constant 0 : i32
    %c0_i32_1 = arith.constant 0 : i32
    return %c0_i32, %c0_i32_0 : i32, i32
  }
  func.func @transform_4(%arg0: i32) -> (i32, i32, i32) {
    %c0_i32 = arith.constant 0 : i32
    %c0_i32_0 = arith.constant 0 : i32
    %c0_i32_1 = arith.constant 0 : i32
    return %arg0, %c0_i32, %c0_i32_0 : i32, i32, i32
  }
}

module attributes {stable_mosaic.version = 14 : i64} {
  func.func @_argmax_body(%arg0: i32, %arg1: memref<2048x128xf32, #tpu.memory_space<vmem>>, %arg2: memref<128x128xf32, #tpu.memory_space<vmem>>, %arg3: memref<1x128xf32, #tpu.memory_space<vmem>>, %arg4: memref<136x4096xbf16, #tpu.memory_space<vmem>>, %arg5: memref<1x1x2048xi32, #tpu.memory_space<vmem>>) attributes {dimension_semantics = [#tpu.dimension_semantics<arbitrary>], iteration_bounds = array<i64: 2>, scalar_prefetch = 0 : i64, scratch_operands = 0 : i64, tpu.core_type = #tpu.core_type<tc>, window_params = [{transform_indices = @transform_0, window_bounds = array<i64: 2048, 128>}, {pipeline_mode = #tpu.pipeline_mode<synchronous>, transform_indices = @transform_1, window_bounds = array<i64: 128, 128>}, {pipeline_mode = #tpu.pipeline_mode<synchronous>, transform_indices = @transform_2, window_bounds = array<i64: 1, 128>}, {pipeline_mode = #tpu.pipeline_mode<synchronous>, transform_indices = @transform_3, window_bounds = array<i64: 136, 4096>}, {transform_indices = @transform_4, window_bounds = array<i64: 1, 1, 2048>}]} {
    %get3A = arith.constant 0 : index
    %get3A_0 = arith.constant 0 : index
    %get3A_1 = vector.load %arg1[%get3A, %get3A_0] : memref<2048x128xf32, #tpu.memory_space<vmem>>, vector<2048x128xf32>
    %get3A_2 = arith.constant 0 : index
    %get3A_3 = arith.constant 0 : index
    %get3A_4 = vector.load %arg2[%get3A_2, %get3A_3] : memref<128x128xf32, #tpu.memory_space<vmem>>, vector<128x128xf32>
    %dot_general3A = arith.constant dense<0.000000e+00> : vector<2048x128xf32>
    %dot_general3A_5 = tpu.matmul %get3A_1, %get3A_4, %dot_general3A {dimension_numbers = #tpu.dot_dimension_numbers<[1], [0], [0], [1], [0, 0, 1, 1], [], []>, transpose_lhs_hint = false} : vector<2048x128xf32>, vector<128x128xf32>, vector<2048x128xf32> -> vector<2048x128xf32>
    %get3A_6 = arith.constant 0 : index
    %get3A_7 = arith.constant 0 : index
    %get3A_8 = vector.load %arg3[%get3A_6, %get3A_7] : memref<1x128xf32, #tpu.memory_space<vmem>>, vector<1x128xf32>
    %add3A = vector.broadcast %get3A_8 : vector<1x128xf32> to vector<2048x128xf32>
    %add3A_9 = arith.addf %dot_general3A_5, %add3A : vector<2048x128xf32>
    %max3A = arith.constant 0.000000e+00 : f32
    %max3A_10 = vector.broadcast %max3A : f32 to vector<2048x128xf32>
    %max3A_11 = arith.maximumf %add3A_9, %max3A_10 : vector<2048x128xf32>
    %convert_element_type3A = arith.truncf %max3A_11 : vector<2048x128xf32> to vector<2048x128xbf16>
    %broadcast_in_dim3A = arith.constant 1.000000e+00 : bf16
    %broadcast_in_dim3A_12 = vector.broadcast %broadcast_in_dim3A : bf16 to vector<2048x8xbf16>
    %concatenate3A = tpu.concatenate %convert_element_type3A, %broadcast_in_dim3A_12 in 1 : vector<2048x128xbf16>, vector<2048x8xbf16> -> vector<2048x136xbf16>
    %get3A_13 = arith.constant 0 : index
    %get3A_14 = arith.constant 0 : index
    %get3A_15 = vector.load %arg4[%get3A_13, %get3A_14] : memref<136x4096xbf16, #tpu.memory_space<vmem>>, vector<136x4096xbf16>
    %dot_general3A_16 = arith.constant dense<0.000000e+00> : vector<2048x4096xf32>
    %dot_general3A_17 = tpu.matmul %concatenate3A, %get3A_15, %dot_general3A_16 {dimension_numbers = #tpu.dot_dimension_numbers<[1], [0], [0], [1], [0, 0, 1, 1], [], []>, transpose_lhs_hint = false} : vector<2048x136xbf16>, vector<136x4096xbf16>, vector<2048x4096xf32> -> vector<2048x4096xf32>
    %slice3A = vector.extract_strided_slice %dot_general3A_17 {offsets = [0, 0], sizes = [2048, 128], strides = [1, 1]} : vector<2048x4096xf32> to vector<2048x128xf32>
    %broadcast_in_dim3A_18 = arith.constant 0 : i32
    %broadcast_in_dim3A_19 = vector.broadcast %broadcast_in_dim3A_18 : i32 to vector<2048x128xi32>
    %slice3A_20 = vector.extract_strided_slice %dot_general3A_17 {offsets = [0, 128], sizes = [2048, 128], strides = [1, 1]} : vector<2048x4096xf32> to vector<2048x128xf32>
    %gt3A = arith.cmpf ogt, %slice3A_20, %slice3A : vector<2048x128xf32>
    %select_n3A = arith.select %gt3A, %slice3A_20, %slice3A : vector<2048x128xi1>, vector<2048x128xf32>
    %jit3A = arith.constant 1 : i32
    %broadcast_in_dim3A_21 = vector.broadcast %jit3A : i32 to vector<2048x128xi32>
    %select_n3A_22 = arith.select %gt3A, %broadcast_in_dim3A_21, %broadcast_in_dim3A_19 : vector<2048x128xi1>, vector<2048x128xi32>
    %slice3A_23 = vector.extract_strided_slice %dot_general3A_17 {offsets = [0, 256], sizes = [2048, 128], strides = [1, 1]} : vector<2048x4096xf32> to vector<2048x128xf32>
    %gt3A_24 = arith.cmpf ogt, %slice3A_23, %select_n3A : vector<2048x128xf32>
    %select_n3A_25 = arith.select %gt3A_24, %slice3A_23, %select_n3A : vector<2048x128xi1>, vector<2048x128xf32>
    %jit3A_26 = arith.constant 2 : i32
    %broadcast_in_dim3A_27 = vector.broadcast %jit3A_26 : i32 to vector<2048x128xi32>
    %select_n3A_28 = arith.select %gt3A_24, %broadcast_in_dim3A_27, %select_n3A_22 : vector<2048x128xi1>, vector<2048x128xi32>
    %slice3A_29 = vector.extract_strided_slice %dot_general3A_17 {offsets = [0, 384], sizes = [2048, 128], strides = [1, 1]} : vector<2048x4096xf32> to vector<2048x128xf32>
    %gt3A_30 = arith.cmpf ogt, %slice3A_29, %select_n3A_25 : vector<2048x128xf32>
    %select_n3A_31 = arith.select %gt3A_30, %slice3A_29, %select_n3A_25 : vector<2048x128xi1>, vector<2048x128xf32>
    %jit3A_32 = arith.constant 3 : i32
    %broadcast_in_dim3A_33 = vector.broadcast %jit3A_32 : i32 to vector<2048x128xi32>
    %select_n3A_34 = arith.select %gt3A_30, %broadcast_in_dim3A_33, %select_n3A_28 : vector<2048x128xi1>, vector<2048x128xi32>
    %slice3A_35 = vector.extract_strided_slice %dot_general3A_17 {offsets = [0, 512], sizes = [2048, 128], strides = [1, 1]} : vector<2048x4096xf32> to vector<2048x128xf32>
    %gt3A_36 = arith.cmpf ogt, %slice3A_35, %select_n3A_31 : vector<2048x128xf32>
    %select_n3A_37 = arith.select %gt3A_36, %slice3A_35, %select_n3A_31 : vector<2048x128xi1>, vector<2048x128xf32>
    %jit3A_38 = arith.constant 4 : i32
    %broadcast_in_dim3A_39 = vector.broadcast %jit3A_38 : i32 to vector<2048x128xi32>
    %select_n3A_40 = arith.select %gt3A_36, %broadcast_in_dim3A_39, %select_n3A_34 : vector<2048x128xi1>, vector<2048x128xi32>
    %slice3A_41 = vector.extract_strided_slice %dot_general3A_17 {offsets = [0, 640], sizes = [2048, 128], strides = [1, 1]} : vector<2048x4096xf32> to vector<2048x128xf32>
    %gt3A_42 = arith.cmpf ogt, %slice3A_41, %select_n3A_37 : vector<2048x128xf32>
    %select_n3A_43 = arith.select %gt3A_42, %slice3A_41, %select_n3A_37 : vector<2048x128xi1>, vector<2048x128xf32>
    %jit3A_44 = arith.constant 5 : i32
    %broadcast_in_dim3A_45 = vector.broadcast %jit3A_44 : i32 to vector<2048x128xi32>
    %select_n3A_46 = arith.select %gt3A_42, %broadcast_in_dim3A_45, %select_n3A_40 : vector<2048x128xi1>, vector<2048x128xi32>
    %slice3A_47 = vector.extract_strided_slice %dot_general3A_17 {offsets = [0, 768], sizes = [2048, 128], strides = [1, 1]} : vector<2048x4096xf32> to vector<2048x128xf32>
    %gt3A_48 = arith.cmpf ogt, %slice3A_47, %select_n3A_43 : vector<2048x128xf32>
    %select_n3A_49 = arith.select %gt3A_48, %slice3A_47, %select_n3A_43 : vector<2048x128xi1>, vector<2048x128xf32>
    %jit3A_50 = arith.constant 6 : i32
    %broadcast_in_dim3A_51 = vector.broadcast %jit3A_50 : i32 to vector<2048x128xi32>
    %select_n3A_52 = arith.select %gt3A_48, %broadcast_in_dim3A_51, %select_n3A_46 : vector<2048x128xi1>, vector<2048x128xi32>
    %slice3A_53 = vector.extract_strided_slice %dot_general3A_17 {offsets = [0, 896], sizes = [2048, 128], strides = [1, 1]} : vector<2048x4096xf32> to vector<2048x128xf32>
    %gt3A_54 = arith.cmpf ogt, %slice3A_53, %select_n3A_49 : vector<2048x128xf32>
    %select_n3A_55 = arith.select %gt3A_54, %slice3A_53, %select_n3A_49 : vector<2048x128xi1>, vector<2048x128xf32>
    %jit3A_56 = arith.constant 7 : i32
    %broadcast_in_dim3A_57 = vector.broadcast %jit3A_56 : i32 to vector<2048x128xi32>
    %select_n3A_58 = arith.select %gt3A_54, %broadcast_in_dim3A_57, %select_n3A_52 : vector<2048x128xi1>, vector<2048x128xi32>
    %slice3A_59 = vector.extract_strided_slice %dot_general3A_17 {offsets = [0, 1024], sizes = [2048, 128], strides = [1, 1]} : vector<2048x4096xf32> to vector<2048x128xf32>
    %gt3A_60 = arith.cmpf ogt, %slice3A_59, %select_n3A_55 : vector<2048x128xf32>
    %select_n3A_61 = arith.select %gt3A_60, %slice3A_59, %select_n3A_55 : vector<2048x128xi1>, vector<2048x128xf32>
    %jit3A_62 = arith.constant 8 : i32
    %broadcast_in_dim3A_63 = vector.broadcast %jit3A_62 : i32 to vector<2048x128xi32>
    %select_n3A_64 = arith.select %gt3A_60, %broadcast_in_dim3A_63, %select_n3A_58 : vector<2048x128xi1>, vector<2048x128xi32>
    %slice3A_65 = vector.extract_strided_slice %dot_general3A_17 {offsets = [0, 1152], sizes = [2048, 128], strides = [1, 1]} : vector<2048x4096xf32> to vector<2048x128xf32>
    %gt3A_66 = arith.cmpf ogt, %slice3A_65, %select_n3A_61 : vector<2048x128xf32>
    %select_n3A_67 = arith.select %gt3A_66, %slice3A_65, %select_n3A_61 : vector<2048x128xi1>, vector<2048x128xf32>
    %jit3A_68 = arith.constant 9 : i32
    %broadcast_in_dim3A_69 = vector.broadcast %jit3A_68 : i32 to vector<2048x128xi32>
    %select_n3A_70 = arith.select %gt3A_66, %broadcast_in_dim3A_69, %select_n3A_64 : vector<2048x128xi1>, vector<2048x128xi32>
    %slice3A_71 = vector.extract_strided_slice %dot_general3A_17 {offsets = [0, 1280], sizes = [2048, 128], strides = [1, 1]} : vector<2048x4096xf32> to vector<2048x128xf32>
    %gt3A_72 = arith.cmpf ogt, %slice3A_71, %select_n3A_67 : vector<2048x128xf32>
    %select_n3A_73 = arith.select %gt3A_72, %slice3A_71, %select_n3A_67 : vector<2048x128xi1>, vector<2048x128xf32>
    %jit3A_74 = arith.constant 10 : i32
    %broadcast_in_dim3A_75 = vector.broadcast %jit3A_74 : i32 to vector<2048x128xi32>
    %select_n3A_76 = arith.select %gt3A_72, %broadcast_in_dim3A_75, %select_n3A_70 : vector<2048x128xi1>, vector<2048x128xi32>
    %slice3A_77 = vector.extract_strided_slice %dot_general3A_17 {offsets = [0, 1408], sizes = [2048, 128], strides = [1, 1]} : vector<2048x4096xf32> to vector<2048x128xf32>
    %gt3A_78 = arith.cmpf ogt, %slice3A_77, %select_n3A_73 : vector<2048x128xf32>
    %select_n3A_79 = arith.select %gt3A_78, %slice3A_77, %select_n3A_73 : vector<2048x128xi1>, vector<2048x128xf32>
    %jit3A_80 = arith.constant 11 : i32
    %broadcast_in_dim3A_81 = vector.broadcast %jit3A_80 : i32 to vector<2048x128xi32>
    %select_n3A_82 = arith.select %gt3A_78, %broadcast_in_dim3A_81, %select_n3A_76 : vector<2048x128xi1>, vector<2048x128xi32>
    %slice3A_83 = vector.extract_strided_slice %dot_general3A_17 {offsets = [0, 1536], sizes = [2048, 128], strides = [1, 1]} : vector<2048x4096xf32> to vector<2048x128xf32>
    %gt3A_84 = arith.cmpf ogt, %slice3A_83, %select_n3A_79 : vector<2048x128xf32>
    %select_n3A_85 = arith.select %gt3A_84, %slice3A_83, %select_n3A_79 : vector<2048x128xi1>, vector<2048x128xf32>
    %jit3A_86 = arith.constant 12 : i32
    %broadcast_in_dim3A_87 = vector.broadcast %jit3A_86 : i32 to vector<2048x128xi32>
    %select_n3A_88 = arith.select %gt3A_84, %broadcast_in_dim3A_87, %select_n3A_82 : vector<2048x128xi1>, vector<2048x128xi32>
    %slice3A_89 = vector.extract_strided_slice %dot_general3A_17 {offsets = [0, 1664], sizes = [2048, 128], strides = [1, 1]} : vector<2048x4096xf32> to vector<2048x128xf32>
    %gt3A_90 = arith.cmpf ogt, %slice3A_89, %select_n3A_85 : vector<2048x128xf32>
    %select_n3A_91 = arith.select %gt3A_90, %slice3A_89, %select_n3A_85 : vector<2048x128xi1>, vector<2048x128xf32>
    %jit3A_92 = arith.constant 13 : i32
    %broadcast_in_dim3A_93 = vector.broadcast %jit3A_92 : i32 to vector<2048x128xi32>
    %select_n3A_94 = arith.select %gt3A_90, %broadcast_in_dim3A_93, %select_n3A_88 : vector<2048x128xi1>, vector<2048x128xi32>
    %slice3A_95 = vector.extract_strided_slice %dot_general3A_17 {offsets = [0, 1792], sizes = [2048, 128], strides = [1, 1]} : vector<2048x4096xf32> to vector<2048x128xf32>
    %gt3A_96 = arith.cmpf ogt, %slice3A_95, %select_n3A_91 : vector<2048x128xf32>
    %select_n3A_97 = arith.select %gt3A_96, %slice3A_95, %select_n3A_91 : vector<2048x128xi1>, vector<2048x128xf32>
    %jit3A_98 = arith.constant 14 : i32
    %broadcast_in_dim3A_99 = vector.broadcast %jit3A_98 : i32 to vector<2048x128xi32>
    %select_n3A_100 = arith.select %gt3A_96, %broadcast_in_dim3A_99, %select_n3A_94 : vector<2048x128xi1>, vector<2048x128xi32>
    %slice3A_101 = vector.extract_strided_slice %dot_general3A_17 {offsets = [0, 1920], sizes = [2048, 128], strides = [1, 1]} : vector<2048x4096xf32> to vector<2048x128xf32>
    %gt3A_102 = arith.cmpf ogt, %slice3A_101, %select_n3A_97 : vector<2048x128xf32>
    %select_n3A_103 = arith.select %gt3A_102, %slice3A_101, %select_n3A_97 : vector<2048x128xi1>, vector<2048x128xf32>
    %jit3A_104 = arith.constant 15 : i32
    %broadcast_in_dim3A_105 = vector.broadcast %jit3A_104 : i32 to vector<2048x128xi32>
    %select_n3A_106 = arith.select %gt3A_102, %broadcast_in_dim3A_105, %select_n3A_100 : vector<2048x128xi1>, vector<2048x128xi32>
    %slice3A_107 = vector.extract_strided_slice %dot_general3A_17 {offsets = [0, 2048], sizes = [2048, 128], strides = [1, 1]} : vector<2048x4096xf32> to vector<2048x128xf32>
    %gt3A_108 = arith.cmpf ogt, %slice3A_107, %select_n3A_103 : vector<2048x128xf32>
    %select_n3A_109 = arith.select %gt3A_108, %slice3A_107, %select_n3A_103 : vector<2048x128xi1>, vector<2048x128xf32>
    %jit3A_110 = arith.constant 16 : i32
    %broadcast_in_dim3A_111 = vector.broadcast %jit3A_110 : i32 to vector<2048x128xi32>
    %select_n3A_112 = arith.select %gt3A_108, %broadcast_in_dim3A_111, %select_n3A_106 : vector<2048x128xi1>, vector<2048x128xi32>
    %slice3A_113 = vector.extract_strided_slice %dot_general3A_17 {offsets = [0, 2176], sizes = [2048, 128], strides = [1, 1]} : vector<2048x4096xf32> to vector<2048x128xf32>
    %gt3A_114 = arith.cmpf ogt, %slice3A_113, %select_n3A_109 : vector<2048x128xf32>
    %select_n3A_115 = arith.select %gt3A_114, %slice3A_113, %select_n3A_109 : vector<2048x128xi1>, vector<2048x128xf32>
    %jit3A_116 = arith.constant 17 : i32
    %broadcast_in_dim3A_117 = vector.broadcast %jit3A_116 : i32 to vector<2048x128xi32>
    %select_n3A_118 = arith.select %gt3A_114, %broadcast_in_dim3A_117, %select_n3A_112 : vector<2048x128xi1>, vector<2048x128xi32>
    %slice3A_119 = vector.extract_strided_slice %dot_general3A_17 {offsets = [0, 2304], sizes = [2048, 128], strides = [1, 1]} : vector<2048x4096xf32> to vector<2048x128xf32>
    %gt3A_120 = arith.cmpf ogt, %slice3A_119, %select_n3A_115 : vector<2048x128xf32>
    %select_n3A_121 = arith.select %gt3A_120, %slice3A_119, %select_n3A_115 : vector<2048x128xi1>, vector<2048x128xf32>
    %jit3A_122 = arith.constant 18 : i32
    %broadcast_in_dim3A_123 = vector.broadcast %jit3A_122 : i32 to vector<2048x128xi32>
    %select_n3A_124 = arith.select %gt3A_120, %broadcast_in_dim3A_123, %select_n3A_118 : vector<2048x128xi1>, vector<2048x128xi32>
    %slice3A_125 = vector.extract_strided_slice %dot_general3A_17 {offsets = [0, 2432], sizes = [2048, 128], strides = [1, 1]} : vector<2048x4096xf32> to vector<2048x128xf32>
    %gt3A_126 = arith.cmpf ogt, %slice3A_125, %select_n3A_121 : vector<2048x128xf32>
    %select_n3A_127 = arith.select %gt3A_126, %slice3A_125, %select_n3A_121 : vector<2048x128xi1>, vector<2048x128xf32>
    %jit3A_128 = arith.constant 19 : i32
    %broadcast_in_dim3A_129 = vector.broadcast %jit3A_128 : i32 to vector<2048x128xi32>
    %select_n3A_130 = arith.select %gt3A_126, %broadcast_in_dim3A_129, %select_n3A_124 : vector<2048x128xi1>, vector<2048x128xi32>
    %slice3A_131 = vector.extract_strided_slice %dot_general3A_17 {offsets = [0, 2560], sizes = [2048, 128], strides = [1, 1]} : vector<2048x4096xf32> to vector<2048x128xf32>
    %gt3A_132 = arith.cmpf ogt, %slice3A_131, %select_n3A_127 : vector<2048x128xf32>
    %select_n3A_133 = arith.select %gt3A_132, %slice3A_131, %select_n3A_127 : vector<2048x128xi1>, vector<2048x128xf32>
    %jit3A_134 = arith.constant 20 : i32
    %broadcast_in_dim3A_135 = vector.broadcast %jit3A_134 : i32 to vector<2048x128xi32>
    %select_n3A_136 = arith.select %gt3A_132, %broadcast_in_dim3A_135, %select_n3A_130 : vector<2048x128xi1>, vector<2048x128xi32>
    %slice3A_137 = vector.extract_strided_slice %dot_general3A_17 {offsets = [0, 2688], sizes = [2048, 128], strides = [1, 1]} : vector<2048x4096xf32> to vector<2048x128xf32>
    %gt3A_138 = arith.cmpf ogt, %slice3A_137, %select_n3A_133 : vector<2048x128xf32>
    %select_n3A_139 = arith.select %gt3A_138, %slice3A_137, %select_n3A_133 : vector<2048x128xi1>, vector<2048x128xf32>
    %jit3A_140 = arith.constant 21 : i32
    %broadcast_in_dim3A_141 = vector.broadcast %jit3A_140 : i32 to vector<2048x128xi32>
    %select_n3A_142 = arith.select %gt3A_138, %broadcast_in_dim3A_141, %select_n3A_136 : vector<2048x128xi1>, vector<2048x128xi32>
    %slice3A_143 = vector.extract_strided_slice %dot_general3A_17 {offsets = [0, 2816], sizes = [2048, 128], strides = [1, 1]} : vector<2048x4096xf32> to vector<2048x128xf32>
    %gt3A_144 = arith.cmpf ogt, %slice3A_143, %select_n3A_139 : vector<2048x128xf32>
    %select_n3A_145 = arith.select %gt3A_144, %slice3A_143, %select_n3A_139 : vector<2048x128xi1>, vector<2048x128xf32>
    %jit3A_146 = arith.constant 22 : i32
    %broadcast_in_dim3A_147 = vector.broadcast %jit3A_146 : i32 to vector<2048x128xi32>
    %select_n3A_148 = arith.select %gt3A_144, %broadcast_in_dim3A_147, %select_n3A_142 : vector<2048x128xi1>, vector<2048x128xi32>
    %slice3A_149 = vector.extract_strided_slice %dot_general3A_17 {offsets = [0, 2944], sizes = [2048, 128], strides = [1, 1]} : vector<2048x4096xf32> to vector<2048x128xf32>
    %gt3A_150 = arith.cmpf ogt, %slice3A_149, %select_n3A_145 : vector<2048x128xf32>
    %select_n3A_151 = arith.select %gt3A_150, %slice3A_149, %select_n3A_145 : vector<2048x128xi1>, vector<2048x128xf32>
    %jit3A_152 = arith.constant 23 : i32
    %broadcast_in_dim3A_153 = vector.broadcast %jit3A_152 : i32 to vector<2048x128xi32>
    %select_n3A_154 = arith.select %gt3A_150, %broadcast_in_dim3A_153, %select_n3A_148 : vector<2048x128xi1>, vector<2048x128xi32>
    %slice3A_155 = vector.extract_strided_slice %dot_general3A_17 {offsets = [0, 3072], sizes = [2048, 128], strides = [1, 1]} : vector<2048x4096xf32> to vector<2048x128xf32>
    %gt3A_156 = arith.cmpf ogt, %slice3A_155, %select_n3A_151 : vector<2048x128xf32>
    %select_n3A_157 = arith.select %gt3A_156, %slice3A_155, %select_n3A_151 : vector<2048x128xi1>, vector<2048x128xf32>
    %jit3A_158 = arith.constant 24 : i32
    %broadcast_in_dim3A_159 = vector.broadcast %jit3A_158 : i32 to vector<2048x128xi32>
    %select_n3A_160 = arith.select %gt3A_156, %broadcast_in_dim3A_159, %select_n3A_154 : vector<2048x128xi1>, vector<2048x128xi32>
    %slice3A_161 = vector.extract_strided_slice %dot_general3A_17 {offsets = [0, 3200], sizes = [2048, 128], strides = [1, 1]} : vector<2048x4096xf32> to vector<2048x128xf32>
    %gt3A_162 = arith.cmpf ogt, %slice3A_161, %select_n3A_157 : vector<2048x128xf32>
    %select_n3A_163 = arith.select %gt3A_162, %slice3A_161, %select_n3A_157 : vector<2048x128xi1>, vector<2048x128xf32>
    %jit3A_164 = arith.constant 25 : i32
    %broadcast_in_dim3A_165 = vector.broadcast %jit3A_164 : i32 to vector<2048x128xi32>
    %select_n3A_166 = arith.select %gt3A_162, %broadcast_in_dim3A_165, %select_n3A_160 : vector<2048x128xi1>, vector<2048x128xi32>
    %slice3A_167 = vector.extract_strided_slice %dot_general3A_17 {offsets = [0, 3328], sizes = [2048, 128], strides = [1, 1]} : vector<2048x4096xf32> to vector<2048x128xf32>
    %gt3A_168 = arith.cmpf ogt, %slice3A_167, %select_n3A_163 : vector<2048x128xf32>
    %select_n3A_169 = arith.select %gt3A_168, %slice3A_167, %select_n3A_163 : vector<2048x128xi1>, vector<2048x128xf32>
    %jit3A_170 = arith.constant 26 : i32
    %broadcast_in_dim3A_171 = vector.broadcast %jit3A_170 : i32 to vector<2048x128xi32>
    %select_n3A_172 = arith.select %gt3A_168, %broadcast_in_dim3A_171, %select_n3A_166 : vector<2048x128xi1>, vector<2048x128xi32>
    %slice3A_173 = vector.extract_strided_slice %dot_general3A_17 {offsets = [0, 3456], sizes = [2048, 128], strides = [1, 1]} : vector<2048x4096xf32> to vector<2048x128xf32>
    %gt3A_174 = arith.cmpf ogt, %slice3A_173, %select_n3A_169 : vector<2048x128xf32>
    %select_n3A_175 = arith.select %gt3A_174, %slice3A_173, %select_n3A_169 : vector<2048x128xi1>, vector<2048x128xf32>
    %jit3A_176 = arith.constant 27 : i32
    %broadcast_in_dim3A_177 = vector.broadcast %jit3A_176 : i32 to vector<2048x128xi32>
    %select_n3A_178 = arith.select %gt3A_174, %broadcast_in_dim3A_177, %select_n3A_172 : vector<2048x128xi1>, vector<2048x128xi32>
    %slice3A_179 = vector.extract_strided_slice %dot_general3A_17 {offsets = [0, 3584], sizes = [2048, 128], strides = [1, 1]} : vector<2048x4096xf32> to vector<2048x128xf32>
    %gt3A_180 = arith.cmpf ogt, %slice3A_179, %select_n3A_175 : vector<2048x128xf32>
    %select_n3A_181 = arith.select %gt3A_180, %slice3A_179, %select_n3A_175 : vector<2048x128xi1>, vector<2048x128xf32>
    %jit3A_182 = arith.constant 28 : i32
    %broadcast_in_dim3A_183 = vector.broadcast %jit3A_182 : i32 to vector<2048x128xi32>
    %select_n3A_184 = arith.select %gt3A_180, %broadcast_in_dim3A_183, %select_n3A_178 : vector<2048x128xi1>, vector<2048x128xi32>
    %slice3A_185 = vector.extract_strided_slice %dot_general3A_17 {offsets = [0, 3712], sizes = [2048, 128], strides = [1, 1]} : vector<2048x4096xf32> to vector<2048x128xf32>
    %gt3A_186 = arith.cmpf ogt, %slice3A_185, %select_n3A_181 : vector<2048x128xf32>
    %select_n3A_187 = arith.select %gt3A_186, %slice3A_185, %select_n3A_181 : vector<2048x128xi1>, vector<2048x128xf32>
    %jit3A_188 = arith.constant 29 : i32
    %broadcast_in_dim3A_189 = vector.broadcast %jit3A_188 : i32 to vector<2048x128xi32>
    %select_n3A_190 = arith.select %gt3A_186, %broadcast_in_dim3A_189, %select_n3A_184 : vector<2048x128xi1>, vector<2048x128xi32>
    %slice3A_191 = vector.extract_strided_slice %dot_general3A_17 {offsets = [0, 3840], sizes = [2048, 128], strides = [1, 1]} : vector<2048x4096xf32> to vector<2048x128xf32>
    %gt3A_192 = arith.cmpf ogt, %slice3A_191, %select_n3A_187 : vector<2048x128xf32>
    %select_n3A_193 = arith.select %gt3A_192, %slice3A_191, %select_n3A_187 : vector<2048x128xi1>, vector<2048x128xf32>
    %jit3A_194 = arith.constant 30 : i32
    %broadcast_in_dim3A_195 = vector.broadcast %jit3A_194 : i32 to vector<2048x128xi32>
    %select_n3A_196 = arith.select %gt3A_192, %broadcast_in_dim3A_195, %select_n3A_190 : vector<2048x128xi1>, vector<2048x128xi32>
    %slice3A_197 = vector.extract_strided_slice %dot_general3A_17 {offsets = [0, 3968], sizes = [2048, 128], strides = [1, 1]} : vector<2048x4096xf32> to vector<2048x128xf32>
    %gt3A_198 = arith.cmpf ogt, %slice3A_197, %select_n3A_193 : vector<2048x128xf32>
    %select_n3A_199 = arith.select %gt3A_198, %slice3A_197, %select_n3A_193 : vector<2048x128xi1>, vector<2048x128xf32>
    %jit3A_200 = arith.constant 31 : i32
    %broadcast_in_dim3A_201 = vector.broadcast %jit3A_200 : i32 to vector<2048x128xi32>
    %select_n3A_202 = arith.select %gt3A_198, %broadcast_in_dim3A_201, %select_n3A_196 : vector<2048x128xi1>, vector<2048x128xi32>
    %reduce_max3A = arith.constant dense<0xFF800000> : vector<2048xf32>
    %reduce_max3A_203 = vector.multi_reduction <maximumf>, %select_n3A_199, %reduce_max3A [1] : vector<2048x128xf32> to vector<2048xf32>
    %broadcast_in_dim3A_204 = vector.shape_cast %reduce_max3A_203 : vector<2048xf32> to vector<2048x1xf32>
    %iota3A = tpu.iota {dimensions = array<i32: 1>} : vector<2048x128xi32>
    %mul3A = arith.constant 128 : i32
    %mul3A_205 = vector.broadcast %mul3A : i32 to vector<2048x128xi32>
    %mul3A_206 = arith.muli %select_n3A_202, %mul3A_205 : vector<2048x128xi32>
    %add3A_207 = arith.addi %mul3A_206, %iota3A : vector<2048x128xi32>
    %eq3A = vector.broadcast %broadcast_in_dim3A_204 : vector<2048x1xf32> to vector<2048x128xf32>
    %eq3A_208 = arith.cmpf oeq, %select_n3A_199, %eq3A : vector<2048x128xf32>
    %jit3A_209 = arith.constant 1073741824 : i32
    %broadcast_in_dim3A_210 = vector.broadcast %jit3A_209 : i32 to vector<2048x128xi32>
    %select_n3A_211 = arith.select %eq3A_208, %add3A_207, %broadcast_in_dim3A_210 : vector<2048x128xi1>, vector<2048x128xi32>
    %reduce_min3A = arith.constant dense<2147483647> : vector<2048xi32>
    %reduce_min3A_212 = vector.multi_reduction <minsi>, %select_n3A_211, %reduce_min3A [1] : vector<2048x128xi32> to vector<2048xi32>
    %swap3A = arith.constant 0 : index
    %swap3A_213 = arith.constant 0 : index
    %swap3A_214 = arith.constant 0 : index
    %swap3A_215 = vector.load %arg5[%swap3A, %swap3A_213, %swap3A_214] : memref<1x1x2048xi32, #tpu.memory_space<vmem>>, vector<1x1x2048xi32>
    %swap3A_216 = vector.shape_cast %swap3A_215 : vector<1x1x2048xi32> to vector<2048xi32>
    %swap3A_217 = vector.shape_cast %reduce_min3A_212 : vector<2048xi32> to vector<1x1x2048xi32>
    tpu.vector_store %arg5[%swap3A, %swap3A_213, %swap3A_214], %swap3A_217 {strides = array<i32>} : memref<1x1x2048xi32, #tpu.memory_space<vmem>>, vector<1x1x2048xi32>,
    return
  }
  func.func @transform_0(%arg0: i32) -> (i32, i32) {
    %add3A = arith.constant 6 : i32
    %add3A_0 = arith.addi %arg0, %add3A : i32
    %c0_i32 = arith.constant 0 : i32
    %c0_i32_1 = arith.constant 0 : i32
    return %add3A_0, %c0_i32 : i32, i32
  }
  func.func @transform_1(%arg0: i32) -> (i32, i32) {
    %c0_i32 = arith.constant 0 : i32
    %c0_i32_0 = arith.constant 0 : i32
    %c0_i32_1 = arith.constant 0 : i32
    return %c0_i32, %c0_i32_0 : i32, i32
  }
  func.func @transform_2(%arg0: i32) -> (i32, i32) {
    %c0_i32 = arith.constant 0 : i32
    %c0_i32_0 = arith.constant 0 : i32
    %c0_i32_1 = arith.constant 0 : i32
    return %c0_i32, %c0_i32_0 : i32, i32
  }
  func.func @transform_3(%arg0: i32) -> (i32, i32) {
    %c0_i32 = arith.constant 0 : i32
    %c0_i32_0 = arith.constant 0 : i32
    %c0_i32_1 = arith.constant 0 : i32
    return %c0_i32, %c0_i32_0 : i32, i32
  }
  func.func @transform_4(%arg0: i32) -> (i32, i32, i32) {
    %c0_i32 = arith.constant 0 : i32
    %c0_i32_0 = arith.constant 0 : i32
    %c0_i32_1 = arith.constant 0 : i32
    return %arg0, %c0_i32, %c0_i32_0 : i32, i32, i32
  }
}

</mosaic_0001>

<sc_bundles>
// kernel: kernel.11.cloned.1.call-start
scs
__scs_entry_jumppad:
0x0: {  	(pc) =	sbr.rel $0x88, $3  }
0x1: {  	(tag) =	ssettag $0x0;
	lr =	simm.s32 $0x1  }
0x2: {  	[smem:$0x3F9A] =	sst lr;
	_ =	strace $0xD0000000  }
0x3: {  	_ = 	snop  }
0x4: {  	_ = 	snop  }
0x5: {  	_ = 	snop  }
0x6: {  	_ = 	snop  }
0x7: {  	_ = 	snop  }
__scs_overlays_trampoline_lowered:
0x8: {  	[smem:$0x3FA9] =	sst s0  }
0x9: {  	[smem:$0x3FAA] =	sst s1  }
0xa: {  	[smem:$0x3FAB] =	sst s2  }
0xb: {  	[smem:$0x3FAC] =	sst s3  }
0xc: {  	[smem:$0x3FAD] =	sst s4  }
0xd: {  	[smem:$0x3FAE] =	sst s5  }
0xe: {  	[smem:$0x3FAF] =	sst s6  }
0xf: {  	[smem:$0x3FB0] =	sst s7  }
0x10: {  	[smem:$0x3FB1] =	sst s8  }
0x11: {  	[smem:$0x3FB2] =	sst s9;
	s0 =	simm.s32 @!p0 $0x0  }
0x12: {  	s1 =	sld [smem:$0x3F98];
	s0 =	simm.s32 @p0 $0x1  }
0x13: {  	[smem:$0x3FB3] =	sst s0;
	s0 =	simm.s32 @!p1 $0x0  }
0x14: {  	s2 =	sld [smem:$0x3F97];
	s0 =	simm.s32 @p1 $0x1  }
0x15: {  	[smem:$0x3FB4] =	sst s0;
	s0 =	simm.s32 @!p2 $0x0  }
0x16: {  	s3 =	sld [smem:$0x3FDB];
	s0 =	simm.s32 @p2 $0x1  }
0x17: {  	s4 =	simm.s32 $0x1BF5;
	[smem:$0x3FB6] =	sst s0  }
0x18: {  	s0 =	sld [smem:$0x3F99];
	_ =	swait.ge [sflag:s4], $0x0  }
0x19: {  	s7 =	sld [smem:$0x3F9A]  }
0x1a: {  	s8 =	sadd.s32 $0xFFFFE003, lr  }
0x1b: {  	s9 =	sadd.s32 $0xFFFFFEF7, lr;
	s5 =	simm.s32 $0xFFFFFFFF;
	p2 =	slt.u32 s8, $0xFFFFF086  }
0x1c: {  	p1 =	slt.u32 s9, $0xF7A;
	s5 =	simm.s32 @!p2 $0x0  }
0x1d: {  	s5 =	simm.s32 @p1 $0x1;
	p0 =	seq.s32 s7, s2  }
0x1e: {  	s7 =	smul.u32 @!p0 $0xF7A, s2;
	p2 =	seq.s32 @!p0 s5, $0x0  }
0x1f: {  	s9 =	smul.u32 $0xF7A, s1;
	s8 =	simm.s32 @!p0 $0x1BF5;
	p2 =	por !p2, p0  }
0x20: {  	[sflag:s8] =	ssyncset.s32 @!p0 $0xFFFFF086;
	s6 =	sadd.s32 @!p0 s3, s7;
	s7 =	simm.s32 @!p0 $0x108  }
0x21: {  	s3 =	sadd.s32 s3, s9;
	s6 =	sadd.s32 @!p0 $0x88, s6;
	s7 =	simm.s32 @p2 $0x1082  }
0x22: {  	[simem:s7], [sflag:s8] =	dma.local @!p0 [hbm:s6], $0xF7A  }
0x23: {  	s9 =	sor.u32 $0xD0000000, s2;
	s6 =	simm.s32 $0x108;
	_ =	swait.ge @!p0 [sflag:s8], $0x0  }
0x24: {  	s3 =	sadd.s32 $0x88, s3;
	s6 =	simm.s32 @!p1 $0x1082;
	[sflag:s4] =	ssyncset.s32 $0xFFFFF086  }
0x25: {  	[simem:s6], [sflag:s4] =	dma.local [hbm:s3], $0xF7A  }
0x26: {  	[smem:$0x3F9A] =	sst s1;
	(tag) =	ssettag s2;
	_ =	strace s9  }
0x27: {  	s1 =	sld [smem:$0x3FAA]  }
0x28: {  	s2 =	sld [smem:$0x3FAB]  }
0x29: {  	s4 =	sld [smem:$0x3FAD]  }
0x2a: {  	p0 =	seq.s32 s5, $0x0;
	s5 =	sld [smem:$0x3FAE]  }
0x2b: {  	s6 =	sld [smem:$0x3FAF]  }
0x2c: {  	s7 =	sld [smem:$0x3FB0]  }
0x2d: {  	s3 =	simm.s32 $0x108;
	s8 =	sld [smem:$0x3FB1]  }
0x2e: {  	s3 =	simm.s32 @!p0 $0x1082;
	s9 =	sld [smem:$0x3FB2]  }
0x2f: {  	lr =	sadd.s32 s0, s3;
	s0 =	sld [smem:$0x3FA9]  }
0x30: {  	s3 =	sld [smem:$0x3FAC]  }
0x31: {  	[smem:$0x3FB5] =	sst s10  }
0x32: {  	s10 =	sld [smem:$0x3FB3];
	_ =	sdelay $0x3  }
0x33: {  	p0 =	seq.s32 s10, $0x1;
	s10 =	sld [smem:$0x3FB5];
	_ =	sdelay $0x3  }
0x34: {  	[smem:$0x3FB5] =	sst s10  }
0x35: {  	s10 =	sld [smem:$0x3FB4];
	_ =	sdelay $0x3  }
0x36: {  	p1 =	seq.s32 s10, $0x1;
	s10 =	sld [smem:$0x3FB5];
	_ =	sdelay $0x3  }
0x37: {  	[smem:$0x3FB5] =	sst s10  }
0x38: {  	s10 =	sld [smem:$0x3FB6]  }
0x39: {  	_ = 	snop;
	(pc) =	sbr.ind lr, $3  }
0x3a: {  	_ = 	snop  }
0x3b: {  	_ = 	snop  }
0x3c: {  	p2 =	seq.s32 s10, $0x1;
	s10 =	sld [smem:$0x3FB5]  }
0x3d: {  	_ =	shalt  }
0x3e: {  	_ =	shalt  }
0x3f: {  	_ =	shalt  }
0x40: {  	_ =	shalt  }
0x41: {  	_ =	shalt  }
0x42: {  	_ =	shalt  }
0x43: {  	_ =	shalt  }
0x44: {  	_ =	shalt  }
0x45: {  	_ =	shalt  }
0x46: {  	_ =	shalt  }
0x47: {  	_ =	shalt  }
0x48: {  	_ =	shalt  }
0x49: {  	_ =	shalt  }
0x4a: {  	_ =	shalt  }
0x4b: {  	_ =	shalt  }
0x4c: {  	_ =	shalt  }
0x4d: {  	_ =	shalt  }
0x4e: {  	_ =	shalt  }
0x4f: {  	_ =	shalt  }
0x50: {  	_ =	shalt  }
0x51: {  	_ =	shalt  }
0x52: {  	_ =	shalt  }
0x53: {  	_ =	shalt  }
0x54: {  	_ =	shalt  }
0x55: {  	_ =	shalt  }
0x56: {  	_ =	shalt  }
0x57: {  	_ =	shalt  }
0x58: {  	_ =	shalt  }
0x59: {  	_ =	shalt  }
0x5a: {  	_ =	shalt  }
0x5b: {  	_ =	shalt  }
0x5c: {  	_ =	shalt  }
0x5d: {  	_ =	shalt  }
0x5e: {  	_ =	shalt  }
0x5f: {  	_ =	shalt  }
0x60: {  	_ =	shalt  }
0x61: {  	_ =	shalt  }
0x62: {  	_ =	shalt  }
0x63: {  	_ =	shalt  }
0x64: {  	_ =	shalt  }
0x65: {  	_ =	shalt  }
0x66: {  	_ =	shalt  }
0x67: {  	_ =	shalt  }
0x68: {  	_ =	shalt  }
0x69: {  	_ =	shalt  }
0x6a: {  	_ =	shalt  }
0x6b: {  	_ =	shalt  }
0x6c: {  	_ =	shalt  }
0x6d: {  	_ =	shalt  }
0x6e: {  	_ =	shalt  }
0x6f: {  	_ =	shalt  }
0x70: {  	_ =	shalt  }
0x71: {  	_ =	shalt  }
0x72: {  	_ =	shalt  }
0x73: {  	_ =	shalt  }
0x74: {  	_ =	shalt  }
0x75: {  	_ =	shalt  }
0x76: {  	_ =	shalt  }
0x77: {  	_ =	shalt  }
0x78: {  	_ =	shalt  }
0x79: {  	_ =	shalt  }
0x7a: {  	_ =	shalt  }
0x7b: {  	_ =	shalt  }
0x7c: {  	_ =	shalt  }
0x7d: {  	_ =	shalt  }
0x7e: {  	_ =	shalt  }
0x7f: {  	_ =	shalt  }
0x80: {  	_ =	shalt  }
0x81: {  	_ =	shalt  }
0x82: {  	_ =	shalt  }
0x83: {  	_ =	shalt  }
0x84: {  	_ =	shalt  }
0x85: {  	_ =	shalt  }
0x86: {  	_ =	shalt  }
0x87: {  	_ =	shalt  }
.Lfunc_end0:
.L_simem_size_0:
called_computation_lowered:
.L_overlay_start_0:
0x88: {  	s2 =	sld [smem:$0x3FD9]  }
0x89: {  	s3 =	sld [smem:$0x3FFE];
	_ =	sdelay $0x1  }
0x8a: {  	s1 =	srdreg.scid  }
0x8b: {  	s0 =	sand.u32 $0x1, s1  }
0x8c: {  	s17 =	sshll.u32 s0, $0xA;
	s2 =	sadd.s32 s3, s2  }
0x8d: {  	s2 =	sadd.s32 s2, s17  }
0x8e: {  	[smem:$0x3FC1] =	sst s2  }
0x8f: {  	_ = 	snop  }
0x90: {  	s2 =	sld [smem:$0x3FD0];
	(tm) =	ssettm $0x1  }
0x91: {  	s18 =	sld [smem:$0x3FFB];
	_ =	sdelay $0x3  }
0x92: {  	_ =	strace s18  }
0x93: {  	s3 =	sld [smem:$0x3FFC];
	_ =	sdelay $0x3  }
0x94: {  	_ =	strace s3  }
0x95: {  	s3 =	sld [smem:$0x3FFD];
	_ =	sdelay $0x3  }
0x96: {  	_ =	strace s3  }
0x97: {  	_ =	strace $0x8FFFFFFF  }
0x98: {  	s19 =	sld [smem:$0x3FDB];
	_ =	sdelay $0x1  }
0x99: {  	s4 =	simm.s32 $_scs_section_size  }
0x9a: {  	s5 =	simm.s32 $_size__tile_overlayer_lowered;
	s6 =	simm.s32 $_tile_overlayer_lowered  }
0x9b: {  	s22 =	simm.s32 $0x1BFF;
	s21 =	sshll.u32 s6, $0x1;
	s3 =	sadd.s32 s4, s19  }
0x9c: {  	s7 =	simm.s32 $0x0;
	s20 =	sshll.u32 s5, $0x1;
	s5 =	sadd.s32 s21, s3  }
0x9d: {  	[timem:s7], [sflag:s22] =	dma.local [hbm:s5], s20  }
0x9e: {  	_ =	swait.ge [sflag:s22], s20  }
0x9f: {  	s4 =	ssub.s32 $0x0, s20;
	[sflag:s22] =	ssyncset.done $0x0  }
0xa0: {  	[sflag:s22] =	ssyncadd.s32 s4;
	_ =	sdelay $0x1  }
0xa1: {  	s23 =	simm.s32 $0x1B8B  }
0xa2: {  	_ =	swait.ge [sflag:s23], $0x1  }
0xa3: {  	[sflag:s23] =	ssyncset.done $0x0  }
0xa4: {  	s25 =	simm.s32 $0x1B8E;
	s24 =	sld [smem:$0x3FFE];
	[sflag:s23] =	ssyncadd.s32 $0xFFFFFFFF  }
0xa5: {  	s26 =	simm.s32 $execute0_lowered;
	[smem:$0x3FD2] =	sst s25  }
0xa6: {  	s5 =	sshll.u32 s26, $0x1;
	_ =	strace $0x80000046;
	[dreg:$0x1] =	wrdreg $0xFFFFFFFF  }
0xa7: {  	s28 =	simm.s32 $_size_execute0_lowered;
	s3 =	sadd.s32 s3, s5;
	[dreg:$0x0] =	wrdreg $0x0  }
0xa8: {  	s5 =	sshll.u32 s28, $0x1;
	[dreg:$0x2] =	wrdreg s3  }
0xa9: {  	[dreg:$0x3] =	wrdreg s5  }
0xaa: {  	[dreg:$0x4] =	wrdreg $0xC0  }
0xab: {  	_ =	task [dreg:s7], $0x5FFFF  }
0xac: {  	[dreg:$0x1] =	wrdreg $0xFFFFFFFF  }
0xad: {  	[dreg:$0x0] =	wrdreg $0x60  }
0xae: {  	[dreg:$0x2] =	wrdreg s24  }
0xaf: {  	[dreg:$0x3] =	wrdreg s2  }
0xb0: {  	[dreg:$0x4] =	wrdreg $0x9  }
0xb1: {  	_ =	task.clear_ibuf [dreg:s7], $0x5FFFF;
	_ =	strace $0x90000046  }
0xb2: {  	s29 =	simm.s32 $0x9;
	_ =	strace $0x80000048  }
0xb3: {  	_ =	swait.ge [sflag:s29], $0x1  }
0xb4: {  	[sflag:s29] =	ssyncadd.s32 $0xFFFFFFFF  }
0xb5: {  	_ =	strace $0x90000048  }
0xb6: {  	_ =	sfence  }
0xb7: {  	s30 =	sld [smem:$0x0];
	_ =	sdelay $0x2  }
0xb8: {  	s31 =	sshll.u32 s1, $0xD;
	s1 =	sshrl.u32 s1, $0x2  }
0xb9: {  	s3 =	sand.u32 $0x4000, s31;
	s1 =	sadd.s32 s1, s30  }
0xba: {  	s0 =	sor.u32 s3, s0;
	s1 =	sshll.u32 s1, $0x11  }
0xbb: {  	s0 =	sor.u32 s1, s0  }
0xbc: {  	s0 =	sadd.s32 $0x8F2B, s0  }
0xbd: {  	[sflag:s0] =	ssyncadd.remote.s32 $0x1  }
0xbe: {  	_ =	sfence.sel $0xFFFF  }
0xbf: {  	[dreg:$0x0] =	wrdreg $0xFFFFFFFF;
	(pc) =	sbr.abs _section_cstart, $3  }
0xc0: {  	[dreg:$0x1] =	wrdreg $0xFFFFFFFF  }
0xc1: {  	_ =	task.clear_ibuf [dreg:s7], $0x2FFFF;
	_ =	strace $0x9FFFFFFF  }
0xc2: {  	(tm) =	ssettm $0x7FFFFFFF  }
0xc3: {  	_ =	shalt  }
tec
execute0_lowered:
.L_overlay_start_1:
0x0: {  	(tag) =	ssettag $0x1  }
0x1: {  	s1 =	srdreg.scid;
	s0 =	stileid.u32  }
0x2: {  	s7 =	rddreg [dreg:$0x0];
	s1 =	sand.u32 $0x1, s1;
	s2 =	sshll.u32 s0, $0x1  }
0x3: {  	s3 =	rddreg [dreg:$0x1];
	s4 =	sor.u32 s1, s2;
	s2 =	simm.s32 $0x0  }
0x4: {  	s24 =	simm.s32 $0x8A00;
	[smem:$0x7FF] =	sst s2  }
0x5: {  	s25 =	simm.s32 $0x9200;
	_ =	strace $0x80000047;
	[dreg:$0x7] =	wrdreg s24  }
0x6: {  	s26 =	simm.s32 $0x9A00;
	[dreg:$0x8] =	wrdreg s25  }
0x7: {  	s29 =	simm.s32 $0xA200;
	s6 =	simm.s32 $0xB200;
	[dreg:$0x9] =	wrdreg s26  }
0x8: {  	s8 =	simm.s32 $0xBA00;
	s0 =	simm.s32 $0xAA00;
	[dreg:$0xa] =	wrdreg s29  }
0x9: {  	s9 =	simm.s32 $0xC200;
	s10 =	simm.s32 $0xCA00;
	[dreg:$0xb] =	wrdreg s0  }
0xa: {  	s11 =	simm.s32 $0xDA00;
	s12 =	simm.s32 $0xEA00;
	[dreg:$0xc] =	wrdreg s6  }
0xb: {  	s13 =	simm.s32 $0xF200;
	s14 =	simm.s32 $0xFA00;
	[dreg:$0xd] =	wrdreg s8  }
0xc: {  	s15 =	simm.s32 $0x10A00;
	s16 =	simm.s32 $0x11200;
	[dreg:$0xe] =	wrdreg s9  }
0xd: {  	s17 =	simm.s32 $0x11A00;
	s18 =	simm.s32 $0x12200;
	[dreg:$0xf] =	wrdreg s10  }
0xe: {  	s19 =	simm.s32 $0x12A00;
	s20 =	simm.s32 $0x13200;
	[dreg:$0x11] =	wrdreg s11  }
0xf: {  	s21 =	simm.s32 $0x13A00;
	s28 =	simm.s32 $0x10200;
	[dreg:$0x13] =	wrdreg s12  }
0x10: {  	s30 =	simm.s32 $0x17A00;
	s31 =	simm.s32 $0x1;
	[dreg:$0x14] =	wrdreg s13  }
0x11: {  	s1 =	ssub.s32 $0x2, s1;
	s5 =	sshll.u32 s4, $0x6;
	[dreg:$0x15] =	wrdreg s14  }
0x12: {  	s4 =	sshll.u32 s4, $0xE;
	s5 =	sadd.s32 s5, s7;
	[dreg:$0x16] =	wrdreg s15  }
0x13: {  	s3 =	sadd.s32 s3, s4;
	s6 =	sshrl.u32 s1, $0x1;
	[dreg:$0x17] =	wrdreg s16  }
0x14: {  	s8 =	simm.s32 $0xD200;
	s9 =	simm.s32 $0xE200;
	[dreg:$0x18] =	wrdreg s17  }
0x15: {  	s10 =	simm.s32 $0x200;
	s11 =	simm.s32 $0xA00;
	[dreg:$0x19] =	wrdreg s18  }
0x16: {  	s12 =	simm.s32 $0x1200;
	s13 =	simm.s32 $0x1A00;
	[dreg:$0x1a] =	wrdreg s19  }
0x17: {  	s14 =	simm.s32 $0x2200;
	s15 =	simm.s32 $0x2A00;
	[dreg:$0x1b] =	wrdreg s20  }
0x18: {  	s16 =	simm.s32 $0x3200;
	s17 =	simm.s32 $0x3A00;
	[dreg:$0x1c] =	wrdreg s21  }
0x19: {  	s18 =	simm.s32 $0x4200;
	s19 =	simm.s32 $0x4A00;
	[dreg:$0x10] =	wrdreg s8  }
0x1a: {  	s20 =	simm.s32 $0x5200;
	s24 =	simm.s32 $0x15200;
	[dreg:$0x12] =	wrdreg s9  }
0x1b: {  	s21 =	simm.s32 $0x5A00;
	s25 =	simm.s32 $0x15A00;
	[dreg:$0x1f] =	wrdreg s24  }
0x1c: {  	s26 =	simm.s32 $0x16200;
	s29 =	simm.s32 $0x16A00;
	[smem:$0x7FB] =	sst s25  }
0x1d: {  	s5 =	sadd.s32 $0xC00, s5;
	s4 =	sadd.s32 $0x1000, s3;
	[smem:$0x7FC] =	sst s26  }
0x1e: {  	s22 =	sadd.s32 $0x2000, s3;
	s23 =	sadd.s32 $0x3000, s3;
	[smem:$0x7FD] =	sst s29  }
0x1f: {  	s1 =	ssub.s32 s1, s6;
	s6 =	sadd.s32 $0x1600, s7;
	[dreg:$0x3] =	wrdreg s5  }
0x20: {  	s9 =	simm.s32 $0x3;
	s24 =	simm.s32 $0x7200;
	[dreg:$0x4] =	wrdreg s4  }
0x21: {  	s25 =	simm.s32 $0x7A00;
	s26 =	simm.s32 $0x8200;
	[dreg:$0x5] =	wrdreg s22  }
0x22: {  	[dreg:$0x6] =	wrdreg s23;
	s4 =	sadd.s32 $0x1400, s7;
	s5 =	sadd.s32 $0x1500, s7  }
0x23: {  	v2 =	vlaneseq.u32;
	s7 =	sadd.s32 $0x1700, s7;
	s8 =	smax.u32 s1, $0x1;
	s22 =	simm.s32 $0x14200  }
0x24: {  	vm0 =	vmmov $0xffff;
	v1 =	vshrl.u32 v2, $0x3;
	s23 =	simm.s32 $0x14A00;
	s1 =	simm.s32 $0x2;
	[dreg:$0x1d] =	wrdreg s22  }
0x25: {  	v0 =	vand.u32 $0x7, v2;
	v2 =	vor.u32 $0x8, v2;
	v1 =	vmul.u32 $0x8, v1;
	[dreg:$0x1e] =	wrdreg s23;
	s22 =	simm.s32 $0x6200;
	s23 =	simm.s32 $0x6A00  }
.LBB2_1:
0x26: {  	s0 =	rddreg [dreg:$0x3]  }
0x27: {  	[tilespmem:s2], [sflag:$0x3] =	stream.linear.gather [hbm4b:s0+s2], $0x200, $0x38;
	[tilespmem:$0x18200] =	vst v63  }
0x28: {  	_ =	swait.ge [sflag:s9], $0x200  }
0x29: {  	[sflag:s9] =	ssyncset.done $0x0  }
0x2a: {  	[sflag:s9] =	ssyncadd.s32 $0xFFFFFE00  }
0x2b: {  	v3 =	vld [tilespmem:$0x0];
	_ =	sdelay $0x4  }
0x2c: {  	v4 =	vshll.u32 v3, $0x3  }
0x2d: {  	v3 =	vand.u32 $0x7, v3;
	v4 =	vand.u32 $0xFFFFFFC0, v4  }
0x2e: {  	v3 =	vor.u32 v3, v4  }
0x2f: {  	v4 =	vperm.xlane v3, v0;
	_ =	sdelay $0x1  }
0x30: {  	v4 =	vadd.s32 v1, v4;
	_ =	sdelay $0x4  }
0x31: {  	[tilespmem:s10], [sflag:$0x1] =	stream.indirect_vreg.gather [hbm4b:s4+s2], $0x80, v4, vm0, $0xb8;
	[tilespmem:$0x18200] =	vst v63  }
0x32: {  	v3 =	vperm.xlane v3, v2  }
0x33: {  	[tilespmem:s11], [sflag:$0x1] =	stream.indirect_vreg.gather [hbm4b:s5+s2], $0x80, v4, vm0, $0xb8;
	[tilespmem:$0x18200] =	vst v63  }
0x34: {  	v3 =	vadd.s32 v1, v3  }
0x35: {  	[tilespmem:s12], [sflag:$0x1] =	stream.indirect_vreg.gather [hbm4b:s6+s2], $0x80, v4, vm0, $0xb8;
	[tilespmem:$0x18200] =	vst v63  }
0x36: {  	_ = 	snop  }
0x37: {  	[tilespmem:s13], [sflag:$0x1] =	stream.indirect_vreg.gather [hbm4b:s7+s2], $0x80, v4, vm0, $0xb8;
	[tilespmem:$0x18200] =	vst v63  }
0x38: {  	_ = 	snop  }
0x39: {  	[tilespmem:s14], [sflag:$0x1] =	stream.indirect_vreg.gather [hbm4b:s4+s2], $0x80, v3, vm0, $0xb8;
	[tilespmem:$0x18200] =	vst v63  }
0x3a: {  	_ = 	snop  }
0x3b: {  	[tilespmem:s15], [sflag:$0x1] =	stream.indirect_vreg.gather [hbm4b:s5+s2], $0x80, v3, vm0, $0xb8;
	[tilespmem:$0x18200] =	vst v63  }
0x3c: {  	_ = 	snop  }
0x3d: {  	[tilespmem:s16], [sflag:$0x1] =	stream.indirect_vreg.gather [hbm4b:s6+s2], $0x80, v3, vm0, $0xb8;
	[tilespmem:$0x18200] =	vst v63  }
0x3e: {  	_ = 	snop  }
0x3f: {  	[tilespmem:s17], [sflag:$0x1] =	stream.indirect_vreg.gather [hbm4b:s7+s2], $0x80, v3, vm0, $0xb8;
	[tilespmem:$0x18200] =	vst v63  }
0x40: {  	v3 =	vld [tilespmem:$0x10];
	_ =	sdelay $0x4  }
0x41: {  	v57 =	vshll.u32 v3, $0x3  }
0x42: {  	v3 =	vand.u32 $0x7, v3;
	v4 =	vand.u32 $0xFFFFFFC0, v57  }
0x43: {  	v3 =	vor.u32 v3, v4  }
0x44: {  	v4 =	vperm.xlane v3, v0;
	_ =	sdelay $0x1  }
0x45: {  	v4 =	vadd.s32 v1, v4;
	_ =	sdelay $0x4  }
0x46: {  	[tilespmem:s18], [sflag:$0x1] =	stream.indirect_vreg.gather [hbm4b:s4+s2], $0x80, v4, vm0, $0xb8;
	[tilespmem:$0x18200] =	vst v63  }
0x47: {  	v3 =	vperm.xlane v3, v2  }
0x48: {  	[tilespmem:s19], [sflag:$0x1] =	stream.indirect_vreg.gather [hbm4b:s5+s2], $0x80, v4, vm0, $0xb8;
	[tilespmem:$0x18200] =	vst v63  }
0x49: {  	v3 =	vadd.s32 v1, v3  }
0x4a: {  	[tilespmem:s20], [sflag:$0x1] =	stream.indirect_vreg.gather [hbm4b:s6+s2], $0x80, v4, vm0, $0xb8;
	[tilespmem:$0x18200] =	vst v63  }
0x4b: {  	_ = 	snop  }
0x4c: {  	[tilespmem:s21], [sflag:$0x1] =	stream.indirect_vreg.gather [hbm4b:s7+s2], $0x80, v4, vm0, $0xb8;
	[tilespmem:$0x18200] =	vst v63  }
0x4d: {  	_ = 	snop  }
0x4e: {  	[tilespmem:s22], [sflag:$0x1] =	stream.indirect_vreg.gather [hbm4b:s4+s2], $0x80, v3, vm0, $0xb8;
	[tilespmem:$0x18200] =	vst v63  }
0x4f: {  	_ = 	snop  }
0x50: {  	[tilespmem:s23], [sflag:$0x1] =	stream.indirect_vreg.gather [hbm4b:s5+s2], $0x80, v3, vm0, $0xb8;
	[tilespmem:$0x18200] =	vst v63  }
0x51: {  	_ = 	snop  }
0x52: {  	[tilespmem:s24], [sflag:$0x1] =	stream.indirect_vreg.gather [hbm4b:s6+s2], $0x80, v3, vm0, $0xb8;
	[tilespmem:$0x18200] =	vst v63  }
0x53: {  	_ = 	snop  }
0x54: {  	[tilespmem:s25], [sflag:$0x1] =	stream.indirect_vreg.gather [hbm4b:s7+s2], $0x80, v3, vm0, $0xb8;
	[tilespmem:$0x18200] =	vst v63  }
0x55: {  	v3 =	vld [tilespmem:$0x80];
	_ =	sdelay $0x4  }
0x56: {  	v58 =	vshll.u32 v3, $0x3  }
0x57: {  	v3 =	vand.u32 $0x7, v3;
	v4 =	vand.u32 $0xFFFFFFC0, v58  }
0x58: {  	v3 =	vor.u32 v3, v4  }
0x59: {  	v4 =	vperm.xlane v3, v0;
	_ =	sdelay $0x1  }
0x5a: {  	v4 =	vadd.s32 v1, v4;
	_ =	sdelay $0x4  }
0x5b: {  	[tilespmem:s26], [sflag:$0x1] =	stream.indirect_vreg.gather [hbm4b:s4+s2], $0x80, v4, vm0, $0xb8;
	[tilespmem:$0x18200] =	vst v63  }
0x5c: {  	s0 =	rddreg [dreg:$0x7];
	v3 =	vperm.xlane v3, v2  }
0x5d: {  	[tilespmem:s0], [sflag:$0x1] =	stream.indirect_vreg.gather [hbm4b:s5+s2], $0x80, v4, vm0, $0xb8;
	[tilespmem:$0x18200] =	vst v63  }
0x5e: {  	s29 =	rddreg [dreg:$0x8];
	v3 =	vadd.s32 v1, v3  }
0x5f: {  	[tilespmem:s29], [sflag:$0x1] =	stream.indirect_vreg.gather [hbm4b:s6+s2], $0x80, v4, vm0, $0xb8;
	[tilespmem:$0x18200] =	vst v63  }
0x60: {  	s0 =	rddreg [dreg:$0x9]  }
0x61: {  	[tilespmem:s0], [sflag:$0x1] =	stream.indirect_vreg.gather [hbm4b:s7+s2], $0x80, v4, vm0, $0xb8;
	[tilespmem:$0x18200] =	vst v63  }
0x62: {  	s29 =	rddreg [dreg:$0xa]  }
0x63: {  	[tilespmem:s29], [sflag:$0x1] =	stream.indirect_vreg.gather [hbm4b:s4+s2], $0x80, v3, vm0, $0xb8;
	[tilespmem:$0x18200] =	vst v63  }
0x64: {  	s0 =	rddreg [dreg:$0xb]  }
0x65: {  	[tilespmem:s0], [sflag:$0x1] =	stream.indirect_vreg.gather [hbm4b:s5+s2], $0x80, v3, vm0, $0xb8;
	[tilespmem:$0x18200] =	vst v63  }
0x66: {  	s29 =	rddreg [dreg:$0xc]  }
0x67: {  	[tilespmem:s29], [sflag:$0x1] =	stream.indirect_vreg.gather [hbm4b:s6+s2], $0x80, v3, vm0, $0xb8;
	[tilespmem:$0x18200] =	vst v63  }
0x68: {  	s0 =	rddreg [dreg:$0xd]  }
0x69: {  	[tilespmem:s0], [sflag:$0x1] =	stream.indirect_vreg.gather [hbm4b:s7+s2], $0x80, v3, vm0, $0xb8;
	[tilespmem:$0x18200] =	vst v63  }
0x6a: {  	v3 =	vld [tilespmem:$0x90];
	_ =	sdelay $0x4  }
0x6b: {  	v59 =	vshll.u32 v3, $0x3  }
0x6c: {  	v3 =	vand.u32 $0x7, v3;
	v4 =	vand.u32 $0xFFFFFFC0, v59  }
0x6d: {  	v3 =	vor.u32 v3, v4  }
0x6e: {  	v4 =	vperm.xlane v3, v0;
	_ =	sdelay $0x1  }
0x6f: {  	v4 =	vadd.s32 v1, v4;
	_ =	sdelay $0x3  }
0x70: {  	s0 =	rddreg [dreg:$0xe]  }
0x71: {  	[tilespmem:s0], [sflag:$0x1] =	stream.indirect_vreg.gather [hbm4b:s4+s2], $0x80, v4, vm0, $0xb8;
	[tilespmem:$0x18200] =	vst v63  }
0x72: {  	s29 =	rddreg [dreg:$0xf];
	v3 =	vperm.xlane v3, v2  }
0x73: {  	[tilespmem:s29], [sflag:$0x1] =	stream.indirect_vreg.gather [hbm4b:s5+s2], $0x80, v4, vm0, $0xb8;
	[tilespmem:$0x18200] =	vst v63  }
0x74: {  	v3 =	vadd.s32 v1, v3;
	s0 =	rddreg [dreg:$0x10]  }
0x75: {  	[tilespmem:s0], [sflag:$0x1] =	stream.indirect_vreg.gather [hbm4b:s6+s2], $0x80, v4, vm0, $0xb8;
	[tilespmem:$0x18200] =	vst v63  }
0x76: {  	s29 =	rddreg [dreg:$0x11]  }
0x77: {  	[tilespmem:s29], [sflag:$0x1] =	stream.indirect_vreg.gather [hbm4b:s7+s2], $0x80, v4, vm0, $0xb8;
	[tilespmem:$0x18200] =	vst v63  }
0x78: {  	s0 =	rddreg [dreg:$0x12]  }
0x79: {  	[tilespmem:s0], [sflag:$0x1] =	stream.indirect_vreg.gather [hbm4b:s4+s2], $0x80, v3, vm0, $0xb8;
	[tilespmem:$0x18200] =	vst v63  }
0x7a: {  	s29 =	rddreg [dreg:$0x13]  }
0x7b: {  	[tilespmem:s29], [sflag:$0x1] =	stream.indirect_vreg.gather [hbm4b:s5+s2], $0x80, v3, vm0, $0xb8;
	[tilespmem:$0x18200] =	vst v63  }
0x7c: {  	s0 =	rddreg [dreg:$0x14]  }
0x7d: {  	[tilespmem:s0], [sflag:$0x1] =	stream.indirect_vreg.gather [hbm4b:s6+s2], $0x80, v3, vm0, $0xb8;
	[tilespmem:$0x18200] =	vst v63  }
0x7e: {  	s29 =	rddreg [dreg:$0x15]  }
0x7f: {  	[tilespmem:s29], [sflag:$0x1] =	stream.indirect_vreg.gather [hbm4b:s7+s2], $0x80, v3, vm0, $0xb8;
	[tilespmem:$0x18200] =	vst v63  }
0x80: {  	v3 =	vld [tilespmem:$0x100];
	_ =	sdelay $0x4  }
0x81: {  	v60 =	vshll.u32 v3, $0x3  }
0x82: {  	v3 =	vand.u32 $0x7, v3;
	v4 =	vand.u32 $0xFFFFFFC0, v60  }
0x83: {  	v3 =	vor.u32 v3, v4  }
0x84: {  	v4 =	vperm.xlane v3, v0;
	_ =	sdelay $0x1  }
0x85: {  	v4 =	vadd.s32 v1, v4;
	_ =	sdelay $0x4  }
0x86: {  	[tilespmem:s28], [sflag:$0x1] =	stream.indirect_vreg.gather [hbm4b:s4+s2], $0x80, v4, vm0, $0xb8;
	[tilespmem:$0x18200] =	vst v63  }
0x87: {  	s0 =	rddreg [dreg:$0x16];
	v3 =	vperm.xlane v3, v2  }
0x88: {  	[tilespmem:s0], [sflag:$0x1] =	stream.indirect_vreg.gather [hbm4b:s5+s2], $0x80, v4, vm0, $0xb8;
	[tilespmem:$0x18200] =	vst v63  }
0x89: {  	s29 =	rddreg [dreg:$0x17];
	v3 =	vadd.s32 v1, v3  }
0x8a: {  	[tilespmem:s29], [sflag:$0x1] =	stream.indirect_vreg.gather [hbm4b:s6+s2], $0x80, v4, vm0, $0xb8;
	[tilespmem:$0x18200] =	vst v63  }
0x8b: {  	s0 =	rddreg [dreg:$0x18]  }
0x8c: {  	[tilespmem:s0], [sflag:$0x1] =	stream.indirect_vreg.gather [hbm4b:s7+s2], $0x80, v4, vm0, $0xb8;
	[tilespmem:$0x18200] =	vst v63  }
0x8d: {  	s29 =	rddreg [dreg:$0x19]  }
0x8e: {  	[tilespmem:s29], [sflag:$0x1] =	stream.indirect_vreg.gather [hbm4b:s4+s2], $0x80, v3, vm0, $0xb8;
	[tilespmem:$0x18200] =	vst v63  }
0x8f: {  	s0 =	rddreg [dreg:$0x1a]  }
0x90: {  	[tilespmem:s0], [sflag:$0x1] =	stream.indirect_vreg.gather [hbm4b:s5+s2], $0x80, v3, vm0, $0xb8;
	[tilespmem:$0x18200] =	vst v63  }
0x91: {  	s29 =	rddreg [dreg:$0x1b]  }
0x92: {  	[tilespmem:s29], [sflag:$0x1] =	stream.indirect_vreg.gather [hbm4b:s6+s2], $0x80, v3, vm0, $0xb8;
	[tilespmem:$0x18200] =	vst v63  }
0x93: {  	s0 =	rddreg [dreg:$0x1c]  }
0x94: {  	[tilespmem:s0], [sflag:$0x1] =	stream.indirect_vreg.gather [hbm4b:s7+s2], $0x80, v3, vm0, $0xb8;
	[tilespmem:$0x18200] =	vst v63  }
0x95: {  	v3 =	vld [tilespmem:$0x110];
	_ =	sdelay $0x4  }
0x96: {  	v61 =	vshll.u32 v3, $0x3  }
0x97: {  	v3 =	vand.u32 $0x7, v3;
	v4 =	vand.u32 $0xFFFFFFC0, v61  }
0x98: {  	v3 =	vor.u32 v3, v4  }
0x99: {  	v4 =	vperm.xlane v3, v0;
	_ =	sdelay $0x1  }
0x9a: {  	v4 =	vadd.s32 v1, v4;
	_ =	sdelay $0x2  }
0x9b: {  	s29 =	rddreg [dreg:$0x1e]  }
0x9c: {  	s0 =	rddreg [dreg:$0x1d]  }
0x9d: {  	[tilespmem:s0], [sflag:$0x1] =	stream.indirect_vreg.gather [hbm4b:s4+s2], $0x80, v4, vm0, $0xb8;
	[tilespmem:$0x18200] =	vst v63  }
0x9e: {  	v3 =	vperm.xlane v3, v2;
	s0 =	rddreg [dreg:$0x1f]  }
0x9f: {  	[tilespmem:s29], [sflag:$0x1] =	stream.indirect_vreg.gather [hbm4b:s5+s2], $0x80, v4, vm0, $0xb8;
	[tilespmem:$0x18200] =	vst v63  }
0xa0: {  	v3 =	vadd.s32 v1, v3;
	s29 =	sld [smem:$0x7FB]  }
0xa1: {  	[tilespmem:s0], [sflag:$0x1] =	stream.indirect_vreg.gather [hbm4b:s6+s2], $0x80, v4, vm0, $0xb8;
	[tilespmem:$0x18200] =	vst v63  }
0xa2: {  	s0 =	sld [smem:$0x7FC]  }
0xa3: {  	[tilespmem:s29], [sflag:$0x1] =	stream.indirect_vreg.gather [hbm4b:s7+s2], $0x80, v4, vm0, $0xb8;
	[tilespmem:$0x18200] =	vst v63  }
0xa4: {  	s29 =	sld [smem:$0x7FD]  }
0xa5: {  	[tilespmem:s0], [sflag:$0x1] =	stream.indirect_vreg.gather [hbm4b:s4+s2], $0x80, v3, vm0, $0xb8;
	[tilespmem:$0x18200] =	vst v63  }
0xa6: {  	_ = 	snop  }
0xa7: {  	[tilespmem:s29], [sflag:$0x1] =	stream.indirect_vreg.gather [hbm4b:s5+s2], $0x80, v3, vm0, $0xb8;
	[tilespmem:$0x18200] =	vst v63  }
0xa8: {  	s29 =	simm.s32 $0x17200  }
0xa9: {  	[tilespmem:s29], [sflag:$0x1] =	stream.indirect_vreg.gather [hbm4b:s6+s2], $0x80, v3, vm0, $0xb8;
	[tilespmem:$0x18200] =	vst v63  }
0xaa: {  	_ = 	snop  }
0xab: {  	[tilespmem:s30], [sflag:$0x1] =	stream.indirect_vreg.gather [hbm4b:s7+s2], $0x80, v3, vm0, $0xb8;
	[tilespmem:$0x18200] =	vst v63  }
0xac: {  	_ =	swait.ge [sflag:s31], $0x8000  }
0xad: {  	[sflag:s31] =	ssyncset.done $0x0  }
0xae: {  	[sflag:s31] =	ssyncadd.s32 $0xFFFF8000  }
0xaf: {  	[hbm4b:s3+s2] =	stream.linear.scatter [tilespmem:s10], [sflag:$0x2], $0x8000, $0x38;
	[tilespmem:$0x18200] =	vst v63  }
0xb0: {  	_ =	swait.ge [sflag:s1], $0x8000  }
0xb1: {  	[sflag:s1] =	ssyncset.done $0x0  }
0xb2: {  	[sflag:s1] =	ssyncadd.s32 $0xFFFF8000  }
0xb3: {  	v3 =	vld [tilespmem:$0x180];
	_ =	sdelay $0x4  }
0xb4: {  	v62 =	vshll.u32 v3, $0x3  }
0xb5: {  	v3 =	vand.u32 $0x7, v3;
	v4 =	vand.u32 $0xFFFFFFC0, v62  }
0xb6: {  	v3 =	vor.u32 v3, v4  }
0xb7: {  	v4 =	vperm.xlane v3, v0;
	_ =	sdelay $0x1  }
0xb8: {  	v4 =	vadd.s32 v1, v4;
	_ =	sdelay $0x4  }
0xb9: {  	[tilespmem:s10], [sflag:$0x1] =	stream.indirect_vreg.gather [hbm4b:s4+s2], $0x80, v4, vm0, $0xb8;
	[tilespmem:$0x18200] =	vst v63  }
0xba: {  	v3 =	vperm.xlane v3, v2  }
0xbb: {  	[tilespmem:s11], [sflag:$0x1] =	stream.indirect_vreg.gather [hbm4b:s5+s2], $0x80, v4, vm0, $0xb8;
	[tilespmem:$0x18200] =	vst v63  }
0xbc: {  	v3 =	vadd.s32 v1, v3  }
0xbd: {  	[tilespmem:s12], [sflag:$0x1] =	stream.indirect_vreg.gather [hbm4b:s6+s2], $0x80, v4, vm0, $0xb8;
	[tilespmem:$0x18200] =	vst v63  }
0xbe: {  	_ = 	snop  }
0xbf: {  	[tilespmem:s13], [sflag:$0x1] =	stream.indirect_vreg.gather [hbm4b:s7+s2], $0x80, v4, vm0, $0xb8;
	[tilespmem:$0x18200] =	vst v63  }
0xc0: {  	_ = 	snop  }
0xc1: {  	[tilespmem:s14], [sflag:$0x1] =	stream.indirect_vreg.gather [hbm4b:s4+s2], $0x80, v3, vm0, $0xb8;
	[tilespmem:$0x18200] =	vst v63  }
0xc2: {  	_ = 	snop  }
0xc3: {  	[tilespmem:s15], [sflag:$0x1] =	stream.indirect_vreg.gather [hbm4b:s5+s2], $0x80, v3, vm0, $0xb8;
	[tilespmem:$0x18200] =	vst v63  }
0xc4: {  	_ = 	snop  }
0xc5: {  	[tilespmem:s16], [sflag:$0x1] =	stream.indirect_vreg.gather [hbm4b:s6+s2], $0x80, v3, vm0, $0xb8;
	[tilespmem:$0x18200] =	vst v63  }
0xc6: {  	_ = 	snop  }
0xc7: {  	[tilespmem:s17], [sflag:$0x1] =	stream.indirect_vreg.gather [hbm4b:s7+s2], $0x80, v3, vm0, $0xb8;
	[tilespmem:$0x18200] =	vst v63  }
0xc8: {  	v3 =	vld [tilespmem:$0x190];
	_ =	sdelay $0x4  }
0xc9: {  	v63 =	vshll.u32 v3, $0x3  }
0xca: {  	v3 =	vand.u32 $0x7, v3;
	v4 =	vand.u32 $0xFFFFFFC0, v63  }
0xcb: {  	v3 =	vor.u32 v3, v4  }
0xcc: {  	v4 =	vperm.xlane v3, v0;
	_ =	sdelay $0x1  }
0xcd: {  	v4 =	vadd.s32 v1, v4;
	_ =	sdelay $0x4  }
0xce: {  	[tilespmem:s18], [sflag:$0x1] =	stream.indirect_vreg.gather [hbm4b:s4+s2], $0x80, v4, vm0, $0xb8;
	[tilespmem:$0x18200] =	vst v63  }
0xcf: {  	v3 =	vperm.xlane v3, v2  }
0xd0: {  	[tilespmem:s19], [sflag:$0x1] =	stream.indirect_vreg.gather [hbm4b:s5+s2], $0x80, v4, vm0, $0xb8;
	[tilespmem:$0x18200] =	vst v63  }
0xd1: {  	v3 =	vadd.s32 v1, v3  }
0xd2: {  	[tilespmem:s20], [sflag:$0x1] =	stream.indirect_vreg.gather [hbm4b:s6+s2], $0x80, v4, vm0, $0xb8;
	[tilespmem:$0x18200] =	vst v63  }
0xd3: {  	_ = 	snop  }
0xd4: {  	[tilespmem:s21], [sflag:$0x1] =	stream.indirect_vreg.gather [hbm4b:s7+s2], $0x80, v4, vm0, $0xb8;
	[tilespmem:$0x18200] =	vst v63  }
0xd5: {  	_ = 	snop  }
0xd6: {  	[tilespmem:s22], [sflag:$0x1] =	stream.indirect_vreg.gather [hbm4b:s4+s2], $0x80, v3, vm0, $0xb8;
	[tilespmem:$0x18200] =	vst v63  }
0xd7: {  	_ = 	snop  }
0xd8: {  	[tilespmem:s23], [sflag:$0x1] =	stream.indirect_vreg.gather [hbm4b:s5+s2], $0x80, v3, vm0, $0xb8;
	[tilespmem:$0x18200] =	vst v63  }
0xd9: {  	_ = 	snop  }
0xda: {  	[tilespmem:s24], [sflag:$0x1] =	stream.indirect_vreg.gather [hbm4b:s6+s2], $0x80, v3, vm0, $0xb8;
	[tilespmem:$0x18200] =	vst v63  }
0xdb: {  	_ = 	snop  }
0xdc: {  	[tilespmem:s25], [sflag:$0x1] =	stream.indirect_vreg.gather [hbm4b:s7+s2], $0x80, v3, vm0, $0xb8;
	[tilespmem:$0x18200] =	vst v63  }
0xdd: {  	_ =	swait.ge [sflag:s31], $0x8000  }
0xde: {  	[sflag:s31] =	ssyncset.done $0x0  }
0xdf: {  	s29 =	rddreg [dreg:$0x4];
	[sflag:s31] =	ssyncadd.s32 $0xFFFF8000  }
0xe0: {  	[hbm4b:s29+s2] =	stream.linear.scatter [tilespmem:s26], [sflag:$0x2], $0x8000, $0x38;
	[tilespmem:$0x18200] =	vst v63  }
0xe1: {  	_ =	swait.ge [sflag:s31], $0x8000  }
0xe2: {  	[sflag:s31] =	ssyncset.done $0x0  }
0xe3: {  	s29 =	rddreg [dreg:$0x5];
	[sflag:s31] =	ssyncadd.s32 $0xFFFF8000  }
0xe4: {  	[hbm4b:s29+s2] =	stream.linear.scatter [tilespmem:s28], [sflag:$0x2], $0x8000, $0x38;
	[tilespmem:$0x18200] =	vst v63  }
0xe5: {  	_ =	swait.ge [sflag:s31], $0x8000  }
0xe6: {  	[sflag:s31] =	ssyncset.done $0x0  }
0xe7: {  	s29 =	rddreg [dreg:$0x6];
	[sflag:s31] =	ssyncadd.s32 $0xFFFF8000  }
0xe8: {  	[hbm4b:s29+s2] =	stream.linear.scatter [tilespmem:s10], [sflag:$0x2], $0x8000, $0x38;
	[tilespmem:$0x18200] =	vst v63  }
0xe9: {  	_ =	swait.ge [sflag:s1], $0x8000  }
0xea: {  	[sflag:s1] =	ssyncset.done $0x0  }
0xeb: {  	[sflag:s1] =	ssyncadd.s32 $0xFFFF8000  }
0xec: {  	p0 =	sne.s32 s8, $0x1;
	_ =	swait.ge [sflag:s1], $0x8000  }
.Ltmp0:
0xed: {  	[sflag:s1] =	ssyncset.done $0x0;
	(pc) =	sbr.rel @p0 .LBB2_1-.Ltmp0, $4  }
0xee: {  	[sflag:s1] =	ssyncadd.s32 $0xFFFF8000  }
0xef: {  	_ =	swait.ge [sflag:s1], $0x8000  }
0xf0: {  	[sflag:s1] =	ssyncset.done $0x0  }
0xf1: {  	s8 =	sadd.s32 $0xFFFFFFFF, s8;
	[sflag:s1] =	ssyncadd.s32 $0xFFFF8000  }
0xf2: {  	_ =	sfence.sel $0x180000  }
0xf3: {  	[bflag:$0x0] =	sbarrier.arrive $0xFFFF  }
0xf4: {  	_ =	strace $0x90000047  }
0xf5: {  	s0 =	stileid.u32;
	[bflag:$0x2] =	sbarrier.arrive $0xFFFF  }
0xf6: {  	p0 =	sne.s32 s0, $0x0;
	s0 =	rddreg [dreg:$0x2]  }
0xf7: {  	s0 =	sadd.s32 @!p0 $0x100000, s0  }
0xf8: {  	[sflag:s0] =	ssyncadd.tile.s32 @!p0 $0x1;
	_ =	shalt  }
.Lfunc_end2:
_tile_overlayer_lowered:
.L_overlay_start_2:
0xf9: {  	(tag) =	ssettag $0x2  }
0xfa: {  	s0 =	rddreg [dreg:$0x0];
	s2 =	stileid.u32  }
0xfb: {  	s1 =	rddreg [dreg:$0x1];
	p0 =	sne.s32 s2, $0x0  }
0xfc: {  	s3 =	rddreg [dreg:$0x2];
	[bflag:$0x3] =	sbarrier.arrive $0xFFFF;
	s2 =	simm.s32 @!p0 $0x1C03  }
0xfd: {  	[timem:s3], [sflag:s2] =	dma.local @!p0 [hbm:s0], s1  }
0xfe: {  	s0 =	simm.s32 @!p0 $0x3  }
0xff: {  	_ =	swait.ge @!p0 [sflag:s0], s1  }
0x100: {  	s1 =	ssub.s32 @!p0 $0x0, s1;
	[sflag:s0] =	ssyncset.done @!p0 $0x0  }
0x101: {  	[sflag:s0] =	ssyncadd.s32 @!p0 s1  }
0x102: {  	[bflag:$0x3] =	sbarrier.arrive $0xFFFF  }
0x103: {  	_ =	shalt  }

// kernel: kernel.14.cloned.1.call-start
scs
__scs_entry_jumppad:
0x0: {  	(pc) =	sbr.rel $0x88, $3  }
0x1: {  	(tag) =	ssettag $0x0;
	lr =	simm.s32 $0x1  }
0x2: {  	[smem:$0x3F9A] =	sst lr;
	_ =	strace $0xD0000000  }
0x3: {  	_ = 	snop  }
0x4: {  	_ = 	snop  }
0x5: {  	_ = 	snop  }
0x6: {  	_ = 	snop  }
0x7: {  	_ = 	snop  }
__scs_overlays_trampoline_lowered:
0x8: {  	[smem:$0x3FA9] =	sst s0  }
0x9: {  	[smem:$0x3FAA] =	sst s1  }
0xa: {  	[smem:$0x3FAB] =	sst s2  }
0xb: {  	[smem:$0x3FAC] =	sst s3  }
0xc: {  	[smem:$0x3FAD] =	sst s4  }
0xd: {  	[smem:$0x3FAE] =	sst s5  }
0xe: {  	[smem:$0x3FAF] =	sst s6  }
0xf: {  	[smem:$0x3FB0] =	sst s7  }
0x10: {  	[smem:$0x3FB1] =	sst s8  }
0x11: {  	[smem:$0x3FB2] =	sst s9;
	s0 =	simm.s32 @!p0 $0x0  }
0x12: {  	s1 =	sld [smem:$0x3F98];
	s0 =	simm.s32 @p0 $0x1  }
0x13: {  	[smem:$0x3FB3] =	sst s0;
	s0 =	simm.s32 @!p1 $0x0  }
0x14: {  	s2 =	sld [smem:$0x3F97];
	s0 =	simm.s32 @p1 $0x1  }
0x15: {  	[smem:$0x3FB4] =	sst s0;
	s0 =	simm.s32 @!p2 $0x0  }
0x16: {  	s3 =	sld [smem:$0x3FDB];
	s0 =	simm.s32 @p2 $0x1  }
0x17: {  	s4 =	simm.s32 $0x1BF5;
	[smem:$0x3FB6] =	sst s0  }
0x18: {  	s0 =	sld [smem:$0x3F99];
	_ =	swait.ge [sflag:s4], $0x0  }
0x19: {  	s7 =	sld [smem:$0x3F9A]  }
0x1a: {  	s8 =	sadd.s32 $0xFFFFE003, lr  }
0x1b: {  	s9 =	sadd.s32 $0xFFFFFEF7, lr;
	s5 =	simm.s32 $0xFFFFFFFF;
	p2 =	slt.u32 s8, $0xFFFFF086  }
0x1c: {  	p1 =	slt.u32 s9, $0xF7A;
	s5 =	simm.s32 @!p2 $0x0  }
0x1d: {  	s5 =	simm.s32 @p1 $0x1;
	p0 =	seq.s32 s7, s2  }
0x1e: {  	s7 =	smul.u32 @!p0 $0xF7A, s2;
	p2 =	seq.s32 @!p0 s5, $0x0  }
0x1f: {  	s9 =	smul.u32 $0xF7A, s1;
	s8 =	simm.s32 @!p0 $0x1BF5;
	p2 =	por !p2, p0  }
0x20: {  	[sflag:s8] =	ssyncset.s32 @!p0 $0xFFFFF086;
	s6 =	sadd.s32 @!p0 s3, s7;
	s7 =	simm.s32 @!p0 $0x108  }
0x21: {  	s3 =	sadd.s32 s3, s9;
	s6 =	sadd.s32 @!p0 $0x88, s6;
	s7 =	simm.s32 @p2 $0x1082  }
0x22: {  	[simem:s7], [sflag:s8] =	dma.local @!p0 [hbm:s6], $0xF7A  }
0x23: {  	s9 =	sor.u32 $0xD0000000, s2;
	s6 =	simm.s32 $0x108;
	_ =	swait.ge @!p0 [sflag:s8], $0x0  }
0x24: {  	s3 =	sadd.s32 $0x88, s3;
	s6 =	simm.s32 @!p1 $0x1082;
	[sflag:s4] =	ssyncset.s32 $0xFFFFF086  }
0x25: {  	[simem:s6], [sflag:s4] =	dma.local [hbm:s3], $0xF7A  }
0x26: {  	[smem:$0x3F9A] =	sst s1;
	(tag) =	ssettag s2;
	_ =	strace s9  }
0x27: {  	s1 =	sld [smem:$0x3FAA]  }
0x28: {  	s2 =	sld [smem:$0x3FAB]  }
0x29: {  	s4 =	sld [smem:$0x3FAD]  }
0x2a: {  	p0 =	seq.s32 s5, $0x0;
	s5 =	sld [smem:$0x3FAE]  }
0x2b: {  	s6 =	sld [smem:$0x3FAF]  }
0x2c: {  	s7 =	sld [smem:$0x3FB0]  }
0x2d: {  	s3 =	simm.s32 $0x108;
	s8 =	sld [smem:$0x3FB1]  }
0x2e: {  	s3 =	simm.s32 @!p0 $0x1082;
	s9 =	sld [smem:$0x3FB2]  }
0x2f: {  	lr =	sadd.s32 s0, s3;
	s0 =	sld [smem:$0x3FA9]  }
0x30: {  	s3 =	sld [smem:$0x3FAC]  }
0x31: {  	[smem:$0x3FB5] =	sst s10  }
0x32: {  	s10 =	sld [smem:$0x3FB3];
	_ =	sdelay $0x3  }
0x33: {  	p0 =	seq.s32 s10, $0x1;
	s10 =	sld [smem:$0x3FB5];
	_ =	sdelay $0x3  }
0x34: {  	[smem:$0x3FB5] =	sst s10  }
0x35: {  	s10 =	sld [smem:$0x3FB4];
	_ =	sdelay $0x3  }
0x36: {  	p1 =	seq.s32 s10, $0x1;
	s10 =	sld [smem:$0x3FB5];
	_ =	sdelay $0x3  }
0x37: {  	[smem:$0x3FB5] =	sst s10  }
0x38: {  	s10 =	sld [smem:$0x3FB6]  }
0x39: {  	_ = 	snop;
	(pc) =	sbr.ind lr, $3  }
0x3a: {  	_ = 	snop  }
0x3b: {  	_ = 	snop  }
0x3c: {  	p2 =	seq.s32 s10, $0x1;
	s10 =	sld [smem:$0x3FB5]  }
0x3d: {  	_ =	shalt  }
0x3e: {  	_ =	shalt  }
0x3f: {  	_ =	shalt  }
0x40: {  	_ =	shalt  }
0x41: {  	_ =	shalt  }
0x42: {  	_ =	shalt  }
0x43: {  	_ =	shalt  }
0x44: {  	_ =	shalt  }
0x45: {  	_ =	shalt  }
0x46: {  	_ =	shalt  }
0x47: {  	_ =	shalt  }
0x48: {  	_ =	shalt  }
0x49: {  	_ =	shalt  }
0x4a: {  	_ =	shalt  }
0x4b: {  	_ =	shalt  }
0x4c: {  	_ =	shalt  }
0x4d: {  	_ =	shalt  }
0x4e: {  	_ =	shalt  }
0x4f: {  	_ =	shalt  }
0x50: {  	_ =	shalt  }
0x51: {  	_ =	shalt  }
0x52: {  	_ =	shalt  }
0x53: {  	_ =	shalt  }
0x54: {  	_ =	shalt  }
0x55: {  	_ =	shalt  }
0x56: {  	_ =	shalt  }
0x57: {  	_ =	shalt  }
0x58: {  	_ =	shalt  }
0x59: {  	_ =	shalt  }
0x5a: {  	_ =	shalt  }
0x5b: {  	_ =	shalt  }
0x5c: {  	_ =	shalt  }
0x5d: {  	_ =	shalt  }
0x5e: {  	_ =	shalt  }
0x5f: {  	_ =	shalt  }
0x60: {  	_ =	shalt  }
0x61: {  	_ =	shalt  }
0x62: {  	_ =	shalt  }
0x63: {  	_ =	shalt  }
0x64: {  	_ =	shalt  }
0x65: {  	_ =	shalt  }
0x66: {  	_ =	shalt  }
0x67: {  	_ =	shalt  }
0x68: {  	_ =	shalt  }
0x69: {  	_ =	shalt  }
0x6a: {  	_ =	shalt  }
0x6b: {  	_ =	shalt  }
0x6c: {  	_ =	shalt  }
0x6d: {  	_ =	shalt  }
0x6e: {  	_ =	shalt  }
0x6f: {  	_ =	shalt  }
0x70: {  	_ =	shalt  }
0x71: {  	_ =	shalt  }
0x72: {  	_ =	shalt  }
0x73: {  	_ =	shalt  }
0x74: {  	_ =	shalt  }
0x75: {  	_ =	shalt  }
0x76: {  	_ =	shalt  }
0x77: {  	_ =	shalt  }
0x78: {  	_ =	shalt  }
0x79: {  	_ =	shalt  }
0x7a: {  	_ =	shalt  }
0x7b: {  	_ =	shalt  }
0x7c: {  	_ =	shalt  }
0x7d: {  	_ =	shalt  }
0x7e: {  	_ =	shalt  }
0x7f: {  	_ =	shalt  }
0x80: {  	_ =	shalt  }
0x81: {  	_ =	shalt  }
0x82: {  	_ =	shalt  }
0x83: {  	_ =	shalt  }
0x84: {  	_ =	shalt  }
0x85: {  	_ =	shalt  }
0x86: {  	_ =	shalt  }
0x87: {  	_ =	shalt  }
.Lfunc_end0:
.L_simem_size_0:
called_computation.1_lowered:
.L_overlay_start_0:
0x88: {  	s2 =	sld [smem:$0x3FD9]  }
0x89: {  	s3 =	sld [smem:$0x3FFE];
	_ =	sdelay $0x1  }
0x8a: {  	s1 =	srdreg.scid  }
0x8b: {  	s0 =	sand.u32 $0x1, s1  }
0x8c: {  	s17 =	sshll.u32 s0, $0xA;
	s2 =	sadd.s32 s3, s2  }
0x8d: {  	s2 =	sadd.s32 s2, s17  }
0x8e: {  	[smem:$0x3FC1] =	sst s2  }
0x8f: {  	_ = 	snop  }
0x90: {  	s2 =	sld [smem:$0x3FD0];
	(tm) =	ssettm $0x1  }
0x91: {  	s18 =	sld [smem:$0x3FFB];
	_ =	sdelay $0x3  }
0x92: {  	_ =	strace s18  }
0x93: {  	s3 =	sld [smem:$0x3FFC];
	_ =	sdelay $0x3  }
0x94: {  	_ =	strace s3  }
0x95: {  	s3 =	sld [smem:$0x3FFD];
	_ =	sdelay $0x3  }
0x96: {  	_ =	strace s3  }
0x97: {  	_ =	strace $0x8FFFFFFF  }
0x98: {  	s19 =	sld [smem:$0x3FDB];
	_ =	sdelay $0x1  }
0x99: {  	s4 =	simm.s32 $_scs_section_size  }
0x9a: {  	s5 =	simm.s32 $_size__tile_overlayer_lowered;
	s6 =	simm.s32 $_tile_overlayer_lowered  }
0x9b: {  	s22 =	simm.s32 $0x1BFF;
	s21 =	sshll.u32 s6, $0x1;
	s3 =	sadd.s32 s4, s19  }
0x9c: {  	s7 =	simm.s32 $0x0;
	s20 =	sshll.u32 s5, $0x1;
	s5 =	sadd.s32 s21, s3  }
0x9d: {  	[timem:s7], [sflag:s22] =	dma.local [hbm:s5], s20  }
0x9e: {  	_ =	swait.ge [sflag:s22], s20  }
0x9f: {  	s4 =	ssub.s32 $0x0, s20;
	[sflag:s22] =	ssyncset.done $0x0  }
0xa0: {  	[sflag:s22] =	ssyncadd.s32 s4;
	_ =	sdelay $0x1  }
0xa1: {  	s23 =	simm.s32 $0x1B8B  }
0xa2: {  	_ =	swait.ge [sflag:s23], $0x1  }
0xa3: {  	[sflag:s23] =	ssyncset.done $0x0  }
0xa4: {  	s25 =	simm.s32 $0x1B8E;
	s24 =	sld [smem:$0x3FFE];
	[sflag:s23] =	ssyncadd.s32 $0xFFFFFFFF  }
0xa5: {  	s26 =	simm.s32 $execute0_lowered;
	[smem:$0x3FD2] =	sst s25  }
0xa6: {  	s5 =	sshll.u32 s26, $0x1;
	_ =	strace $0x80000049;
	[dreg:$0x1] =	wrdreg $0xFFFFFFFF  }
0xa7: {  	s28 =	simm.s32 $_size_execute0_lowered;
	s3 =	sadd.s32 s3, s5;
	[dreg:$0x0] =	wrdreg $0x0  }
0xa8: {  	s5 =	sshll.u32 s28, $0x1;
	[dreg:$0x2] =	wrdreg s3  }
0xa9: {  	[dreg:$0x3] =	wrdreg s5  }
0xaa: {  	[dreg:$0x4] =	wrdreg $0xC0  }
0xab: {  	_ =	task [dreg:s7], $0x5FFFF  }
0xac: {  	[dreg:$0x1] =	wrdreg $0xFFFFFFFF  }
0xad: {  	[dreg:$0x0] =	wrdreg $0x60  }
0xae: {  	[dreg:$0x2] =	wrdreg s24  }
0xaf: {  	[dreg:$0x3] =	wrdreg s2  }
0xb0: {  	[dreg:$0x4] =	wrdreg $0x9  }
0xb1: {  	_ =	task.clear_ibuf [dreg:s7], $0x5FFFF;
	_ =	strace $0x90000049  }
0xb2: {  	s29 =	simm.s32 $0x9;
	_ =	strace $0x8000004B  }
0xb3: {  	_ =	swait.ge [sflag:s29], $0x1  }
0xb4: {  	[sflag:s29] =	ssyncadd.s32 $0xFFFFFFFF  }
0xb5: {  	_ =	strace $0x9000004B  }
0xb6: {  	_ =	sfence  }
0xb7: {  	s30 =	sld [smem:$0x0];
	_ =	sdelay $0x2  }
0xb8: {  	s31 =	sshll.u32 s1, $0xD;
	s1 =	sshrl.u32 s1, $0x2  }
0xb9: {  	s3 =	sand.u32 $0x4000, s31;
	s1 =	sadd.s32 s1, s30  }
0xba: {  	s0 =	sor.u32 s3, s0;
	s1 =	sshll.u32 s1, $0x11  }
0xbb: {  	s0 =	sor.u32 s1, s0  }
0xbc: {  	s0 =	sadd.s32 $0x8F2B, s0  }
0xbd: {  	[sflag:s0] =	ssyncadd.remote.s32 $0x1  }
0xbe: {  	_ =	sfence.sel $0xFFFF  }
0xbf: {  	[dreg:$0x0] =	wrdreg $0xFFFFFFFF;
	(pc) =	sbr.abs _section_cstart, $3  }
0xc0: {  	[dreg:$0x1] =	wrdreg $0xFFFFFFFF  }
0xc1: {  	_ =	task.clear_ibuf [dreg:s7], $0x2FFFF;
	_ =	strace $0x9FFFFFFF  }
0xc2: {  	(tm) =	ssettm $0x7FFFFFFF  }
0xc3: {  	_ =	shalt  }
tec
execute0_lowered:
.L_overlay_start_1:
0x0: {  	(tag) =	ssettag $0x1  }
0x1: {  	s1 =	srdreg.scid;
	s0 =	stileid.u32  }
0x2: {  	s6 =	rddreg [dreg:$0x0];
	s1 =	sand.u32 $0x1, s1;
	s2 =	sshll.u32 s0, $0x1  }
0x3: {  	s3 =	rddreg [dreg:$0x1];
	s4 =	sor.u32 s1, s2;
	s2 =	simm.s32 $0x0  }
0x4: {  	s25 =	simm.s32 $0x8A00;
	[smem:$0x7FF] =	sst s2  }
0x5: {  	s26 =	simm.s32 $0x9200;
	_ =	strace $0x8000004A;
	[dreg:$0x8] =	wrdreg s25  }
0x6: {  	s28 =	simm.s32 $0x9A00;
	s8 =	simm.s32 $0xB200;
	[dreg:$0x9] =	wrdreg s26  }
0x7: {  	s9 =	simm.s32 $0xBA00;
	s0 =	simm.s32 $0xA200;
	[dreg:$0xa] =	wrdreg s28  }
0x8: {  	s10 =	simm.s32 $0xCA00;
	s11 =	simm.s32 $0xDA00;
	[dreg:$0xb] =	wrdreg s0  }
0x9: {  	s12 =	simm.s32 $0xE200;
	s13 =	simm.s32 $0xEA00;
	[dreg:$0xd] =	wrdreg s8  }
0xa: {  	s14 =	simm.s32 $0xF200;
	s15 =	simm.s32 $0xFA00;
	[dreg:$0xe] =	wrdreg s9  }
0xb: {  	s16 =	simm.s32 $0x10A00;
	s17 =	simm.s32 $0x11200;
	[dreg:$0x10] =	wrdreg s10  }
0xc: {  	s18 =	simm.s32 $0x11A00;
	s19 =	simm.s32 $0x12200;
	[dreg:$0x12] =	wrdreg s11  }
0xd: {  	s20 =	simm.s32 $0x12A00;
	s21 =	simm.s32 $0x13200;
	[dreg:$0x13] =	wrdreg s12  }
0xe: {  	s22 =	simm.s32 $0x13A00;
	s29 =	simm.s32 $0x17200;
	[dreg:$0x14] =	wrdreg s13  }
0xf: {  	s30 =	simm.s32 $0x17A00;
	s31 =	simm.s32 $0x1;
	[dreg:$0x15] =	wrdreg s14  }
0x10: {  	s1 =	ssub.s32 $0x2, s1;
	s5 =	sshll.u32 s4, $0x6;
	[dreg:$0x16] =	wrdreg s15  }
0x11: {  	s4 =	sshll.u32 s4, $0xE;
	s7 =	sshrl.u32 s1, $0x1;
	[dreg:$0x17] =	wrdreg s16  }
0x12: {  	s5 =	sadd.s32 s5, s6;
	s3 =	sadd.s32 s4, s3;
	[dreg:$0x18] =	wrdreg s17  }
0x13: {  	s1 =	ssub.s32 s1, s7;
	s7 =	simm.s32 $0xC200;
	[dreg:$0x19] =	wrdreg s18  }
0x14: {  	s8 =	simm.s32 $0xD200;
	s9 =	simm.s32 $0x200;
	[dreg:$0x1a] =	wrdreg s19  }
0x15: {  	s10 =	simm.s32 $0xA00;
	s11 =	simm.s32 $0x1200;
	[dreg:$0x1b] =	wrdreg s20  }
0x16: {  	s12 =	simm.s32 $0x1A00;
	s13 =	simm.s32 $0x2200;
	[dreg:$0x1c] =	wrdreg s21  }
0x17: {  	s14 =	simm.s32 $0x2A00;
	s15 =	simm.s32 $0x3200;
	[dreg:$0x1d] =	wrdreg s22  }
0x18: {  	s16 =	simm.s32 $0x3A00;
	s17 =	simm.s32 $0x4200;
	[dreg:$0xf] =	wrdreg s7  }
0x19: {  	s18 =	simm.s32 $0x4A00;
	s25 =	simm.s32 $0x15200;
	[dreg:$0x11] =	wrdreg s8  }
0x1a: {  	s19 =	simm.s32 $0x5200;
	s26 =	simm.s32 $0x15A00;
	[smem:$0x7FB] =	sst s25  }
0x1b: {  	s20 =	simm.s32 $0x5A00;
	s28 =	simm.s32 $0x16200;
	[smem:$0x7FC] =	sst s26  }
0x1c: {  	s21 =	simm.s32 $0x6200;
	s5 =	sadd.s32 $0x81400, s5;
	[smem:$0x7FD] =	sst s28  }
0x1d: {  	s22 =	simm.s32 $0x6A00;
	s4 =	sadd.s32 $0x80000, s3;
	[dreg:$0x3] =	wrdreg s5  }
0x1e: {  	s23 =	sadd.s32 $0x81000, s3;
	s24 =	sadd.s32 $0x82000, s3;
	[dreg:$0x4] =	wrdreg s4  }
0x1f: {  	s3 =	sadd.s32 $0x83000, s3;
	s7 =	smax.u32 s1, $0x1;
	[dreg:$0x5] =	wrdreg s23  }
0x20: {  	s8 =	simm.s32 $0x3;
	s25 =	simm.s32 $0x8200;
	[dreg:$0x6] =	wrdreg s24  }
0x21: {  	s26 =	simm.s32 $0x10200;
	s1 =	simm.s32 $0x2;
	[dreg:$0x7] =	wrdreg s3  }
0x22: {  	s3 =	sadd.s32 $0x1400, s6;
	s5 =	simm.s32 $0xAA00;
	s4 =	sadd.s32 $0x1500, s6  }
0x23: {  	v2 =	vlaneseq.u32;
	s23 =	simm.s32 $0x14200;
	s24 =	simm.s32 $0x14A00;
	[dreg:$0xc] =	wrdreg s5  }
0x24: {  	vm0 =	vmmov $0xffff;
	v1 =	vshrl.u32 v2, $0x3;
	s5 =	sadd.s32 $0x1600, s6;
	s6 =	sadd.s32 $0x1700, s6;
	[dreg:$0x1e] =	wrdreg s23  }
0x25: {  	v0 =	vand.u32 $0x7, v2;
	v2 =	vor.u32 $0x8, v2;
	v1 =	vmul.u32 $0x8, v1;
	[dreg:$0x1f] =	wrdreg s24;
	s23 =	simm.s32 $0x7200;
	s24 =	simm.s32 $0x7A00  }
.LBB2_1:
0x26: {  	s0 =	rddreg [dreg:$0x3]  }
0x27: {  	[tilespmem:s2], [sflag:$0x3] =	stream.linear.gather [hbm4b:s0+s2], $0x200, $0x38;
	[tilespmem:$0x18200] =	vst v63  }
0x28: {  	_ =	swait.ge [sflag:s8], $0x200  }
0x29: {  	[sflag:s8] =	ssyncset.done $0x0  }
0x2a: {  	[sflag:s8] =	ssyncadd.s32 $0xFFFFFE00  }
0x2b: {  	v3 =	vld [tilespmem:$0x0];
	_ =	sdelay $0x4  }
0x2c: {  	v4 =	vshll.u32 v3, $0x3  }
0x2d: {  	v3 =	vand.u32 $0x7, v3;
	v4 =	vand.u32 $0xFFFFFFC0, v4  }
0x2e: {  	v3 =	vor.u32 v3, v4  }
0x2f: {  	v4 =	vperm.xlane v3, v0;
	_ =	sdelay $0x1  }
0x30: {  	v4 =	vadd.s32 v1, v4;
	_ =	sdelay $0x4  }
0x31: {  	[tilespmem:s9], [sflag:$0x1] =	stream.indirect_vreg.gather [hbm4b:s3+s2], $0x80, v4, vm0, $0xb8;
	[tilespmem:$0x18200] =	vst v63  }
0x32: {  	v3 =	vperm.xlane v3, v2  }
0x33: {  	[tilespmem:s10], [sflag:$0x1] =	stream.indirect_vreg.gather [hbm4b:s4+s2], $0x80, v4, vm0, $0xb8;
	[tilespmem:$0x18200] =	vst v63  }
0x34: {  	v3 =	vadd.s32 v1, v3  }
0x35: {  	[tilespmem:s11], [sflag:$0x1] =	stream.indirect_vreg.gather [hbm4b:s5+s2], $0x80, v4, vm0, $0xb8;
	[tilespmem:$0x18200] =	vst v63  }
0x36: {  	_ = 	snop  }
0x37: {  	[tilespmem:s12], [sflag:$0x1] =	stream.indirect_vreg.gather [hbm4b:s6+s2], $0x80, v4, vm0, $0xb8;
	[tilespmem:$0x18200] =	vst v63  }
0x38: {  	_ = 	snop  }
0x39: {  	[tilespmem:s13], [sflag:$0x1] =	stream.indirect_vreg.gather [hbm4b:s3+s2], $0x80, v3, vm0, $0xb8;
	[tilespmem:$0x18200] =	vst v63  }
0x3a: {  	_ = 	snop  }
0x3b: {  	[tilespmem:s14], [sflag:$0x1] =	stream.indirect_vreg.gather [hbm4b:s4+s2], $0x80, v3, vm0, $0xb8;
	[tilespmem:$0x18200] =	vst v63  }
0x3c: {  	_ = 	snop  }
0x3d: {  	[tilespmem:s15], [sflag:$0x1] =	stream.indirect_vreg.gather [hbm4b:s5+s2], $0x80, v3, vm0, $0xb8;
	[tilespmem:$0x18200] =	vst v63  }
0x3e: {  	_ = 	snop  }
0x3f: {  	[tilespmem:s16], [sflag:$0x1] =	stream.indirect_vreg.gather [hbm4b:s6+s2], $0x80, v3, vm0, $0xb8;
	[tilespmem:$0x18200] =	vst v63  }
0x40: {  	v3 =	vld [tilespmem:$0x10];
	_ =	sdelay $0x4  }
0x41: {  	v57 =	vshll.u32 v3, $0x3  }
0x42: {  	v3 =	vand.u32 $0x7, v3;
	v4 =	vand.u32 $0xFFFFFFC0, v57  }
0x43: {  	v3 =	vor.u32 v3, v4  }
0x44: {  	v4 =	vperm.xlane v3, v0;
	_ =	sdelay $0x1  }
0x45: {  	v4 =	vadd.s32 v1, v4;
	_ =	sdelay $0x4  }
0x46: {  	[tilespmem:s17], [sflag:$0x1] =	stream.indirect_vreg.gather [hbm4b:s3+s2], $0x80, v4, vm0, $0xb8;
	[tilespmem:$0x18200] =	vst v63  }
0x47: {  	v3 =	vperm.xlane v3, v2  }
0x48: {  	[tilespmem:s18], [sflag:$0x1] =	stream.indirect_vreg.gather [hbm4b:s4+s2], $0x80, v4, vm0, $0xb8;
	[tilespmem:$0x18200] =	vst v63  }
0x49: {  	v3 =	vadd.s32 v1, v3  }
0x4a: {  	[tilespmem:s19], [sflag:$0x1] =	stream.indirect_vreg.gather [hbm4b:s5+s2], $0x80, v4, vm0, $0xb8;
	[tilespmem:$0x18200] =	vst v63  }
0x4b: {  	_ = 	snop  }
0x4c: {  	[tilespmem:s20], [sflag:$0x1] =	stream.indirect_vreg.gather [hbm4b:s6+s2], $0x80, v4, vm0, $0xb8;
	[tilespmem:$0x18200] =	vst v63  }
0x4d: {  	_ = 	snop  }
0x4e: {  	[tilespmem:s21], [sflag:$0x1] =	stream.indirect_vreg.gather [hbm4b:s3+s2], $0x80, v3, vm0, $0xb8;
	[tilespmem:$0x18200] =	vst v63  }
0x4f: {  	_ = 	snop  }
0x50: {  	[tilespmem:s22], [sflag:$0x1] =	stream.indirect_vreg.gather [hbm4b:s4+s2], $0x80, v3, vm0, $0xb8;
	[tilespmem:$0x18200] =	vst v63  }
0x51: {  	_ = 	snop  }
0x52: {  	[tilespmem:s23], [sflag:$0x1] =	stream.indirect_vreg.gather [hbm4b:s5+s2], $0x80, v3, vm0, $0xb8;
	[tilespmem:$0x18200] =	vst v63  }
0x53: {  	_ = 	snop  }
0x54: {  	[tilespmem:s24], [sflag:$0x1] =	stream.indirect_vreg.gather [hbm4b:s6+s2], $0x80, v3, vm0, $0xb8;
	[tilespmem:$0x18200] =	vst v63  }
0x55: {  	v3 =	vld [tilespmem:$0x80];
	_ =	sdelay $0x4  }
0x56: {  	v58 =	vshll.u32 v3, $0x3  }
0x57: {  	v3 =	vand.u32 $0x7, v3;
	v4 =	vand.u32 $0xFFFFFFC0, v58  }
0x58: {  	v3 =	vor.u32 v3, v4  }
0x59: {  	v4 =	vperm.xlane v3, v0;
	_ =	sdelay $0x1  }
0x5a: {  	v4 =	vadd.s32 v1, v4;
	_ =	sdelay $0x4  }
0x5b: {  	[tilespmem:s25], [sflag:$0x1] =	stream.indirect_vreg.gather [hbm4b:s3+s2], $0x80, v4, vm0, $0xb8;
	[tilespmem:$0x18200] =	vst v63  }
0x5c: {  	s0 =	rddreg [dreg:$0x8];
	v3 =	vperm.xlane v3, v2  }
0x5d: {  	[tilespmem:s0], [sflag:$0x1] =	stream.indirect_vreg.gather [hbm4b:s4+s2], $0x80, v4, vm0, $0xb8;
	[tilespmem:$0x18200] =	vst v63  }
0x5e: {  	s28 =	rddreg [dreg:$0x9];
	v3 =	vadd.s32 v1, v3  }
0x5f: {  	[tilespmem:s28], [sflag:$0x1] =	stream.indirect_vreg.gather [hbm4b:s5+s2], $0x80, v4, vm0, $0xb8;
	[tilespmem:$0x18200] =	vst v63  }
0x60: {  	s0 =	rddreg [dreg:$0xa]  }
0x61: {  	[tilespmem:s0], [sflag:$0x1] =	stream.indirect_vreg.gather [hbm4b:s6+s2], $0x80, v4, vm0, $0xb8;
	[tilespmem:$0x18200] =	vst v63  }
0x62: {  	s28 =	rddreg [dreg:$0xb]  }
0x63: {  	[tilespmem:s28], [sflag:$0x1] =	stream.indirect_vreg.gather [hbm4b:s3+s2], $0x80, v3, vm0, $0xb8;
	[tilespmem:$0x18200] =	vst v63  }
0x64: {  	s0 =	rddreg [dreg:$0xc]  }
0x65: {  	[tilespmem:s0], [sflag:$0x1] =	stream.indirect_vreg.gather [hbm4b:s4+s2], $0x80, v3, vm0, $0xb8;
	[tilespmem:$0x18200] =	vst v63  }
0x66: {  	s28 =	rddreg [dreg:$0xd]  }
0x67: {  	[tilespmem:s28], [sflag:$0x1] =	stream.indirect_vreg.gather [hbm4b:s5+s2], $0x80, v3, vm0, $0xb8;
	[tilespmem:$0x18200] =	vst v63  }
0x68: {  	s0 =	rddreg [dreg:$0xe]  }
0x69: {  	[tilespmem:s0], [sflag:$0x1] =	stream.indirect_vreg.gather [hbm4b:s6+s2], $0x80, v3, vm0, $0xb8;
	[tilespmem:$0x18200] =	vst v63  }
0x6a: {  	v3 =	vld [tilespmem:$0x90];
	_ =	sdelay $0x4  }
0x6b: {  	v59 =	vshll.u32 v3, $0x3  }
0x6c: {  	v3 =	vand.u32 $0x7, v3;
	v4 =	vand.u32 $0xFFFFFFC0, v59  }
0x6d: {  	v3 =	vor.u32 v3, v4  }
0x6e: {  	v4 =	vperm.xlane v3, v0;
	_ =	sdelay $0x1  }
0x6f: {  	v4 =	vadd.s32 v1, v4;
	_ =	sdelay $0x3  }
0x70: {  	s0 =	rddreg [dreg:$0xf]  }
0x71: {  	[tilespmem:s0], [sflag:$0x1] =	stream.indirect_vreg.gather [hbm4b:s3+s2], $0x80, v4, vm0, $0xb8;
	[tilespmem:$0x18200] =	vst v63  }
0x72: {  	s28 =	rddreg [dreg:$0x10];
	v3 =	vperm.xlane v3, v2  }
0x73: {  	[tilespmem:s28], [sflag:$0x1] =	stream.indirect_vreg.gather [hbm4b:s4+s2], $0x80, v4, vm0, $0xb8;
	[tilespmem:$0x18200] =	vst v63  }
0x74: {  	v3 =	vadd.s32 v1, v3;
	s0 =	rddreg [dreg:$0x11]  }
0x75: {  	[tilespmem:s0], [sflag:$0x1] =	stream.indirect_vreg.gather [hbm4b:s5+s2], $0x80, v4, vm0, $0xb8;
	[tilespmem:$0x18200] =	vst v63  }
0x76: {  	s28 =	rddreg [dreg:$0x12]  }
0x77: {  	[tilespmem:s28], [sflag:$0x1] =	stream.indirect_vreg.gather [hbm4b:s6+s2], $0x80, v4, vm0, $0xb8;
	[tilespmem:$0x18200] =	vst v63  }
0x78: {  	s0 =	rddreg [dreg:$0x13]  }
0x79: {  	[tilespmem:s0], [sflag:$0x1] =	stream.indirect_vreg.gather [hbm4b:s3+s2], $0x80, v3, vm0, $0xb8;
	[tilespmem:$0x18200] =	vst v63  }
0x7a: {  	s28 =	rddreg [dreg:$0x14]  }
0x7b: {  	[tilespmem:s28], [sflag:$0x1] =	stream.indirect_vreg.gather [hbm4b:s4+s2], $0x80, v3, vm0, $0xb8;
	[tilespmem:$0x18200] =	vst v63  }
0x7c: {  	s0 =	rddreg [dreg:$0x15]  }
0x7d: {  	[tilespmem:s0], [sflag:$0x1] =	stream.indirect_vreg.gather [hbm4b:s5+s2], $0x80, v3, vm0, $0xb8;
	[tilespmem:$0x18200] =	vst v63  }
0x7e: {  	s28 =	rddreg [dreg:$0x16]  }
0x7f: {  	[tilespmem:s28], [sflag:$0x1] =	stream.indirect_vreg.gather [hbm4b:s6+s2], $0x80, v3, vm0, $0xb8;
	[tilespmem:$0x18200] =	vst v63  }
0x80: {  	v3 =	vld [tilespmem:$0x100];
	_ =	sdelay $0x4  }
0x81: {  	v60 =	vshll.u32 v3, $0x3  }
0x82: {  	v3 =	vand.u32 $0x7, v3;
	v4 =	vand.u32 $0xFFFFFFC0, v60  }
0x83: {  	v3 =	vor.u32 v3, v4  }
0x84: {  	v4 =	vperm.xlane v3, v0;
	_ =	sdelay $0x1  }
0x85: {  	v4 =	vadd.s32 v1, v4;
	_ =	sdelay $0x4  }
0x86: {  	[tilespmem:s26], [sflag:$0x1] =	stream.indirect_vreg.gather [hbm4b:s3+s2], $0x80, v4, vm0, $0xb8;
	[tilespmem:$0x18200] =	vst v63  }
0x87: {  	s0 =	rddreg [dreg:$0x17];
	v3 =	vperm.xlane v3, v2  }
0x88: {  	[tilespmem:s0], [sflag:$0x1] =	stream.indirect_vreg.gather [hbm4b:s4+s2], $0x80, v4, vm0, $0xb8;
	[tilespmem:$0x18200] =	vst v63  }
0x89: {  	s28 =	rddreg [dreg:$0x18];
	v3 =	vadd.s32 v1, v3  }
0x8a: {  	[tilespmem:s28], [sflag:$0x1] =	stream.indirect_vreg.gather [hbm4b:s5+s2], $0x80, v4, vm0, $0xb8;
	[tilespmem:$0x18200] =	vst v63  }
0x8b: {  	s0 =	rddreg [dreg:$0x19]  }
0x8c: {  	[tilespmem:s0], [sflag:$0x1] =	stream.indirect_vreg.gather [hbm4b:s6+s2], $0x80, v4, vm0, $0xb8;
	[tilespmem:$0x18200] =	vst v63  }
0x8d: {  	s28 =	rddreg [dreg:$0x1a]  }
0x8e: {  	[tilespmem:s28], [sflag:$0x1] =	stream.indirect_vreg.gather [hbm4b:s3+s2], $0x80, v3, vm0, $0xb8;
	[tilespmem:$0x18200] =	vst v63  }
0x8f: {  	s0 =	rddreg [dreg:$0x1b]  }
0x90: {  	[tilespmem:s0], [sflag:$0x1] =	stream.indirect_vreg.gather [hbm4b:s4+s2], $0x80, v3, vm0, $0xb8;
	[tilespmem:$0x18200] =	vst v63  }
0x91: {  	s28 =	rddreg [dreg:$0x1c]  }
0x92: {  	[tilespmem:s28], [sflag:$0x1] =	stream.indirect_vreg.gather [hbm4b:s5+s2], $0x80, v3, vm0, $0xb8;
	[tilespmem:$0x18200] =	vst v63  }
0x93: {  	s0 =	rddreg [dreg:$0x1d]  }
0x94: {  	[tilespmem:s0], [sflag:$0x1] =	stream.indirect_vreg.gather [hbm4b:s6+s2], $0x80, v3, vm0, $0xb8;
	[tilespmem:$0x18200] =	vst v63  }
0x95: {  	v3 =	vld [tilespmem:$0x110];
	_ =	sdelay $0x4  }
0x96: {  	v61 =	vshll.u32 v3, $0x3  }
0x97: {  	v3 =	vand.u32 $0x7, v3;
	v4 =	vand.u32 $0xFFFFFFC0, v61  }
0x98: {  	v3 =	vor.u32 v3, v4  }
0x99: {  	v4 =	vperm.xlane v3, v0;
	_ =	sdelay $0x1  }
0x9a: {  	v4 =	vadd.s32 v1, v4;
	_ =	sdelay $0x2  }
0x9b: {  	s28 =	rddreg [dreg:$0x1f]  }
0x9c: {  	s0 =	rddreg [dreg:$0x1e]  }
0x9d: {  	[tilespmem:s0], [sflag:$0x1] =	stream.indirect_vreg.gather [hbm4b:s3+s2], $0x80, v4, vm0, $0xb8;
	[tilespmem:$0x18200] =	vst v63  }
0x9e: {  	v3 =	vperm.xlane v3, v2;
	s0 =	sld [smem:$0x7FB]  }
0x9f: {  	[tilespmem:s28], [sflag:$0x1] =	stream.indirect_vreg.gather [hbm4b:s4+s2], $0x80, v4, vm0, $0xb8;
	[tilespmem:$0x18200] =	vst v63  }
0xa0: {  	v3 =	vadd.s32 v1, v3;
	s28 =	sld [smem:$0x7FC]  }
0xa1: {  	[tilespmem:s0], [sflag:$0x1] =	stream.indirect_vreg.gather [hbm4b:s5+s2], $0x80, v4, vm0, $0xb8;
	[tilespmem:$0x18200] =	vst v63  }
0xa2: {  	s0 =	sld [smem:$0x7FD]  }
0xa3: {  	[tilespmem:s28], [sflag:$0x1] =	stream.indirect_vreg.gather [hbm4b:s6+s2], $0x80, v4, vm0, $0xb8;
	[tilespmem:$0x18200] =	vst v63  }
0xa4: {  	_ = 	snop  }
0xa5: {  	[tilespmem:s0], [sflag:$0x1] =	stream.indirect_vreg.gather [hbm4b:s3+s2], $0x80, v3, vm0, $0xb8;
	[tilespmem:$0x18200] =	vst v63  }
0xa6: {  	s28 =	simm.s32 $0x16A00  }
0xa7: {  	[tilespmem:s28], [sflag:$0x1] =	stream.indirect_vreg.gather [hbm4b:s4+s2], $0x80, v3, vm0, $0xb8;
	[tilespmem:$0x18200] =	vst v63  }
0xa8: {  	_ = 	snop  }
0xa9: {  	[tilespmem:s29], [sflag:$0x1] =	stream.indirect_vreg.gather [hbm4b:s5+s2], $0x80, v3, vm0, $0xb8;
	[tilespmem:$0x18200] =	vst v63  }
0xaa: {  	_ = 	snop  }
0xab: {  	[tilespmem:s30], [sflag:$0x1] =	stream.indirect_vreg.gather [hbm4b:s6+s2], $0x80, v3, vm0, $0xb8;
	[tilespmem:$0x18200] =	vst v63  }
0xac: {  	_ =	swait.ge [sflag:s31], $0x8000  }
0xad: {  	[sflag:s31] =	ssyncset.done $0x0  }
0xae: {  	s28 =	rddreg [dreg:$0x4];
	[sflag:s31] =	ssyncadd.s32 $0xFFFF8000  }
0xaf: {  	[hbm4b:s28+s2] =	stream.linear.scatter [tilespmem:s9], [sflag:$0x2], $0x8000, $0x38;
	[tilespmem:$0x18200] =	vst v63  }
0xb0: {  	_ =	swait.ge [sflag:s1], $0x8000  }
0xb1: {  	[sflag:s1] =	ssyncset.done $0x0  }
0xb2: {  	[sflag:s1] =	ssyncadd.s32 $0xFFFF8000  }
0xb3: {  	v3 =	vld [tilespmem:$0x180];
	_ =	sdelay $0x4  }
0xb4: {  	v62 =	vshll.u32 v3, $0x3  }
0xb5: {  	v3 =	vand.u32 $0x7, v3;
	v4 =	vand.u32 $0xFFFFFFC0, v62  }
0xb6: {  	v3 =	vor.u32 v3, v4  }
0xb7: {  	v4 =	vperm.xlane v3, v0;
	_ =	sdelay $0x1  }
0xb8: {  	v4 =	vadd.s32 v1, v4;
	_ =	sdelay $0x4  }
0xb9: {  	[tilespmem:s9], [sflag:$0x1] =	stream.indirect_vreg.gather [hbm4b:s3+s2], $0x80, v4, vm0, $0xb8;
	[tilespmem:$0x18200] =	vst v63  }
0xba: {  	v3 =	vperm.xlane v3, v2  }
0xbb: {  	[tilespmem:s10], [sflag:$0x1] =	stream.indirect_vreg.gather [hbm4b:s4+s2], $0x80, v4, vm0, $0xb8;
	[tilespmem:$0x18200] =	vst v63  }
0xbc: {  	v3 =	vadd.s32 v1, v3  }
0xbd: {  	[tilespmem:s11], [sflag:$0x1] =	stream.indirect_vreg.gather [hbm4b:s5+s2], $0x80, v4, vm0, $0xb8;
	[tilespmem:$0x18200] =	vst v63  }
0xbe: {  	_ = 	snop  }
0xbf: {  	[tilespmem:s12], [sflag:$0x1] =	stream.indirect_vreg.gather [hbm4b:s6+s2], $0x80, v4, vm0, $0xb8;
	[tilespmem:$0x18200] =	vst v63  }
0xc0: {  	_ = 	snop  }
0xc1: {  	[tilespmem:s13], [sflag:$0x1] =	stream.indirect_vreg.gather [hbm4b:s3+s2], $0x80, v3, vm0, $0xb8;
	[tilespmem:$0x18200] =	vst v63  }
0xc2: {  	_ = 	snop  }
0xc3: {  	[tilespmem:s14], [sflag:$0x1] =	stream.indirect_vreg.gather [hbm4b:s4+s2], $0x80, v3, vm0, $0xb8;
	[tilespmem:$0x18200] =	vst v63  }
0xc4: {  	_ = 	snop  }
0xc5: {  	[tilespmem:s15], [sflag:$0x1] =	stream.indirect_vreg.gather [hbm4b:s5+s2], $0x80, v3, vm0, $0xb8;
	[tilespmem:$0x18200] =	vst v63  }
0xc6: {  	_ = 	snop  }
0xc7: {  	[tilespmem:s16], [sflag:$0x1] =	stream.indirect_vreg.gather [hbm4b:s6+s2], $0x80, v3, vm0, $0xb8;
	[tilespmem:$0x18200] =	vst v63  }
0xc8: {  	v3 =	vld [tilespmem:$0x190];
	_ =	sdelay $0x4  }
0xc9: {  	v63 =	vshll.u32 v3, $0x3  }
0xca: {  	v3 =	vand.u32 $0x7, v3;
	v4 =	vand.u32 $0xFFFFFFC0, v63  }
0xcb: {  	v3 =	vor.u32 v3, v4  }
0xcc: {  	v4 =	vperm.xlane v3, v0;
	_ =	sdelay $0x1  }
0xcd: {  	v4 =	vadd.s32 v1, v4;
	_ =	sdelay $0x4  }
0xce: {  	[tilespmem:s17], [sflag:$0x1] =	stream.indirect_vreg.gather [hbm4b:s3+s2], $0x80, v4, vm0, $0xb8;
	[tilespmem:$0x18200] =	vst v63  }
0xcf: {  	v3 =	vperm.xlane v3, v2  }
0xd0: {  	[tilespmem:s18], [sflag:$0x1] =	stream.indirect_vreg.gather [hbm4b:s4+s2], $0x80, v4, vm0, $0xb8;
	[tilespmem:$0x18200] =	vst v63  }
0xd1: {  	v3 =	vadd.s32 v1, v3  }
0xd2: {  	[tilespmem:s19], [sflag:$0x1] =	stream.indirect_vreg.gather [hbm4b:s5+s2], $0x80, v4, vm0, $0xb8;
	[tilespmem:$0x18200] =	vst v63  }
0xd3: {  	_ = 	snop  }
0xd4: {  	[tilespmem:s20], [sflag:$0x1] =	stream.indirect_vreg.gather [hbm4b:s6+s2], $0x80, v4, vm0, $0xb8;
	[tilespmem:$0x18200] =	vst v63  }
0xd5: {  	_ = 	snop  }
0xd6: {  	[tilespmem:s21], [sflag:$0x1] =	stream.indirect_vreg.gather [hbm4b:s3+s2], $0x80, v3, vm0, $0xb8;
	[tilespmem:$0x18200] =	vst v63  }
0xd7: {  	_ = 	snop  }
0xd8: {  	[tilespmem:s22], [sflag:$0x1] =	stream.indirect_vreg.gather [hbm4b:s4+s2], $0x80, v3, vm0, $0xb8;
	[tilespmem:$0x18200] =	vst v63  }
0xd9: {  	_ = 	snop  }
0xda: {  	[tilespmem:s23], [sflag:$0x1] =	stream.indirect_vreg.gather [hbm4b:s5+s2], $0x80, v3, vm0, $0xb8;
	[tilespmem:$0x18200] =	vst v63  }
0xdb: {  	_ = 	snop  }
0xdc: {  	[tilespmem:s24], [sflag:$0x1] =	stream.indirect_vreg.gather [hbm4b:s6+s2], $0x80, v3, vm0, $0xb8;
	[tilespmem:$0x18200] =	vst v63  }
0xdd: {  	_ =	swait.ge [sflag:s31], $0x8000  }
0xde: {  	[sflag:s31] =	ssyncset.done $0x0  }
0xdf: {  	s28 =	rddreg [dreg:$0x5];
	[sflag:s31] =	ssyncadd.s32 $0xFFFF8000  }
0xe0: {  	[hbm4b:s28+s2] =	stream.linear.scatter [tilespmem:s25], [sflag:$0x2], $0x8000, $0x38;
	[tilespmem:$0x18200] =	vst v63  }
0xe1: {  	_ =	swait.ge [sflag:s31], $0x8000  }
0xe2: {  	[sflag:s31] =	ssyncset.done $0x0  }
0xe3: {  	s28 =	rddreg [dreg:$0x6];
	[sflag:s31] =	ssyncadd.s32 $0xFFFF8000  }
0xe4: {  	[hbm4b:s28+s2] =	stream.linear.scatter [tilespmem:s26], [sflag:$0x2], $0x8000, $0x38;
	[tilespmem:$0x18200] =	vst v63  }
0xe5: {  	_ =	swait.ge [sflag:s31], $0x8000  }
0xe6: {  	[sflag:s31] =	ssyncset.done $0x0  }
0xe7: {  	s28 =	rddreg [dreg:$0x7];
	[sflag:s31] =	ssyncadd.s32 $0xFFFF8000  }
0xe8: {  	[hbm4b:s28+s2] =	stream.linear.scatter [tilespmem:s9], [sflag:$0x2], $0x8000, $0x38;
	[tilespmem:$0x18200] =	vst v63  }
0xe9: {  	_ =	swait.ge [sflag:s1], $0x8000  }
0xea: {  	[sflag:s1] =	ssyncset.done $0x0  }
0xeb: {  	[sflag:s1] =	ssyncadd.s32 $0xFFFF8000  }
0xec: {  	p0 =	sne.s32 s7, $0x1;
	_ =	swait.ge [sflag:s1], $0x8000  }
.Ltmp0:
0xed: {  	[sflag:s1] =	ssyncset.done $0x0;
	(pc) =	sbr.rel @p0 .LBB2_1-.Ltmp0, $4  }
0xee: {  	[sflag:s1] =	ssyncadd.s32 $0xFFFF8000  }
0xef: {  	_ =	swait.ge [sflag:s1], $0x8000  }
0xf0: {  	[sflag:s1] =	ssyncset.done $0x0  }
0xf1: {  	s7 =	sadd.s32 $0xFFFFFFFF, s7;
	[sflag:s1] =	ssyncadd.s32 $0xFFFF8000  }
0xf2: {  	_ =	sfence.sel $0x180000  }
0xf3: {  	[bflag:$0x0] =	sbarrier.arrive $0xFFFF  }
0xf4: {  	_ =	strace $0x9000004A  }
0xf5: {  	s0 =	stileid.u32;
	[bflag:$0x2] =	sbarrier.arrive $0xFFFF  }
0xf6: {  	p0 =	sne.s32 s0, $0x0;
	s0 =	rddreg [dreg:$0x2]  }
0xf7: {  	s0 =	sadd.s32 @!p0 $0x100000, s0  }
0xf8: {  	[sflag:s0] =	ssyncadd.tile.s32 @!p0 $0x1;
	_ =	shalt  }
.Lfunc_end2:
_tile_overlayer_lowered:
.L_overlay_start_2:
0xf9: {  	(tag) =	ssettag $0x2  }
0xfa: {  	s0 =	rddreg [dreg:$0x0];
	s2 =	stileid.u32  }
0xfb: {  	s1 =	rddreg [dreg:$0x1];
	p0 =	sne.s32 s2, $0x0  }
0xfc: {  	s3 =	rddreg [dreg:$0x2];
	[bflag:$0x3] =	sbarrier.arrive $0xFFFF;
	s2 =	simm.s32 @!p0 $0x1C03  }
0xfd: {  	[timem:s3], [sflag:s2] =	dma.local @!p0 [hbm:s0], s1  }
0xfe: {  	s0 =	simm.s32 @!p0 $0x3  }
0xff: {  	_ =	swait.ge @!p0 [sflag:s0], s1  }
0x100: {  	s1 =	ssub.s32 @!p0 $0x0, s1;
	[sflag:s0] =	ssyncset.done @!p0 $0x0  }
0x101: {  	[sflag:s0] =	ssyncadd.s32 @!p0 s1  }
0x102: {  	[bflag:$0x3] =	sbarrier.arrive $0xFFFF  }
0x103: {  	_ =	shalt  }

// kernel: kernel.17.cloned.1.call-start
scs
__scs_entry_jumppad:
0x0: {  	(pc) =	sbr.rel $0x88, $3  }
0x1: {  	(tag) =	ssettag $0x0;
	lr =	simm.s32 $0x1  }
0x2: {  	[smem:$0x3F9A] =	sst lr;
	_ =	strace $0xD0000000  }
0x3: {  	_ = 	snop  }
0x4: {  	_ = 	snop  }
0x5: {  	_ = 	snop  }
0x6: {  	_ = 	snop  }
0x7: {  	_ = 	snop  }
__scs_overlays_trampoline_lowered:
0x8: {  	[smem:$0x3FA9] =	sst s0  }
0x9: {  	[smem:$0x3FAA] =	sst s1  }
0xa: {  	[smem:$0x3FAB] =	sst s2  }
0xb: {  	[smem:$0x3FAC] =	sst s3  }
0xc: {  	[smem:$0x3FAD] =	sst s4  }
0xd: {  	[smem:$0x3FAE] =	sst s5  }
0xe: {  	[smem:$0x3FAF] =	sst s6  }
0xf: {  	[smem:$0x3FB0] =	sst s7  }
0x10: {  	[smem:$0x3FB1] =	sst s8  }
0x11: {  	[smem:$0x3FB2] =	sst s9;
	s0 =	simm.s32 @!p0 $0x0  }
0x12: {  	s1 =	sld [smem:$0x3F98];
	s0 =	simm.s32 @p0 $0x1  }
0x13: {  	[smem:$0x3FB3] =	sst s0;
	s0 =	simm.s32 @!p1 $0x0  }
0x14: {  	s2 =	sld [smem:$0x3F97];
	s0 =	simm.s32 @p1 $0x1  }
0x15: {  	[smem:$0x3FB4] =	sst s0;
	s0 =	simm.s32 @!p2 $0x0  }
0x16: {  	s3 =	sld [smem:$0x3FDB];
	s0 =	simm.s32 @p2 $0x1  }
0x17: {  	s4 =	simm.s32 $0x1BF5;
	[smem:$0x3FB6] =	sst s0  }
0x18: {  	s0 =	sld [smem:$0x3F99];
	_ =	swait.ge [sflag:s4], $0x0  }
0x19: {  	s7 =	sld [smem:$0x3F9A]  }
0x1a: {  	s8 =	sadd.s32 $0xFFFFE003, lr  }
0x1b: {  	s9 =	sadd.s32 $0xFFFFFEF7, lr;
	s5 =	simm.s32 $0xFFFFFFFF;
	p2 =	slt.u32 s8, $0xFFFFF086  }
0x1c: {  	p1 =	slt.u32 s9, $0xF7A;
	s5 =	simm.s32 @!p2 $0x0  }
0x1d: {  	s5 =	simm.s32 @p1 $0x1;
	p0 =	seq.s32 s7, s2  }
0x1e: {  	s7 =	smul.u32 @!p0 $0xF7A, s2;
	p2 =	seq.s32 @!p0 s5, $0x0  }
0x1f: {  	s9 =	smul.u32 $0xF7A, s1;
	s8 =	simm.s32 @!p0 $0x1BF5;
	p2 =	por !p2, p0  }
0x20: {  	[sflag:s8] =	ssyncset.s32 @!p0 $0xFFFFF086;
	s6 =	sadd.s32 @!p0 s3, s7;
	s7 =	simm.s32 @!p0 $0x108  }
0x21: {  	s3 =	sadd.s32 s3, s9;
	s6 =	sadd.s32 @!p0 $0x88, s6;
	s7 =	simm.s32 @p2 $0x1082  }
0x22: {  	[simem:s7], [sflag:s8] =	dma.local @!p0 [hbm:s6], $0xF7A  }
0x23: {  	s9 =	sor.u32 $0xD0000000, s2;
	s6 =	simm.s32 $0x108;
	_ =	swait.ge @!p0 [sflag:s8], $0x0  }
0x24: {  	s3 =	sadd.s32 $0x88, s3;
	s6 =	simm.s32 @!p1 $0x1082;
	[sflag:s4] =	ssyncset.s32 $0xFFFFF086  }
0x25: {  	[simem:s6], [sflag:s4] =	dma.local [hbm:s3], $0xF7A  }
0x26: {  	[smem:$0x3F9A] =	sst s1;
	(tag) =	ssettag s2;
	_ =	strace s9  }
0x27: {  	s1 =	sld [smem:$0x3FAA]  }
0x28: {  	s2 =	sld [smem:$0x3FAB]  }
0x29: {  	s4 =	sld [smem:$0x3FAD]  }
0x2a: {  	p0 =	seq.s32 s5, $0x0;
	s5 =	sld [smem:$0x3FAE]  }
0x2b: {  	s6 =	sld [smem:$0x3FAF]  }
0x2c: {  	s7 =	sld [smem:$0x3FB0]  }
0x2d: {  	s3 =	simm.s32 $0x108;
	s8 =	sld [smem:$0x3FB1]  }
0x2e: {  	s3 =	simm.s32 @!p0 $0x1082;
	s9 =	sld [smem:$0x3FB2]  }
0x2f: {  	lr =	sadd.s32 s0, s3;
	s0 =	sld [smem:$0x3FA9]  }
0x30: {  	s3 =	sld [smem:$0x3FAC]  }
0x31: {  	[smem:$0x3FB5] =	sst s10  }
0x32: {  	s10 =	sld [smem:$0x3FB3];
	_ =	sdelay $0x3  }
0x33: {  	p0 =	seq.s32 s10, $0x1;
	s10 =	sld [smem:$0x3FB5];
	_ =	sdelay $0x3  }
0x34: {  	[smem:$0x3FB5] =	sst s10  }
0x35: {  	s10 =	sld [smem:$0x3FB4];
	_ =	sdelay $0x3  }
0x36: {  	p1 =	seq.s32 s10, $0x1;
	s10 =	sld [smem:$0x3FB5];
	_ =	sdelay $0x3  }
0x37: {  	[smem:$0x3FB5] =	sst s10  }
0x38: {  	s10 =	sld [smem:$0x3FB6]  }
0x39: {  	_ = 	snop;
	(pc) =	sbr.ind lr, $3  }
0x3a: {  	_ = 	snop  }
0x3b: {  	_ = 	snop  }
0x3c: {  	p2 =	seq.s32 s10, $0x1;
	s10 =	sld [smem:$0x3FB5]  }
0x3d: {  	_ =	shalt  }
0x3e: {  	_ =	shalt  }
0x3f: {  	_ =	shalt  }
0x40: {  	_ =	shalt  }
0x41: {  	_ =	shalt  }
0x42: {  	_ =	shalt  }
0x43: {  	_ =	shalt  }
0x44: {  	_ =	shalt  }
0x45: {  	_ =	shalt  }
0x46: {  	_ =	shalt  }
0x47: {  	_ =	shalt  }
0x48: {  	_ =	shalt  }
0x49: {  	_ =	shalt  }
0x4a: {  	_ =	shalt  }
0x4b: {  	_ =	shalt  }
0x4c: {  	_ =	shalt  }
0x4d: {  	_ =	shalt  }
0x4e: {  	_ =	shalt  }
0x4f: {  	_ =	shalt  }
0x50: {  	_ =	shalt  }
0x51: {  	_ =	shalt  }
0x52: {  	_ =	shalt  }
0x53: {  	_ =	shalt  }
0x54: {  	_ =	shalt  }
0x55: {  	_ =	shalt  }
0x56: {  	_ =	shalt  }
0x57: {  	_ =	shalt  }
0x58: {  	_ =	shalt  }
0x59: {  	_ =	shalt  }
0x5a: {  	_ =	shalt  }
0x5b: {  	_ =	shalt  }
0x5c: {  	_ =	shalt  }
0x5d: {  	_ =	shalt  }
0x5e: {  	_ =	shalt  }
0x5f: {  	_ =	shalt  }
0x60: {  	_ =	shalt  }
0x61: {  	_ =	shalt  }
0x62: {  	_ =	shalt  }
0x63: {  	_ =	shalt  }
0x64: {  	_ =	shalt  }
0x65: {  	_ =	shalt  }
0x66: {  	_ =	shalt  }
0x67: {  	_ =	shalt  }
0x68: {  	_ =	shalt  }
0x69: {  	_ =	shalt  }
0x6a: {  	_ =	shalt  }
0x6b: {  	_ =	shalt  }
0x6c: {  	_ =	shalt  }
0x6d: {  	_ =	shalt  }
0x6e: {  	_ =	shalt  }
0x6f: {  	_ =	shalt  }
0x70: {  	_ =	shalt  }
0x71: {  	_ =	shalt  }
0x72: {  	_ =	shalt  }
0x73: {  	_ =	shalt  }
0x74: {  	_ =	shalt  }
0x75: {  	_ =	shalt  }
0x76: {  	_ =	shalt  }
0x77: {  	_ =	shalt  }
0x78: {  	_ =	shalt  }
0x79: {  	_ =	shalt  }
0x7a: {  	_ =	shalt  }
0x7b: {  	_ =	shalt  }
0x7c: {  	_ =	shalt  }
0x7d: {  	_ =	shalt  }
0x7e: {  	_ =	shalt  }
0x7f: {  	_ =	shalt  }
0x80: {  	_ =	shalt  }
0x81: {  	_ =	shalt  }
0x82: {  	_ =	shalt  }
0x83: {  	_ =	shalt  }
0x84: {  	_ =	shalt  }
0x85: {  	_ =	shalt  }
0x86: {  	_ =	shalt  }
0x87: {  	_ =	shalt  }
.Lfunc_end0:
.L_simem_size_0:
called_computation.2_lowered:
.L_overlay_start_0:
0x88: {  	s2 =	sld [smem:$0x3FD9]  }
0x89: {  	s3 =	sld [smem:$0x3FFE];
	_ =	sdelay $0x1  }
0x8a: {  	s1 =	srdreg.scid  }
0x8b: {  	s0 =	sand.u32 $0x1, s1  }
0x8c: {  	s17 =	sshll.u32 s0, $0xA;
	s2 =	sadd.s32 s3, s2  }
0x8d: {  	s2 =	sadd.s32 s2, s17  }
0x8e: {  	[smem:$0x3FC1] =	sst s2  }
0x8f: {  	_ = 	snop  }
0x90: {  	s2 =	sld [smem:$0x3FD0];
	(tm) =	ssettm $0x1  }
0x91: {  	s18 =	sld [smem:$0x3FFB];
	_ =	sdelay $0x3  }
0x92: {  	_ =	strace s18  }
0x93: {  	s3 =	sld [smem:$0x3FFC];
	_ =	sdelay $0x3  }
0x94: {  	_ =	strace s3  }
0x95: {  	s3 =	sld [smem:$0x3FFD];
	_ =	sdelay $0x3  }
0x96: {  	_ =	strace s3  }
0x97: {  	_ =	strace $0x8FFFFFFF  }
0x98: {  	s19 =	sld [smem:$0x3FDB];
	_ =	sdelay $0x1  }
0x99: {  	s4 =	simm.s32 $_scs_section_size  }
0x9a: {  	s5 =	simm.s32 $_size__tile_overlayer_lowered;
	s6 =	simm.s32 $_tile_overlayer_lowered  }
0x9b: {  	s22 =	simm.s32 $0x1BFF;
	s21 =	sshll.u32 s6, $0x1;
	s3 =	sadd.s32 s4, s19  }
0x9c: {  	s7 =	simm.s32 $0x0;
	s20 =	sshll.u32 s5, $0x1;
	s5 =	sadd.s32 s21, s3  }
0x9d: {  	[timem:s7], [sflag:s22] =	dma.local [hbm:s5], s20  }
0x9e: {  	_ =	swait.ge [sflag:s22], s20  }
0x9f: {  	s4 =	ssub.s32 $0x0, s20;
	[sflag:s22] =	ssyncset.done $0x0  }
0xa0: {  	[sflag:s22] =	ssyncadd.s32 s4;
	_ =	sdelay $0x1  }
0xa1: {  	s23 =	simm.s32 $0x1B8B  }
0xa2: {  	_ =	swait.ge [sflag:s23], $0x1  }
0xa3: {  	[sflag:s23] =	ssyncset.done $0x0  }
0xa4: {  	s25 =	simm.s32 $0x1B8E;
	s24 =	sld [smem:$0x3FFE];
	[sflag:s23] =	ssyncadd.s32 $0xFFFFFFFF  }
0xa5: {  	s26 =	simm.s32 $execute0_lowered;
	[smem:$0x3FD2] =	sst s25  }
0xa6: {  	s5 =	sshll.u32 s26, $0x1;
	_ =	strace $0x8000004C;
	[dreg:$0x1] =	wrdreg $0xFFFFFFFF  }
0xa7: {  	s28 =	simm.s32 $_size_execute0_lowered;
	s3 =	sadd.s32 s3, s5;
	[dreg:$0x0] =	wrdreg $0x0  }
0xa8: {  	s5 =	sshll.u32 s28, $0x1;
	[dreg:$0x2] =	wrdreg s3  }
0xa9: {  	[dreg:$0x3] =	wrdreg s5  }
0xaa: {  	[dreg:$0x4] =	wrdreg $0xC0  }
0xab: {  	_ =	task [dreg:s7], $0x5FFFF  }
0xac: {  	[dreg:$0x1] =	wrdreg $0xFFFFFFFF  }
0xad: {  	[dreg:$0x0] =	wrdreg $0x60  }
0xae: {  	[dreg:$0x2] =	wrdreg s24  }
0xaf: {  	[dreg:$0x3] =	wrdreg s2  }
0xb0: {  	[dreg:$0x4] =	wrdreg $0x9  }
0xb1: {  	_ =	task.clear_ibuf [dreg:s7], $0x5FFFF;
	_ =	strace $0x9000004C  }
0xb2: {  	s29 =	simm.s32 $0x9;
	_ =	strace $0x8000004E  }
0xb3: {  	_ =	swait.ge [sflag:s29], $0x1  }
0xb4: {  	[sflag:s29] =	ssyncadd.s32 $0xFFFFFFFF  }
0xb5: {  	_ =	strace $0x9000004E  }
0xb6: {  	_ =	sfence  }
0xb7: {  	s30 =	sld [smem:$0x0];
	_ =	sdelay $0x2  }
0xb8: {  	s31 =	sshll.u32 s1, $0xD;
	s1 =	sshrl.u32 s1, $0x2  }
0xb9: {  	s3 =	sand.u32 $0x4000, s31;
	s1 =	sadd.s32 s1, s30  }
0xba: {  	s0 =	sor.u32 s3, s0;
	s1 =	sshll.u32 s1, $0x11  }
0xbb: {  	s0 =	sor.u32 s1, s0  }
0xbc: {  	s0 =	sadd.s32 $0x8F2B, s0  }
0xbd: {  	[sflag:s0] =	ssyncadd.remote.s32 $0x1  }
0xbe: {  	_ =	sfence.sel $0xFFFF  }
0xbf: {  	[dreg:$0x0] =	wrdreg $0xFFFFFFFF;
	(pc) =	sbr.abs _section_cstart, $3  }
0xc0: {  	[dreg:$0x1] =	wrdreg $0xFFFFFFFF  }
0xc1: {  	_ =	task.clear_ibuf [dreg:s7], $0x2FFFF;
	_ =	strace $0x9FFFFFFF  }
0xc2: {  	(tm) =	ssettm $0x7FFFFFFF  }
0xc3: {  	_ =	shalt  }
tec
execute0_lowered:
.L_overlay_start_1:
0x0: {  	(tag) =	ssettag $0x1  }
0x1: {  	s1 =	srdreg.scid;
	s0 =	stileid.u32  }
0x2: {  	s6 =	rddreg [dreg:$0x0];
	s1 =	sand.u32 $0x1, s1;
	s2 =	sshll.u32 s0, $0x1  }
0x3: {  	s3 =	rddreg [dreg:$0x1];
	s4 =	sor.u32 s1, s2;
	s2 =	simm.s32 $0x0  }
0x4: {  	s25 =	simm.s32 $0x8A00;
	[smem:$0x7FF] =	sst s2  }
0x5: {  	s26 =	simm.s32 $0x9200;
	_ =	strace $0x8000004D;
	[dreg:$0x8] =	wrdreg s25  }
0x6: {  	s28 =	simm.s32 $0x9A00;
	s8 =	simm.s32 $0xB200;
	[dreg:$0x9] =	wrdreg s26  }
0x7: {  	s9 =	simm.s32 $0xBA00;
	s0 =	simm.s32 $0xA200;
	[dreg:$0xa] =	wrdreg s28  }
0x8: {  	s10 =	simm.s32 $0xCA00;
	s11 =	simm.s32 $0xDA00;
	[dreg:$0xb] =	wrdreg s0  }
0x9: {  	s12 =	simm.s32 $0xE200;
	s13 =	simm.s32 $0xEA00;
	[dreg:$0xd] =	wrdreg s8  }
0xa: {  	s14 =	simm.s32 $0xF200;
	s15 =	simm.s32 $0xFA00;
	[dreg:$0xe] =	wrdreg s9  }
0xb: {  	s16 =	simm.s32 $0x10A00;
	s17 =	simm.s32 $0x11200;
	[dreg:$0x10] =	wrdreg s10  }
0xc: {  	s18 =	simm.s32 $0x11A00;
	s19 =	simm.s32 $0x12200;
	[dreg:$0x12] =	wrdreg s11  }
0xd: {  	s20 =	simm.s32 $0x12A00;
	s21 =	simm.s32 $0x13200;
	[dreg:$0x13] =	wrdreg s12  }
0xe: {  	s22 =	simm.s32 $0x13A00;
	s29 =	simm.s32 $0x17200;
	[dreg:$0x14] =	wrdreg s13  }
0xf: {  	s30 =	simm.s32 $0x17A00;
	s31 =	simm.s32 $0x1;
	[dreg:$0x15] =	wrdreg s14  }
0x10: {  	s1 =	ssub.s32 $0x2, s1;
	s5 =	sshll.u32 s4, $0x6;
	[dreg:$0x16] =	wrdreg s15  }
0x11: {  	s4 =	sshll.u32 s4, $0xE;
	s7 =	sshrl.u32 s1, $0x1;
	[dreg:$0x17] =	wrdreg s16  }
0x12: {  	s5 =	sadd.s32 s5, s6;
	s3 =	sadd.s32 s4, s3;
	[dreg:$0x18] =	wrdreg s17  }
0x13: {  	s1 =	ssub.s32 s1, s7;
	s7 =	simm.s32 $0xC200;
	[dreg:$0x19] =	wrdreg s18  }
0x14: {  	s8 =	simm.s32 $0xD200;
	s9 =	simm.s32 $0x200;
	[dreg:$0x1a] =	wrdreg s19  }
0x15: {  	s10 =	simm.s32 $0xA00;
	s11 =	simm.s32 $0x1200;
	[dreg:$0x1b] =	wrdreg s20  }
0x16: {  	s12 =	simm.s32 $0x1A00;
	s13 =	simm.s32 $0x2200;
	[dreg:$0x1c] =	wrdreg s21  }
0x17: {  	s14 =	simm.s32 $0x2A00;
	s15 =	simm.s32 $0x3200;
	[dreg:$0x1d] =	wrdreg s22  }
0x18: {  	s16 =	simm.s32 $0x3A00;
	s17 =	simm.s32 $0x4200;
	[dreg:$0xf] =	wrdreg s7  }
0x19: {  	s18 =	simm.s32 $0x4A00;
	s25 =	simm.s32 $0x15200;
	[dreg:$0x11] =	wrdreg s8  }
0x1a: {  	s19 =	simm.s32 $0x5200;
	s26 =	simm.s32 $0x15A00;
	[smem:$0x7FB] =	sst s25  }
0x1b: {  	s20 =	simm.s32 $0x5A00;
	s28 =	simm.s32 $0x16200;
	[smem:$0x7FC] =	sst s26  }
0x1c: {  	s21 =	simm.s32 $0x6200;
	s5 =	sadd.s32 $0xC00, s5;
	[smem:$0x7FD] =	sst s28  }
0x1d: {  	s22 =	simm.s32 $0x6A00;
	s4 =	sadd.s32 $0x100000, s3;
	[dreg:$0x3] =	wrdreg s5  }
0x1e: {  	s23 =	sadd.s32 $0x101000, s3;
	s24 =	sadd.s32 $0x102000, s3;
	[dreg:$0x4] =	wrdreg s4  }
0x1f: {  	s3 =	sadd.s32 $0x103000, s3;
	s7 =	smax.u32 s1, $0x1;
	[dreg:$0x5] =	wrdreg s23  }
0x20: {  	s8 =	simm.s32 $0x3;
	s25 =	simm.s32 $0x8200;
	[dreg:$0x6] =	wrdreg s24  }
0x21: {  	s26 =	simm.s32 $0x10200;
	s1 =	simm.s32 $0x2;
	[dreg:$0x7] =	wrdreg s3  }
0x22: {  	s3 =	sadd.s32 $0x1400, s6;
	s5 =	simm.s32 $0xAA00;
	s4 =	sadd.s32 $0x1500, s6  }
0x23: {  	v2 =	vlaneseq.u32;
	s23 =	simm.s32 $0x14200;
	s24 =	simm.s32 $0x14A00;
	[dreg:$0xc] =	wrdreg s5  }
0x24: {  	vm0 =	vmmov $0xffff;
	v1 =	vshrl.u32 v2, $0x3;
	s5 =	sadd.s32 $0x1600, s6;
	s6 =	sadd.s32 $0x1700, s6;
	[dreg:$0x1e] =	wrdreg s23  }
0x25: {  	v0 =	vand.u32 $0x7, v2;
	v2 =	vor.u32 $0x8, v2;
	v1 =	vmul.u32 $0x8, v1;
	[dreg:$0x1f] =	wrdreg s24;
	s23 =	simm.s32 $0x7200;
	s24 =	simm.s32 $0x7A00  }
.LBB2_1:
0x26: {  	s0 =	rddreg [dreg:$0x3]  }
0x27: {  	[tilespmem:s2], [sflag:$0x3] =	stream.linear.gather [hbm4b:s0+s2], $0x200, $0x38;
	[tilespmem:$0x18200] =	vst v63  }
0x28: {  	_ =	swait.ge [sflag:s8], $0x200  }
0x29: {  	[sflag:s8] =	ssyncset.done $0x0  }
0x2a: {  	[sflag:s8] =	ssyncadd.s32 $0xFFFFFE00  }
0x2b: {  	v3 =	vld [tilespmem:$0x0];
	_ =	sdelay $0x4  }
0x2c: {  	v4 =	vshll.u32 v3, $0x3  }
0x2d: {  	v3 =	vand.u32 $0x7, v3;
	v4 =	vand.u32 $0xFFFFFFC0, v4  }
0x2e: {  	v3 =	vor.u32 v3, v4  }
0x2f: {  	v4 =	vperm.xlane v3, v0;
	_ =	sdelay $0x1  }
0x30: {  	v4 =	vadd.s32 v1, v4;
	_ =	sdelay $0x4  }
0x31: {  	[tilespmem:s9], [sflag:$0x1] =	stream.indirect_vreg.gather [hbm4b:s3+s2], $0x80, v4, vm0, $0xb8;
	[tilespmem:$0x18200] =	vst v63  }
0x32: {  	v3 =	vperm.xlane v3, v2  }
0x33: {  	[tilespmem:s10], [sflag:$0x1] =	stream.indirect_vreg.gather [hbm4b:s4+s2], $0x80, v4, vm0, $0xb8;
	[tilespmem:$0x18200] =	vst v63  }
0x34: {  	v3 =	vadd.s32 v1, v3  }
0x35: {  	[tilespmem:s11], [sflag:$0x1] =	stream.indirect_vreg.gather [hbm4b:s5+s2], $0x80, v4, vm0, $0xb8;
	[tilespmem:$0x18200] =	vst v63  }
0x36: {  	_ = 	snop  }
0x37: {  	[tilespmem:s12], [sflag:$0x1] =	stream.indirect_vreg.gather [hbm4b:s6+s2], $0x80, v4, vm0, $0xb8;
	[tilespmem:$0x18200] =	vst v63  }
0x38: {  	_ = 	snop  }
0x39: {  	[tilespmem:s13], [sflag:$0x1] =	stream.indirect_vreg.gather [hbm4b:s3+s2], $0x80, v3, vm0, $0xb8;
	[tilespmem:$0x18200] =	vst v63  }
0x3a: {  	_ = 	snop  }
0x3b: {  	[tilespmem:s14], [sflag:$0x1] =	stream.indirect_vreg.gather [hbm4b:s4+s2], $0x80, v3, vm0, $0xb8;
	[tilespmem:$0x18200] =	vst v63  }
0x3c: {  	_ = 	snop  }
0x3d: {  	[tilespmem:s15], [sflag:$0x1] =	stream.indirect_vreg.gather [hbm4b:s5+s2], $0x80, v3, vm0, $0xb8;
	[tilespmem:$0x18200] =	vst v63  }
0x3e: {  	_ = 	snop  }
0x3f: {  	[tilespmem:s16], [sflag:$0x1] =	stream.indirect_vreg.gather [hbm4b:s6+s2], $0x80, v3, vm0, $0xb8;
	[tilespmem:$0x18200] =	vst v63  }
0x40: {  	v3 =	vld [tilespmem:$0x10];
	_ =	sdelay $0x4  }
0x41: {  	v57 =	vshll.u32 v3, $0x3  }
0x42: {  	v3 =	vand.u32 $0x7, v3;
	v4 =	vand.u32 $0xFFFFFFC0, v57  }
0x43: {  	v3 =	vor.u32 v3, v4  }
0x44: {  	v4 =	vperm.xlane v3, v0;
	_ =	sdelay $0x1  }
0x45: {  	v4 =	vadd.s32 v1, v4;
	_ =	sdelay $0x4  }
0x46: {  	[tilespmem:s17], [sflag:$0x1] =	stream.indirect_vreg.gather [hbm4b:s3+s2], $0x80, v4, vm0, $0xb8;
	[tilespmem:$0x18200] =	vst v63  }
0x47: {  	v3 =	vperm.xlane v3, v2  }
0x48: {  	[tilespmem:s18], [sflag:$0x1] =	stream.indirect_vreg.gather [hbm4b:s4+s2], $0x80, v4, vm0, $0xb8;
	[tilespmem:$0x18200] =	vst v63  }
0x49: {  	v3 =	vadd.s32 v1, v3  }
0x4a: {  	[tilespmem:s19], [sflag:$0x1] =	stream.indirect_vreg.gather [hbm4b:s5+s2], $0x80, v4, vm0, $0xb8;
	[tilespmem:$0x18200] =	vst v63  }
0x4b: {  	_ = 	snop  }
0x4c: {  	[tilespmem:s20], [sflag:$0x1] =	stream.indirect_vreg.gather [hbm4b:s6+s2], $0x80, v4, vm0, $0xb8;
	[tilespmem:$0x18200] =	vst v63  }
0x4d: {  	_ = 	snop  }
0x4e: {  	[tilespmem:s21], [sflag:$0x1] =	stream.indirect_vreg.gather [hbm4b:s3+s2], $0x80, v3, vm0, $0xb8;
	[tilespmem:$0x18200] =	vst v63  }
0x4f: {  	_ = 	snop  }
0x50: {  	[tilespmem:s22], [sflag:$0x1] =	stream.indirect_vreg.gather [hbm4b:s4+s2], $0x80, v3, vm0, $0xb8;
	[tilespmem:$0x18200] =	vst v63  }
0x51: {  	_ = 	snop  }
0x52: {  	[tilespmem:s23], [sflag:$0x1] =	stream.indirect_vreg.gather [hbm4b:s5+s2], $0x80, v3, vm0, $0xb8;
	[tilespmem:$0x18200] =	vst v63  }
0x53: {  	_ = 	snop  }
0x54: {  	[tilespmem:s24], [sflag:$0x1] =	stream.indirect_vreg.gather [hbm4b:s6+s2], $0x80, v3, vm0, $0xb8;
	[tilespmem:$0x18200] =	vst v63  }
0x55: {  	v3 =	vld [tilespmem:$0x80];
	_ =	sdelay $0x4  }
0x56: {  	v58 =	vshll.u32 v3, $0x3  }
0x57: {  	v3 =	vand.u32 $0x7, v3;
	v4 =	vand.u32 $0xFFFFFFC0, v58  }
0x58: {  	v3 =	vor.u32 v3, v4  }
0x59: {  	v4 =	vperm.xlane v3, v0;
	_ =	sdelay $0x1  }
0x5a: {  	v4 =	vadd.s32 v1, v4;
	_ =	sdelay $0x4  }
0x5b: {  	[tilespmem:s25], [sflag:$0x1] =	stream.indirect_vreg.gather [hbm4b:s3+s2], $0x80, v4, vm0, $0xb8;
	[tilespmem:$0x18200] =	vst v63  }
0x5c: {  	s0 =	rddreg [dreg:$0x8];
	v3 =	vperm.xlane v3, v2  }
0x5d: {  	[tilespmem:s0], [sflag:$0x1] =	stream.indirect_vreg.gather [hbm4b:s4+s2], $0x80, v4, vm0, $0xb8;
	[tilespmem:$0x18200] =	vst v63  }
0x5e: {  	s28 =	rddreg [dreg:$0x9];
	v3 =	vadd.s32 v1, v3  }
0x5f: {  	[tilespmem:s28], [sflag:$0x1] =	stream.indirect_vreg.gather [hbm4b:s5+s2], $0x80, v4, vm0, $0xb8;
	[tilespmem:$0x18200] =	vst v63  }
0x60: {  	s0 =	rddreg [dreg:$0xa]  }
0x61: {  	[tilespmem:s0], [sflag:$0x1] =	stream.indirect_vreg.gather [hbm4b:s6+s2], $0x80, v4, vm0, $0xb8;
	[tilespmem:$0x18200] =	vst v63  }
0x62: {  	s28 =	rddreg [dreg:$0xb]  }
0x63: {  	[tilespmem:s28], [sflag:$0x1] =	stream.indirect_vreg.gather [hbm4b:s3+s2], $0x80, v3, vm0, $0xb8;
	[tilespmem:$0x18200] =	vst v63  }
0x64: {  	s0 =	rddreg [dreg:$0xc]  }
0x65: {  	[tilespmem:s0], [sflag:$0x1] =	stream.indirect_vreg.gather [hbm4b:s4+s2], $0x80, v3, vm0, $0xb8;
	[tilespmem:$0x18200] =	vst v63  }
0x66: {  	s28 =	rddreg [dreg:$0xd]  }
0x67: {  	[tilespmem:s28], [sflag:$0x1] =	stream.indirect_vreg.gather [hbm4b:s5+s2], $0x80, v3, vm0, $0xb8;
	[tilespmem:$0x18200] =	vst v63  }
0x68: {  	s0 =	rddreg [dreg:$0xe]  }
0x69: {  	[tilespmem:s0], [sflag:$0x1] =	stream.indirect_vreg.gather [hbm4b:s6+s2], $0x80, v3, vm0, $0xb8;
	[tilespmem:$0x18200] =	vst v63  }
0x6a: {  	v3 =	vld [tilespmem:$0x90];
	_ =	sdelay $0x4  }
0x6b: {  	v59 =	vshll.u32 v3, $0x3  }
0x6c: {  	v3 =	vand.u32 $0x7, v3;
	v4 =	vand.u32 $0xFFFFFFC0, v59  }
0x6d: {  	v3 =	vor.u32 v3, v4  }
0x6e: {  	v4 =	vperm.xlane v3, v0;
	_ =	sdelay $0x1  }
0x6f: {  	v4 =	vadd.s32 v1, v4;
	_ =	sdelay $0x3  }
0x70: {  	s0 =	rddreg [dreg:$0xf]  }
0x71: {  	[tilespmem:s0], [sflag:$0x1] =	stream.indirect_vreg.gather [hbm4b:s3+s2], $0x80, v4, vm0, $0xb8;
	[tilespmem:$0x18200] =	vst v63  }
0x72: {  	s28 =	rddreg [dreg:$0x10];
	v3 =	vperm.xlane v3, v2  }
0x73: {  	[tilespmem:s28], [sflag:$0x1] =	stream.indirect_vreg.gather [hbm4b:s4+s2], $0x80, v4, vm0, $0xb8;
	[tilespmem:$0x18200] =	vst v63  }
0x74: {  	v3 =	vadd.s32 v1, v3;
	s0 =	rddreg [dreg:$0x11]  }
0x75: {  	[tilespmem:s0], [sflag:$0x1] =	stream.indirect_vreg.gather [hbm4b:s5+s2], $0x80, v4, vm0, $0xb8;
	[tilespmem:$0x18200] =	vst v63  }
0x76: {  	s28 =	rddreg [dreg:$0x12]  }
0x77: {  	[tilespmem:s28], [sflag:$0x1] =	stream.indirect_vreg.gather [hbm4b:s6+s2], $0x80, v4, vm0, $0xb8;
	[tilespmem:$0x18200] =	vst v63  }
0x78: {  	s0 =	rddreg [dreg:$0x13]  }
0x79: {  	[tilespmem:s0], [sflag:$0x1] =	stream.indirect_vreg.gather [hbm4b:s3+s2], $0x80, v3, vm0, $0xb8;
	[tilespmem:$0x18200] =	vst v63  }
0x7a: {  	s28 =	rddreg [dreg:$0x14]  }
0x7b: {  	[tilespmem:s28], [sflag:$0x1] =	stream.indirect_vreg.gather [hbm4b:s4+s2], $0x80, v3, vm0, $0xb8;
	[tilespmem:$0x18200] =	vst v63  }
0x7c: {  	s0 =	rddreg [dreg:$0x15]  }
0x7d: {  	[tilespmem:s0], [sflag:$0x1] =	stream.indirect_vreg.gather [hbm4b:s5+s2], $0x80, v3, vm0, $0xb8;
	[tilespmem:$0x18200] =	vst v63  }
0x7e: {  	s28 =	rddreg [dreg:$0x16]  }
0x7f: {  	[tilespmem:s28], [sflag:$0x1] =	stream.indirect_vreg.gather [hbm4b:s6+s2], $0x80, v3, vm0, $0xb8;
	[tilespmem:$0x18200] =	vst v63  }
0x80: {  	v3 =	vld [tilespmem:$0x100];
	_ =	sdelay $0x4  }
0x81: {  	v60 =	vshll.u32 v3, $0x3  }
0x82: {  	v3 =	vand.u32 $0x7, v3;
	v4 =	vand.u32 $0xFFFFFFC0, v60  }
0x83: {  	v3 =	vor.u32 v3, v4  }
0x84: {  	v4 =	vperm.xlane v3, v0;
	_ =	sdelay $0x1  }
0x85: {  	v4 =	vadd.s32 v1, v4;
	_ =	sdelay $0x4  }
0x86: {  	[tilespmem:s26], [sflag:$0x1] =	stream.indirect_vreg.gather [hbm4b:s3+s2], $0x80, v4, vm0, $0xb8;
	[tilespmem:$0x18200] =	vst v63  }
0x87: {  	s0 =	rddreg [dreg:$0x17];
	v3 =	vperm.xlane v3, v2  }
0x88: {  	[tilespmem:s0], [sflag:$0x1] =	stream.indirect_vreg.gather [hbm4b:s4+s2], $0x80, v4, vm0, $0xb8;
	[tilespmem:$0x18200] =	vst v63  }
0x89: {  	s28 =	rddreg [dreg:$0x18];
	v3 =	vadd.s32 v1, v3  }
0x8a: {  	[tilespmem:s28], [sflag:$0x1] =	stream.indirect_vreg.gather [hbm4b:s5+s2], $0x80, v4, vm0, $0xb8;
	[tilespmem:$0x18200] =	vst v63  }
0x8b: {  	s0 =	rddreg [dreg:$0x19]  }
0x8c: {  	[tilespmem:s0], [sflag:$0x1] =	stream.indirect_vreg.gather [hbm4b:s6+s2], $0x80, v4, vm0, $0xb8;
	[tilespmem:$0x18200] =	vst v63  }
0x8d: {  	s28 =	rddreg [dreg:$0x1a]  }
0x8e: {  	[tilespmem:s28], [sflag:$0x1] =	stream.indirect_vreg.gather [hbm4b:s3+s2], $0x80, v3, vm0, $0xb8;
	[tilespmem:$0x18200] =	vst v63  }
0x8f: {  	s0 =	rddreg [dreg:$0x1b]  }
0x90: {  	[tilespmem:s0], [sflag:$0x1] =	stream.indirect_vreg.gather [hbm4b:s4+s2], $0x80, v3, vm0, $0xb8;
	[tilespmem:$0x18200] =	vst v63  }
0x91: {  	s28 =	rddreg [dreg:$0x1c]  }
0x92: {  	[tilespmem:s28], [sflag:$0x1] =	stream.indirect_vreg.gather [hbm4b:s5+s2], $0x80, v3, vm0, $0xb8;
	[tilespmem:$0x18200] =	vst v63  }
0x93: {  	s0 =	rddreg [dreg:$0x1d]  }
0x94: {  	[tilespmem:s0], [sflag:$0x1] =	stream.indirect_vreg.gather [hbm4b:s6+s2], $0x80, v3, vm0, $0xb8;
	[tilespmem:$0x18200] =	vst v63  }
0x95: {  	v3 =	vld [tilespmem:$0x110];
	_ =	sdelay $0x4  }
0x96: {  	v61 =	vshll.u32 v3, $0x3  }
0x97: {  	v3 =	vand.u32 $0x7, v3;
	v4 =	vand.u32 $0xFFFFFFC0, v61  }
0x98: {  	v3 =	vor.u32 v3, v4  }
0x99: {  	v4 =	vperm.xlane v3, v0;
	_ =	sdelay $0x1  }
0x9a: {  	v4 =	vadd.s32 v1, v4;
	_ =	sdelay $0x2  }
0x9b: {  	s28 =	rddreg [dreg:$0x1f]  }
0x9c: {  	s0 =	rddreg [dreg:$0x1e]  }
0x9d: {  	[tilespmem:s0], [sflag:$0x1] =	stream.indirect_vreg.gather [hbm4b:s3+s2], $0x80, v4, vm0, $0xb8;
	[tilespmem:$0x18200] =	vst v63  }
0x9e: {  	v3 =	vperm.xlane v3, v2;
	s0 =	sld [smem:$0x7FB]  }
0x9f: {  	[tilespmem:s28], [sflag:$0x1] =	stream.indirect_vreg.gather [hbm4b:s4+s2], $0x80, v4, vm0, $0xb8;
	[tilespmem:$0x18200] =	vst v63  }
0xa0: {  	v3 =	vadd.s32 v1, v3;
	s28 =	sld [smem:$0x7FC]  }
0xa1: {  	[tilespmem:s0], [sflag:$0x1] =	stream.indirect_vreg.gather [hbm4b:s5+s2], $0x80, v4, vm0, $0xb8;
	[tilespmem:$0x18200] =	vst v63  }
0xa2: {  	s0 =	sld [smem:$0x7FD]  }
0xa3: {  	[tilespmem:s28], [sflag:$0x1] =	stream.indirect_vreg.gather [hbm4b:s6+s2], $0x80, v4, vm0, $0xb8;
	[tilespmem:$0x18200] =	vst v63  }
0xa4: {  	_ = 	snop  }
0xa5: {  	[tilespmem:s0], [sflag:$0x1] =	stream.indirect_vreg.gather [hbm4b:s3+s2], $0x80, v3, vm0, $0xb8;
	[tilespmem:$0x18200] =	vst v63  }
0xa6: {  	s28 =	simm.s32 $0x16A00  }
0xa7: {  	[tilespmem:s28], [sflag:$0x1] =	stream.indirect_vreg.gather [hbm4b:s4+s2], $0x80, v3, vm0, $0xb8;
	[tilespmem:$0x18200] =	vst v63  }
0xa8: {  	_ = 	snop  }
0xa9: {  	[tilespmem:s29], [sflag:$0x1] =	stream.indirect_vreg.gather [hbm4b:s5+s2], $0x80, v3, vm0, $0xb8;
	[tilespmem:$0x18200] =	vst v63  }
0xaa: {  	_ = 	snop  }
0xab: {  	[tilespmem:s30], [sflag:$0x1] =	stream.indirect_vreg.gather [hbm4b:s6+s2], $0x80, v3, vm0, $0xb8;
	[tilespmem:$0x18200] =	vst v63  }
0xac: {  	_ =	swait.ge [sflag:s31], $0x8000  }
0xad: {  	[sflag:s31] =	ssyncset.done $0x0  }
0xae: {  	s28 =	rddreg [dreg:$0x4];
	[sflag:s31] =	ssyncadd.s32 $0xFFFF8000  }
0xaf: {  	[hbm4b:s28+s2] =	stream.linear.scatter [tilespmem:s9], [sflag:$0x2], $0x8000, $0x38;
	[tilespmem:$0x18200] =	vst v63  }
0xb0: {  	_ =	swait.ge [sflag:s1], $0x8000  }
0xb1: {  	[sflag:s1] =	ssyncset.done $0x0  }
0xb2: {  	[sflag:s1] =	ssyncadd.s32 $0xFFFF8000  }
0xb3: {  	v3 =	vld [tilespmem:$0x180];
	_ =	sdelay $0x4  }
0xb4: {  	v62 =	vshll.u32 v3, $0x3  }
0xb5: {  	v3 =	vand.u32 $0x7, v3;
	v4 =	vand.u32 $0xFFFFFFC0, v62  }
0xb6: {  	v3 =	vor.u32 v3, v4  }
0xb7: {  	v4 =	vperm.xlane v3, v0;
	_ =	sdelay $0x1  }
0xb8: {  	v4 =	vadd.s32 v1, v4;
	_ =	sdelay $0x4  }
0xb9: {  	[tilespmem:s9], [sflag:$0x1] =	stream.indirect_vreg.gather [hbm4b:s3+s2], $0x80, v4, vm0, $0xb8;
	[tilespmem:$0x18200] =	vst v63  }
0xba: {  	v3 =	vperm.xlane v3, v2  }
0xbb: {  	[tilespmem:s10], [sflag:$0x1] =	stream.indirect_vreg.gather [hbm4b:s4+s2], $0x80, v4, vm0, $0xb8;
	[tilespmem:$0x18200] =	vst v63  }
0xbc: {  	v3 =	vadd.s32 v1, v3  }
0xbd: {  	[tilespmem:s11], [sflag:$0x1] =	stream.indirect_vreg.gather [hbm4b:s5+s2], $0x80, v4, vm0, $0xb8;
	[tilespmem:$0x18200] =	vst v63  }
0xbe: {  	_ = 	snop  }
0xbf: {  	[tilespmem:s12], [sflag:$0x1] =	stream.indirect_vreg.gather [hbm4b:s6+s2], $0x80, v4, vm0, $0xb8;
	[tilespmem:$0x18200] =	vst v63  }
0xc0: {  	_ = 	snop  }
0xc1: {  	[tilespmem:s13], [sflag:$0x1] =	stream.indirect_vreg.gather [hbm4b:s3+s2], $0x80, v3, vm0, $0xb8;
	[tilespmem:$0x18200] =	vst v63  }
0xc2: {  	_ = 	snop  }
0xc3: {  	[tilespmem:s14], [sflag:$0x1] =	stream.indirect_vreg.gather [hbm4b:s4+s2], $0x80, v3, vm0, $0xb8;
	[tilespmem:$0x18200] =	vst v63  }
0xc4: {  	_ = 	snop  }
0xc5: {  	[tilespmem:s15], [sflag:$0x1] =	stream.indirect_vreg.gather [hbm4b:s5+s2], $0x80, v3, vm0, $0xb8;
	[tilespmem:$0x18200] =	vst v63  }
0xc6: {  	_ = 	snop  }
0xc7: {  	[tilespmem:s16], [sflag:$0x1] =	stream.indirect_vreg.gather [hbm4b:s6+s2], $0x80, v3, vm0, $0xb8;
	[tilespmem:$0x18200] =	vst v63  }
0xc8: {  	v3 =	vld [tilespmem:$0x190];
	_ =	sdelay $0x4  }
0xc9: {  	v63 =	vshll.u32 v3, $0x3  }
0xca: {  	v3 =	vand.u32 $0x7, v3;
	v4 =	vand.u32 $0xFFFFFFC0, v63  }
0xcb: {  	v3 =	vor.u32 v3, v4  }
0xcc: {  	v4 =	vperm.xlane v3, v0;
	_ =	sdelay $0x1  }
0xcd: {  	v4 =	vadd.s32 v1, v4;
	_ =	sdelay $0x4  }
0xce: {  	[tilespmem:s17], [sflag:$0x1] =	stream.indirect_vreg.gather [hbm4b:s3+s2], $0x80, v4, vm0, $0xb8;
	[tilespmem:$0x18200] =	vst v63  }
0xcf: {  	v3 =	vperm.xlane v3, v2  }
0xd0: {  	[tilespmem:s18], [sflag:$0x1] =	stream.indirect_vreg.gather [hbm4b:s4+s2], $0x80, v4, vm0, $0xb8;
	[tilespmem:$0x18200] =	vst v63  }
0xd1: {  	v3 =	vadd.s32 v1, v3  }
0xd2: {  	[tilespmem:s19], [sflag:$0x1] =	stream.indirect_vreg.gather [hbm4b:s5+s2], $0x80, v4, vm0, $0xb8;
	[tilespmem:$0x18200] =	vst v63  }
0xd3: {  	_ = 	snop  }
0xd4: {  	[tilespmem:s20], [sflag:$0x1] =	stream.indirect_vreg.gather [hbm4b:s6+s2], $0x80, v4, vm0, $0xb8;
	[tilespmem:$0x18200] =	vst v63  }
0xd5: {  	_ = 	snop  }
0xd6: {  	[tilespmem:s21], [sflag:$0x1] =	stream.indirect_vreg.gather [hbm4b:s3+s2], $0x80, v3, vm0, $0xb8;
	[tilespmem:$0x18200] =	vst v63  }
0xd7: {  	_ = 	snop  }
0xd8: {  	[tilespmem:s22], [sflag:$0x1] =	stream.indirect_vreg.gather [hbm4b:s4+s2], $0x80, v3, vm0, $0xb8;
	[tilespmem:$0x18200] =	vst v63  }
0xd9: {  	_ = 	snop  }
0xda: {  	[tilespmem:s23], [sflag:$0x1] =	stream.indirect_vreg.gather [hbm4b:s5+s2], $0x80, v3, vm0, $0xb8;
	[tilespmem:$0x18200] =	vst v63  }
0xdb: {  	_ = 	snop  }
0xdc: {  	[tilespmem:s24], [sflag:$0x1] =	stream.indirect_vreg.gather [hbm4b:s6+s2], $0x80, v3, vm0, $0xb8;
	[tilespmem:$0x18200] =	vst v63  }
0xdd: {  	_ =	swait.ge [sflag:s31], $0x8000  }
0xde: {  	[sflag:s31] =	ssyncset.done $0x0  }
0xdf: {  	s28 =	rddreg [dreg:$0x5];
	[sflag:s31] =	ssyncadd.s32 $0xFFFF8000  }
0xe0: {  	[hbm4b:s28+s2] =	stream.linear.scatter [tilespmem:s25], [sflag:$0x2], $0x8000, $0x38;
	[tilespmem:$0x18200] =	vst v63  }
0xe1: {  	_ =	swait.ge [sflag:s31], $0x8000  }
0xe2: {  	[sflag:s31] =	ssyncset.done $0x0  }
0xe3: {  	s28 =	rddreg [dreg:$0x6];
	[sflag:s31] =	ssyncadd.s32 $0xFFFF8000  }
0xe4: {  	[hbm4b:s28+s2] =	stream.linear.scatter [tilespmem:s26], [sflag:$0x2], $0x8000, $0x38;
	[tilespmem:$0x18200] =	vst v63  }
0xe5: {  	_ =	swait.ge [sflag:s31], $0x8000  }
0xe6: {  	[sflag:s31] =	ssyncset.done $0x0  }
0xe7: {  	s28 =	rddreg [dreg:$0x7];
	[sflag:s31] =	ssyncadd.s32 $0xFFFF8000  }
0xe8: {  	[hbm4b:s28+s2] =	stream.linear.scatter [tilespmem:s9], [sflag:$0x2], $0x8000, $0x38;
	[tilespmem:$0x18200] =	vst v63  }
0xe9: {  	_ =	swait.ge [sflag:s1], $0x8000  }
0xea: {  	[sflag:s1] =	ssyncset.done $0x0  }
0xeb: {  	[sflag:s1] =	ssyncadd.s32 $0xFFFF8000  }
0xec: {  	p0 =	sne.s32 s7, $0x1;
	_ =	swait.ge [sflag:s1], $0x8000  }
.Ltmp0:
0xed: {  	[sflag:s1] =	ssyncset.done $0x0;
	(pc) =	sbr.rel @p0 .LBB2_1-.Ltmp0, $4  }
0xee: {  	[sflag:s1] =	ssyncadd.s32 $0xFFFF8000  }
0xef: {  	_ =	swait.ge [sflag:s1], $0x8000  }
0xf0: {  	[sflag:s1] =	ssyncset.done $0x0  }
0xf1: {  	s7 =	sadd.s32 $0xFFFFFFFF, s7;
	[sflag:s1] =	ssyncadd.s32 $0xFFFF8000  }
0xf2: {  	_ =	sfence.sel $0x180000  }
0xf3: {  	[bflag:$0x0] =	sbarrier.arrive $0xFFFF  }
0xf4: {  	_ =	strace $0x9000004D  }
0xf5: {  	s0 =	stileid.u32;
	[bflag:$0x2] =	sbarrier.arrive $0xFFFF  }
0xf6: {  	p0 =	sne.s32 s0, $0x0;
	s0 =	rddreg [dreg:$0x2]  }
0xf7: {  	s0 =	sadd.s32 @!p0 $0x100000, s0  }
0xf8: {  	[sflag:s0] =	ssyncadd.tile.s32 @!p0 $0x1;
	_ =	shalt  }
.Lfunc_end2:
_tile_overlayer_lowered:
.L_overlay_start_2:
0xf9: {  	(tag) =	ssettag $0x2  }
0xfa: {  	s0 =	rddreg [dreg:$0x0];
	s2 =	stileid.u32  }
0xfb: {  	s1 =	rddreg [dreg:$0x1];
	p0 =	sne.s32 s2, $0x0  }
0xfc: {  	s3 =	rddreg [dreg:$0x2];
	[bflag:$0x3] =	sbarrier.arrive $0xFFFF;
	s2 =	simm.s32 @!p0 $0x1C03  }
0xfd: {  	[timem:s3], [sflag:s2] =	dma.local @!p0 [hbm:s0], s1  }
0xfe: {  	s0 =	simm.s32 @!p0 $0x3  }
0xff: {  	_ =	swait.ge @!p0 [sflag:s0], s1  }
0x100: {  	s1 =	ssub.s32 @!p0 $0x0, s1;
	[sflag:s0] =	ssyncset.done @!p0 $0x0  }
0x101: {  	[sflag:s0] =	ssyncadd.s32 @!p0 s1  }
0x102: {  	[bflag:$0x3] =	sbarrier.arrive $0xFFFF  }
0x103: {  	_ =	shalt  }

// kernel: kernel.20.cloned.1.call-start
scs
__scs_entry_jumppad:
0x0: {  	(pc) =	sbr.rel $0x88, $3  }
0x1: {  	(tag) =	ssettag $0x0;
	lr =	simm.s32 $0x1  }
0x2: {  	[smem:$0x3F9A] =	sst lr;
	_ =	strace $0xD0000000  }
0x3: {  	_ = 	snop  }
0x4: {  	_ = 	snop  }
0x5: {  	_ = 	snop  }
0x6: {  	_ = 	snop  }
0x7: {  	_ = 	snop  }
__scs_overlays_trampoline_lowered:
0x8: {  	[smem:$0x3FA9] =	sst s0  }
0x9: {  	[smem:$0x3FAA] =	sst s1  }
0xa: {  	[smem:$0x3FAB] =	sst s2  }
0xb: {  	[smem:$0x3FAC] =	sst s3  }
0xc: {  	[smem:$0x3FAD] =	sst s4  }
0xd: {  	[smem:$0x3FAE] =	sst s5  }
0xe: {  	[smem:$0x3FAF] =	sst s6  }
0xf: {  	[smem:$0x3FB0] =	sst s7  }
0x10: {  	[smem:$0x3FB1] =	sst s8  }
0x11: {  	[smem:$0x3FB2] =	sst s9;
	s0 =	simm.s32 @!p0 $0x0  }
0x12: {  	s1 =	sld [smem:$0x3F98];
	s0 =	simm.s32 @p0 $0x1  }
0x13: {  	[smem:$0x3FB3] =	sst s0;
	s0 =	simm.s32 @!p1 $0x0  }
0x14: {  	s2 =	sld [smem:$0x3F97];
	s0 =	simm.s32 @p1 $0x1  }
0x15: {  	[smem:$0x3FB4] =	sst s0;
	s0 =	simm.s32 @!p2 $0x0  }
0x16: {  	s3 =	sld [smem:$0x3FDB];
	s0 =	simm.s32 @p2 $0x1  }
0x17: {  	s4 =	simm.s32 $0x1BF5;
	[smem:$0x3FB6] =	sst s0  }
0x18: {  	s0 =	sld [smem:$0x3F99];
	_ =	swait.ge [sflag:s4], $0x0  }
0x19: {  	s7 =	sld [smem:$0x3F9A]  }
0x1a: {  	s8 =	sadd.s32 $0xFFFFE003, lr  }
0x1b: {  	s9 =	sadd.s32 $0xFFFFFEF7, lr;
	s5 =	simm.s32 $0xFFFFFFFF;
	p2 =	slt.u32 s8, $0xFFFFF086  }
0x1c: {  	p1 =	slt.u32 s9, $0xF7A;
	s5 =	simm.s32 @!p2 $0x0  }
0x1d: {  	s5 =	simm.s32 @p1 $0x1;
	p0 =	seq.s32 s7, s2  }
0x1e: {  	s7 =	smul.u32 @!p0 $0xF7A, s2;
	p2 =	seq.s32 @!p0 s5, $0x0  }
0x1f: {  	s9 =	smul.u32 $0xF7A, s1;
	s8 =	simm.s32 @!p0 $0x1BF5;
	p2 =	por !p2, p0  }
0x20: {  	[sflag:s8] =	ssyncset.s32 @!p0 $0xFFFFF086;
	s6 =	sadd.s32 @!p0 s3, s7;
	s7 =	simm.s32 @!p0 $0x108  }
0x21: {  	s3 =	sadd.s32 s3, s9;
	s6 =	sadd.s32 @!p0 $0x88, s6;
	s7 =	simm.s32 @p2 $0x1082  }
0x22: {  	[simem:s7], [sflag:s8] =	dma.local @!p0 [hbm:s6], $0xF7A  }
0x23: {  	s9 =	sor.u32 $0xD0000000, s2;
	s6 =	simm.s32 $0x108;
	_ =	swait.ge @!p0 [sflag:s8], $0x0  }
0x24: {  	s3 =	sadd.s32 $0x88, s3;
	s6 =	simm.s32 @!p1 $0x1082;
	[sflag:s4] =	ssyncset.s32 $0xFFFFF086  }
0x25: {  	[simem:s6], [sflag:s4] =	dma.local [hbm:s3], $0xF7A  }
0x26: {  	[smem:$0x3F9A] =	sst s1;
	(tag) =	ssettag s2;
	_ =	strace s9  }
0x27: {  	s1 =	sld [smem:$0x3FAA]  }
0x28: {  	s2 =	sld [smem:$0x3FAB]  }
0x29: {  	s4 =	sld [smem:$0x3FAD]  }
0x2a: {  	p0 =	seq.s32 s5, $0x0;
	s5 =	sld [smem:$0x3FAE]  }
0x2b: {  	s6 =	sld [smem:$0x3FAF]  }
0x2c: {  	s7 =	sld [smem:$0x3FB0]  }
0x2d: {  	s3 =	simm.s32 $0x108;
	s8 =	sld [smem:$0x3FB1]  }
0x2e: {  	s3 =	simm.s32 @!p0 $0x1082;
	s9 =	sld [smem:$0x3FB2]  }
0x2f: {  	lr =	sadd.s32 s0, s3;
	s0 =	sld [smem:$0x3FA9]  }
0x30: {  	s3 =	sld [smem:$0x3FAC]  }
0x31: {  	[smem:$0x3FB5] =	sst s10  }
0x32: {  	s10 =	sld [smem:$0x3FB3];
	_ =	sdelay $0x3  }
0x33: {  	p0 =	seq.s32 s10, $0x1;
	s10 =	sld [smem:$0x3FB5];
	_ =	sdelay $0x3  }
0x34: {  	[smem:$0x3FB5] =	sst s10  }
0x35: {  	s10 =	sld [smem:$0x3FB4];
	_ =	sdelay $0x3  }
0x36: {  	p1 =	seq.s32 s10, $0x1;
	s10 =	sld [smem:$0x3FB5];
	_ =	sdelay $0x3  }
0x37: {  	[smem:$0x3FB5] =	sst s10  }
0x38: {  	s10 =	sld [smem:$0x3FB6]  }
0x39: {  	_ = 	snop;
	(pc) =	sbr.ind lr, $3  }
0x3a: {  	_ = 	snop  }
0x3b: {  	_ = 	snop  }
0x3c: {  	p2 =	seq.s32 s10, $0x1;
	s10 =	sld [smem:$0x3FB5]  }
0x3d: {  	_ =	shalt  }
0x3e: {  	_ =	shalt  }
0x3f: {  	_ =	shalt  }
0x40: {  	_ =	shalt  }
0x41: {  	_ =	shalt  }
0x42: {  	_ =	shalt  }
0x43: {  	_ =	shalt  }
0x44: {  	_ =	shalt  }
0x45: {  	_ =	shalt  }
0x46: {  	_ =	shalt  }
0x47: {  	_ =	shalt  }
0x48: {  	_ =	shalt  }
0x49: {  	_ =	shalt  }
0x4a: {  	_ =	shalt  }
0x4b: {  	_ =	shalt  }
0x4c: {  	_ =	shalt  }
0x4d: {  	_ =	shalt  }
0x4e: {  	_ =	shalt  }
0x4f: {  	_ =	shalt  }
0x50: {  	_ =	shalt  }
0x51: {  	_ =	shalt  }
0x52: {  	_ =	shalt  }
0x53: {  	_ =	shalt  }
0x54: {  	_ =	shalt  }
0x55: {  	_ =	shalt  }
0x56: {  	_ =	shalt  }
0x57: {  	_ =	shalt  }
0x58: {  	_ =	shalt  }
0x59: {  	_ =	shalt  }
0x5a: {  	_ =	shalt  }
0x5b: {  	_ =	shalt  }
0x5c: {  	_ =	shalt  }
0x5d: {  	_ =	shalt  }
0x5e: {  	_ =	shalt  }
0x5f: {  	_ =	shalt  }
0x60: {  	_ =	shalt  }
0x61: {  	_ =	shalt  }
0x62: {  	_ =	shalt  }
0x63: {  	_ =	shalt  }
0x64: {  	_ =	shalt  }
0x65: {  	_ =	shalt  }
0x66: {  	_ =	shalt  }
0x67: {  	_ =	shalt  }
0x68: {  	_ =	shalt  }
0x69: {  	_ =	shalt  }
0x6a: {  	_ =	shalt  }
0x6b: {  	_ =	shalt  }
0x6c: {  	_ =	shalt  }
0x6d: {  	_ =	shalt  }
0x6e: {  	_ =	shalt  }
0x6f: {  	_ =	shalt  }
0x70: {  	_ =	shalt  }
0x71: {  	_ =	shalt  }
0x72: {  	_ =	shalt  }
0x73: {  	_ =	shalt  }
0x74: {  	_ =	shalt  }
0x75: {  	_ =	shalt  }
0x76: {  	_ =	shalt  }
0x77: {  	_ =	shalt  }
0x78: {  	_ =	shalt  }
0x79: {  	_ =	shalt  }
0x7a: {  	_ =	shalt  }
0x7b: {  	_ =	shalt  }
0x7c: {  	_ =	shalt  }
0x7d: {  	_ =	shalt  }
0x7e: {  	_ =	shalt  }
0x7f: {  	_ =	shalt  }
0x80: {  	_ =	shalt  }
0x81: {  	_ =	shalt  }
0x82: {  	_ =	shalt  }
0x83: {  	_ =	shalt  }
0x84: {  	_ =	shalt  }
0x85: {  	_ =	shalt  }
0x86: {  	_ =	shalt  }
0x87: {  	_ =	shalt  }
.Lfunc_end0:
.L_simem_size_0:
called_computation.3_lowered:
.L_overlay_start_0:
0x88: {  	s2 =	sld [smem:$0x3FD9]  }
0x89: {  	s3 =	sld [smem:$0x3FFE];
	_ =	sdelay $0x1  }
0x8a: {  	s1 =	srdreg.scid  }
0x8b: {  	s0 =	sand.u32 $0x1, s1  }
0x8c: {  	s17 =	sshll.u32 s0, $0xA;
	s2 =	sadd.s32 s3, s2  }
0x8d: {  	s2 =	sadd.s32 s2, s17  }
0x8e: {  	[smem:$0x3FC1] =	sst s2  }
0x8f: {  	_ = 	snop  }
0x90: {  	s2 =	sld [smem:$0x3FD0];
	(tm) =	ssettm $0x1  }
0x91: {  	s18 =	sld [smem:$0x3FFB];
	_ =	sdelay $0x3  }
0x92: {  	_ =	strace s18  }
0x93: {  	s3 =	sld [smem:$0x3FFC];
	_ =	sdelay $0x3  }
0x94: {  	_ =	strace s3  }
0x95: {  	s3 =	sld [smem:$0x3FFD];
	_ =	sdelay $0x3  }
0x96: {  	_ =	strace s3  }
0x97: {  	_ =	strace $0x8FFFFFFF  }
0x98: {  	s19 =	sld [smem:$0x3FDB];
	_ =	sdelay $0x1  }
0x99: {  	s4 =	simm.s32 $_scs_section_size  }
0x9a: {  	s5 =	simm.s32 $_size__tile_overlayer_lowered;
	s6 =	simm.s32 $_tile_overlayer_lowered  }
0x9b: {  	s22 =	simm.s32 $0x1BFF;
	s21 =	sshll.u32 s6, $0x1;
	s3 =	sadd.s32 s4, s19  }
0x9c: {  	s7 =	simm.s32 $0x0;
	s20 =	sshll.u32 s5, $0x1;
	s5 =	sadd.s32 s21, s3  }
0x9d: {  	[timem:s7], [sflag:s22] =	dma.local [hbm:s5], s20  }
0x9e: {  	_ =	swait.ge [sflag:s22], s20  }
0x9f: {  	s4 =	ssub.s32 $0x0, s20;
	[sflag:s22] =	ssyncset.done $0x0  }
0xa0: {  	[sflag:s22] =	ssyncadd.s32 s4;
	_ =	sdelay $0x1  }
0xa1: {  	s23 =	simm.s32 $0x1B8B  }
0xa2: {  	_ =	swait.ge [sflag:s23], $0x1  }
0xa3: {  	[sflag:s23] =	ssyncset.done $0x0  }
0xa4: {  	s25 =	simm.s32 $0x1B8E;
	s24 =	sld [smem:$0x3FFE];
	[sflag:s23] =	ssyncadd.s32 $0xFFFFFFFF  }
0xa5: {  	s26 =	simm.s32 $execute0_lowered;
	[smem:$0x3FD2] =	sst s25  }
0xa6: {  	s5 =	sshll.u32 s26, $0x1;
	_ =	strace $0x8000004F;
	[dreg:$0x1] =	wrdreg $0xFFFFFFFF  }
0xa7: {  	s28 =	simm.s32 $_size_execute0_lowered;
	s3 =	sadd.s32 s3, s5;
	[dreg:$0x0] =	wrdreg $0x0  }
0xa8: {  	s5 =	sshll.u32 s28, $0x1;
	[dreg:$0x2] =	wrdreg s3  }
0xa9: {  	[dreg:$0x3] =	wrdreg s5  }
0xaa: {  	[dreg:$0x4] =	wrdreg $0xC0  }
0xab: {  	_ =	task [dreg:s7], $0x5FFFF  }
0xac: {  	[dreg:$0x1] =	wrdreg $0xFFFFFFFF  }
0xad: {  	[dreg:$0x0] =	wrdreg $0x60  }
0xae: {  	[dreg:$0x2] =	wrdreg s24  }
0xaf: {  	[dreg:$0x3] =	wrdreg s2  }
0xb0: {  	[dreg:$0x4] =	wrdreg $0x9  }
0xb1: {  	_ =	task.clear_ibuf [dreg:s7], $0x5FFFF;
	_ =	strace $0x9000004F  }
0xb2: {  	s29 =	simm.s32 $0x9;
	_ =	strace $0x80000051  }
0xb3: {  	_ =	swait.ge [sflag:s29], $0x1  }
0xb4: {  	[sflag:s29] =	ssyncadd.s32 $0xFFFFFFFF  }
0xb5: {  	_ =	strace $0x90000051  }
0xb6: {  	_ =	sfence  }
0xb7: {  	s30 =	sld [smem:$0x0];
	_ =	sdelay $0x2  }
0xb8: {  	s31 =	sshll.u32 s1, $0xD;
	s1 =	sshrl.u32 s1, $0x2  }
0xb9: {  	s3 =	sand.u32 $0x4000, s31;
	s1 =	sadd.s32 s1, s30  }
0xba: {  	s0 =	sor.u32 s3, s0;
	s1 =	sshll.u32 s1, $0x11  }
0xbb: {  	s0 =	sor.u32 s1, s0  }
0xbc: {  	s0 =	sadd.s32 $0x8F2B, s0  }
0xbd: {  	[sflag:s0] =	ssyncadd.remote.s32 $0x1  }
0xbe: {  	_ =	sfence.sel $0xFFFF  }
0xbf: {  	[dreg:$0x0] =	wrdreg $0xFFFFFFFF;
	(pc) =	sbr.abs _section_cstart, $3  }
0xc0: {  	[dreg:$0x1] =	wrdreg $0xFFFFFFFF  }
0xc1: {  	_ =	task.clear_ibuf [dreg:s7], $0x2FFFF;
	_ =	strace $0x9FFFFFFF  }
0xc2: {  	(tm) =	ssettm $0x7FFFFFFF  }
0xc3: {  	_ =	shalt  }
tec
execute0_lowered:
.L_overlay_start_1:
0x0: {  	(tag) =	ssettag $0x1  }
0x1: {  	s1 =	srdreg.scid;
	s0 =	stileid.u32  }
0x2: {  	s6 =	rddreg [dreg:$0x0];
	s1 =	sand.u32 $0x1, s1;
	s2 =	sshll.u32 s0, $0x1  }
0x3: {  	s3 =	rddreg [dreg:$0x1];
	s4 =	sor.u32 s1, s2;
	s2 =	simm.s32 $0x0  }
0x4: {  	s25 =	simm.s32 $0x8A00;
	[smem:$0x7FF] =	sst s2  }
0x5: {  	s26 =	simm.s32 $0x9200;
	_ =	strace $0x80000050;
	[dreg:$0x8] =	wrdreg s25  }
0x6: {  	s28 =	simm.s32 $0x9A00;
	s8 =	simm.s32 $0xB200;
	[dreg:$0x9] =	wrdreg s26  }
0x7: {  	s9 =	simm.s32 $0xBA00;
	s0 =	simm.s32 $0xA200;
	[dreg:$0xa] =	wrdreg s28  }
0x8: {  	s10 =	simm.s32 $0xCA00;
	s11 =	simm.s32 $0xDA00;
	[dreg:$0xb] =	wrdreg s0  }
0x9: {  	s12 =	simm.s32 $0xE200;
	s13 =	simm.s32 $0xEA00;
	[dreg:$0xd] =	wrdreg s8  }
0xa: {  	s14 =	simm.s32 $0xF200;
	s15 =	simm.s32 $0xFA00;
	[dreg:$0xe] =	wrdreg s9  }
0xb: {  	s16 =	simm.s32 $0x10A00;
	s17 =	simm.s32 $0x11200;
	[dreg:$0x10] =	wrdreg s10  }
0xc: {  	s18 =	simm.s32 $0x11A00;
	s19 =	simm.s32 $0x12200;
	[dreg:$0x12] =	wrdreg s11  }
0xd: {  	s20 =	simm.s32 $0x12A00;
	s21 =	simm.s32 $0x13200;
	[dreg:$0x13] =	wrdreg s12  }
0xe: {  	s22 =	simm.s32 $0x13A00;
	s29 =	simm.s32 $0x17200;
	[dreg:$0x14] =	wrdreg s13  }
0xf: {  	s30 =	simm.s32 $0x17A00;
	s31 =	simm.s32 $0x1;
	[dreg:$0x15] =	wrdreg s14  }
0x10: {  	s1 =	ssub.s32 $0x2, s1;
	s5 =	sshll.u32 s4, $0x6;
	[dreg:$0x16] =	wrdreg s15  }
0x11: {  	s4 =	sshll.u32 s4, $0xE;
	s7 =	sshrl.u32 s1, $0x1;
	[dreg:$0x17] =	wrdreg s16  }
0x12: {  	s5 =	sadd.s32 s5, s6;
	s3 =	sadd.s32 s4, s3;
	[dreg:$0x18] =	wrdreg s17  }
0x13: {  	s1 =	ssub.s32 s1, s7;
	s7 =	simm.s32 $0xC200;
	[dreg:$0x19] =	wrdreg s18  }
0x14: {  	s8 =	simm.s32 $0xD200;
	s9 =	simm.s32 $0x200;
	[dreg:$0x1a] =	wrdreg s19  }
0x15: {  	s10 =	simm.s32 $0xA00;
	s11 =	simm.s32 $0x1200;
	[dreg:$0x1b] =	wrdreg s20  }
0x16: {  	s12 =	simm.s32 $0x1A00;
	s13 =	simm.s32 $0x2200;
	[dreg:$0x1c] =	wrdreg s21  }
0x17: {  	s14 =	simm.s32 $0x2A00;
	s15 =	simm.s32 $0x3200;
	[dreg:$0x1d] =	wrdreg s22  }
0x18: {  	s16 =	simm.s32 $0x3A00;
	s17 =	simm.s32 $0x4200;
	[dreg:$0xf] =	wrdreg s7  }
0x19: {  	s18 =	simm.s32 $0x4A00;
	s25 =	simm.s32 $0x15200;
	[dreg:$0x11] =	wrdreg s8  }
0x1a: {  	s19 =	simm.s32 $0x5200;
	s26 =	simm.s32 $0x15A00;
	[smem:$0x7FB] =	sst s25  }
0x1b: {  	s20 =	simm.s32 $0x5A00;
	s28 =	simm.s32 $0x16200;
	[smem:$0x7FC] =	sst s26  }
0x1c: {  	s21 =	simm.s32 $0x6200;
	s5 =	sadd.s32 $0x81400, s5;
	[smem:$0x7FD] =	sst s28  }
0x1d: {  	s22 =	simm.s32 $0x6A00;
	s4 =	sadd.s32 $0x180000, s3;
	[dreg:$0x3] =	wrdreg s5  }
0x1e: {  	s23 =	sadd.s32 $0x181000, s3;
	s24 =	sadd.s32 $0x182000, s3;
	[dreg:$0x4] =	wrdreg s4  }
0x1f: {  	s3 =	sadd.s32 $0x183000, s3;
	s7 =	smax.u32 s1, $0x1;
	[dreg:$0x5] =	wrdreg s23  }
0x20: {  	s8 =	simm.s32 $0x3;
	s25 =	simm.s32 $0x8200;
	[dreg:$0x6] =	wrdreg s24  }
0x21: {  	s26 =	simm.s32 $0x10200;
	s1 =	simm.s32 $0x2;
	[dreg:$0x7] =	wrdreg s3  }
0x22: {  	s3 =	sadd.s32 $0x1400, s6;
	s5 =	simm.s32 $0xAA00;
	s4 =	sadd.s32 $0x1500, s6  }
0x23: {  	v2 =	vlaneseq.u32;
	s23 =	simm.s32 $0x14200;
	s24 =	simm.s32 $0x14A00;
	[dreg:$0xc] =	wrdreg s5  }
0x24: {  	vm0 =	vmmov $0xffff;
	v1 =	vshrl.u32 v2, $0x3;
	s5 =	sadd.s32 $0x1600, s6;
	s6 =	sadd.s32 $0x1700, s6;
	[dreg:$0x1e] =	wrdreg s23  }
0x25: {  	v0 =	vand.u32 $0x7, v2;
	v2 =	vor.u32 $0x8, v2;
	v1 =	vmul.u32 $0x8, v1;
	[dreg:$0x1f] =	wrdreg s24;
	s23 =	simm.s32 $0x7200;
	s24 =	simm.s32 $0x7A00  }
.LBB2_1:
0x26: {  	s0 =	rddreg [dreg:$0x3]  }
0x27: {  	[tilespmem:s2], [sflag:$0x3] =	stream.linear.gather [hbm4b:s0+s2], $0x200, $0x38;
	[tilespmem:$0x18200] =	vst v63  }
0x28: {  	_ =	swait.ge [sflag:s8], $0x200  }
0x29: {  	[sflag:s8] =	ssyncset.done $0x0  }
0x2a: {  	[sflag:s8] =	ssyncadd.s32 $0xFFFFFE00  }
0x2b: {  	v3 =	vld [tilespmem:$0x0];
	_ =	sdelay $0x4  }
0x2c: {  	v4 =	vshll.u32 v3, $0x3  }
0x2d: {  	v3 =	vand.u32 $0x7, v3;
	v4 =	vand.u32 $0xFFFFFFC0, v4  }
0x2e: {  	v3 =	vor.u32 v3, v4  }
0x2f: {  	v4 =	vperm.xlane v3, v0;
	_ =	sdelay $0x1  }
0x30: {  	v4 =	vadd.s32 v1, v4;
	_ =	sdelay $0x4  }
0x31: {  	[tilespmem:s9], [sflag:$0x1] =	stream.indirect_vreg.gather [hbm4b:s3+s2], $0x80, v4, vm0, $0xb8;
	[tilespmem:$0x18200] =	vst v63  }
0x32: {  	v3 =	vperm.xlane v3, v2  }
0x33: {  	[tilespmem:s10], [sflag:$0x1] =	stream.indirect_vreg.gather [hbm4b:s4+s2], $0x80, v4, vm0, $0xb8;
	[tilespmem:$0x18200] =	vst v63  }
0x34: {  	v3 =	vadd.s32 v1, v3  }
0x35: {  	[tilespmem:s11], [sflag:$0x1] =	stream.indirect_vreg.gather [hbm4b:s5+s2], $0x80, v4, vm0, $0xb8;
	[tilespmem:$0x18200] =	vst v63  }
0x36: {  	_ = 	snop  }
0x37: {  	[tilespmem:s12], [sflag:$0x1] =	stream.indirect_vreg.gather [hbm4b:s6+s2], $0x80, v4, vm0, $0xb8;
	[tilespmem:$0x18200] =	vst v63  }
0x38: {  	_ = 	snop  }
0x39: {  	[tilespmem:s13], [sflag:$0x1] =	stream.indirect_vreg.gather [hbm4b:s3+s2], $0x80, v3, vm0, $0xb8;
	[tilespmem:$0x18200] =	vst v63  }
0x3a: {  	_ = 	snop  }
0x3b: {  	[tilespmem:s14], [sflag:$0x1] =	stream.indirect_vreg.gather [hbm4b:s4+s2], $0x80, v3, vm0, $0xb8;
	[tilespmem:$0x18200] =	vst v63  }
0x3c: {  	_ = 	snop  }
0x3d: {  	[tilespmem:s15], [sflag:$0x1] =	stream.indirect_vreg.gather [hbm4b:s5+s2], $0x80, v3, vm0, $0xb8;
	[tilespmem:$0x18200] =	vst v63  }
0x3e: {  	_ = 	snop  }
0x3f: {  	[tilespmem:s16], [sflag:$0x1] =	stream.indirect_vreg.gather [hbm4b:s6+s2], $0x80, v3, vm0, $0xb8;
	[tilespmem:$0x18200] =	vst v63  }
0x40: {  	v3 =	vld [tilespmem:$0x10];
	_ =	sdelay $0x4  }
0x41: {  	v57 =	vshll.u32 v3, $0x3  }
0x42: {  	v3 =	vand.u32 $0x7, v3;
	v4 =	vand.u32 $0xFFFFFFC0, v57  }
0x43: {  	v3 =	vor.u32 v3, v4  }
0x44: {  	v4 =	vperm.xlane v3, v0;
	_ =	sdelay $0x1  }
0x45: {  	v4 =	vadd.s32 v1, v4;
	_ =	sdelay $0x4  }
0x46: {  	[tilespmem:s17], [sflag:$0x1] =	stream.indirect_vreg.gather [hbm4b:s3+s2], $0x80, v4, vm0, $0xb8;
	[tilespmem:$0x18200] =	vst v63  }
0x47: {  	v3 =	vperm.xlane v3, v2  }
0x48: {  	[tilespmem:s18], [sflag:$0x1] =	stream.indirect_vreg.gather [hbm4b:s4+s2], $0x80, v4, vm0, $0xb8;
	[tilespmem:$0x18200] =	vst v63  }
0x49: {  	v3 =	vadd.s32 v1, v3  }
0x4a: {  	[tilespmem:s19], [sflag:$0x1] =	stream.indirect_vreg.gather [hbm4b:s5+s2], $0x80, v4, vm0, $0xb8;
	[tilespmem:$0x18200] =	vst v63  }
0x4b: {  	_ = 	snop  }
0x4c: {  	[tilespmem:s20], [sflag:$0x1] =	stream.indirect_vreg.gather [hbm4b:s6+s2], $0x80, v4, vm0, $0xb8;
	[tilespmem:$0x18200] =	vst v63  }
0x4d: {  	_ = 	snop  }
0x4e: {  	[tilespmem:s21], [sflag:$0x1] =	stream.indirect_vreg.gather [hbm4b:s3+s2], $0x80, v3, vm0, $0xb8;
	[tilespmem:$0x18200] =	vst v63  }
0x4f: {  	_ = 	snop  }
0x50: {  	[tilespmem:s22], [sflag:$0x1] =	stream.indirect_vreg.gather [hbm4b:s4+s2], $0x80, v3, vm0, $0xb8;
	[tilespmem:$0x18200] =	vst v63  }
0x51: {  	_ = 	snop  }
0x52: {  	[tilespmem:s23], [sflag:$0x1] =	stream.indirect_vreg.gather [hbm4b:s5+s2], $0x80, v3, vm0, $0xb8;
	[tilespmem:$0x18200] =	vst v63  }
0x53: {  	_ = 	snop  }
0x54: {  	[tilespmem:s24], [sflag:$0x1] =	stream.indirect_vreg.gather [hbm4b:s6+s2], $0x80, v3, vm0, $0xb8;
	[tilespmem:$0x18200] =	vst v63  }
0x55: {  	v3 =	vld [tilespmem:$0x80];
	_ =	sdelay $0x4  }
0x56: {  	v58 =	vshll.u32 v3, $0x3  }
0x57: {  	v3 =	vand.u32 $0x7, v3;
	v4 =	vand.u32 $0xFFFFFFC0, v58  }
0x58: {  	v3 =	vor.u32 v3, v4  }
0x59: {  	v4 =	vperm.xlane v3, v0;
	_ =	sdelay $0x1  }
0x5a: {  	v4 =	vadd.s32 v1, v4;
	_ =	sdelay $0x4  }
0x5b: {  	[tilespmem:s25], [sflag:$0x1] =	stream.indirect_vreg.gather [hbm4b:s3+s2], $0x80, v4, vm0, $0xb8;
	[tilespmem:$0x18200] =	vst v63  }
0x5c: {  	s0 =	rddreg [dreg:$0x8];
	v3 =	vperm.xlane v3, v2  }
0x5d: {  	[tilespmem:s0], [sflag:$0x1] =	stream.indirect_vreg.gather [hbm4b:s4+s2], $0x80, v4, vm0, $0xb8;
	[tilespmem:$0x18200] =	vst v63  }
0x5e: {  	s28 =	rddreg [dreg:$0x9];
	v3 =	vadd.s32 v1, v3  }
0x5f: {  	[tilespmem:s28], [sflag:$0x1] =	stream.indirect_vreg.gather [hbm4b:s5+s2], $0x80, v4, vm0, $0xb8;
	[tilespmem:$0x18200] =	vst v63  }
0x60: {  	s0 =	rddreg [dreg:$0xa]  }
0x61: {  	[tilespmem:s0], [sflag:$0x1] =	stream.indirect_vreg.gather [hbm4b:s6+s2], $0x80, v4, vm0, $0xb8;
	[tilespmem:$0x18200] =	vst v63  }
0x62: {  	s28 =	rddreg [dreg:$0xb]  }
0x63: {  	[tilespmem:s28], [sflag:$0x1] =	stream.indirect_vreg.gather [hbm4b:s3+s2], $0x80, v3, vm0, $0xb8;
	[tilespmem:$0x18200] =	vst v63  }
0x64: {  	s0 =	rddreg [dreg:$0xc]  }
0x65: {  	[tilespmem:s0], [sflag:$0x1] =	stream.indirect_vreg.gather [hbm4b:s4+s2], $0x80, v3, vm0, $0xb8;
	[tilespmem:$0x18200] =	vst v63  }
0x66: {  	s28 =	rddreg [dreg:$0xd]  }
0x67: {  	[tilespmem:s28], [sflag:$0x1] =	stream.indirect_vreg.gather [hbm4b:s5+s2], $0x80, v3, vm0, $0xb8;
	[tilespmem:$0x18200] =	vst v63  }
0x68: {  	s0 =	rddreg [dreg:$0xe]  }
0x69: {  	[tilespmem:s0], [sflag:$0x1] =	stream.indirect_vreg.gather [hbm4b:s6+s2], $0x80, v3, vm0, $0xb8;
	[tilespmem:$0x18200] =	vst v63  }
0x6a: {  	v3 =	vld [tilespmem:$0x90];
	_ =	sdelay $0x4  }
0x6b: {  	v59 =	vshll.u32 v3, $0x3  }
0x6c: {  	v3 =	vand.u32 $0x7, v3;
	v4 =	vand.u32 $0xFFFFFFC0, v59  }
0x6d: {  	v3 =	vor.u32 v3, v4  }
0x6e: {  	v4 =	vperm.xlane v3, v0;
	_ =	sdelay $0x1  }
0x6f: {  	v4 =	vadd.s32 v1, v4;
	_ =	sdelay $0x3  }
0x70: {  	s0 =	rddreg [dreg:$0xf]  }
0x71: {  	[tilespmem:s0], [sflag:$0x1] =	stream.indirect_vreg.gather [hbm4b:s3+s2], $0x80, v4, vm0, $0xb8;
	[tilespmem:$0x18200] =	vst v63  }
0x72: {  	s28 =	rddreg [dreg:$0x10];
	v3 =	vperm.xlane v3, v2  }
0x73: {  	[tilespmem:s28], [sflag:$0x1] =	stream.indirect_vreg.gather [hbm4b:s4+s2], $0x80, v4, vm0, $0xb8;
	[tilespmem:$0x18200] =	vst v63  }
0x74: {  	v3 =	vadd.s32 v1, v3;
	s0 =	rddreg [dreg:$0x11]  }
0x75: {  	[tilespmem:s0], [sflag:$0x1] =	stream.indirect_vreg.gather [hbm4b:s5+s2], $0x80, v4, vm0, $0xb8;
	[tilespmem:$0x18200] =	vst v63  }
0x76: {  	s28 =	rddreg [dreg:$0x12]  }
0x77: {  	[tilespmem:s28], [sflag:$0x1] =	stream.indirect_vreg.gather [hbm4b:s6+s2], $0x80, v4, vm0, $0xb8;
	[tilespmem:$0x18200] =	vst v63  }
0x78: {  	s0 =	rddreg [dreg:$0x13]  }
0x79: {  	[tilespmem:s0], [sflag:$0x1] =	stream.indirect_vreg.gather [hbm4b:s3+s2], $0x80, v3, vm0, $0xb8;
	[tilespmem:$0x18200] =	vst v63  }
0x7a: {  	s28 =	rddreg [dreg:$0x14]  }
0x7b: {  	[tilespmem:s28], [sflag:$0x1] =	stream.indirect_vreg.gather [hbm4b:s4+s2], $0x80, v3, vm0, $0xb8;
	[tilespmem:$0x18200] =	vst v63  }
0x7c: {  	s0 =	rddreg [dreg:$0x15]  }
0x7d: {  	[tilespmem:s0], [sflag:$0x1] =	stream.indirect_vreg.gather [hbm4b:s5+s2], $0x80, v3, vm0, $0xb8;
	[tilespmem:$0x18200] =	vst v63  }
0x7e: {  	s28 =	rddreg [dreg:$0x16]  }
0x7f: {  	[tilespmem:s28], [sflag:$0x1] =	stream.indirect_vreg.gather [hbm4b:s6+s2], $0x80, v3, vm0, $0xb8;
	[tilespmem:$0x18200] =	vst v63  }
0x80: {  	v3 =	vld [tilespmem:$0x100];
	_ =	sdelay $0x4  }
0x81: {  	v60 =	vshll.u32 v3, $0x3  }
0x82: {  	v3 =	vand.u32 $0x7, v3;
	v4 =	vand.u32 $0xFFFFFFC0, v60  }
0x83: {  	v3 =	vor.u32 v3, v4  }
0x84: {  	v4 =	vperm.xlane v3, v0;
	_ =	sdelay $0x1  }
0x85: {  	v4 =	vadd.s32 v1, v4;
	_ =	sdelay $0x4  }
0x86: {  	[tilespmem:s26], [sflag:$0x1] =	stream.indirect_vreg.gather [hbm4b:s3+s2], $0x80, v4, vm0, $0xb8;
	[tilespmem:$0x18200] =	vst v63  }
0x87: {  	s0 =	rddreg [dreg:$0x17];
	v3 =	vperm.xlane v3, v2  }
0x88: {  	[tilespmem:s0], [sflag:$0x1] =	stream.indirect_vreg.gather [hbm4b:s4+s2], $0x80, v4, vm0, $0xb8;
	[tilespmem:$0x18200] =	vst v63  }
0x89: {  	s28 =	rddreg [dreg:$0x18];
	v3 =	vadd.s32 v1, v3  }
0x8a: {  	[tilespmem:s28], [sflag:$0x1] =	stream.indirect_vreg.gather [hbm4b:s5+s2], $0x80, v4, vm0, $0xb8;
	[tilespmem:$0x18200] =	vst v63  }
0x8b: {  	s0 =	rddreg [dreg:$0x19]  }
0x8c: {  	[tilespmem:s0], [sflag:$0x1] =	stream.indirect_vreg.gather [hbm4b:s6+s2], $0x80, v4, vm0, $0xb8;
	[tilespmem:$0x18200] =	vst v63  }
0x8d: {  	s28 =	rddreg [dreg:$0x1a]  }
0x8e: {  	[tilespmem:s28], [sflag:$0x1] =	stream.indirect_vreg.gather [hbm4b:s3+s2], $0x80, v3, vm0, $0xb8;
	[tilespmem:$0x18200] =	vst v63  }
0x8f: {  	s0 =	rddreg [dreg:$0x1b]  }
0x90: {  	[tilespmem:s0], [sflag:$0x1] =	stream.indirect_vreg.gather [hbm4b:s4+s2], $0x80, v3, vm0, $0xb8;
	[tilespmem:$0x18200] =	vst v63  }
0x91: {  	s28 =	rddreg [dreg:$0x1c]  }
0x92: {  	[tilespmem:s28], [sflag:$0x1] =	stream.indirect_vreg.gather [hbm4b:s5+s2], $0x80, v3, vm0, $0xb8;
	[tilespmem:$0x18200] =	vst v63  }
0x93: {  	s0 =	rddreg [dreg:$0x1d]  }
0x94: {  	[tilespmem:s0], [sflag:$0x1] =	stream.indirect_vreg.gather [hbm4b:s6+s2], $0x80, v3, vm0, $0xb8;
	[tilespmem:$0x18200] =	vst v63  }
0x95: {  	v3 =	vld [tilespmem:$0x110];
	_ =	sdelay $0x4  }
0x96: {  	v61 =	vshll.u32 v3, $0x3  }
0x97: {  	v3 =	vand.u32 $0x7, v3;
	v4 =	vand.u32 $0xFFFFFFC0, v61  }
0x98: {  	v3 =	vor.u32 v3, v4  }
0x99: {  	v4 =	vperm.xlane v3, v0;
	_ =	sdelay $0x1  }
0x9a: {  	v4 =	vadd.s32 v1, v4;
	_ =	sdelay $0x2  }
0x9b: {  	s28 =	rddreg [dreg:$0x1f]  }
0x9c: {  	s0 =	rddreg [dreg:$0x1e]  }
0x9d: {  	[tilespmem:s0], [sflag:$0x1] =	stream.indirect_vreg.gather [hbm4b:s3+s2], $0x80, v4, vm0, $0xb8;
	[tilespmem:$0x18200] =	vst v63  }
0x9e: {  	v3 =	vperm.xlane v3, v2;
	s0 =	sld [smem:$0x7FB]  }
0x9f: {  	[tilespmem:s28], [sflag:$0x1] =	stream.indirect_vreg.gather [hbm4b:s4+s2], $0x80, v4, vm0, $0xb8;
	[tilespmem:$0x18200] =	vst v63  }
0xa0: {  	v3 =	vadd.s32 v1, v3;
	s28 =	sld [smem:$0x7FC]  }
0xa1: {  	[tilespmem:s0], [sflag:$0x1] =	stream.indirect_vreg.gather [hbm4b:s5+s2], $0x80, v4, vm0, $0xb8;
	[tilespmem:$0x18200] =	vst v63  }
0xa2: {  	s0 =	sld [smem:$0x7FD]  }
0xa3: {  	[tilespmem:s28], [sflag:$0x1] =	stream.indirect_vreg.gather [hbm4b:s6+s2], $0x80, v4, vm0, $0xb8;
	[tilespmem:$0x18200] =	vst v63  }
0xa4: {  	_ = 	snop  }
0xa5: {  	[tilespmem:s0], [sflag:$0x1] =	stream.indirect_vreg.gather [hbm4b:s3+s2], $0x80, v3, vm0, $0xb8;
	[tilespmem:$0x18200] =	vst v63  }
0xa6: {  	s28 =	simm.s32 $0x16A00  }
0xa7: {  	[tilespmem:s28], [sflag:$0x1] =	stream.indirect_vreg.gather [hbm4b:s4+s2], $0x80, v3, vm0, $0xb8;
	[tilespmem:$0x18200] =	vst v63  }
0xa8: {  	_ = 	snop  }
0xa9: {  	[tilespmem:s29], [sflag:$0x1] =	stream.indirect_vreg.gather [hbm4b:s5+s2], $0x80, v3, vm0, $0xb8;
	[tilespmem:$0x18200] =	vst v63  }
0xaa: {  	_ = 	snop  }
0xab: {  	[tilespmem:s30], [sflag:$0x1] =	stream.indirect_vreg.gather [hbm4b:s6+s2], $0x80, v3, vm0, $0xb8;
	[tilespmem:$0x18200] =	vst v63  }
0xac: {  	_ =	swait.ge [sflag:s31], $0x8000  }
0xad: {  	[sflag:s31] =	ssyncset.done $0x0  }
0xae: {  	s28 =	rddreg [dreg:$0x4];
	[sflag:s31] =	ssyncadd.s32 $0xFFFF8000  }
0xaf: {  	[hbm4b:s28+s2] =	stream.linear.scatter [tilespmem:s9], [sflag:$0x2], $0x8000, $0x38;
	[tilespmem:$0x18200] =	vst v63  }
0xb0: {  	_ =	swait.ge [sflag:s1], $0x8000  }
0xb1: {  	[sflag:s1] =	ssyncset.done $0x0  }
0xb2: {  	[sflag:s1] =	ssyncadd.s32 $0xFFFF8000  }
0xb3: {  	v3 =	vld [tilespmem:$0x180];
	_ =	sdelay $0x4  }
0xb4: {  	v62 =	vshll.u32 v3, $0x3  }
0xb5: {  	v3 =	vand.u32 $0x7, v3;
	v4 =	vand.u32 $0xFFFFFFC0, v62  }
0xb6: {  	v3 =	vor.u32 v3, v4  }
0xb7: {  	v4 =	vperm.xlane v3, v0;
	_ =	sdelay $0x1  }
0xb8: {  	v4 =	vadd.s32 v1, v4;
	_ =	sdelay $0x4  }
0xb9: {  	[tilespmem:s9], [sflag:$0x1] =	stream.indirect_vreg.gather [hbm4b:s3+s2], $0x80, v4, vm0, $0xb8;
	[tilespmem:$0x18200] =	vst v63  }
0xba: {  	v3 =	vperm.xlane v3, v2  }
0xbb: {  	[tilespmem:s10], [sflag:$0x1] =	stream.indirect_vreg.gather [hbm4b:s4+s2], $0x80, v4, vm0, $0xb8;
	[tilespmem:$0x18200] =	vst v63  }
0xbc: {  	v3 =	vadd.s32 v1, v3  }
0xbd: {  	[tilespmem:s11], [sflag:$0x1] =	stream.indirect_vreg.gather [hbm4b:s5+s2], $0x80, v4, vm0, $0xb8;
	[tilespmem:$0x18200] =	vst v63  }
0xbe: {  	_ = 	snop  }
0xbf: {  	[tilespmem:s12], [sflag:$0x1] =	stream.indirect_vreg.gather [hbm4b:s6+s2], $0x80, v4, vm0, $0xb8;
	[tilespmem:$0x18200] =	vst v63  }
0xc0: {  	_ = 	snop  }
0xc1: {  	[tilespmem:s13], [sflag:$0x1] =	stream.indirect_vreg.gather [hbm4b:s3+s2], $0x80, v3, vm0, $0xb8;
	[tilespmem:$0x18200] =	vst v63  }
0xc2: {  	_ = 	snop  }
0xc3: {  	[tilespmem:s14], [sflag:$0x1] =	stream.indirect_vreg.gather [hbm4b:s4+s2], $0x80, v3, vm0, $0xb8;
	[tilespmem:$0x18200] =	vst v63  }
0xc4: {  	_ = 	snop  }
0xc5: {  	[tilespmem:s15], [sflag:$0x1] =	stream.indirect_vreg.gather [hbm4b:s5+s2], $0x80, v3, vm0, $0xb8;
	[tilespmem:$0x18200] =	vst v63  }
0xc6: {  	_ = 	snop  }
0xc7: {  	[tilespmem:s16], [sflag:$0x1] =	stream.indirect_vreg.gather [hbm4b:s6+s2], $0x80, v3, vm0, $0xb8;
	[tilespmem:$0x18200] =	vst v63  }
0xc8: {  	v3 =	vld [tilespmem:$0x190];
	_ =	sdelay $0x4  }
0xc9: {  	v63 =	vshll.u32 v3, $0x3  }
0xca: {  	v3 =	vand.u32 $0x7, v3;
	v4 =	vand.u32 $0xFFFFFFC0, v63  }
0xcb: {  	v3 =	vor.u32 v3, v4  }
0xcc: {  	v4 =	vperm.xlane v3, v0;
	_ =	sdelay $0x1  }
0xcd: {  	v4 =	vadd.s32 v1, v4;
	_ =	sdelay $0x4  }
0xce: {  	[tilespmem:s17], [sflag:$0x1] =	stream.indirect_vreg.gather [hbm4b:s3+s2], $0x80, v4, vm0, $0xb8;
	[tilespmem:$0x18200] =	vst v63  }
0xcf: {  	v3 =	vperm.xlane v3, v2  }
0xd0: {  	[tilespmem:s18], [sflag:$0x1] =	stream.indirect_vreg.gather [hbm4b:s4+s2], $0x80, v4, vm0, $0xb8;
	[tilespmem:$0x18200] =	vst v63  }
0xd1: {  	v3 =	vadd.s32 v1, v3  }
0xd2: {  	[tilespmem:s19], [sflag:$0x1] =	stream.indirect_vreg.gather [hbm4b:s5+s2], $0x80, v4, vm0, $0xb8;
	[tilespmem:$0x18200] =	vst v63  }
0xd3: {  	_ = 	snop  }
0xd4: {  	[tilespmem:s20], [sflag:$0x1] =	stream.indirect_vreg.gather [hbm4b:s6+s2], $0x80, v4, vm0, $0xb8;
	[tilespmem:$0x18200] =	vst v63  }
0xd5: {  	_ = 	snop  }
0xd6: {  	[tilespmem:s21], [sflag:$0x1] =	stream.indirect_vreg.gather [hbm4b:s3+s2], $0x80, v3, vm0, $0xb8;
	[tilespmem:$0x18200] =	vst v63  }
0xd7: {  	_ = 	snop  }
0xd8: {  	[tilespmem:s22], [sflag:$0x1] =	stream.indirect_vreg.gather [hbm4b:s4+s2], $0x80, v3, vm0, $0xb8;
	[tilespmem:$0x18200] =	vst v63  }
0xd9: {  	_ = 	snop  }
0xda: {  	[tilespmem:s23], [sflag:$0x1] =	stream.indirect_vreg.gather [hbm4b:s5+s2], $0x80, v3, vm0, $0xb8;
	[tilespmem:$0x18200] =	vst v63  }
0xdb: {  	_ = 	snop  }
0xdc: {  	[tilespmem:s24], [sflag:$0x1] =	stream.indirect_vreg.gather [hbm4b:s6+s2], $0x80, v3, vm0, $0xb8;
	[tilespmem:$0x18200] =	vst v63  }
0xdd: {  	_ =	swait.ge [sflag:s31], $0x8000  }
0xde: {  	[sflag:s31] =	ssyncset.done $0x0  }
0xdf: {  	s28 =	rddreg [dreg:$0x5];
	[sflag:s31] =	ssyncadd.s32 $0xFFFF8000  }
0xe0: {  	[hbm4b:s28+s2] =	stream.linear.scatter [tilespmem:s25], [sflag:$0x2], $0x8000, $0x38;
	[tilespmem:$0x18200] =	vst v63  }
0xe1: {  	_ =	swait.ge [sflag:s31], $0x8000  }
0xe2: {  	[sflag:s31] =	ssyncset.done $0x0  }
0xe3: {  	s28 =	rddreg [dreg:$0x6];
	[sflag:s31] =	ssyncadd.s32 $0xFFFF8000  }
0xe4: {  	[hbm4b:s28+s2] =	stream.linear.scatter [tilespmem:s26], [sflag:$0x2], $0x8000, $0x38;
	[tilespmem:$0x18200] =	vst v63  }
0xe5: {  	_ =	swait.ge [sflag:s31], $0x8000  }
0xe6: {  	[sflag:s31] =	ssyncset.done $0x0  }
0xe7: {  	s28 =	rddreg [dreg:$0x7];
	[sflag:s31] =	ssyncadd.s32 $0xFFFF8000  }
0xe8: {  	[hbm4b:s28+s2] =	stream.linear.scatter [tilespmem:s9], [sflag:$0x2], $0x8000, $0x38;
	[tilespmem:$0x18200] =	vst v63  }
0xe9: {  	_ =	swait.ge [sflag:s1], $0x8000  }
0xea: {  	[sflag:s1] =	ssyncset.done $0x0  }
0xeb: {  	[sflag:s1] =	ssyncadd.s32 $0xFFFF8000  }
0xec: {  	p0 =	sne.s32 s7, $0x1;
	_ =	swait.ge [sflag:s1], $0x8000  }
.Ltmp0:
0xed: {  	[sflag:s1] =	ssyncset.done $0x0;
	(pc) =	sbr.rel @p0 .LBB2_1-.Ltmp0, $4  }
0xee: {  	[sflag:s1] =	ssyncadd.s32 $0xFFFF8000  }
0xef: {  	_ =	swait.ge [sflag:s1], $0x8000  }
0xf0: {  	[sflag:s1] =	ssyncset.done $0x0  }
0xf1: {  	s7 =	sadd.s32 $0xFFFFFFFF, s7;
	[sflag:s1] =	ssyncadd.s32 $0xFFFF8000  }
0xf2: {  	_ =	sfence.sel $0x180000  }
0xf3: {  	[bflag:$0x0] =	sbarrier.arrive $0xFFFF  }
0xf4: {  	_ =	strace $0x90000050  }
0xf5: {  	s0 =	stileid.u32;
	[bflag:$0x2] =	sbarrier.arrive $0xFFFF  }
0xf6: {  	p0 =	sne.s32 s0, $0x0;
	s0 =	rddreg [dreg:$0x2]  }
0xf7: {  	s0 =	sadd.s32 @!p0 $0x100000, s0  }
0xf8: {  	[sflag:s0] =	ssyncadd.tile.s32 @!p0 $0x1;
	_ =	shalt  }
.Lfunc_end2:
_tile_overlayer_lowered:
.L_overlay_start_2:
0xf9: {  	(tag) =	ssettag $0x2  }
0xfa: {  	s0 =	rddreg [dreg:$0x0];
	s2 =	stileid.u32  }
0xfb: {  	s1 =	rddreg [dreg:$0x1];
	p0 =	sne.s32 s2, $0x0  }
0xfc: {  	s3 =	rddreg [dreg:$0x2];
	[bflag:$0x3] =	sbarrier.arrive $0xFFFF;
	s2 =	simm.s32 @!p0 $0x1C03  }
0xfd: {  	[timem:s3], [sflag:s2] =	dma.local @!p0 [hbm:s0], s1  }
0xfe: {  	s0 =	simm.s32 @!p0 $0x3  }
0xff: {  	_ =	swait.ge @!p0 [sflag:s0], s1  }
0x100: {  	s1 =	ssub.s32 @!p0 $0x0, s1;
	[sflag:s0] =	ssyncset.done @!p0 $0x0  }
0x101: {  	[sflag:s0] =	ssyncadd.s32 @!p0 s1  }
0x102: {  	[bflag:$0x3] =	sbarrier.arrive $0xFFFF  }
0x103: {  	_ =	shalt  }

</sc_bundles>
